<compile_context>
chip_gen: v7x
topology: tpu7x:2x2x1
jax: 0.10.2.dev20260603
libtpu: 0.0.44.dev20260713+nightly
codegen_flags: <defaults>
</compile_context>

<pallas_src>
import functools

import jax
import jax.numpy as jnp
from jax import lax
from jax.experimental import pallas as pl
from jax.experimental.pallas import tpu as pltpu
from jax.experimental.pallas import tpu_sc as plsc

_N = 10000
_NP = 10240
_E = 320000
_H = 128
_NG = 64
_RB = 1024
_GRID = _NP // _RB
_TILES = 16
_CHUNK = 128
_GC = 8
_NGRP = 20
_NR = _NP // _H
_NCH = _GC * _NGRP
_EPT = _NCH * _CHUNK
_EPAD = _EPT * _TILES
_ZROWS = 16
_RPT = _NP // _TILES



def _make_sc_kernel(with_counts):
  out_type = [
      jax.ShapeDtypeStruct((_NP, _H), jnp.float32),
      jax.ShapeDtypeStruct((_NP, _H), jnp.float32),
  ]
  if with_counts:
    out_type += [
        jax.ShapeDtypeStruct((_NP,), jnp.float32),
        jax.ShapeDtypeStruct((_NP,), jnp.float32),
    ]
  scratch = [
      pltpu.VMEM((_GC, _CHUNK), jnp.int32),
      pltpu.VMEM((_GC, _CHUNK), jnp.int32),
      pltpu.VMEM((_CHUNK, _H), jnp.float32),
      pltpu.VMEM((_CHUNK, _H), jnp.float32),
      pltpu.VMEM((_ZROWS, _H), jnp.float32),
      pltpu.VMEM_SHARED((_NP, _H), jnp.float32),
      pltpu.SemaphoreType.DMA,
      pltpu.SemaphoreType.DMA,
      pltpu.SemaphoreType.DMA,
      pltpu.SemaphoreType.DMA,
  ]
  if with_counts:
    scratch += [
        pltpu.SemaphoreType.DMA,
        pltpu.VMEM((_CHUNK,), jnp.float32),
        pltpu.VMEM((_RPT,), jnp.float32),
        pltpu.VMEM_SHARED((_NP,), jnp.float32),
    ]
  mesh = plsc.VectorSubcoreMesh(core_axis_name="c", subcore_axis_name="s")

  def body(table_o, table_c, oc_src, oc_dst, co_src, co_dst, *rest):
    if with_counts:
      (sum_c, sum_o, cnt_c, cnt_o,
       idx_s, idx_d, rows0, rows1, zrow, acc, sg0, sg1, ss0, ss1,
       sct, ones_v, zcnt, cacc) = rest
    else:
      (sum_c, sum_o, idx_s, idx_d, rows0, rows1, zrow, acc,
       sg0, sg1, ss0, ss1) = rest
      cnt_c = cnt_o = sct = ones_v = zcnt = cacc = None
    rbufs = (rows0, rows1)
    gsems = (sg0, sg1)
    ssems = (ss0, ss1)

    cid = lax.axis_index("c")
    sid = lax.axis_index("s")
    zv = jnp.zeros((16,), jnp.float32)

    def zr(i, _):
      zrow[i // 8, pl.ds((i % 8) * 16, 16)] = zv
      return 0
    lax.fori_loop(0, _ZROWS * 8, zr, 0)

    def za(k, _):
      pltpu.sync_copy(zrow, acc.at[pl.ds(sid * _RPT + k * _ZROWS, _ZROWS)])
      return 0
    lax.fori_loop(0, _RPT // _ZROWS, za, 0)

    if with_counts:
      def zc(i, _):
        zcnt[pl.ds(i * 16, 16)] = zv
        return 0
      lax.fori_loop(0, _RPT // 16, zc, 0)
      ov = jnp.ones((16,), jnp.float32)
      def ob(i, _):
        ones_v[pl.ds(i * 16, 16)] = ov
        return 0
      lax.fori_loop(0, _CHUNK // 16, ob, 0)
      pltpu.sync_copy(zcnt, cacc.at[pl.ds(sid * _RPT, _RPT)])

    def run_dir(tbl, src_h, dst_h, out_h, cnt_h):
      plsc.subcore_barrier()

      def group(g, _):
        pltpu.sync_copy(src_h.at[sid, pl.ds(g * _GC, _GC)], idx_s)
        pltpu.sync_copy(dst_h.at[sid, pl.ds(g * _GC, _GC)], idx_d)
        gdescs = [None, None]
        sdescs = [None, None]
        cdescs = []
        gdescs[0] = pltpu.async_copy(tbl.at[idx_s.at[0]], rbufs[0], gsems[0])
        for j in range(_GC):
          b = j % 2
          if j + 1 < _GC:
            nb = (j + 1) % 2
            if sdescs[nb] is not None:
              sdescs[nb].wait()
              sdescs[nb] = None
            gdescs[nb] = pltpu.async_copy(
                tbl.at[idx_s.at[j + 1]], rbufs[nb], gsems[nb])
          gdescs[b].wait()
          sdescs[b] = pltpu.async_copy(
              rbufs[b], acc.at[idx_d.at[j]], ssems[b], add=True)
          if with_counts:
            cdescs.append(pltpu.async_copy(
                ones_v, cacc.at[idx_d.at[j]], sct, add=True))
        for d in sdescs:
          if d is not None:
            d.wait()
        for d in cdescs:
          d.wait()
        return 0
      lax.fori_loop(0, _NGRP, group, 0)

      plsc.subcore_barrier()
      pltpu.sync_copy(acc.at[pl.ds(sid * _RPT, _RPT)],
                      out_h.at[pl.ds(sid * _RPT, _RPT)])
      if with_counts:
        pltpu.sync_copy(cacc.at[pl.ds(sid * _RPT, _RPT)],
                        cnt_h.at[pl.ds(sid * _RPT, _RPT)])

    pl.when(cid == 0)(lambda: run_dir(table_o, oc_src, oc_dst, sum_c, cnt_c))
    pl.when(cid == 1)(lambda: run_dir(table_c, co_src, co_dst, sum_o, cnt_o))

  return pl.kernel(body, out_type=out_type, mesh=mesh, scratch_types=scratch)


@functools.cache
def _get_sc_kernel(with_counts):
  return _make_sc_kernel(with_counts)



def _dot(a, b):
  return jnp.dot(a, b, preferred_element_type=jnp.float32)


def _full(shape):
  return pl.BlockSpec(shape, lambda i: (0, 0))


def _blk():
  return pl.BlockSpec((_RB, _H), lambda i: (i, 0))


def _k1_body(xc, xo, wlc, blc, wlo, blo, wmc, wmo, oxc, oxo, otc, oto):
  a = _dot(xc[...], wlc[...]) + blc[...]
  b = _dot(xo[...], wlo[...]) + blo[...]
  oxc[...] = a
  oxo[...] = b
  otc[...] = _dot(a, wmc[...])
  oto[...] = _dot(b, wmo[...])


def _k1(xc, xo, wlc, blc, wlo, blo, wmc, wmo):
  f = jax.ShapeDtypeStruct((_NP, _H), jnp.float32)
  return pl.pallas_call(
      _k1_body,
      grid=(_GRID,),
      in_specs=[_blk(), _blk(), _full((_H, _H)), _full((1, _H)),
                _full((_H, _H)), _full((1, _H)), _full((_H, _H)),
                _full((_H, _H))],
      out_specs=[_blk(), _blk(), _blk(), _blk()],
      out_shape=[f, f, f, f],
  )(xc, xo, wlc, blc, wlo, blo, wmc, wmo)


def _sigmoid(v):
  return 1.0 / (1.0 + jnp.exp(-v))


def _gru_update(x, s, cnt, wself, bconv, wi, bi, bh):
  m = s / jnp.maximum(cnt, 1.0)
  h = jnp.maximum(_dot(x, wself) + m + bconv, 0.0)
  gi = _dot(h, wi) + bi
  i_r = gi[:, :_H]
  i_z = gi[:, _H:2 * _H]
  i_n = gi[:, 2 * _H:]
  r = _sigmoid(i_r + bh[:, :_H])
  z = _sigmoid(i_z + bh[:, _H:2 * _H])
  n = jnp.tanh(i_n + r * bh[:, 2 * _H:])
  return (1.0 - z) * n


def _k3_body(xc, xo, sc, so, cc, co,
             wsc, bcc, wic, bic, bhc, wmc,
             wso, bco, wio, bio, bho, wmo,
             oxc, oxo, otc, oto):
  a = _gru_update(xc[...], sc[...], cc[...], wsc[...], bcc[...],
                  wic[...], bic[...], bhc[...])
  b = _gru_update(xo[...], so[...], co[...], wso[...], bco[...],
                  wio[...], bio[...], bho[...])
  oxc[...] = a
  oxo[...] = b
  otc[...] = _dot(a, wmc[...])
  oto[...] = _dot(b, wmo[...])


def _k3(xc, xo, sc, so, cc, co, wc, wo):
  f = jax.ShapeDtypeStruct((_NP, _H), jnp.float32)
  wspec = [_full((_H, _H)), _full((1, _H)), _full((_H, 3 * _H)),
           _full((1, 3 * _H)), _full((1, 3 * _H)), _full((_H, _H))]
  cspec = pl.BlockSpec((_RB, 1), lambda i: (i, 0))
  return pl.pallas_call(
      _k3_body,
      grid=(_GRID,),
      in_specs=[_blk(), _blk(), _blk(), _blk(), cspec, cspec] + wspec + wspec,
      out_specs=[_blk(), _blk(), _blk(), _blk()],
      out_shape=[f, f, f, f],
  )(xc, xo, sc, so, cc, co, *wc, *wo)


def _k5_body(xc, xo, sc, so, cc, co, bidc, bido,
             wsc, bcc, wic, bic, bhc,
             wso, bco, wio, bio, bho,
             psc, pcc, pso, pco):
  i = pl.program_id(0)
  a = _gru_update(xc[...], sc[...], cc[...], wsc[...], bcc[...],
                  wic[...], bic[...], bhc[...])
  b = _gru_update(xo[...], so[...], co[...], wso[...], bco[...],
                  wio[...], bio[...], bho[...])
  gids = lax.broadcasted_iota(jnp.int32, (_RB, _NG), 1)
  ohc = (bidc[...] == gids).astype(jnp.float32)
  oho = (bido[...] == gids).astype(jnp.float32)
  ones = jnp.ones((_RB, _H), jnp.float32)
  dn = (((0,), (0,)), ((), ()))

  @pl.when(i == 0)
  def _():
    psc[...] = jnp.zeros_like(psc)
    pcc[...] = jnp.zeros_like(pcc)
    pso[...] = jnp.zeros_like(pso)
    pco[...] = jnp.zeros_like(pco)

  hp = lax.Precision.HIGHEST
  psc[...] += lax.dot_general(ohc, a, dn, preferred_element_type=jnp.float32,
                              precision=hp)
  pcc[...] += lax.dot_general(ohc, ones, dn,
                              preferred_element_type=jnp.float32,
                              precision=hp)
  pso[...] += lax.dot_general(oho, b, dn, preferred_element_type=jnp.float32,
                              precision=hp)
  pco[...] += lax.dot_general(oho, ones, dn,
                              preferred_element_type=jnp.float32,
                              precision=hp)


def _k5(xc, xo, sc, so, cc, co, bidc, bido, wc, wo):
  g = jax.ShapeDtypeStruct((_NG, _H), jnp.float32)
  wspec = [_full((_H, _H)), _full((1, _H)), _full((_H, 3 * _H)),
           _full((1, 3 * _H)), _full((1, 3 * _H))]
  cspec = pl.BlockSpec((_RB, 1), lambda i: (i, 0))
  bspec = pl.BlockSpec((_RB, 1), lambda i: (i, 0))
  gspec = pl.BlockSpec((_NG, _H), lambda i: (0, 0))
  return pl.pallas_call(
      _k5_body,
      grid=(_GRID,),
      in_specs=[_blk(), _blk(), _blk(), _blk(), cspec, cspec, bspec, bspec]
      + wspec + wspec,
      out_specs=[gspec, gspec, gspec, gspec],
      out_shape=[g, g, g, g],
  )(xc, xo, sc, so, cc, co, bidc, bido, *wc, *wo)


def _k6_body(psc, pcc, pso, pco, linw, linb, outw, outb, out):
  a = psc[...] / jnp.maximum(pcc[...], 1.0)
  b = pso[...] / jnp.maximum(pco[...], 1.0)
  x = jnp.concatenate([a, b], axis=1)
  x = jnp.maximum(_dot(x, linw[...]) + linb[...], 0.0)
  x = jnp.maximum(_dot(x, linw[...]) + linb[...], 0.0)
  out[...] = _dot(x, outw[...]) + outb[...]


def _k6(psc, pcc, pso, pco, linw, linb, outw, outb):
  return pl.pallas_call(
      _k6_body,
      out_shape=jax.ShapeDtypeStruct((_NG, _H), jnp.float32),
  )(psc, pcc, pso, pco, linw, linb, outw, outb)



def _prep_edges(ei):
  src = jnp.pad(ei[0].astype(jnp.int32), (0, _EPAD - _E))
  dst = jnp.pad(ei[1].astype(jnp.int32), (0, _EPAD - _E), constant_values=_N)
  return (src.reshape(_TILES, _NCH, _CHUNK),
          dst.reshape(_TILES, _NCH, _CHUNK))


def kernel(x_constraint, x_operator, edge_index_co, edge_index_oc,
           batch_constraint, batch_operator, params):
  p = params
  xc = jnp.pad(x_constraint, ((0, _NP - _N), (0, 0)))
  xo = jnp.pad(x_operator, ((0, _NP - _N), (0, 0)))
  oc_s, oc_d = _prep_edges(edge_index_oc)
  co_s, co_d = _prep_edges(edge_index_co)
  bidc = jnp.pad(batch_constraint.astype(jnp.int32), (0, _NP - _N),
                 constant_values=_NG).reshape(_NP, 1)
  bido = jnp.pad(batch_operator.astype(jnp.int32), (0, _NP - _N),
                 constant_values=_NG).reshape(_NP, 1)

  def r1(v):
    return v.reshape(1, -1)

  xc0, xo0, tc0, to0 = _k1(
      xc, xo, p['lin_W_constraint'], r1(p['lin_b_constraint']),
      p['lin_W_operator'], r1(p['lin_b_operator']),
      p['W_msg_constraint_0'], p['W_msg_operator_0'])

  sum_c0, sum_o0, cnt_c, cnt_o = _get_sc_kernel(True)(
      to0, tc0, oc_s, oc_d, co_s, co_d)
  cc = cnt_c.reshape(_NP, 1)
  co = cnt_o.reshape(_NP, 1)

  def wpack(t, l, with_msg_next):
    w = [p['W_self_%s_%d' % (t, l)], r1(p['b_conv_%s_%d' % (t, l)]),
         p['gru_Wi_' + t], r1(p['gru_bi_' + t]), r1(p['gru_bh_' + t])]
    if with_msg_next:
      w.append(p['W_msg_%s_%d' % (t, l + 1)])
    return w

  xc1, xo1, tc1, to1 = _k3(xc0, xo0, sum_c0, sum_o0, cc, co,
                           wpack('constraint', 0, True),
                           wpack('operator', 0, True))

  sum_c1, sum_o1 = _get_sc_kernel(False)(to1, tc1, oc_s, oc_d, co_s, co_d)

  psc, pcc, pso, pco = _k5(xc1, xo1, sum_c1, sum_o1, cc, co, bidc, bido,
                           wpack('constraint', 1, False),
                           wpack('operator', 1, False))

  outw = jnp.pad(p['out_W'], ((0, 0), (0, _H - p['out_W'].shape[1])))
  outb = jnp.pad(p['out_b'], (0, _H - p['out_b'].shape[0])).reshape(1, _H)
  out = _k6(psc, pcc, pso, pco, p['lin_W'], r1(p['lin_b']), outw, outb)
  return out[:, :p['out_W'].shape[1]]

# --- scband reference (transcript-rebuilt; emitter-appended) ---
"""Pipeline reference for scband-lstmupdate-5076651344237 (READ-ONLY COPY).

The authoritative reference and input builder live on the scoring server;
editing this copy changes nothing except your own understanding.
"""

import jax, jax.numpy as jnp
import numpy as np

N_C = 10000
N_O = 10000
E = 320000
D_IN = 128
H = 128
OUT = 2
N_LAYERS = 2
N_GRAPHS = 64


def _glorot(k, shape):
    return jax.random.normal(k, shape, jnp.float32) / np.sqrt(shape[0])


def setup_inputs(seed: int = 0):
    key = jax.random.key(seed)
    ks = jax.random.split(key, 64)
    ki = iter(range(64))
    x_constraint = jax.random.normal(ks[next(ki)], (N_C, D_IN), jnp.float32)
    x_operator = jax.random.normal(ks[next(ki)], (N_O, D_IN), jnp.float32)
    edge_index_co = jax.random.randint(ks[next(ki)], (2, E), 0, N_C)
    edge_index_oc = jax.random.randint(ks[next(ki)], (2, E), 0, N_O)
    batch_constraint = jnp.sort(jax.random.randint(ks[next(ki)], (N_C,), 0, N_GRAPHS))
    batch_operator = jnp.sort(jax.random.randint(ks[next(ki)], (N_O,), 0, N_GRAPHS))
    p = {}
    for t in ('constraint', 'operator'):
        p['lin_W_' + t] = _glorot(ks[next(ki)], (D_IN, H))
        p['lin_b_' + t] = jnp.zeros((H,), jnp.float32)
        p['gru_Wi_' + t] = _glorot(ks[next(ki)], (H, 3 * H))
        p['gru_bi_' + t] = jnp.zeros((3 * H,), jnp.float32)
        p['gru_bh_' + t] = jnp.zeros((3 * H,), jnp.float32)
        for l in range(N_LAYERS):
            p['W_msg_%s_%d' % (t, l)] = _glorot(ks[next(ki)], (H, H))
            p['W_self_%s_%d' % (t, l)] = _glorot(ks[next(ki)], (H, H))
            p['b_conv_%s_%d' % (t, l)] = jnp.zeros((H,), jnp.float32)
    p['lin_W'] = _glorot(ks[next(ki)], (2 * H, 2 * H))
    p['lin_b'] = jnp.zeros((2 * H,), jnp.float32)
    p['out_W'] = _glorot(ks[next(ki)], (2 * H, OUT))
    p['out_b'] = jnp.zeros((OUT,), jnp.float32)
    return {
        'x_constraint': x_constraint,
        'x_operator': x_operator,
        'edge_index_co': edge_index_co,
        'edge_index_oc': edge_index_oc,
        'batch_constraint': batch_constraint,
        'batch_operator': batch_operator,
        'params': p,
    }


def _seg_mean(data, seg, num):
    s = jax.ops.segment_sum(data, seg, num_segments=num)
    c = jax.ops.segment_sum(jnp.ones((data.shape[0], 1), data.dtype), seg, num_segments=num)
    return s / jnp.maximum(c, 1.0)


def _gru_step(x, Wi, bi, bh):
    # torch GRU with zero initial hidden state, seq_len = 1
    gi = x @ Wi + bi
    i_r, i_z, i_n = jnp.split(gi, 3, axis=1)
    b_r, b_z, b_n = jnp.split(bh, 3)
    r = jax.nn.sigmoid(i_r + b_r)
    z = jax.nn.sigmoid(i_z + b_z)
    n = jnp.tanh(i_n + r * b_n)
    return (1.0 - z) * n


def _forward(x_constraint, x_operator, p, edge_index_co, edge_index_oc, batch_constraint, batch_operator):
    x_c = x_constraint @ p['lin_W_constraint'] + p['lin_b_constraint']
    x_o = x_operator @ p['lin_W_operator'] + p['lin_b_operator']
    for l in range(N_LAYERS):
        # hetero conv: mean aggregation of transformed source features at dst
        m_c = _seg_mean((x_o @ p['W_msg_operator_%d' % l])[edge_index_oc[0]], edge_index_oc[1], N_C)
        m_o = _seg_mean((x_c @ p['W_msg_constraint_%d' % l])[edge_index_co[0]], edge_index_co[1], N_O)
        h_c = jax.nn.relu(x_c @ p['W_self_constraint_%d' % l] + m_c + p['b_conv_constraint_%d' % l])
        h_o = jax.nn.relu(x_o @ p['W_self_operator_%d' % l] + m_o + p['b_conv_operator_%d' % l])
        # per-node-type GRU update (seq len 1, zero init hidden)
        x_c = _gru_step(h_c, p['gru_Wi_constraint'], p['gru_bi_constraint'], p['gru_bh_constraint'])
        x_o = _gru_step(h_o, p['gru_Wi_operator'], p['gru_bi_operator'], p['gru_bh_operator'])
    pooled_c = _seg_mean(x_c, batch_constraint, N_GRAPHS)
    pooled_o = _seg_mean(x_o, batch_operator, N_GRAPHS)
    concat = jnp.concatenate((pooled_c, pooled_o), axis=1)
    x = jax.nn.relu(concat @ p['lin_W'] + p['lin_b'])
    x = jax.nn.relu(x @ p['lin_W'] + p['lin_b'])
    out = x @ p['out_W'] + p['out_b']
    return out


def reference(x_constraint, x_operator, edge_index_co, edge_index_oc, batch_constraint, batch_operator, params):
    return _forward(x_constraint, x_operator, params, edge_index_co, edge_index_oc, batch_constraint, batch_operator)

if __name__ == "__main__":
    import jax
    _d = setup_inputs()
    print(jax.jit(kernel)(*tuple(_d.values())))

</pallas_src>

<mosaic_0001>
#map = affine_map<(d0, d1) -> (0, 0)>
#map1 = affine_map<(d0, d1) -> (0, 0, 0)>
#map2 = affine_map<(d0, d1) -> (0)>
module attributes {stable_mosaic.version = 14 : i64} {
  func.func @body(%arg0: i32, %arg1: i32, %arg2: memref<10240x128xf32, #tpu.memory_space<hbm>>, %arg3: memref<10240x128xf32, #tpu.memory_space<hbm>>, %arg4: memref<16x160x128xi32, #tpu.memory_space<hbm>>, %arg5: memref<16x160x128xi32, #tpu.memory_space<hbm>>, %arg6: memref<16x160x128xi32, #tpu.memory_space<hbm>>, %arg7: memref<16x160x128xi32, #tpu.memory_space<hbm>>, %arg8: memref<10240x128xf32, #tpu.memory_space<hbm>>, %arg9: memref<10240x128xf32, #tpu.memory_space<hbm>>, %arg10: memref<10240xf32, #tpu.memory_space<hbm>>, %arg11: memref<10240xf32, #tpu.memory_space<hbm>>, %arg12: memref<8x128xi32, #tpu.memory_space<vmem>>, %arg13: memref<8x128xi32, #tpu.memory_space<vmem>>, %arg14: memref<128x128xf32, #tpu.memory_space<vmem>>, %arg15: memref<128x128xf32, #tpu.memory_space<vmem>>, %arg16: memref<16x128xf32, #tpu.memory_space<vmem>>, %arg17: memref<10240x128xf32, #tpu.memory_space<vmem_shared>>, %arg18: memref<!tpu.dma_semaphore, #tpu.memory_space<semaphore_mem>>, %arg19: memref<!tpu.dma_semaphore, #tpu.memory_space<semaphore_mem>>, %arg20: memref<!tpu.dma_semaphore, #tpu.memory_space<semaphore_mem>>, %arg21: memref<!tpu.dma_semaphore, #tpu.memory_space<semaphore_mem>>, %arg22: memref<!tpu.dma_semaphore, #tpu.memory_space<semaphore_mem>>, %arg23: memref<128xf32, #tpu.memory_space<vmem>>, %arg24: memref<640xf32, #tpu.memory_space<vmem>>, %arg25: memref<10240xf32, #tpu.memory_space<vmem_shared>>) attributes {dimension_semantics = [#tpu.dimension_semantics<core_parallel>, #tpu.dimension_semantics<subcore_parallel>], iteration_bounds = array<i64: 2, 16>, scalar_prefetch = 0 : i64, scratch_operands = 14 : i64, tpu.core_type = #tpu.core_type<sc_vector_subcore>, window_params = [{transform_indices = #map}, {transform_indices = #map}, {transform_indices = #map1}, {transform_indices = #map1}, {transform_indices = #map1}, {transform_indices = #map1}, {transform_indices = #map}, {transform_indices = #map}, {transform_indices = #map2}, {transform_indices = #map2}]} {
    %broadcast_in_dim3A = arith.constant 0.000000e+00 : f32
    %broadcast_in_dim3A_0 = vector.broadcast %broadcast_in_dim3A : f32 to vector<16xf32>
    %scan3A = arith.constant 0 : i32
    %scan3A_1 = arith.constant 0 : i32
    %scan3A_2 = arith.constant 128 : i32
    %scan3A_3 = arith.addi %scan3A_1, %scan3A_2 : i32
    %scan3A_4 = arith.constant 1 : i32
    %scan3A_5 = scf.for %scan3A_38 = %scan3A_1 to %scan3A_3 step %scan3A_4 iter_args(%scan3A_39 = %scan3A) -> (i32)  : i32 {
      %jit3A = arith.constant 8 : i32
      %div3A = arith.divsi %scan3A_38, %jit3A : i32
      %sign3A = arith.constant 0 : i32
      %sign3A_40 = arith.cmpi sgt, %scan3A_38, %sign3A : i32
      %sign3A_41 = arith.extui %sign3A_40 : i1 to i32
      %sign3A_42 = arith.constant 0 : i32
      %sign3A_43 = arith.cmpi slt, %scan3A_38, %sign3A_42 : i32
      %sign3A_44 = arith.extui %sign3A_43 : i1 to i32
      %sign3A_45 = arith.subi %sign3A_41, %sign3A_44 : i32
      %sign3A_46 = arith.constant 0 : i32
      %sign3A_47 = arith.cmpi sgt, %jit3A, %sign3A_46 : i32
      %sign3A_48 = arith.extui %sign3A_47 : i1 to i32
      %sign3A_49 = arith.constant 0 : i32
      %sign3A_50 = arith.cmpi slt, %jit3A, %sign3A_49 : i32
      %sign3A_51 = arith.extui %sign3A_50 : i1 to i32
      %sign3A_52 = arith.subi %sign3A_48, %sign3A_51 : i32
      %ne3A = arith.cmpi ne, %sign3A_45, %sign3A_52 : i32
      %rem3A = arith.remsi %scan3A_38, %jit3A : i32
      %ne3A_53 = arith.constant 0 : i32
      %ne3A_54 = arith.cmpi ne, %rem3A, %ne3A_53 : i32
      %and3A = arith.andi %ne3A, %ne3A_54 : i1
      %sub3A = arith.constant 1 : i32
      %sub3A_55 = arith.subi %div3A, %sub3A : i32
      %select_n3A = arith.select %and3A, %sub3A_55, %div3A : i32
      %jit3A_56 = arith.constant 8 : i32
      %eq3A_57 = arith.constant 0 : i32
      %eq3A_58 = arith.cmpi eq, %jit3A_56, %eq3A_57 : i32
      %jit3A_59 = arith.constant 1 : i32
      %select_n3A_60 = arith.select %eq3A_58, %jit3A_59, %jit3A_56 : i32
      %rem3A_61 = arith.remsi %scan3A_38, %select_n3A_60 : i32
      %ne3A_62 = arith.constant 0 : i32
      %ne3A_63 = arith.cmpi ne, %rem3A_61, %ne3A_62 : i32
      %lt3A = arith.constant 0 : i32
      %lt3A_64 = arith.cmpi slt, %rem3A_61, %lt3A : i32
      %lt3A_65 = arith.constant 0 : i32
      %lt3A_66 = arith.cmpi slt, %select_n3A_60, %lt3A_65 : i32
      %ne3A_67 = arith.xori %lt3A_64, %lt3A_66 : i1
      %and3A_68 = arith.andi %ne3A_67, %ne3A_63 : i1
      %add3A = arith.addi %rem3A_61, %select_n3A_60 : i32
      %select_n3A_69 = arith.select %and3A_68, %add3A, %rem3A_61 : i32
      %mul3A_70 = arith.constant 16 : i32
      %mul3A_71 = arith.muli %select_n3A_69, %mul3A_70 : i32
      %swap3A = arith.index_cast %select_n3A : i32 to index
      %swap3A_72 = arith.index_cast %mul3A_71 : i32 to index
      %swap3A_73 = tpu.vector_load %arg16[%swap3A, %swap3A_72] {strides = array<i32>} : memref<16x128xf32, #tpu.memory_space<vmem>>, vector<1x16xf32>,
      %swap3A_74 = vector.shape_cast %swap3A_73 : vector<1x16xf32> to vector<16xf32>
      %swap3A_75 = vector.shape_cast %broadcast_in_dim3A_0 : vector<16xf32> to vector<1x16xf32>
      tpu.vector_store %arg16[%swap3A, %swap3A_72], %swap3A_75 {strides = array<i32>} : memref<16x128xf32, #tpu.memory_space<vmem>>, vector<1x16xf32>,
      %scan3A_76 = arith.constant 0 : i32
      scf.yield %scan3A_76 : i32
    }
    %scan3A_6 = arith.constant 128 : i32
    %scan3A_7 = arith.constant 0 : i32
    %scan3A_8 = arith.constant 0 : i32
    %scan3A_9 = arith.constant 40 : i32
    %scan3A_10 = arith.addi %scan3A_8, %scan3A_9 : i32
    %scan3A_11 = arith.constant 1 : i32
    %scan3A_12 = scf.for %scan3A_38 = %scan3A_8 to %scan3A_10 step %scan3A_11 iter_args(%scan3A_39 = %scan3A_7) -> (i32)  : i32 {
      %mul3A_40 = arith.constant 640 : i32
      %mul3A_41 = arith.muli %arg1, %mul3A_40 : i32
      %mul3A_42 = arith.constant 16 : i32
      %mul3A_43 = arith.muli %scan3A_38, %mul3A_42 : i32
      %add3A = arith.addi %mul3A_41, %mul3A_43 : i32
      "tpu.region"() ({
        %run_scoped3A = tpu.sem_alloc : memref<!tpu.dma_semaphore, #tpu.memory_space<semaphore_mem>>
        %dma_start3A = arith.constant 0 : i32
        %dma_start3A_45 = tpu.memref_slice %arg17[%add3A, %dma_start3A] : memref<10240x128xf32, #tpu.memory_space<vmem_shared>> -> memref<16x128xf32, #tpu.memory_space<vmem_shared>>
        %dma_start3A_46 = arith.constant 0 : i32
        %dma_start3A_47 = tpu.memref_slice %arg17[%add3A, %dma_start3A_46] : memref<10240x128xf32, #tpu.memory_space<vmem_shared>> -> memref<16x128xf32, #tpu.memory_space<vmem_shared>>
        tpu.enqueue_dma source(%arg16 : memref<16x128xf32, #tpu.memory_space<vmem>>) target(%dma_start3A_47 : memref<16x128xf32, #tpu.memory_space<vmem_shared>>) target_semaphore(%run_scoped3A : memref<!tpu.dma_semaphore, #tpu.memory_space<semaphore_mem>>)
        %dma_wait3A = arith.constant 0 : i32
        %dma_wait3A_48 = tpu.memref_slice %arg17[%add3A, %dma_wait3A] : memref<10240x128xf32, #tpu.memory_space<vmem_shared>> -> memref<16x128xf32, #tpu.memory_space<vmem_shared>>
        %dma_wait3A_49 = arith.constant 0 : i32
        %dma_wait3A_50 = tpu.memref_slice %arg17[%add3A, %dma_wait3A_49] : memref<10240x128xf32, #tpu.memory_space<vmem_shared>> -> memref<16x128xf32, #tpu.memory_space<vmem_shared>>
        tpu.wait_dma2 semaphore(%run_scoped3A : memref<!tpu.dma_semaphore, #tpu.memory_space<semaphore_mem>>) src(%arg16 : memref<16x128xf32, #tpu.memory_space<vmem>>) dst(%dma_wait3A_50 : memref<16x128xf32, #tpu.memory_space<vmem_shared>>)
        tpu.yield
      }) : () -> ()
      %scan3A_44 = arith.constant 0 : i32
      scf.yield %scan3A_44 : i32
    }
    %scan3A_13 = arith.constant 40 : i32
    %scan3A_14 = arith.constant 0 : i32
    %scan3A_15 = arith.constant 0 : i32
    %scan3A_16 = arith.constant 40 : i32
    %scan3A_17 = arith.addi %scan3A_15, %scan3A_16 : i32
    %scan3A_18 = arith.constant 1 : i32
    %scan3A_19 = scf.for %scan3A_38 = %scan3A_15 to %scan3A_17 step %scan3A_18 iter_args(%scan3A_39 = %scan3A_14) -> (i32)  : i32 {
      %mul3A_40 = arith.constant 16 : i32
      %mul3A_41 = arith.muli %scan3A_38, %mul3A_40 : i32
      %swap3A = arith.index_cast %mul3A_41 : i32 to index
      %swap3A_42 = tpu.vector_load %arg24[%swap3A] {strides = array<i32>} : memref<640xf32, #tpu.memory_space<vmem>>, vector<16xf32>,
      %swap3A_43 = vector.shape_cast %swap3A_42 : vector<16xf32> to vector<16xf32>
      %swap3A_44 = vector.shape_cast %broadcast_in_dim3A_0 : vector<16xf32> to vector<16xf32>
      tpu.vector_store %arg24[%swap3A], %swap3A_44 {strides = array<i32>} : memref<640xf32, #tpu.memory_space<vmem>>, vector<16xf32>,
      %scan3A_45 = arith.constant 0 : i32
      scf.yield %scan3A_45 : i32
    }
    %scan3A_20 = arith.constant 40 : i32
    %broadcast_in_dim3A_21 = arith.constant 1.000000e+00 : f32
    %broadcast_in_dim3A_22 = vector.broadcast %broadcast_in_dim3A_21 : f32 to vector<16xf32>
    %scan3A_23 = arith.constant 0 : i32
    %scan3A_24 = arith.constant 0 : i32
    %scan3A_25 = arith.constant 8 : i32
    %scan3A_26 = arith.addi %scan3A_24, %scan3A_25 : i32
    %scan3A_27 = arith.constant 1 : i32
    %scan3A_28 = scf.for %scan3A_38 = %scan3A_24 to %scan3A_26 step %scan3A_27 iter_args(%scan3A_39 = %scan3A_23) -> (i32)  : i32 {
      %mul3A_40 = arith.constant 16 : i32
      %mul3A_41 = arith.muli %scan3A_38, %mul3A_40 : i32
      %swap3A = arith.index_cast %mul3A_41 : i32 to index
      %swap3A_42 = tpu.vector_load %arg23[%swap3A] {strides = array<i32>} : memref<128xf32, #tpu.memory_space<vmem>>, vector<16xf32>,
      %swap3A_43 = vector.shape_cast %swap3A_42 : vector<16xf32> to vector<16xf32>
      %swap3A_44 = vector.shape_cast %broadcast_in_dim3A_22 : vector<16xf32> to vector<16xf32>
      tpu.vector_store %arg23[%swap3A], %swap3A_44 {strides = array<i32>} : memref<128xf32, #tpu.memory_space<vmem>>, vector<16xf32>,
      %scan3A_45 = arith.constant 0 : i32
      scf.yield %scan3A_45 : i32
    }
    %scan3A_29 = arith.constant 8 : i32
    %mul3A = arith.constant 640 : i32
    %mul3A_30 = arith.muli %arg1, %mul3A : i32
    "tpu.region"() ({
      %run_scoped3A = tpu.sem_alloc : memref<!tpu.dma_semaphore, #tpu.memory_space<semaphore_mem>>
      %dma_start3A = tpu.memref_slice %arg25[%mul3A_30] : memref<10240xf32, #tpu.memory_space<vmem_shared>> -> memref<640xf32, #tpu.memory_space<vmem_shared>>
      %dma_start3A_38 = tpu.memref_slice %arg25[%mul3A_30] : memref<10240xf32, #tpu.memory_space<vmem_shared>> -> memref<640xf32, #tpu.memory_space<vmem_shared>>
      tpu.enqueue_dma source(%arg24 : memref<640xf32, #tpu.memory_space<vmem>>) target(%dma_start3A_38 : memref<640xf32, #tpu.memory_space<vmem_shared>>) target_semaphore(%run_scoped3A : memref<!tpu.dma_semaphore, #tpu.memory_space<semaphore_mem>>)
      %dma_wait3A = tpu.memref_slice %arg25[%mul3A_30] : memref<10240xf32, #tpu.memory_space<vmem_shared>> -> memref<640xf32, #tpu.memory_space<vmem_shared>>
      %dma_wait3A_39 = tpu.memref_slice %arg25[%mul3A_30] : memref<10240xf32, #tpu.memory_space<vmem_shared>> -> memref<640xf32, #tpu.memory_space<vmem_shared>>
      tpu.wait_dma2 semaphore(%run_scoped3A : memref<!tpu.dma_semaphore, #tpu.memory_space<semaphore_mem>>) src(%arg24 : memref<640xf32, #tpu.memory_space<vmem>>) dst(%dma_wait3A_39 : memref<640xf32, #tpu.memory_space<vmem_shared>>)
      tpu.yield
    }) : () -> ()
    %eq3A = arith.constant 0 : i32
    %eq3A_31 = arith.cmpi eq, %arg0, %eq3A : i32
    %convert_element_type3A = arith.extui %eq3A_31 : i1 to i32
    %cond3A = arith.constant 0 : i32
    %cond3A_32 = arith.cmpi ne, %convert_element_type3A, %cond3A : i32
    scf.if %cond3A_32 {
      %barrier3A = arith.constant 0 : index
      tpu.barrier barrier_id(%barrier3A)
      %scan3A_38 = arith.constant 0 : i32
      %scan3A_39 = arith.constant 0 : i32
      %scan3A_40 = arith.constant 20 : i32
      %scan3A_41 = arith.addi %scan3A_39, %scan3A_40 : i32
      %scan3A_42 = arith.constant 1 : i32
      %scan3A_43 = scf.for %scan3A_54 = %scan3A_39 to %scan3A_41 step %scan3A_42 iter_args(%scan3A_55 = %scan3A_38) -> (i32)  : i32 {
        %mul3A_56 = arith.constant 8 : i32
        %mul3A_57 = arith.muli %scan3A_54, %mul3A_56 : i32
        "tpu.region"() ({
          %run_scoped3A = tpu.sem_alloc : memref<!tpu.dma_semaphore, #tpu.memory_space<semaphore_mem>>
          %dma_start3A_379 = arith.constant 0 : i32
          %dma_start3A_380 = tpu.memref_slice %arg4[%arg1, %mul3A_57, %dma_start3A_379] : memref<16x160x128xi32, #tpu.memory_space<hbm>> -> memref<1x8x128xi32, #tpu.memory_space<hbm>>
          %dma_start3A_381 = tpu.memref_squeeze %dma_start3A_380 : memref<1x8x128xi32, #tpu.memory_space<hbm>> -> memref<8x128xi32, #tpu.memory_space<hbm>>
          %dma_start3A_382 = arith.constant 0 : i32
          %dma_start3A_383 = tpu.memref_slice %arg4[%arg1, %mul3A_57, %dma_start3A_382] : memref<16x160x128xi32, #tpu.memory_space<hbm>> -> memref<1x8x128xi32, #tpu.memory_space<hbm>>
          %dma_start3A_384 = tpu.memref_squeeze %dma_start3A_383 : memref<1x8x128xi32, #tpu.memory_space<hbm>> -> memref<8x128xi32, #tpu.memory_space<hbm>>
          tpu.enqueue_dma source(%dma_start3A_384 : memref<8x128xi32, #tpu.memory_space<hbm>>) target(%arg12 : memref<8x128xi32, #tpu.memory_space<vmem>>) target_semaphore(%run_scoped3A : memref<!tpu.dma_semaphore, #tpu.memory_space<semaphore_mem>>)
          %dma_wait3A_385 = arith.constant 0 : i32
          %dma_wait3A_386 = tpu.memref_slice %arg4[%arg1, %mul3A_57, %dma_wait3A_385] : memref<16x160x128xi32, #tpu.memory_space<hbm>> -> memref<1x8x128xi32, #tpu.memory_space<hbm>>
          %dma_wait3A_387 = tpu.memref_squeeze %dma_wait3A_386 : memref<1x8x128xi32, #tpu.memory_space<hbm>> -> memref<8x128xi32, #tpu.memory_space<hbm>>
          %dma_wait3A_388 = arith.constant 0 : i32
          %dma_wait3A_389 = tpu.memref_slice %arg4[%arg1, %mul3A_57, %dma_wait3A_388] : memref<16x160x128xi32, #tpu.memory_space<hbm>> -> memref<1x8x128xi32, #tpu.memory_space<hbm>>
          %dma_wait3A_390 = tpu.memref_squeeze %dma_wait3A_389 : memref<1x8x128xi32, #tpu.memory_space<hbm>> -> memref<8x128xi32, #tpu.memory_space<hbm>>
          tpu.wait_dma2 semaphore(%run_scoped3A : memref<!tpu.dma_semaphore, #tpu.memory_space<semaphore_mem>>) src(%dma_wait3A_390 : memref<8x128xi32, #tpu.memory_space<hbm>>) dst(%arg12 : memref<8x128xi32, #tpu.memory_space<vmem>>)
          tpu.yield
        }) : () -> ()
        %mul3A_58 = arith.constant 8 : i32
        %mul3A_59 = arith.muli %scan3A_54, %mul3A_58 : i32
        "tpu.region"() ({
          %run_scoped3A = tpu.sem_alloc : memref<!tpu.dma_semaphore, #tpu.memory_space<semaphore_mem>>
          %dma_start3A_379 = arith.constant 0 : i32
          %dma_start3A_380 = tpu.memref_slice %arg5[%arg1, %mul3A_59, %dma_start3A_379] : memref<16x160x128xi32, #tpu.memory_space<hbm>> -> memref<1x8x128xi32, #tpu.memory_space<hbm>>
          %dma_start3A_381 = tpu.memref_squeeze %dma_start3A_380 : memref<1x8x128xi32, #tpu.memory_space<hbm>> -> memref<8x128xi32, #tpu.memory_space<hbm>>
          %dma_start3A_382 = arith.constant 0 : i32
          %dma_start3A_383 = tpu.memref_slice %arg5[%arg1, %mul3A_59, %dma_start3A_382] : memref<16x160x128xi32, #tpu.memory_space<hbm>> -> memref<1x8x128xi32, #tpu.memory_space<hbm>>
          %dma_start3A_384 = tpu.memref_squeeze %dma_start3A_383 : memref<1x8x128xi32, #tpu.memory_space<hbm>> -> memref<8x128xi32, #tpu.memory_space<hbm>>
          tpu.enqueue_dma source(%dma_start3A_384 : memref<8x128xi32, #tpu.memory_space<hbm>>) target(%arg13 : memref<8x128xi32, #tpu.memory_space<vmem>>) target_semaphore(%run_scoped3A : memref<!tpu.dma_semaphore, #tpu.memory_space<semaphore_mem>>)
          %dma_wait3A_385 = arith.constant 0 : i32
          %dma_wait3A_386 = tpu.memref_slice %arg5[%arg1, %mul3A_59, %dma_wait3A_385] : memref<16x160x128xi32, #tpu.memory_space<hbm>> -> memref<1x8x128xi32, #tpu.memory_space<hbm>>
          %dma_wait3A_387 = tpu.memref_squeeze %dma_wait3A_386 : memref<1x8x128xi32, #tpu.memory_space<hbm>> -> memref<8x128xi32, #tpu.memory_space<hbm>>
          %dma_wait3A_388 = arith.constant 0 : i32
          %dma_wait3A_389 = tpu.memref_slice %arg5[%arg1, %mul3A_59, %dma_wait3A_388] : memref<16x160x128xi32, #tpu.memory_space<hbm>> -> memref<1x8x128xi32, #tpu.memory_space<hbm>>
          %dma_wait3A_390 = tpu.memref_squeeze %dma_wait3A_389 : memref<1x8x128xi32, #tpu.memory_space<hbm>> -> memref<8x128xi32, #tpu.memory_space<hbm>>
          tpu.wait_dma2 semaphore(%run_scoped3A : memref<!tpu.dma_semaphore, #tpu.memory_space<semaphore_mem>>) src(%dma_wait3A_390 : memref<8x128xi32, #tpu.memory_space<hbm>>) dst(%arg13 : memref<8x128xi32, #tpu.memory_space<vmem>>)
          tpu.yield
        }) : () -> ()
        %dma_start3A = arith.constant 0 : i32
        %dma_start3A_60 = arith.constant 0 : i32
        %dma_start3A_61 = tpu.memref_slice %arg12[%dma_start3A, %dma_start3A_60] : memref<8x128xi32, #tpu.memory_space<vmem>> -> memref<1x128xi32, #tpu.memory_space<vmem>>
        %dma_start3A_62 = tpu.memref_squeeze %dma_start3A_61 : memref<1x128xi32, #tpu.memory_space<vmem>> -> memref<128xi32, #tpu.memory_space<vmem>>
        %dma_start3A_63 = arith.constant 0 : i32
        %dma_start3A_64 = arith.constant 0 : i32
        %dma_start3A_65 = tpu.memref_slice %arg2[%dma_start3A_63, %dma_start3A_64] : memref<10240x128xf32, #tpu.memory_space<hbm>> -> memref<10240x128xf32, #tpu.memory_space<hbm>>
        tpu.enqueue_indirect_dma source(%dma_start3A_65 : memref<10240x128xf32, #tpu.memory_space<hbm>>) target(%arg14 : memref<128x128xf32, #tpu.memory_space<vmem>>) offsets(%dma_start3A_62 : memref<128xi32, #tpu.memory_space<vmem>>) semaphore(%arg18 : memref<!tpu.dma_semaphore, #tpu.memory_space<semaphore_mem>>)
        %dma_start3A_66 = arith.constant 1 : i32
        %dma_start3A_67 = arith.constant 0 : i32
        %dma_start3A_68 = tpu.memref_slice %arg12[%dma_start3A_66, %dma_start3A_67] : memref<8x128xi32, #tpu.memory_space<vmem>> -> memref<1x128xi32, #tpu.memory_space<vmem>>
        %dma_start3A_69 = tpu.memref_squeeze %dma_start3A_68 : memref<1x128xi32, #tpu.memory_space<vmem>> -> memref<128xi32, #tpu.memory_space<vmem>>
        %dma_start3A_70 = arith.constant 0 : i32
        %dma_start3A_71 = arith.constant 0 : i32
        %dma_start3A_72 = tpu.memref_slice %arg2[%dma_start3A_70, %dma_start3A_71] : memref<10240x128xf32, #tpu.memory_space<hbm>> -> memref<10240x128xf32, #tpu.memory_space<hbm>>
        tpu.enqueue_indirect_dma source(%dma_start3A_72 : memref<10240x128xf32, #tpu.memory_space<hbm>>) target(%arg15 : memref<128x128xf32, #tpu.memory_space<vmem>>) offsets(%dma_start3A_69 : memref<128xi32, #tpu.memory_space<vmem>>) semaphore(%arg19 : memref<!tpu.dma_semaphore, #tpu.memory_space<semaphore_mem>>)
        %dma_wait3A = arith.constant 0 : i32
        %dma_wait3A_73 = arith.constant 0 : i32
        %dma_wait3A_74 = tpu.memref_slice %arg12[%dma_wait3A, %dma_wait3A_73] : memref<8x128xi32, #tpu.memory_space<vmem>> -> memref<1x128xi32, #tpu.memory_space<vmem>>
        %dma_wait3A_75 = tpu.memref_squeeze %dma_wait3A_74 : memref<1x128xi32, #tpu.memory_space<vmem>> -> memref<128xi32, #tpu.memory_space<vmem>>
        %dma_wait3A_76 = arith.constant 0 : i32
        %dma_wait3A_77 = arith.constant 0 : i32
        %dma_wait3A_78 = tpu.memref_slice %arg2[%dma_wait3A_76, %dma_wait3A_77] : memref<10240x128xf32, #tpu.memory_space<hbm>> -> memref<10240x128xf32, #tpu.memory_space<hbm>>
        tpu.wait_indirect_dma semaphore(%arg18 : memref<!tpu.dma_semaphore, #tpu.memory_space<semaphore_mem>>) src(%dma_wait3A_78 : memref<10240x128xf32, #tpu.memory_space<hbm>>) dst(%arg14 : memref<128x128xf32, #tpu.memory_space<vmem>>)
        %dma_start3A_79 = arith.constant 0 : i32
        %dma_start3A_80 = arith.constant 0 : i32
        %dma_start3A_81 = tpu.memref_slice %arg13[%dma_start3A_79, %dma_start3A_80] : memref<8x128xi32, #tpu.memory_space<vmem>> -> memref<1x128xi32, #tpu.memory_space<vmem>>
        %dma_start3A_82 = tpu.memref_squeeze %dma_start3A_81 : memref<1x128xi32, #tpu.memory_space<vmem>> -> memref<128xi32, #tpu.memory_space<vmem>>
        %dma_start3A_83 = arith.constant 0 : i32
        %dma_start3A_84 = arith.constant 0 : i32
        %dma_start3A_85 = tpu.memref_slice %arg17[%dma_start3A_83, %dma_start3A_84] : memref<10240x128xf32, #tpu.memory_space<vmem_shared>> -> memref<10240x128xf32, #tpu.memory_space<vmem_shared>>
        tpu.enqueue_indirect_dma source(%arg14 : memref<128x128xf32, #tpu.memory_space<vmem>>) target(%dma_start3A_85 : memref<10240x128xf32, #tpu.memory_space<vmem_shared>>) offsets(%dma_start3A_82 : memref<128xi32, #tpu.memory_space<vmem>>) semaphore(%arg20 : memref<!tpu.dma_semaphore, #tpu.memory_space<semaphore_mem>>) {add = true}
        %dma_start3A_86 = arith.constant 0 : i32
        %dma_start3A_87 = arith.constant 0 : i32
        %dma_start3A_88 = tpu.memref_slice %arg13[%dma_start3A_86, %dma_start3A_87] : memref<8x128xi32, #tpu.memory_space<vmem>> -> memref<1x128xi32, #tpu.memory_space<vmem>>
        %dma_start3A_89 = tpu.memref_squeeze %dma_start3A_88 : memref<1x128xi32, #tpu.memory_space<vmem>> -> memref<128xi32, #tpu.memory_space<vmem>>
        %dma_start3A_90 = arith.constant 0 : i32
        %dma_start3A_91 = tpu.memref_slice %arg25[%dma_start3A_90] : memref<10240xf32, #tpu.memory_space<vmem_shared>> -> memref<10240xf32, #tpu.memory_space<vmem_shared>>
        tpu.enqueue_indirect_dma source(%arg23 : memref<128xf32, #tpu.memory_space<vmem>>) target(%dma_start3A_91 : memref<10240xf32, #tpu.memory_space<vmem_shared>>) offsets(%dma_start3A_89 : memref<128xi32, #tpu.memory_space<vmem>>) semaphore(%arg22 : memref<!tpu.dma_semaphore, #tpu.memory_space<semaphore_mem>>) {add = true}
        %dma_wait3A_92 = arith.constant 0 : i32
        %dma_wait3A_93 = arith.constant 0 : i32
        %dma_wait3A_94 = tpu.memref_slice %arg13[%dma_wait3A_92, %dma_wait3A_93] : memref<8x128xi32, #tpu.memory_space<vmem>> -> memref<1x128xi32, #tpu.memory_space<vmem>>
        %dma_wait3A_95 = tpu.memref_squeeze %dma_wait3A_94 : memref<1x128xi32, #tpu.memory_space<vmem>> -> memref<128xi32, #tpu.memory_space<vmem>>
        %dma_wait3A_96 = arith.constant 0 : i32
        %dma_wait3A_97 = arith.constant 0 : i32
        %dma_wait3A_98 = tpu.memref_slice %arg17[%dma_wait3A_96, %dma_wait3A_97] : memref<10240x128xf32, #tpu.memory_space<vmem_shared>> -> memref<10240x128xf32, #tpu.memory_space<vmem_shared>>
        tpu.wait_indirect_dma semaphore(%arg20 : memref<!tpu.dma_semaphore, #tpu.memory_space<semaphore_mem>>) src(%arg14 : memref<128x128xf32, #tpu.memory_space<vmem>>) dst(%dma_wait3A_98 : memref<10240x128xf32, #tpu.memory_space<vmem_shared>>)
        %dma_start3A_99 = arith.constant 2 : i32
        %dma_start3A_100 = arith.constant 0 : i32
        %dma_start3A_101 = tpu.memref_slice %arg12[%dma_start3A_99, %dma_start3A_100] : memref<8x128xi32, #tpu.memory_space<vmem>> -> memref<1x128xi32, #tpu.memory_space<vmem>>
        %dma_start3A_102 = tpu.memref_squeeze %dma_start3A_101 : memref<1x128xi32, #tpu.memory_space<vmem>> -> memref<128xi32, #tpu.memory_space<vmem>>
        %dma_start3A_103 = arith.constant 0 : i32
        %dma_start3A_104 = arith.constant 0 : i32
        %dma_start3A_105 = tpu.memref_slice %arg2[%dma_start3A_103, %dma_start3A_104] : memref<10240x128xf32, #tpu.memory_space<hbm>> -> memref<10240x128xf32, #tpu.memory_space<hbm>>
        tpu.enqueue_indirect_dma source(%dma_start3A_105 : memref<10240x128xf32, #tpu.memory_space<hbm>>) target(%arg14 : memref<128x128xf32, #tpu.memory_space<vmem>>) offsets(%dma_start3A_102 : memref<128xi32, #tpu.memory_space<vmem>>) semaphore(%arg18 : memref<!tpu.dma_semaphore, #tpu.memory_space<semaphore_mem>>)
        %dma_wait3A_106 = arith.constant 1 : i32
        %dma_wait3A_107 = arith.constant 0 : i32
        %dma_wait3A_108 = tpu.memref_slice %arg12[%dma_wait3A_106, %dma_wait3A_107] : memref<8x128xi32, #tpu.memory_space<vmem>> -> memref<1x128xi32, #tpu.memory_space<vmem>>
        %dma_wait3A_109 = tpu.memref_squeeze %dma_wait3A_108 : memref<1x128xi32, #tpu.memory_space<vmem>> -> memref<128xi32, #tpu.memory_space<vmem>>
        %dma_wait3A_110 = arith.constant 0 : i32
        %dma_wait3A_111 = arith.constant 0 : i32
        %dma_wait3A_112 = tpu.memref_slice %arg2[%dma_wait3A_110, %dma_wait3A_111] : memref<10240x128xf32, #tpu.memory_space<hbm>> -> memref<10240x128xf32, #tpu.memory_space<hbm>>
        tpu.wait_indirect_dma semaphore(%arg19 : memref<!tpu.dma_semaphore, #tpu.memory_space<semaphore_mem>>) src(%dma_wait3A_112 : memref<10240x128xf32, #tpu.memory_space<hbm>>) dst(%arg15 : memref<128x128xf32, #tpu.memory_space<vmem>>)
        %dma_start3A_113 = arith.constant 1 : i32
        %dma_start3A_114 = arith.constant 0 : i32
        %dma_start3A_115 = tpu.memref_slice %arg13[%dma_start3A_113, %dma_start3A_114] : memref<8x128xi32, #tpu.memory_space<vmem>> -> memref<1x128xi32, #tpu.memory_space<vmem>>
        %dma_start3A_116 = tpu.memref_squeeze %dma_start3A_115 : memref<1x128xi32, #tpu.memory_space<vmem>> -> memref<128xi32, #tpu.memory_space<vmem>>
        %dma_start3A_117 = arith.constant 0 : i32
        %dma_start3A_118 = arith.constant 0 : i32
        %dma_start3A_119 = tpu.memref_slice %arg17[%dma_start3A_117, %dma_start3A_118] : memref<10240x128xf32, #tpu.memory_space<vmem_shared>> -> memref<10240x128xf32, #tpu.memory_space<vmem_shared>>
        tpu.enqueue_indirect_dma source(%arg15 : memref<128x128xf32, #tpu.memory_space<vmem>>) target(%dma_start3A_119 : memref<10240x128xf32, #tpu.memory_space<vmem_shared>>) offsets(%dma_start3A_116 : memref<128xi32, #tpu.memory_space<vmem>>) semaphore(%arg21 : memref<!tpu.dma_semaphore, #tpu.memory_space<semaphore_mem>>) {add = true}
        %dma_start3A_120 = arith.constant 1 : i32
        %dma_start3A_121 = arith.constant 0 : i32
        %dma_start3A_122 = tpu.memref_slice %arg13[%dma_start3A_120, %dma_start3A_121] : memref<8x128xi32, #tpu.memory_space<vmem>> -> memref<1x128xi32, #tpu.memory_space<vmem>>
        %dma_start3A_123 = tpu.memref_squeeze %dma_start3A_122 : memref<1x128xi32, #tpu.memory_space<vmem>> -> memref<128xi32, #tpu.memory_space<vmem>>
        %dma_start3A_124 = arith.constant 0 : i32
        %dma_start3A_125 = tpu.memref_slice %arg25[%dma_start3A_124] : memref<10240xf32, #tpu.memory_space<vmem_shared>> -> memref<10240xf32, #tpu.memory_space<vmem_shared>>
        tpu.enqueue_indirect_dma source(%arg23 : memref<128xf32, #tpu.memory_space<vmem>>) target(%dma_start3A_125 : memref<10240xf32, #tpu.memory_space<vmem_shared>>) offsets(%dma_start3A_123 : memref<128xi32, #tpu.memory_space<vmem>>) semaphore(%arg22 : memref<!tpu.dma_semaphore, #tpu.memory_space<semaphore_mem>>) {add = true}
        %dma_wait3A_126 = arith.constant 1 : i32
        %dma_wait3A_127 = arith.constant 0 : i32
        %dma_wait3A_128 = tpu.memref_slice %arg13[%dma_wait3A_126, %dma_wait3A_127] : memref<8x128xi32, #tpu.memory_space<vmem>> -> memref<1x128xi32, #tpu.memory_space<vmem>>
        %dma_wait3A_129 = tpu.memref_squeeze %dma_wait3A_128 : memref<1x128xi32, #tpu.memory_space<vmem>> -> memref<128xi32, #tpu.memory_space<vmem>>
        %dma_wait3A_130 = arith.constant 0 : i32
        %dma_wait3A_131 = arith.constant 0 : i32
        %dma_wait3A_132 = tpu.memref_slice %arg17[%dma_wait3A_130, %dma_wait3A_131] : memref<10240x128xf32, #tpu.memory_space<vmem_shared>> -> memref<10240x128xf32, #tpu.memory_space<vmem_shared>>
        tpu.wait_indirect_dma semaphore(%arg21 : memref<!tpu.dma_semaphore, #tpu.memory_space<semaphore_mem>>) src(%arg15 : memref<128x128xf32, #tpu.memory_space<vmem>>) dst(%dma_wait3A_132 : memref<10240x128xf32, #tpu.memory_space<vmem_shared>>)
        %dma_start3A_133 = arith.constant 3 : i32
        %dma_start3A_134 = arith.constant 0 : i32
        %dma_start3A_135 = tpu.memref_slice %arg12[%dma_start3A_133, %dma_start3A_134] : memref<8x128xi32, #tpu.memory_space<vmem>> -> memref<1x128xi32, #tpu.memory_space<vmem>>
        %dma_start3A_136 = tpu.memref_squeeze %dma_start3A_135 : memref<1x128xi32, #tpu.memory_space<vmem>> -> memref<128xi32, #tpu.memory_space<vmem>>
        %dma_start3A_137 = arith.constant 0 : i32
        %dma_start3A_138 = arith.constant 0 : i32
        %dma_start3A_139 = tpu.memref_slice %arg2[%dma_start3A_137, %dma_start3A_138] : memref<10240x128xf32, #tpu.memory_space<hbm>> -> memref<10240x128xf32, #tpu.memory_space<hbm>>
        tpu.enqueue_indirect_dma source(%dma_start3A_139 : memref<10240x128xf32, #tpu.memory_space<hbm>>) target(%arg15 : memref<128x128xf32, #tpu.memory_space<vmem>>) offsets(%dma_start3A_136 : memref<128xi32, #tpu.memory_space<vmem>>) semaphore(%arg19 : memref<!tpu.dma_semaphore, #tpu.memory_space<semaphore_mem>>)
        %dma_wait3A_140 = arith.constant 2 : i32
        %dma_wait3A_141 = arith.constant 0 : i32
        %dma_wait3A_142 = tpu.memref_slice %arg12[%dma_wait3A_140, %dma_wait3A_141] : memref<8x128xi32, #tpu.memory_space<vmem>> -> memref<1x128xi32, #tpu.memory_space<vmem>>
        %dma_wait3A_143 = tpu.memref_squeeze %dma_wait3A_142 : memref<1x128xi32, #tpu.memory_space<vmem>> -> memref<128xi32, #tpu.memory_space<vmem>>
        %dma_wait3A_144 = arith.constant 0 : i32
        %dma_wait3A_145 = arith.constant 0 : i32
        %dma_wait3A_146 = tpu.memref_slice %arg2[%dma_wait3A_144, %dma_wait3A_145] : memref<10240x128xf32, #tpu.memory_space<hbm>> -> memref<10240x128xf32, #tpu.memory_space<hbm>>
        tpu.wait_indirect_dma semaphore(%arg18 : memref<!tpu.dma_semaphore, #tpu.memory_space<semaphore_mem>>) src(%dma_wait3A_146 : memref<10240x128xf32, #tpu.memory_space<hbm>>) dst(%arg14 : memref<128x128xf32, #tpu.memory_space<vmem>>)
        %dma_start3A_147 = arith.constant 2 : i32
        %dma_start3A_148 = arith.constant 0 : i32
        %dma_start3A_149 = tpu.memref_slice %arg13[%dma_start3A_147, %dma_start3A_148] : memref<8x128xi32, #tpu.memory_space<vmem>> -> memref<1x128xi32, #tpu.memory_space<vmem>>
        %dma_start3A_150 = tpu.memref_squeeze %dma_start3A_149 : memref<1x128xi32, #tpu.memory_space<vmem>> -> memref<128xi32, #tpu.memory_space<vmem>>
        %dma_start3A_151 = arith.constant 0 : i32
        %dma_start3A_152 = arith.constant 0 : i32
        %dma_start3A_153 = tpu.memref_slice %arg17[%dma_start3A_151, %dma_start3A_152] : memref<10240x128xf32, #tpu.memory_space<vmem_shared>> -> memref<10240x128xf32, #tpu.memory_space<vmem_shared>>
        tpu.enqueue_indirect_dma source(%arg14 : memref<128x128xf32, #tpu.memory_space<vmem>>) target(%dma_start3A_153 : memref<10240x128xf32, #tpu.memory_space<vmem_shared>>) offsets(%dma_start3A_150 : memref<128xi32, #tpu.memory_space<vmem>>) semaphore(%arg20 : memref<!tpu.dma_semaphore, #tpu.memory_space<semaphore_mem>>) {add = true}
        %dma_start3A_154 = arith.constant 2 : i32
        %dma_start3A_155 = arith.constant 0 : i32
        %dma_start3A_156 = tpu.memref_slice %arg13[%dma_start3A_154, %dma_start3A_155] : memref<8x128xi32, #tpu.memory_space<vmem>> -> memref<1x128xi32, #tpu.memory_space<vmem>>
        %dma_start3A_157 = tpu.memref_squeeze %dma_start3A_156 : memref<1x128xi32, #tpu.memory_space<vmem>> -> memref<128xi32, #tpu.memory_space<vmem>>
        %dma_start3A_158 = arith.constant 0 : i32
        %dma_start3A_159 = tpu.memref_slice %arg25[%dma_start3A_158] : memref<10240xf32, #tpu.memory_space<vmem_shared>> -> memref<10240xf32, #tpu.memory_space<vmem_shared>>
        tpu.enqueue_indirect_dma source(%arg23 : memref<128xf32, #tpu.memory_space<vmem>>) target(%dma_start3A_159 : memref<10240xf32, #tpu.memory_space<vmem_shared>>) offsets(%dma_start3A_157 : memref<128xi32, #tpu.memory_space<vmem>>) semaphore(%arg22 : memref<!tpu.dma_semaphore, #tpu.memory_space<semaphore_mem>>) {add = true}
        %dma_wait3A_160 = arith.constant 2 : i32
        %dma_wait3A_161 = arith.constant 0 : i32
        %dma_wait3A_162 = tpu.memref_slice %arg13[%dma_wait3A_160, %dma_wait3A_161] : memref<8x128xi32, #tpu.memory_space<vmem>> -> memref<1x128xi32, #tpu.memory_space<vmem>>
        %dma_wait3A_163 = tpu.memref_squeeze %dma_wait3A_162 : memref<1x128xi32, #tpu.memory_space<vmem>> -> memref<128xi32, #tpu.memory_space<vmem>>
        %dma_wait3A_164 = arith.constant 0 : i32
        %dma_wait3A_165 = arith.constant 0 : i32
        %dma_wait3A_166 = tpu.memref_slice %arg17[%dma_wait3A_164, %dma_wait3A_165] : memref<10240x128xf32, #tpu.memory_space<vmem_shared>> -> memref<10240x128xf32, #tpu.memory_space<vmem_shared>>
        tpu.wait_indirect_dma semaphore(%arg20 : memref<!tpu.dma_semaphore, #tpu.memory_space<semaphore_mem>>) src(%arg14 : memref<128x128xf32, #tpu.memory_space<vmem>>) dst(%dma_wait3A_166 : memref<10240x128xf32, #tpu.memory_space<vmem_shared>>)
        %dma_start3A_167 = arith.constant 4 : i32
        %dma_start3A_168 = arith.constant 0 : i32
        %dma_start3A_169 = tpu.memref_slice %arg12[%dma_start3A_167, %dma_start3A_168] : memref<8x128xi32, #tpu.memory_space<vmem>> -> memref<1x128xi32, #tpu.memory_space<vmem>>
        %dma_start3A_170 = tpu.memref_squeeze %dma_start3A_169 : memref<1x128xi32, #tpu.memory_space<vmem>> -> memref<128xi32, #tpu.memory_space<vmem>>
        %dma_start3A_171 = arith.constant 0 : i32
        %dma_start3A_172 = arith.constant 0 : i32
        %dma_start3A_173 = tpu.memref_slice %arg2[%dma_start3A_171, %dma_start3A_172] : memref<10240x128xf32, #tpu.memory_space<hbm>> -> memref<10240x128xf32, #tpu.memory_space<hbm>>
        tpu.enqueue_indirect_dma source(%dma_start3A_173 : memref<10240x128xf32, #tpu.memory_space<hbm>>) target(%arg14 : memref<128x128xf32, #tpu.memory_space<vmem>>) offsets(%dma_start3A_170 : memref<128xi32, #tpu.memory_space<vmem>>) semaphore(%arg18 : memref<!tpu.dma_semaphore, #tpu.memory_space<semaphore_mem>>)
        %dma_wait3A_174 = arith.constant 3 : i32
        %dma_wait3A_175 = arith.constant 0 : i32
        %dma_wait3A_176 = tpu.memref_slice %arg12[%dma_wait3A_174, %dma_wait3A_175] : memref<8x128xi32, #tpu.memory_space<vmem>> -> memref<1x128xi32, #tpu.memory_space<vmem>>
        %dma_wait3A_177 = tpu.memref_squeeze %dma_wait3A_176 : memref<1x128xi32, #tpu.memory_space<vmem>> -> memref<128xi32, #tpu.memory_space<vmem>>
        %dma_wait3A_178 = arith.constant 0 : i32
        %dma_wait3A_179 = arith.constant 0 : i32
        %dma_wait3A_180 = tpu.memref_slice %arg2[%dma_wait3A_178, %dma_wait3A_179] : memref<10240x128xf32, #tpu.memory_space<hbm>> -> memref<10240x128xf32, #tpu.memory_space<hbm>>
        tpu.wait_indirect_dma semaphore(%arg19 : memref<!tpu.dma_semaphore, #tpu.memory_space<semaphore_mem>>) src(%dma_wait3A_180 : memref<10240x128xf32, #tpu.memory_space<hbm>>) dst(%arg15 : memref<128x128xf32, #tpu.memory_space<vmem>>)
        %dma_start3A_181 = arith.constant 3 : i32
        %dma_start3A_182 = arith.constant 0 : i32
        %dma_start3A_183 = tpu.memref_slice %arg13[%dma_start3A_181, %dma_start3A_182] : memref<8x128xi32, #tpu.memory_space<vmem>> -> memref<1x128xi32, #tpu.memory_space<vmem>>
        %dma_start3A_184 = tpu.memref_squeeze %dma_start3A_183 : memref<1x128xi32, #tpu.memory_space<vmem>> -> memref<128xi32, #tpu.memory_space<vmem>>
        %dma_start3A_185 = arith.constant 0 : i32
        %dma_start3A_186 = arith.constant 0 : i32
        %dma_start3A_187 = tpu.memref_slice %arg17[%dma_start3A_185, %dma_start3A_186] : memref<10240x128xf32, #tpu.memory_space<vmem_shared>> -> memref<10240x128xf32, #tpu.memory_space<vmem_shared>>
        tpu.enqueue_indirect_dma source(%arg15 : memref<128x128xf32, #tpu.memory_space<vmem>>) target(%dma_start3A_187 : memref<10240x128xf32, #tpu.memory_space<vmem_shared>>) offsets(%dma_start3A_184 : memref<128xi32, #tpu.memory_space<vmem>>) semaphore(%arg21 : memref<!tpu.dma_semaphore, #tpu.memory_space<semaphore_mem>>) {add = true}
        %dma_start3A_188 = arith.constant 3 : i32
        %dma_start3A_189 = arith.constant 0 : i32
        %dma_start3A_190 = tpu.memref_slice %arg13[%dma_start3A_188, %dma_start3A_189] : memref<8x128xi32, #tpu.memory_space<vmem>> -> memref<1x128xi32, #tpu.memory_space<vmem>>
        %dma_start3A_191 = tpu.memref_squeeze %dma_start3A_190 : memref<1x128xi32, #tpu.memory_space<vmem>> -> memref<128xi32, #tpu.memory_space<vmem>>
        %dma_start3A_192 = arith.constant 0 : i32
        %dma_start3A_193 = tpu.memref_slice %arg25[%dma_start3A_192] : memref<10240xf32, #tpu.memory_space<vmem_shared>> -> memref<10240xf32, #tpu.memory_space<vmem_shared>>
        tpu.enqueue_indirect_dma source(%arg23 : memref<128xf32, #tpu.memory_space<vmem>>) target(%dma_start3A_193 : memref<10240xf32, #tpu.memory_space<vmem_shared>>) offsets(%dma_start3A_191 : memref<128xi32, #tpu.memory_space<vmem>>) semaphore(%arg22 : memref<!tpu.dma_semaphore, #tpu.memory_space<semaphore_mem>>) {add = true}
        %dma_wait3A_194 = arith.constant 3 : i32
        %dma_wait3A_195 = arith.constant 0 : i32
        %dma_wait3A_196 = tpu.memref_slice %arg13[%dma_wait3A_194, %dma_wait3A_195] : memref<8x128xi32, #tpu.memory_space<vmem>> -> memref<1x128xi32, #tpu.memory_space<vmem>>
        %dma_wait3A_197 = tpu.memref_squeeze %dma_wait3A_196 : memref<1x128xi32, #tpu.memory_space<vmem>> -> memref<128xi32, #tpu.memory_space<vmem>>
        %dma_wait3A_198 = arith.constant 0 : i32
        %dma_wait3A_199 = arith.constant 0 : i32
        %dma_wait3A_200 = tpu.memref_slice %arg17[%dma_wait3A_198, %dma_wait3A_199] : memref<10240x128xf32, #tpu.memory_space<vmem_shared>> -> memref<10240x128xf32, #tpu.memory_space<vmem_shared>>
        tpu.wait_indirect_dma semaphore(%arg21 : memref<!tpu.dma_semaphore, #tpu.memory_space<semaphore_mem>>) src(%arg15 : memref<128x128xf32, #tpu.memory_space<vmem>>) dst(%dma_wait3A_200 : memref<10240x128xf32, #tpu.memory_space<vmem_shared>>)
        %dma_start3A_201 = arith.constant 5 : i32
        %dma_start3A_202 = arith.constant 0 : i32
        %dma_start3A_203 = tpu.memref_slice %arg12[%dma_start3A_201, %dma_start3A_202] : memref<8x128xi32, #tpu.memory_space<vmem>> -> memref<1x128xi32, #tpu.memory_space<vmem>>
        %dma_start3A_204 = tpu.memref_squeeze %dma_start3A_203 : memref<1x128xi32, #tpu.memory_space<vmem>> -> memref<128xi32, #tpu.memory_space<vmem>>
        %dma_start3A_205 = arith.constant 0 : i32
        %dma_start3A_206 = arith.constant 0 : i32
        %dma_start3A_207 = tpu.memref_slice %arg2[%dma_start3A_205, %dma_start3A_206] : memref<10240x128xf32, #tpu.memory_space<hbm>> -> memref<10240x128xf32, #tpu.memory_space<hbm>>
        tpu.enqueue_indirect_dma source(%dma_start3A_207 : memref<10240x128xf32, #tpu.memory_space<hbm>>) target(%arg15 : memref<128x128xf32, #tpu.memory_space<vmem>>) offsets(%dma_start3A_204 : memref<128xi32, #tpu.memory_space<vmem>>) semaphore(%arg19 : memref<!tpu.dma_semaphore, #tpu.memory_space<semaphore_mem>>)
        %dma_wait3A_208 = arith.constant 4 : i32
        %dma_wait3A_209 = arith.constant 0 : i32
        %dma_wait3A_210 = tpu.memref_slice %arg12[%dma_wait3A_208, %dma_wait3A_209] : memref<8x128xi32, #tpu.memory_space<vmem>> -> memref<1x128xi32, #tpu.memory_space<vmem>>
        %dma_wait3A_211 = tpu.memref_squeeze %dma_wait3A_210 : memref<1x128xi32, #tpu.memory_space<vmem>> -> memref<128xi32, #tpu.memory_space<vmem>>
        %dma_wait3A_212 = arith.constant 0 : i32
        %dma_wait3A_213 = arith.constant 0 : i32
        %dma_wait3A_214 = tpu.memref_slice %arg2[%dma_wait3A_212, %dma_wait3A_213] : memref<10240x128xf32, #tpu.memory_space<hbm>> -> memref<10240x128xf32, #tpu.memory_space<hbm>>
        tpu.wait_indirect_dma semaphore(%arg18 : memref<!tpu.dma_semaphore, #tpu.memory_space<semaphore_mem>>) src(%dma_wait3A_214 : memref<10240x128xf32, #tpu.memory_space<hbm>>) dst(%arg14 : memref<128x128xf32, #tpu.memory_space<vmem>>)
        %dma_start3A_215 = arith.constant 4 : i32
        %dma_start3A_216 = arith.constant 0 : i32
        %dma_start3A_217 = tpu.memref_slice %arg13[%dma_start3A_215, %dma_start3A_216] : memref<8x128xi32, #tpu.memory_space<vmem>> -> memref<1x128xi32, #tpu.memory_space<vmem>>
        %dma_start3A_218 = tpu.memref_squeeze %dma_start3A_217 : memref<1x128xi32, #tpu.memory_space<vmem>> -> memref<128xi32, #tpu.memory_space<vmem>>
        %dma_start3A_219 = arith.constant 0 : i32
        %dma_start3A_220 = arith.constant 0 : i32
        %dma_start3A_221 = tpu.memref_slice %arg17[%dma_start3A_219, %dma_start3A_220] : memref<10240x128xf32, #tpu.memory_space<vmem_shared>> -> memref<10240x128xf32, #tpu.memory_space<vmem_shared>>
        tpu.enqueue_indirect_dma source(%arg14 : memref<128x128xf32, #tpu.memory_space<vmem>>) target(%dma_start3A_221 : memref<10240x128xf32, #tpu.memory_space<vmem_shared>>) offsets(%dma_start3A_218 : memref<128xi32, #tpu.memory_space<vmem>>) semaphore(%arg20 : memref<!tpu.dma_semaphore, #tpu.memory_space<semaphore_mem>>) {add = true}
        %dma_start3A_222 = arith.constant 4 : i32
        %dma_start3A_223 = arith.constant 0 : i32
        %dma_start3A_224 = tpu.memref_slice %arg13[%dma_start3A_222, %dma_start3A_223] : memref<8x128xi32, #tpu.memory_space<vmem>> -> memref<1x128xi32, #tpu.memory_space<vmem>>
        %dma_start3A_225 = tpu.memref_squeeze %dma_start3A_224 : memref<1x128xi32, #tpu.memory_space<vmem>> -> memref<128xi32, #tpu.memory_space<vmem>>
        %dma_start3A_226 = arith.constant 0 : i32
        %dma_start3A_227 = tpu.memref_slice %arg25[%dma_start3A_226] : memref<10240xf32, #tpu.memory_space<vmem_shared>> -> memref<10240xf32, #tpu.memory_space<vmem_shared>>
        tpu.enqueue_indirect_dma source(%arg23 : memref<128xf32, #tpu.memory_space<vmem>>) target(%dma_start3A_227 : memref<10240xf32, #tpu.memory_space<vmem_shared>>) offsets(%dma_start3A_225 : memref<128xi32, #tpu.memory_space<vmem>>) semaphore(%arg22 : memref<!tpu.dma_semaphore, #tpu.memory_space<semaphore_mem>>) {add = true}
        %dma_wait3A_228 = arith.constant 4 : i32
        %dma_wait3A_229 = arith.constant 0 : i32
        %dma_wait3A_230 = tpu.memref_slice %arg13[%dma_wait3A_228, %dma_wait3A_229] : memref<8x128xi32, #tpu.memory_space<vmem>> -> memref<1x128xi32, #tpu.memory_space<vmem>>
        %dma_wait3A_231 = tpu.memref_squeeze %dma_wait3A_230 : memref<1x128xi32, #tpu.memory_space<vmem>> -> memref<128xi32, #tpu.memory_space<vmem>>
        %dma_wait3A_232 = arith.constant 0 : i32
        %dma_wait3A_233 = arith.constant 0 : i32
        %dma_wait3A_234 = tpu.memref_slice %arg17[%dma_wait3A_232, %dma_wait3A_233] : memref<10240x128xf32, #tpu.memory_space<vmem_shared>> -> memref<10240x128xf32, #tpu.memory_space<vmem_shared>>
        tpu.wait_indirect_dma semaphore(%arg20 : memref<!tpu.dma_semaphore, #tpu.memory_space<semaphore_mem>>) src(%arg14 : memref<128x128xf32, #tpu.memory_space<vmem>>) dst(%dma_wait3A_234 : memref<10240x128xf32, #tpu.memory_space<vmem_shared>>)
        %dma_start3A_235 = arith.constant 6 : i32
        %dma_start3A_236 = arith.constant 0 : i32
        %dma_start3A_237 = tpu.memref_slice %arg12[%dma_start3A_235, %dma_start3A_236] : memref<8x128xi32, #tpu.memory_space<vmem>> -> memref<1x128xi32, #tpu.memory_space<vmem>>
        %dma_start3A_238 = tpu.memref_squeeze %dma_start3A_237 : memref<1x128xi32, #tpu.memory_space<vmem>> -> memref<128xi32, #tpu.memory_space<vmem>>
        %dma_start3A_239 = arith.constant 0 : i32
        %dma_start3A_240 = arith.constant 0 : i32
        %dma_start3A_241 = tpu.memref_slice %arg2[%dma_start3A_239, %dma_start3A_240] : memref<10240x128xf32, #tpu.memory_space<hbm>> -> memref<10240x128xf32, #tpu.memory_space<hbm>>
        tpu.enqueue_indirect_dma source(%dma_start3A_241 : memref<10240x128xf32, #tpu.memory_space<hbm>>) target(%arg14 : memref<128x128xf32, #tpu.memory_space<vmem>>) offsets(%dma_start3A_238 : memref<128xi32, #tpu.memory_space<vmem>>) semaphore(%arg18 : memref<!tpu.dma_semaphore, #tpu.memory_space<semaphore_mem>>)
        %dma_wait3A_242 = arith.constant 5 : i32
        %dma_wait3A_243 = arith.constant 0 : i32
        %dma_wait3A_244 = tpu.memref_slice %arg12[%dma_wait3A_242, %dma_wait3A_243] : memref<8x128xi32, #tpu.memory_space<vmem>> -> memref<1x128xi32, #tpu.memory_space<vmem>>
        %dma_wait3A_245 = tpu.memref_squeeze %dma_wait3A_244 : memref<1x128xi32, #tpu.memory_space<vmem>> -> memref<128xi32, #tpu.memory_space<vmem>>
        %dma_wait3A_246 = arith.constant 0 : i32
        %dma_wait3A_247 = arith.constant 0 : i32
        %dma_wait3A_248 = tpu.memref_slice %arg2[%dma_wait3A_246, %dma_wait3A_247] : memref<10240x128xf32, #tpu.memory_space<hbm>> -> memref<10240x128xf32, #tpu.memory_space<hbm>>
        tpu.wait_indirect_dma semaphore(%arg19 : memref<!tpu.dma_semaphore, #tpu.memory_space<semaphore_mem>>) src(%dma_wait3A_248 : memref<10240x128xf32, #tpu.memory_space<hbm>>) dst(%arg15 : memref<128x128xf32, #tpu.memory_space<vmem>>)
        %dma_start3A_249 = arith.constant 5 : i32
        %dma_start3A_250 = arith.constant 0 : i32
        %dma_start3A_251 = tpu.memref_slice %arg13[%dma_start3A_249, %dma_start3A_250] : memref<8x128xi32, #tpu.memory_space<vmem>> -> memref<1x128xi32, #tpu.memory_space<vmem>>
        %dma_start3A_252 = tpu.memref_squeeze %dma_start3A_251 : memref<1x128xi32, #tpu.memory_space<vmem>> -> memref<128xi32, #tpu.memory_space<vmem>>
        %dma_start3A_253 = arith.constant 0 : i32
        %dma_start3A_254 = arith.constant 0 : i32
        %dma_start3A_255 = tpu.memref_slice %arg17[%dma_start3A_253, %dma_start3A_254] : memref<10240x128xf32, #tpu.memory_space<vmem_shared>> -> memref<10240x128xf32, #tpu.memory_space<vmem_shared>>
        tpu.enqueue_indirect_dma source(%arg15 : memref<128x128xf32, #tpu.memory_space<vmem>>) target(%dma_start3A_255 : memref<10240x128xf32, #tpu.memory_space<vmem_shared>>) offsets(%dma_start3A_252 : memref<128xi32, #tpu.memory_space<vmem>>) semaphore(%arg21 : memref<!tpu.dma_semaphore, #tpu.memory_space<semaphore_mem>>) {add = true}
        %dma_start3A_256 = arith.constant 5 : i32
        %dma_start3A_257 = arith.constant 0 : i32
        %dma_start3A_258 = tpu.memref_slice %arg13[%dma_start3A_256, %dma_start3A_257] : memref<8x128xi32, #tpu.memory_space<vmem>> -> memref<1x128xi32, #tpu.memory_space<vmem>>
        %dma_start3A_259 = tpu.memref_squeeze %dma_start3A_258 : memref<1x128xi32, #tpu.memory_space<vmem>> -> memref<128xi32, #tpu.memory_space<vmem>>
        %dma_start3A_260 = arith.constant 0 : i32
        %dma_start3A_261 = tpu.memref_slice %arg25[%dma_start3A_260] : memref<10240xf32, #tpu.memory_space<vmem_shared>> -> memref<10240xf32, #tpu.memory_space<vmem_shared>>
        tpu.enqueue_indirect_dma source(%arg23 : memref<128xf32, #tpu.memory_space<vmem>>) target(%dma_start3A_261 : memref<10240xf32, #tpu.memory_space<vmem_shared>>) offsets(%dma_start3A_259 : memref<128xi32, #tpu.memory_space<vmem>>) semaphore(%arg22 : memref<!tpu.dma_semaphore, #tpu.memory_space<semaphore_mem>>) {add = true}
        %dma_wait3A_262 = arith.constant 5 : i32
        %dma_wait3A_263 = arith.constant 0 : i32
        %dma_wait3A_264 = tpu.memref_slice %arg13[%dma_wait3A_262, %dma_wait3A_263] : memref<8x128xi32, #tpu.memory_space<vmem>> -> memref<1x128xi32, #tpu.memory_space<vmem>>
        %dma_wait3A_265 = tpu.memref_squeeze %dma_wait3A_264 : memref<1x128xi32, #tpu.memory_space<vmem>> -> memref<128xi32, #tpu.memory_space<vmem>>
        %dma_wait3A_266 = arith.constant 0 : i32
        %dma_wait3A_267 = arith.constant 0 : i32
        %dma_wait3A_268 = tpu.memref_slice %arg17[%dma_wait3A_266, %dma_wait3A_267] : memref<10240x128xf32, #tpu.memory_space<vmem_shared>> -> memref<10240x128xf32, #tpu.memory_space<vmem_shared>>
        tpu.wait_indirect_dma semaphore(%arg21 : memref<!tpu.dma_semaphore, #tpu.memory_space<semaphore_mem>>) src(%arg15 : memref<128x128xf32, #tpu.memory_space<vmem>>) dst(%dma_wait3A_268 : memref<10240x128xf32, #tpu.memory_space<vmem_shared>>)
        %dma_start3A_269 = arith.constant 7 : i32
        %dma_start3A_270 = arith.constant 0 : i32
        %dma_start3A_271 = tpu.memref_slice %arg12[%dma_start3A_269, %dma_start3A_270] : memref<8x128xi32, #tpu.memory_space<vmem>> -> memref<1x128xi32, #tpu.memory_space<vmem>>
        %dma_start3A_272 = tpu.memref_squeeze %dma_start3A_271 : memref<1x128xi32, #tpu.memory_space<vmem>> -> memref<128xi32, #tpu.memory_space<vmem>>
        %dma_start3A_273 = arith.constant 0 : i32
        %dma_start3A_274 = arith.constant 0 : i32
        %dma_start3A_275 = tpu.memref_slice %arg2[%dma_start3A_273, %dma_start3A_274] : memref<10240x128xf32, #tpu.memory_space<hbm>> -> memref<10240x128xf32, #tpu.memory_space<hbm>>
        tpu.enqueue_indirect_dma source(%dma_start3A_275 : memref<10240x128xf32, #tpu.memory_space<hbm>>) target(%arg15 : memref<128x128xf32, #tpu.memory_space<vmem>>) offsets(%dma_start3A_272 : memref<128xi32, #tpu.memory_space<vmem>>) semaphore(%arg19 : memref<!tpu.dma_semaphore, #tpu.memory_space<semaphore_mem>>)
        %dma_wait3A_276 = arith.constant 6 : i32
        %dma_wait3A_277 = arith.constant 0 : i32
        %dma_wait3A_278 = tpu.memref_slice %arg12[%dma_wait3A_276, %dma_wait3A_277] : memref<8x128xi32, #tpu.memory_space<vmem>> -> memref<1x128xi32, #tpu.memory_space<vmem>>
        %dma_wait3A_279 = tpu.memref_squeeze %dma_wait3A_278 : memref<1x128xi32, #tpu.memory_space<vmem>> -> memref<128xi32, #tpu.memory_space<vmem>>
        %dma_wait3A_280 = arith.constant 0 : i32
        %dma_wait3A_281 = arith.constant 0 : i32
        %dma_wait3A_282 = tpu.memref_slice %arg2[%dma_wait3A_280, %dma_wait3A_281] : memref<10240x128xf32, #tpu.memory_space<hbm>> -> memref<10240x128xf32, #tpu.memory_space<hbm>>
        tpu.wait_indirect_dma semaphore(%arg18 : memref<!tpu.dma_semaphore, #tpu.memory_space<semaphore_mem>>) src(%dma_wait3A_282 : memref<10240x128xf32, #tpu.memory_space<hbm>>) dst(%arg14 : memref<128x128xf32, #tpu.memory_space<vmem>>)
        %dma_start3A_283 = arith.constant 6 : i32
        %dma_start3A_284 = arith.constant 0 : i32
        %dma_start3A_285 = tpu.memref_slice %arg13[%dma_start3A_283, %dma_start3A_284] : memref<8x128xi32, #tpu.memory_space<vmem>> -> memref<1x128xi32, #tpu.memory_space<vmem>>
        %dma_start3A_286 = tpu.memref_squeeze %dma_start3A_285 : memref<1x128xi32, #tpu.memory_space<vmem>> -> memref<128xi32, #tpu.memory_space<vmem>>
        %dma_start3A_287 = arith.constant 0 : i32
        %dma_start3A_288 = arith.constant 0 : i32
        %dma_start3A_289 = tpu.memref_slice %arg17[%dma_start3A_287, %dma_start3A_288] : memref<10240x128xf32, #tpu.memory_space<vmem_shared>> -> memref<10240x128xf32, #tpu.memory_space<vmem_shared>>
        tpu.enqueue_indirect_dma source(%arg14 : memref<128x128xf32, #tpu.memory_space<vmem>>) target(%dma_start3A_289 : memref<10240x128xf32, #tpu.memory_space<vmem_shared>>) offsets(%dma_start3A_286 : memref<128xi32, #tpu.memory_space<vmem>>) semaphore(%arg20 : memref<!tpu.dma_semaphore, #tpu.memory_space<semaphore_mem>>) {add = true}
        %dma_start3A_290 = arith.constant 6 : i32
        %dma_start3A_291 = arith.constant 0 : i32
        %dma_start3A_292 = tpu.memref_slice %arg13[%dma_start3A_290, %dma_start3A_291] : memref<8x128xi32, #tpu.memory_space<vmem>> -> memref<1x128xi32, #tpu.memory_space<vmem>>
        %dma_start3A_293 = tpu.memref_squeeze %dma_start3A_292 : memref<1x128xi32, #tpu.memory_space<vmem>> -> memref<128xi32, #tpu.memory_space<vmem>>
        %dma_start3A_294 = arith.constant 0 : i32
        %dma_start3A_295 = tpu.memref_slice %arg25[%dma_start3A_294] : memref<10240xf32, #tpu.memory_space<vmem_shared>> -> memref<10240xf32, #tpu.memory_space<vmem_shared>>
        tpu.enqueue_indirect_dma source(%arg23 : memref<128xf32, #tpu.memory_space<vmem>>) target(%dma_start3A_295 : memref<10240xf32, #tpu.memory_space<vmem_shared>>) offsets(%dma_start3A_293 : memref<128xi32, #tpu.memory_space<vmem>>) semaphore(%arg22 : memref<!tpu.dma_semaphore, #tpu.memory_space<semaphore_mem>>) {add = true}
        %dma_wait3A_296 = arith.constant 7 : i32
        %dma_wait3A_297 = arith.constant 0 : i32
        %dma_wait3A_298 = tpu.memref_slice %arg12[%dma_wait3A_296, %dma_wait3A_297] : memref<8x128xi32, #tpu.memory_space<vmem>> -> memref<1x128xi32, #tpu.memory_space<vmem>>
        %dma_wait3A_299 = tpu.memref_squeeze %dma_wait3A_298 : memref<1x128xi32, #tpu.memory_space<vmem>> -> memref<128xi32, #tpu.memory_space<vmem>>
        %dma_wait3A_300 = arith.constant 0 : i32
        %dma_wait3A_301 = arith.constant 0 : i32
        %dma_wait3A_302 = tpu.memref_slice %arg2[%dma_wait3A_300, %dma_wait3A_301] : memref<10240x128xf32, #tpu.memory_space<hbm>> -> memref<10240x128xf32, #tpu.memory_space<hbm>>
        tpu.wait_indirect_dma semaphore(%arg19 : memref<!tpu.dma_semaphore, #tpu.memory_space<semaphore_mem>>) src(%dma_wait3A_302 : memref<10240x128xf32, #tpu.memory_space<hbm>>) dst(%arg15 : memref<128x128xf32, #tpu.memory_space<vmem>>)
        %dma_start3A_303 = arith.constant 7 : i32
        %dma_start3A_304 = arith.constant 0 : i32
        %dma_start3A_305 = tpu.memref_slice %arg13[%dma_start3A_303, %dma_start3A_304] : memref<8x128xi32, #tpu.memory_space<vmem>> -> memref<1x128xi32, #tpu.memory_space<vmem>>
        %dma_start3A_306 = tpu.memref_squeeze %dma_start3A_305 : memref<1x128xi32, #tpu.memory_space<vmem>> -> memref<128xi32, #tpu.memory_space<vmem>>
        %dma_start3A_307 = arith.constant 0 : i32
        %dma_start3A_308 = arith.constant 0 : i32
        %dma_start3A_309 = tpu.memref_slice %arg17[%dma_start3A_307, %dma_start3A_308] : memref<10240x128xf32, #tpu.memory_space<vmem_shared>> -> memref<10240x128xf32, #tpu.memory_space<vmem_shared>>
        tpu.enqueue_indirect_dma source(%arg15 : memref<128x128xf32, #tpu.memory_space<vmem>>) target(%dma_start3A_309 : memref<10240x128xf32, #tpu.memory_space<vmem_shared>>) offsets(%dma_start3A_306 : memref<128xi32, #tpu.memory_space<vmem>>) semaphore(%arg21 : memref<!tpu.dma_semaphore, #tpu.memory_space<semaphore_mem>>) {add = true}
        %dma_start3A_310 = arith.constant 7 : i32
        %dma_start3A_311 = arith.constant 0 : i32
        %dma_start3A_312 = tpu.memref_slice %arg13[%dma_start3A_310, %dma_start3A_311] : memref<8x128xi32, #tpu.memory_space<vmem>> -> memref<1x128xi32, #tpu.memory_space<vmem>>
        %dma_start3A_313 = tpu.memref_squeeze %dma_start3A_312 : memref<1x128xi32, #tpu.memory_space<vmem>> -> memref<128xi32, #tpu.memory_space<vmem>>
        %dma_start3A_314 = arith.constant 0 : i32
        %dma_start3A_315 = tpu.memref_slice %arg25[%dma_start3A_314] : memref<10240xf32, #tpu.memory_space<vmem_shared>> -> memref<10240xf32, #tpu.memory_space<vmem_shared>>
        tpu.enqueue_indirect_dma source(%arg23 : memref<128xf32, #tpu.memory_space<vmem>>) target(%dma_start3A_315 : memref<10240xf32, #tpu.memory_space<vmem_shared>>) offsets(%dma_start3A_313 : memref<128xi32, #tpu.memory_space<vmem>>) semaphore(%arg22 : memref<!tpu.dma_semaphore, #tpu.memory_space<semaphore_mem>>) {add = true}
        %dma_wait3A_316 = arith.constant 6 : i32
        %dma_wait3A_317 = arith.constant 0 : i32
        %dma_wait3A_318 = tpu.memref_slice %arg13[%dma_wait3A_316, %dma_wait3A_317] : memref<8x128xi32, #tpu.memory_space<vmem>> -> memref<1x128xi32, #tpu.memory_space<vmem>>
        %dma_wait3A_319 = tpu.memref_squeeze %dma_wait3A_318 : memref<1x128xi32, #tpu.memory_space<vmem>> -> memref<128xi32, #tpu.memory_space<vmem>>
        %dma_wait3A_320 = arith.constant 0 : i32
        %dma_wait3A_321 = arith.constant 0 : i32
        %dma_wait3A_322 = tpu.memref_slice %arg17[%dma_wait3A_320, %dma_wait3A_321] : memref<10240x128xf32, #tpu.memory_space<vmem_shared>> -> memref<10240x128xf32, #tpu.memory_space<vmem_shared>>
        tpu.wait_indirect_dma semaphore(%arg20 : memref<!tpu.dma_semaphore, #tpu.memory_space<semaphore_mem>>) src(%arg14 : memref<128x128xf32, #tpu.memory_space<vmem>>) dst(%dma_wait3A_322 : memref<10240x128xf32, #tpu.memory_space<vmem_shared>>)
        %dma_wait3A_323 = arith.constant 7 : i32
        %dma_wait3A_324 = arith.constant 0 : i32
        %dma_wait3A_325 = tpu.memref_slice %arg13[%dma_wait3A_323, %dma_wait3A_324] : memref<8x128xi32, #tpu.memory_space<vmem>> -> memref<1x128xi32, #tpu.memory_space<vmem>>
        %dma_wait3A_326 = tpu.memref_squeeze %dma_wait3A_325 : memref<1x128xi32, #tpu.memory_space<vmem>> -> memref<128xi32, #tpu.memory_space<vmem>>
        %dma_wait3A_327 = arith.constant 0 : i32
        %dma_wait3A_328 = arith.constant 0 : i32
        %dma_wait3A_329 = tpu.memref_slice %arg17[%dma_wait3A_327, %dma_wait3A_328] : memref<10240x128xf32, #tpu.memory_space<vmem_shared>> -> memref<10240x128xf32, #tpu.memory_space<vmem_shared>>
        tpu.wait_indirect_dma semaphore(%arg21 : memref<!tpu.dma_semaphore, #tpu.memory_space<semaphore_mem>>) src(%arg15 : memref<128x128xf32, #tpu.memory_space<vmem>>) dst(%dma_wait3A_329 : memref<10240x128xf32, #tpu.memory_space<vmem_shared>>)
        %dma_wait3A_330 = arith.constant 0 : i32
        %dma_wait3A_331 = arith.constant 0 : i32
        %dma_wait3A_332 = tpu.memref_slice %arg13[%dma_wait3A_330, %dma_wait3A_331] : memref<8x128xi32, #tpu.memory_space<vmem>> -> memref<1x128xi32, #tpu.memory_space<vmem>>
        %dma_wait3A_333 = tpu.memref_squeeze %dma_wait3A_332 : memref<1x128xi32, #tpu.memory_space<vmem>> -> memref<128xi32, #tpu.memory_space<vmem>>
        %dma_wait3A_334 = arith.constant 0 : i32
        %dma_wait3A_335 = tpu.memref_slice %arg25[%dma_wait3A_334] : memref<10240xf32, #tpu.memory_space<vmem_shared>> -> memref<10240xf32, #tpu.memory_space<vmem_shared>>
        tpu.wait_indirect_dma semaphore(%arg22 : memref<!tpu.dma_semaphore, #tpu.memory_space<semaphore_mem>>) src(%arg23 : memref<128xf32, #tpu.memory_space<vmem>>) dst(%dma_wait3A_335 : memref<10240xf32, #tpu.memory_space<vmem_shared>>)
        %dma_wait3A_336 = arith.constant 1 : i32
        %dma_wait3A_337 = arith.constant 0 : i32
        %dma_wait3A_338 = tpu.memref_slice %arg13[%dma_wait3A_336, %dma_wait3A_337] : memref<8x128xi32, #tpu.memory_space<vmem>> -> memref<1x128xi32, #tpu.memory_space<vmem>>
        %dma_wait3A_339 = tpu.memref_squeeze %dma_wait3A_338 : memref<1x128xi32, #tpu.memory_space<vmem>> -> memref<128xi32, #tpu.memory_space<vmem>>
        %dma_wait3A_340 = arith.constant 0 : i32
        %dma_wait3A_341 = tpu.memref_slice %arg25[%dma_wait3A_340] : memref<10240xf32, #tpu.memory_space<vmem_shared>> -> memref<10240xf32, #tpu.memory_space<vmem_shared>>
        tpu.wait_indirect_dma semaphore(%arg22 : memref<!tpu.dma_semaphore, #tpu.memory_space<semaphore_mem>>) src(%arg23 : memref<128xf32, #tpu.memory_space<vmem>>) dst(%dma_wait3A_341 : memref<10240xf32, #tpu.memory_space<vmem_shared>>)
        %dma_wait3A_342 = arith.constant 2 : i32
        %dma_wait3A_343 = arith.constant 0 : i32
        %dma_wait3A_344 = tpu.memref_slice %arg13[%dma_wait3A_342, %dma_wait3A_343] : memref<8x128xi32, #tpu.memory_space<vmem>> -> memref<1x128xi32, #tpu.memory_space<vmem>>
        %dma_wait3A_345 = tpu.memref_squeeze %dma_wait3A_344 : memref<1x128xi32, #tpu.memory_space<vmem>> -> memref<128xi32, #tpu.memory_space<vmem>>
        %dma_wait3A_346 = arith.constant 0 : i32
        %dma_wait3A_347 = tpu.memref_slice %arg25[%dma_wait3A_346] : memref<10240xf32, #tpu.memory_space<vmem_shared>> -> memref<10240xf32, #tpu.memory_space<vmem_shared>>
        tpu.wait_indirect_dma semaphore(%arg22 : memref<!tpu.dma_semaphore, #tpu.memory_space<semaphore_mem>>) src(%arg23 : memref<128xf32, #tpu.memory_space<vmem>>) dst(%dma_wait3A_347 : memref<10240xf32, #tpu.memory_space<vmem_shared>>)
        %dma_wait3A_348 = arith.constant 3 : i32
        %dma_wait3A_349 = arith.constant 0 : i32
        %dma_wait3A_350 = tpu.memref_slice %arg13[%dma_wait3A_348, %dma_wait3A_349] : memref<8x128xi32, #tpu.memory_space<vmem>> -> memref<1x128xi32, #tpu.memory_space<vmem>>
        %dma_wait3A_351 = tpu.memref_squeeze %dma_wait3A_350 : memref<1x128xi32, #tpu.memory_space<vmem>> -> memref<128xi32, #tpu.memory_space<vmem>>
        %dma_wait3A_352 = arith.constant 0 : i32
        %dma_wait3A_353 = tpu.memref_slice %arg25[%dma_wait3A_352] : memref<10240xf32, #tpu.memory_space<vmem_shared>> -> memref<10240xf32, #tpu.memory_space<vmem_shared>>
        tpu.wait_indirect_dma semaphore(%arg22 : memref<!tpu.dma_semaphore, #tpu.memory_space<semaphore_mem>>) src(%arg23 : memref<128xf32, #tpu.memory_space<vmem>>) dst(%dma_wait3A_353 : memref<10240xf32, #tpu.memory_space<vmem_shared>>)
        %dma_wait3A_354 = arith.constant 4 : i32
        %dma_wait3A_355 = arith.constant 0 : i32
        %dma_wait3A_356 = tpu.memref_slice %arg13[%dma_wait3A_354, %dma_wait3A_355] : memref<8x128xi32, #tpu.memory_space<vmem>> -> memref<1x128xi32, #tpu.memory_space<vmem>>
        %dma_wait3A_357 = tpu.memref_squeeze %dma_wait3A_356 : memref<1x128xi32, #tpu.memory_space<vmem>> -> memref<128xi32, #tpu.memory_space<vmem>>
        %dma_wait3A_358 = arith.constant 0 : i32
        %dma_wait3A_359 = tpu.memref_slice %arg25[%dma_wait3A_358] : memref<10240xf32, #tpu.memory_space<vmem_shared>> -> memref<10240xf32, #tpu.memory_space<vmem_shared>>
        tpu.wait_indirect_dma semaphore(%arg22 : memref<!tpu.dma_semaphore, #tpu.memory_space<semaphore_mem>>) src(%arg23 : memref<128xf32, #tpu.memory_space<vmem>>) dst(%dma_wait3A_359 : memref<10240xf32, #tpu.memory_space<vmem_shared>>)
        %dma_wait3A_360 = arith.constant 5 : i32
        %dma_wait3A_361 = arith.constant 0 : i32
        %dma_wait3A_362 = tpu.memref_slice %arg13[%dma_wait3A_360, %dma_wait3A_361] : memref<8x128xi32, #tpu.memory_space<vmem>> -> memref<1x128xi32, #tpu.memory_space<vmem>>
        %dma_wait3A_363 = tpu.memref_squeeze %dma_wait3A_362 : memref<1x128xi32, #tpu.memory_space<vmem>> -> memref<128xi32, #tpu.memory_space<vmem>>
        %dma_wait3A_364 = arith.constant 0 : i32
        %dma_wait3A_365 = tpu.memref_slice %arg25[%dma_wait3A_364] : memref<10240xf32, #tpu.memory_space<vmem_shared>> -> memref<10240xf32, #tpu.memory_space<vmem_shared>>
        tpu.wait_indirect_dma semaphore(%arg22 : memref<!tpu.dma_semaphore, #tpu.memory_space<semaphore_mem>>) src(%arg23 : memref<128xf32, #tpu.memory_space<vmem>>) dst(%dma_wait3A_365 : memref<10240xf32, #tpu.memory_space<vmem_shared>>)
        %dma_wait3A_366 = arith.constant 6 : i32
        %dma_wait3A_367 = arith.constant 0 : i32
        %dma_wait3A_368 = tpu.memref_slice %arg13[%dma_wait3A_366, %dma_wait3A_367] : memref<8x128xi32, #tpu.memory_space<vmem>> -> memref<1x128xi32, #tpu.memory_space<vmem>>
        %dma_wait3A_369 = tpu.memref_squeeze %dma_wait3A_368 : memref<1x128xi32, #tpu.memory_space<vmem>> -> memref<128xi32, #tpu.memory_space<vmem>>
        %dma_wait3A_370 = arith.constant 0 : i32
        %dma_wait3A_371 = tpu.memref_slice %arg25[%dma_wait3A_370] : memref<10240xf32, #tpu.memory_space<vmem_shared>> -> memref<10240xf32, #tpu.memory_space<vmem_shared>>
        tpu.wait_indirect_dma semaphore(%arg22 : memref<!tpu.dma_semaphore, #tpu.memory_space<semaphore_mem>>) src(%arg23 : memref<128xf32, #tpu.memory_space<vmem>>) dst(%dma_wait3A_371 : memref<10240xf32, #tpu.memory_space<vmem_shared>>)
        %dma_wait3A_372 = arith.constant 7 : i32
        %dma_wait3A_373 = arith.constant 0 : i32
        %dma_wait3A_374 = tpu.memref_slice %arg13[%dma_wait3A_372, %dma_wait3A_373] : memref<8x128xi32, #tpu.memory_space<vmem>> -> memref<1x128xi32, #tpu.memory_space<vmem>>
        %dma_wait3A_375 = tpu.memref_squeeze %dma_wait3A_374 : memref<1x128xi32, #tpu.memory_space<vmem>> -> memref<128xi32, #tpu.memory_space<vmem>>
        %dma_wait3A_376 = arith.constant 0 : i32
        %dma_wait3A_377 = tpu.memref_slice %arg25[%dma_wait3A_376] : memref<10240xf32, #tpu.memory_space<vmem_shared>> -> memref<10240xf32, #tpu.memory_space<vmem_shared>>
        tpu.wait_indirect_dma semaphore(%arg22 : memref<!tpu.dma_semaphore, #tpu.memory_space<semaphore_mem>>) src(%arg23 : memref<128xf32, #tpu.memory_space<vmem>>) dst(%dma_wait3A_377 : memref<10240xf32, #tpu.memory_space<vmem_shared>>)
        %scan3A_378 = arith.constant 0 : i32
        scf.yield %scan3A_378 : i32
      }
      %scan3A_44 = arith.constant 20 : i32
      %barrier3A_45 = arith.constant 0 : index
      tpu.barrier barrier_id(%barrier3A_45)
      %mul3A_46 = arith.constant 640 : i32
      %mul3A_47 = arith.muli %arg1, %mul3A_46 : i32
      %mul3A_48 = arith.constant 640 : i32
      %mul3A_49 = arith.muli %arg1, %mul3A_48 : i32
      "tpu.region"() ({
        %run_scoped3A = tpu.sem_alloc : memref<!tpu.dma_semaphore, #tpu.memory_space<semaphore_mem>>
        %dma_start3A = arith.constant 0 : i32
        %dma_start3A_54 = tpu.memref_slice %arg8[%mul3A_49, %dma_start3A] : memref<10240x128xf32, #tpu.memory_space<hbm>> -> memref<640x128xf32, #tpu.memory_space<hbm>>
        %dma_start3A_55 = arith.constant 0 : i32
        %dma_start3A_56 = tpu.memref_slice %arg17[%mul3A_47, %dma_start3A_55] : memref<10240x128xf32, #tpu.memory_space<vmem_shared>> -> memref<640x128xf32, #tpu.memory_space<vmem_shared>>
        tpu.enqueue_dma source(%dma_start3A_56 : memref<640x128xf32, #tpu.memory_space<vmem_shared>>) target(%dma_start3A_54 : memref<640x128xf32, #tpu.memory_space<hbm>>) target_semaphore(%run_scoped3A : memref<!tpu.dma_semaphore, #tpu.memory_space<semaphore_mem>>)
        %dma_wait3A = arith.constant 0 : i32
        %dma_wait3A_57 = tpu.memref_slice %arg8[%mul3A_49, %dma_wait3A] : memref<10240x128xf32, #tpu.memory_space<hbm>> -> memref<640x128xf32, #tpu.memory_space<hbm>>
        %dma_wait3A_58 = arith.constant 0 : i32
        %dma_wait3A_59 = tpu.memref_slice %arg17[%mul3A_47, %dma_wait3A_58] : memref<10240x128xf32, #tpu.memory_space<vmem_shared>> -> memref<640x128xf32, #tpu.memory_space<vmem_shared>>
        tpu.wait_dma2 semaphore(%run_scoped3A : memref<!tpu.dma_semaphore, #tpu.memory_space<semaphore_mem>>) src(%dma_wait3A_59 : memref<640x128xf32, #tpu.memory_space<vmem_shared>>) dst(%dma_wait3A_57 : memref<640x128xf32, #tpu.memory_space<hbm>>)
        tpu.yield
      }) : () -> ()
      %mul3A_50 = arith.constant 640 : i32
      %mul3A_51 = arith.muli %arg1, %mul3A_50 : i32
      %mul3A_52 = arith.constant 640 : i32
      %mul3A_53 = arith.muli %arg1, %mul3A_52 : i32
      "tpu.region"() ({
        %run_scoped3A = tpu.sem_alloc : memref<!tpu.dma_semaphore, #tpu.memory_space<semaphore_mem>>
        %dma_start3A = tpu.memref_slice %arg10[%mul3A_53] : memref<10240xf32, #tpu.memory_space<hbm>> -> memref<640xf32, #tpu.memory_space<hbm>>
        %dma_start3A_54 = tpu.memref_slice %arg25[%mul3A_51] : memref<10240xf32, #tpu.memory_space<vmem_shared>> -> memref<640xf32, #tpu.memory_space<vmem_shared>>
        tpu.enqueue_dma source(%dma_start3A_54 : memref<640xf32, #tpu.memory_space<vmem_shared>>) target(%dma_start3A : memref<640xf32, #tpu.memory_space<hbm>>) target_semaphore(%run_scoped3A : memref<!tpu.dma_semaphore, #tpu.memory_space<semaphore_mem>>)
        %dma_wait3A = tpu.memref_slice %arg10[%mul3A_53] : memref<10240xf32, #tpu.memory_space<hbm>> -> memref<640xf32, #tpu.memory_space<hbm>>
        %dma_wait3A_55 = tpu.memref_slice %arg25[%mul3A_51] : memref<10240xf32, #tpu.memory_space<vmem_shared>> -> memref<640xf32, #tpu.memory_space<vmem_shared>>
        tpu.wait_dma2 semaphore(%run_scoped3A : memref<!tpu.dma_semaphore, #tpu.memory_space<semaphore_mem>>) src(%dma_wait3A_55 : memref<640xf32, #tpu.memory_space<vmem_shared>>) dst(%dma_wait3A : memref<640xf32, #tpu.memory_space<hbm>>)
        tpu.yield
      }) : () -> ()
    } else {
    }
    %eq3A_33 = arith.constant 1 : i32
    %eq3A_34 = arith.cmpi eq, %arg0, %eq3A_33 : i32
    %convert_element_type3A_35 = arith.extui %eq3A_34 : i1 to i32
    %cond3A_36 = arith.constant 0 : i32
    %cond3A_37 = arith.cmpi ne, %convert_element_type3A_35, %cond3A_36 : i32
    scf.if %cond3A_37 {
      %barrier3A = arith.constant 0 : index
      tpu.barrier barrier_id(%barrier3A)
      %scan3A_38 = arith.constant 0 : i32
      %scan3A_39 = arith.constant 0 : i32
      %scan3A_40 = arith.constant 20 : i32
      %scan3A_41 = arith.addi %scan3A_39, %scan3A_40 : i32
      %scan3A_42 = arith.constant 1 : i32
      %scan3A_43 = scf.for %scan3A_54 = %scan3A_39 to %scan3A_41 step %scan3A_42 iter_args(%scan3A_55 = %scan3A_38) -> (i32)  : i32 {
        %mul3A_56 = arith.constant 8 : i32
        %mul3A_57 = arith.muli %scan3A_54, %mul3A_56 : i32
        "tpu.region"() ({
          %run_scoped3A = tpu.sem_alloc : memref<!tpu.dma_semaphore, #tpu.memory_space<semaphore_mem>>
          %dma_start3A_379 = arith.constant 0 : i32
          %dma_start3A_380 = tpu.memref_slice %arg6[%arg1, %mul3A_57, %dma_start3A_379] : memref<16x160x128xi32, #tpu.memory_space<hbm>> -> memref<1x8x128xi32, #tpu.memory_space<hbm>>
          %dma_start3A_381 = tpu.memref_squeeze %dma_start3A_380 : memref<1x8x128xi32, #tpu.memory_space<hbm>> -> memref<8x128xi32, #tpu.memory_space<hbm>>
          %dma_start3A_382 = arith.constant 0 : i32
          %dma_start3A_383 = tpu.memref_slice %arg6[%arg1, %mul3A_57, %dma_start3A_382] : memref<16x160x128xi32, #tpu.memory_space<hbm>> -> memref<1x8x128xi32, #tpu.memory_space<hbm>>
          %dma_start3A_384 = tpu.memref_squeeze %dma_start3A_383 : memref<1x8x128xi32, #tpu.memory_space<hbm>> -> memref<8x128xi32, #tpu.memory_space<hbm>>
          tpu.enqueue_dma source(%dma_start3A_384 : memref<8x128xi32, #tpu.memory_space<hbm>>) target(%arg12 : memref<8x128xi32, #tpu.memory_space<vmem>>) target_semaphore(%run_scoped3A : memref<!tpu.dma_semaphore, #tpu.memory_space<semaphore_mem>>)
          %dma_wait3A_385 = arith.constant 0 : i32
          %dma_wait3A_386 = tpu.memref_slice %arg6[%arg1, %mul3A_57, %dma_wait3A_385] : memref<16x160x128xi32, #tpu.memory_space<hbm>> -> memref<1x8x128xi32, #tpu.memory_space<hbm>>
          %dma_wait3A_387 = tpu.memref_squeeze %dma_wait3A_386 : memref<1x8x128xi32, #tpu.memory_space<hbm>> -> memref<8x128xi32, #tpu.memory_space<hbm>>
          %dma_wait3A_388 = arith.constant 0 : i32
          %dma_wait3A_389 = tpu.memref_slice %arg6[%arg1, %mul3A_57, %dma_wait3A_388] : memref<16x160x128xi32, #tpu.memory_space<hbm>> -> memref<1x8x128xi32, #tpu.memory_space<hbm>>
          %dma_wait3A_390 = tpu.memref_squeeze %dma_wait3A_389 : memref<1x8x128xi32, #tpu.memory_space<hbm>> -> memref<8x128xi32, #tpu.memory_space<hbm>>
          tpu.wait_dma2 semaphore(%run_scoped3A : memref<!tpu.dma_semaphore, #tpu.memory_space<semaphore_mem>>) src(%dma_wait3A_390 : memref<8x128xi32, #tpu.memory_space<hbm>>) dst(%arg12 : memref<8x128xi32, #tpu.memory_space<vmem>>)
          tpu.yield
        }) : () -> ()
        %mul3A_58 = arith.constant 8 : i32
        %mul3A_59 = arith.muli %scan3A_54, %mul3A_58 : i32
        "tpu.region"() ({
          %run_scoped3A = tpu.sem_alloc : memref<!tpu.dma_semaphore, #tpu.memory_space<semaphore_mem>>
          %dma_start3A_379 = arith.constant 0 : i32
          %dma_start3A_380 = tpu.memref_slice %arg7[%arg1, %mul3A_59, %dma_start3A_379] : memref<16x160x128xi32, #tpu.memory_space<hbm>> -> memref<1x8x128xi32, #tpu.memory_space<hbm>>
          %dma_start3A_381 = tpu.memref_squeeze %dma_start3A_380 : memref<1x8x128xi32, #tpu.memory_space<hbm>> -> memref<8x128xi32, #tpu.memory_space<hbm>>
          %dma_start3A_382 = arith.constant 0 : i32
          %dma_start3A_383 = tpu.memref_slice %arg7[%arg1, %mul3A_59, %dma_start3A_382] : memref<16x160x128xi32, #tpu.memory_space<hbm>> -> memref<1x8x128xi32, #tpu.memory_space<hbm>>
          %dma_start3A_384 = tpu.memref_squeeze %dma_start3A_383 : memref<1x8x128xi32, #tpu.memory_space<hbm>> -> memref<8x128xi32, #tpu.memory_space<hbm>>
          tpu.enqueue_dma source(%dma_start3A_384 : memref<8x128xi32, #tpu.memory_space<hbm>>) target(%arg13 : memref<8x128xi32, #tpu.memory_space<vmem>>) target_semaphore(%run_scoped3A : memref<!tpu.dma_semaphore, #tpu.memory_space<semaphore_mem>>)
          %dma_wait3A_385 = arith.constant 0 : i32
          %dma_wait3A_386 = tpu.memref_slice %arg7[%arg1, %mul3A_59, %dma_wait3A_385] : memref<16x160x128xi32, #tpu.memory_space<hbm>> -> memref<1x8x128xi32, #tpu.memory_space<hbm>>
          %dma_wait3A_387 = tpu.memref_squeeze %dma_wait3A_386 : memref<1x8x128xi32, #tpu.memory_space<hbm>> -> memref<8x128xi32, #tpu.memory_space<hbm>>
          %dma_wait3A_388 = arith.constant 0 : i32
          %dma_wait3A_389 = tpu.memref_slice %arg7[%arg1, %mul3A_59, %dma_wait3A_388] : memref<16x160x128xi32, #tpu.memory_space<hbm>> -> memref<1x8x128xi32, #tpu.memory_space<hbm>>
          %dma_wait3A_390 = tpu.memref_squeeze %dma_wait3A_389 : memref<1x8x128xi32, #tpu.memory_space<hbm>> -> memref<8x128xi32, #tpu.memory_space<hbm>>
          tpu.wait_dma2 semaphore(%run_scoped3A : memref<!tpu.dma_semaphore, #tpu.memory_space<semaphore_mem>>) src(%dma_wait3A_390 : memref<8x128xi32, #tpu.memory_space<hbm>>) dst(%arg13 : memref<8x128xi32, #tpu.memory_space<vmem>>)
          tpu.yield
        }) : () -> ()
        %dma_start3A = arith.constant 0 : i32
        %dma_start3A_60 = arith.constant 0 : i32
        %dma_start3A_61 = tpu.memref_slice %arg12[%dma_start3A, %dma_start3A_60] : memref<8x128xi32, #tpu.memory_space<vmem>> -> memref<1x128xi32, #tpu.memory_space<vmem>>
        %dma_start3A_62 = tpu.memref_squeeze %dma_start3A_61 : memref<1x128xi32, #tpu.memory_space<vmem>> -> memref<128xi32, #tpu.memory_space<vmem>>
        %dma_start3A_63 = arith.constant 0 : i32
        %dma_start3A_64 = arith.constant 0 : i32
        %dma_start3A_65 = tpu.memref_slice %arg3[%dma_start3A_63, %dma_start3A_64] : memref<10240x128xf32, #tpu.memory_space<hbm>> -> memref<10240x128xf32, #tpu.memory_space<hbm>>
        tpu.enqueue_indirect_dma source(%dma_start3A_65 : memref<10240x128xf32, #tpu.memory_space<hbm>>) target(%arg14 : memref<128x128xf32, #tpu.memory_space<vmem>>) offsets(%dma_start3A_62 : memref<128xi32, #tpu.memory_space<vmem>>) semaphore(%arg18 : memref<!tpu.dma_semaphore, #tpu.memory_space<semaphore_mem>>)
        %dma_start3A_66 = arith.constant 1 : i32
        %dma_start3A_67 = arith.constant 0 : i32
        %dma_start3A_68 = tpu.memref_slice %arg12[%dma_start3A_66, %dma_start3A_67] : memref<8x128xi32, #tpu.memory_space<vmem>> -> memref<1x128xi32, #tpu.memory_space<vmem>>
        %dma_start3A_69 = tpu.memref_squeeze %dma_start3A_68 : memref<1x128xi32, #tpu.memory_space<vmem>> -> memref<128xi32, #tpu.memory_space<vmem>>
        %dma_start3A_70 = arith.constant 0 : i32
        %dma_start3A_71 = arith.constant 0 : i32
        %dma_start3A_72 = tpu.memref_slice %arg3[%dma_start3A_70, %dma_start3A_71] : memref<10240x128xf32, #tpu.memory_space<hbm>> -> memref<10240x128xf32, #tpu.memory_space<hbm>>
        tpu.enqueue_indirect_dma source(%dma_start3A_72 : memref<10240x128xf32, #tpu.memory_space<hbm>>) target(%arg15 : memref<128x128xf32, #tpu.memory_space<vmem>>) offsets(%dma_start3A_69 : memref<128xi32, #tpu.memory_space<vmem>>) semaphore(%arg19 : memref<!tpu.dma_semaphore, #tpu.memory_space<semaphore_mem>>)
        %dma_wait3A = arith.constant 0 : i32
        %dma_wait3A_73 = arith.constant 0 : i32
        %dma_wait3A_74 = tpu.memref_slice %arg12[%dma_wait3A, %dma_wait3A_73] : memref<8x128xi32, #tpu.memory_space<vmem>> -> memref<1x128xi32, #tpu.memory_space<vmem>>
        %dma_wait3A_75 = tpu.memref_squeeze %dma_wait3A_74 : memref<1x128xi32, #tpu.memory_space<vmem>> -> memref<128xi32, #tpu.memory_space<vmem>>
        %dma_wait3A_76 = arith.constant 0 : i32
        %dma_wait3A_77 = arith.constant 0 : i32
        %dma_wait3A_78 = tpu.memref_slice %arg3[%dma_wait3A_76, %dma_wait3A_77] : memref<10240x128xf32, #tpu.memory_space<hbm>> -> memref<10240x128xf32, #tpu.memory_space<hbm>>
        tpu.wait_indirect_dma semaphore(%arg18 : memref<!tpu.dma_semaphore, #tpu.memory_space<semaphore_mem>>) src(%dma_wait3A_78 : memref<10240x128xf32, #tpu.memory_space<hbm>>) dst(%arg14 : memref<128x128xf32, #tpu.memory_space<vmem>>)
        %dma_start3A_79 = arith.constant 0 : i32
        %dma_start3A_80 = arith.constant 0 : i32
        %dma_start3A_81 = tpu.memref_slice %arg13[%dma_start3A_79, %dma_start3A_80] : memref<8x128xi32, #tpu.memory_space<vmem>> -> memref<1x128xi32, #tpu.memory_space<vmem>>
        %dma_start3A_82 = tpu.memref_squeeze %dma_start3A_81 : memref<1x128xi32, #tpu.memory_space<vmem>> -> memref<128xi32, #tpu.memory_space<vmem>>
        %dma_start3A_83 = arith.constant 0 : i32
        %dma_start3A_84 = arith.constant 0 : i32
        %dma_start3A_85 = tpu.memref_slice %arg17[%dma_start3A_83, %dma_start3A_84] : memref<10240x128xf32, #tpu.memory_space<vmem_shared>> -> memref<10240x128xf32, #tpu.memory_space<vmem_shared>>
        tpu.enqueue_indirect_dma source(%arg14 : memref<128x128xf32, #tpu.memory_space<vmem>>) target(%dma_start3A_85 : memref<10240x128xf32, #tpu.memory_space<vmem_shared>>) offsets(%dma_start3A_82 : memref<128xi32, #tpu.memory_space<vmem>>) semaphore(%arg20 : memref<!tpu.dma_semaphore, #tpu.memory_space<semaphore_mem>>) {add = true}
        %dma_start3A_86 = arith.constant 0 : i32
        %dma_start3A_87 = arith.constant 0 : i32
        %dma_start3A_88 = tpu.memref_slice %arg13[%dma_start3A_86, %dma_start3A_87] : memref<8x128xi32, #tpu.memory_space<vmem>> -> memref<1x128xi32, #tpu.memory_space<vmem>>
        %dma_start3A_89 = tpu.memref_squeeze %dma_start3A_88 : memref<1x128xi32, #tpu.memory_space<vmem>> -> memref<128xi32, #tpu.memory_space<vmem>>
        %dma_start3A_90 = arith.constant 0 : i32
        %dma_start3A_91 = tpu.memref_slice %arg25[%dma_start3A_90] : memref<10240xf32, #tpu.memory_space<vmem_shared>> -> memref<10240xf32, #tpu.memory_space<vmem_shared>>
        tpu.enqueue_indirect_dma source(%arg23 : memref<128xf32, #tpu.memory_space<vmem>>) target(%dma_start3A_91 : memref<10240xf32, #tpu.memory_space<vmem_shared>>) offsets(%dma_start3A_89 : memref<128xi32, #tpu.memory_space<vmem>>) semaphore(%arg22 : memref<!tpu.dma_semaphore, #tpu.memory_space<semaphore_mem>>) {add = true}
        %dma_wait3A_92 = arith.constant 0 : i32
        %dma_wait3A_93 = arith.constant 0 : i32
        %dma_wait3A_94 = tpu.memref_slice %arg13[%dma_wait3A_92, %dma_wait3A_93] : memref<8x128xi32, #tpu.memory_space<vmem>> -> memref<1x128xi32, #tpu.memory_space<vmem>>
        %dma_wait3A_95 = tpu.memref_squeeze %dma_wait3A_94 : memref<1x128xi32, #tpu.memory_space<vmem>> -> memref<128xi32, #tpu.memory_space<vmem>>
        %dma_wait3A_96 = arith.constant 0 : i32
        %dma_wait3A_97 = arith.constant 0 : i32
        %dma_wait3A_98 = tpu.memref_slice %arg17[%dma_wait3A_96, %dma_wait3A_97] : memref<10240x128xf32, #tpu.memory_space<vmem_shared>> -> memref<10240x128xf32, #tpu.memory_space<vmem_shared>>
        tpu.wait_indirect_dma semaphore(%arg20 : memref<!tpu.dma_semaphore, #tpu.memory_space<semaphore_mem>>) src(%arg14 : memref<128x128xf32, #tpu.memory_space<vmem>>) dst(%dma_wait3A_98 : memref<10240x128xf32, #tpu.memory_space<vmem_shared>>)
        %dma_start3A_99 = arith.constant 2 : i32
        %dma_start3A_100 = arith.constant 0 : i32
        %dma_start3A_101 = tpu.memref_slice %arg12[%dma_start3A_99, %dma_start3A_100] : memref<8x128xi32, #tpu.memory_space<vmem>> -> memref<1x128xi32, #tpu.memory_space<vmem>>
        %dma_start3A_102 = tpu.memref_squeeze %dma_start3A_101 : memref<1x128xi32, #tpu.memory_space<vmem>> -> memref<128xi32, #tpu.memory_space<vmem>>
        %dma_start3A_103 = arith.constant 0 : i32
        %dma_start3A_104 = arith.constant 0 : i32
        %dma_start3A_105 = tpu.memref_slice %arg3[%dma_start3A_103, %dma_start3A_104] : memref<10240x128xf32, #tpu.memory_space<hbm>> -> memref<10240x128xf32, #tpu.memory_space<hbm>>
        tpu.enqueue_indirect_dma source(%dma_start3A_105 : memref<10240x128xf32, #tpu.memory_space<hbm>>) target(%arg14 : memref<128x128xf32, #tpu.memory_space<vmem>>) offsets(%dma_start3A_102 : memref<128xi32, #tpu.memory_space<vmem>>) semaphore(%arg18 : memref<!tpu.dma_semaphore, #tpu.memory_space<semaphore_mem>>)
        %dma_wait3A_106 = arith.constant 1 : i32
        %dma_wait3A_107 = arith.constant 0 : i32
        %dma_wait3A_108 = tpu.memref_slice %arg12[%dma_wait3A_106, %dma_wait3A_107] : memref<8x128xi32, #tpu.memory_space<vmem>> -> memref<1x128xi32, #tpu.memory_space<vmem>>
        %dma_wait3A_109 = tpu.memref_squeeze %dma_wait3A_108 : memref<1x128xi32, #tpu.memory_space<vmem>> -> memref<128xi32, #tpu.memory_space<vmem>>
        %dma_wait3A_110 = arith.constant 0 : i32
        %dma_wait3A_111 = arith.constant 0 : i32
        %dma_wait3A_112 = tpu.memref_slice %arg3[%dma_wait3A_110, %dma_wait3A_111] : memref<10240x128xf32, #tpu.memory_space<hbm>> -> memref<10240x128xf32, #tpu.memory_space<hbm>>
        tpu.wait_indirect_dma semaphore(%arg19 : memref<!tpu.dma_semaphore, #tpu.memory_space<semaphore_mem>>) src(%dma_wait3A_112 : memref<10240x128xf32, #tpu.memory_space<hbm>>) dst(%arg15 : memref<128x128xf32, #tpu.memory_space<vmem>>)
        %dma_start3A_113 = arith.constant 1 : i32
        %dma_start3A_114 = arith.constant 0 : i32
        %dma_start3A_115 = tpu.memref_slice %arg13[%dma_start3A_113, %dma_start3A_114] : memref<8x128xi32, #tpu.memory_space<vmem>> -> memref<1x128xi32, #tpu.memory_space<vmem>>
        %dma_start3A_116 = tpu.memref_squeeze %dma_start3A_115 : memref<1x128xi32, #tpu.memory_space<vmem>> -> memref<128xi32, #tpu.memory_space<vmem>>
        %dma_start3A_117 = arith.constant 0 : i32
        %dma_start3A_118 = arith.constant 0 : i32
        %dma_start3A_119 = tpu.memref_slice %arg17[%dma_start3A_117, %dma_start3A_118] : memref<10240x128xf32, #tpu.memory_space<vmem_shared>> -> memref<10240x128xf32, #tpu.memory_space<vmem_shared>>
        tpu.enqueue_indirect_dma source(%arg15 : memref<128x128xf32, #tpu.memory_space<vmem>>) target(%dma_start3A_119 : memref<10240x128xf32, #tpu.memory_space<vmem_shared>>) offsets(%dma_start3A_116 : memref<128xi32, #tpu.memory_space<vmem>>) semaphore(%arg21 : memref<!tpu.dma_semaphore, #tpu.memory_space<semaphore_mem>>) {add = true}
        %dma_start3A_120 = arith.constant 1 : i32
        %dma_start3A_121 = arith.constant 0 : i32
        %dma_start3A_122 = tpu.memref_slice %arg13[%dma_start3A_120, %dma_start3A_121] : memref<8x128xi32, #tpu.memory_space<vmem>> -> memref<1x128xi32, #tpu.memory_space<vmem>>
        %dma_start3A_123 = tpu.memref_squeeze %dma_start3A_122 : memref<1x128xi32, #tpu.memory_space<vmem>> -> memref<128xi32, #tpu.memory_space<vmem>>
        %dma_start3A_124 = arith.constant 0 : i32
        %dma_start3A_125 = tpu.memref_slice %arg25[%dma_start3A_124] : memref<10240xf32, #tpu.memory_space<vmem_shared>> -> memref<10240xf32, #tpu.memory_space<vmem_shared>>
        tpu.enqueue_indirect_dma source(%arg23 : memref<128xf32, #tpu.memory_space<vmem>>) target(%dma_start3A_125 : memref<10240xf32, #tpu.memory_space<vmem_shared>>) offsets(%dma_start3A_123 : memref<128xi32, #tpu.memory_space<vmem>>) semaphore(%arg22 : memref<!tpu.dma_semaphore, #tpu.memory_space<semaphore_mem>>) {add = true}
        %dma_wait3A_126 = arith.constant 1 : i32
        %dma_wait3A_127 = arith.constant 0 : i32
        %dma_wait3A_128 = tpu.memref_slice %arg13[%dma_wait3A_126, %dma_wait3A_127] : memref<8x128xi32, #tpu.memory_space<vmem>> -> memref<1x128xi32, #tpu.memory_space<vmem>>
        %dma_wait3A_129 = tpu.memref_squeeze %dma_wait3A_128 : memref<1x128xi32, #tpu.memory_space<vmem>> -> memref<128xi32, #tpu.memory_space<vmem>>
        %dma_wait3A_130 = arith.constant 0 : i32
        %dma_wait3A_131 = arith.constant 0 : i32
        %dma_wait3A_132 = tpu.memref_slice %arg17[%dma_wait3A_130, %dma_wait3A_131] : memref<10240x128xf32, #tpu.memory_space<vmem_shared>> -> memref<10240x128xf32, #tpu.memory_space<vmem_shared>>
        tpu.wait_indirect_dma semaphore(%arg21 : memref<!tpu.dma_semaphore, #tpu.memory_space<semaphore_mem>>) src(%arg15 : memref<128x128xf32, #tpu.memory_space<vmem>>) dst(%dma_wait3A_132 : memref<10240x128xf32, #tpu.memory_space<vmem_shared>>)
        %dma_start3A_133 = arith.constant 3 : i32
        %dma_start3A_134 = arith.constant 0 : i32
        %dma_start3A_135 = tpu.memref_slice %arg12[%dma_start3A_133, %dma_start3A_134] : memref<8x128xi32, #tpu.memory_space<vmem>> -> memref<1x128xi32, #tpu.memory_space<vmem>>
        %dma_start3A_136 = tpu.memref_squeeze %dma_start3A_135 : memref<1x128xi32, #tpu.memory_space<vmem>> -> memref<128xi32, #tpu.memory_space<vmem>>
        %dma_start3A_137 = arith.constant 0 : i32
        %dma_start3A_138 = arith.constant 0 : i32
        %dma_start3A_139 = tpu.memref_slice %arg3[%dma_start3A_137, %dma_start3A_138] : memref<10240x128xf32, #tpu.memory_space<hbm>> -> memref<10240x128xf32, #tpu.memory_space<hbm>>
        tpu.enqueue_indirect_dma source(%dma_start3A_139 : memref<10240x128xf32, #tpu.memory_space<hbm>>) target(%arg15 : memref<128x128xf32, #tpu.memory_space<vmem>>) offsets(%dma_start3A_136 : memref<128xi32, #tpu.memory_space<vmem>>) semaphore(%arg19 : memref<!tpu.dma_semaphore, #tpu.memory_space<semaphore_mem>>)
        %dma_wait3A_140 = arith.constant 2 : i32
        %dma_wait3A_141 = arith.constant 0 : i32
        %dma_wait3A_142 = tpu.memref_slice %arg12[%dma_wait3A_140, %dma_wait3A_141] : memref<8x128xi32, #tpu.memory_space<vmem>> -> memref<1x128xi32, #tpu.memory_space<vmem>>
        %dma_wait3A_143 = tpu.memref_squeeze %dma_wait3A_142 : memref<1x128xi32, #tpu.memory_space<vmem>> -> memref<128xi32, #tpu.memory_space<vmem>>
        %dma_wait3A_144 = arith.constant 0 : i32
        %dma_wait3A_145 = arith.constant 0 : i32
        %dma_wait3A_146 = tpu.memref_slice %arg3[%dma_wait3A_144, %dma_wait3A_145] : memref<10240x128xf32, #tpu.memory_space<hbm>> -> memref<10240x128xf32, #tpu.memory_space<hbm>>
        tpu.wait_indirect_dma semaphore(%arg18 : memref<!tpu.dma_semaphore, #tpu.memory_space<semaphore_mem>>) src(%dma_wait3A_146 : memref<10240x128xf32, #tpu.memory_space<hbm>>) dst(%arg14 : memref<128x128xf32, #tpu.memory_space<vmem>>)
        %dma_start3A_147 = arith.constant 2 : i32
        %dma_start3A_148 = arith.constant 0 : i32
        %dma_start3A_149 = tpu.memref_slice %arg13[%dma_start3A_147, %dma_start3A_148] : memref<8x128xi32, #tpu.memory_space<vmem>> -> memref<1x128xi32, #tpu.memory_space<vmem>>
        %dma_start3A_150 = tpu.memref_squeeze %dma_start3A_149 : memref<1x128xi32, #tpu.memory_space<vmem>> -> memref<128xi32, #tpu.memory_space<vmem>>
        %dma_start3A_151 = arith.constant 0 : i32
        %dma_start3A_152 = arith.constant 0 : i32
        %dma_start3A_153 = tpu.memref_slice %arg17[%dma_start3A_151, %dma_start3A_152] : memref<10240x128xf32, #tpu.memory_space<vmem_shared>> -> memref<10240x128xf32, #tpu.memory_space<vmem_shared>>
        tpu.enqueue_indirect_dma source(%arg14 : memref<128x128xf32, #tpu.memory_space<vmem>>) target(%dma_start3A_153 : memref<10240x128xf32, #tpu.memory_space<vmem_shared>>) offsets(%dma_start3A_150 : memref<128xi32, #tpu.memory_space<vmem>>) semaphore(%arg20 : memref<!tpu.dma_semaphore, #tpu.memory_space<semaphore_mem>>) {add = true}
        %dma_start3A_154 = arith.constant 2 : i32
        %dma_start3A_155 = arith.constant 0 : i32
        %dma_start3A_156 = tpu.memref_slice %arg13[%dma_start3A_154, %dma_start3A_155] : memref<8x128xi32, #tpu.memory_space<vmem>> -> memref<1x128xi32, #tpu.memory_space<vmem>>
        %dma_start3A_157 = tpu.memref_squeeze %dma_start3A_156 : memref<1x128xi32, #tpu.memory_space<vmem>> -> memref<128xi32, #tpu.memory_space<vmem>>
        %dma_start3A_158 = arith.constant 0 : i32
        %dma_start3A_159 = tpu.memref_slice %arg25[%dma_start3A_158] : memref<10240xf32, #tpu.memory_space<vmem_shared>> -> memref<10240xf32, #tpu.memory_space<vmem_shared>>
        tpu.enqueue_indirect_dma source(%arg23 : memref<128xf32, #tpu.memory_space<vmem>>) target(%dma_start3A_159 : memref<10240xf32, #tpu.memory_space<vmem_shared>>) offsets(%dma_start3A_157 : memref<128xi32, #tpu.memory_space<vmem>>) semaphore(%arg22 : memref<!tpu.dma_semaphore, #tpu.memory_space<semaphore_mem>>) {add = true}
        %dma_wait3A_160 = arith.constant 2 : i32
        %dma_wait3A_161 = arith.constant 0 : i32
        %dma_wait3A_162 = tpu.memref_slice %arg13[%dma_wait3A_160, %dma_wait3A_161] : memref<8x128xi32, #tpu.memory_space<vmem>> -> memref<1x128xi32, #tpu.memory_space<vmem>>
        %dma_wait3A_163 = tpu.memref_squeeze %dma_wait3A_162 : memref<1x128xi32, #tpu.memory_space<vmem>> -> memref<128xi32, #tpu.memory_space<vmem>>
        %dma_wait3A_164 = arith.constant 0 : i32
        %dma_wait3A_165 = arith.constant 0 : i32
        %dma_wait3A_166 = tpu.memref_slice %arg17[%dma_wait3A_164, %dma_wait3A_165] : memref<10240x128xf32, #tpu.memory_space<vmem_shared>> -> memref<10240x128xf32, #tpu.memory_space<vmem_shared>>
        tpu.wait_indirect_dma semaphore(%arg20 : memref<!tpu.dma_semaphore, #tpu.memory_space<semaphore_mem>>) src(%arg14 : memref<128x128xf32, #tpu.memory_space<vmem>>) dst(%dma_wait3A_166 : memref<10240x128xf32, #tpu.memory_space<vmem_shared>>)
        %dma_start3A_167 = arith.constant 4 : i32
        %dma_start3A_168 = arith.constant 0 : i32
        %dma_start3A_169 = tpu.memref_slice %arg12[%dma_start3A_167, %dma_start3A_168] : memref<8x128xi32, #tpu.memory_space<vmem>> -> memref<1x128xi32, #tpu.memory_space<vmem>>
        %dma_start3A_170 = tpu.memref_squeeze %dma_start3A_169 : memref<1x128xi32, #tpu.memory_space<vmem>> -> memref<128xi32, #tpu.memory_space<vmem>>
        %dma_start3A_171 = arith.constant 0 : i32
        %dma_start3A_172 = arith.constant 0 : i32
        %dma_start3A_173 = tpu.memref_slice %arg3[%dma_start3A_171, %dma_start3A_172] : memref<10240x128xf32, #tpu.memory_space<hbm>> -> memref<10240x128xf32, #tpu.memory_space<hbm>>
        tpu.enqueue_indirect_dma source(%dma_start3A_173 : memref<10240x128xf32, #tpu.memory_space<hbm>>) target(%arg14 : memref<128x128xf32, #tpu.memory_space<vmem>>) offsets(%dma_start3A_170 : memref<128xi32, #tpu.memory_space<vmem>>) semaphore(%arg18 : memref<!tpu.dma_semaphore, #tpu.memory_space<semaphore_mem>>)
        %dma_wait3A_174 = arith.constant 3 : i32
        %dma_wait3A_175 = arith.constant 0 : i32
        %dma_wait3A_176 = tpu.memref_slice %arg12[%dma_wait3A_174, %dma_wait3A_175] : memref<8x128xi32, #tpu.memory_space<vmem>> -> memref<1x128xi32, #tpu.memory_space<vmem>>
        %dma_wait3A_177 = tpu.memref_squeeze %dma_wait3A_176 : memref<1x128xi32, #tpu.memory_space<vmem>> -> memref<128xi32, #tpu.memory_space<vmem>>
        %dma_wait3A_178 = arith.constant 0 : i32
        %dma_wait3A_179 = arith.constant 0 : i32
        %dma_wait3A_180 = tpu.memref_slice %arg3[%dma_wait3A_178, %dma_wait3A_179] : memref<10240x128xf32, #tpu.memory_space<hbm>> -> memref<10240x128xf32, #tpu.memory_space<hbm>>
        tpu.wait_indirect_dma semaphore(%arg19 : memref<!tpu.dma_semaphore, #tpu.memory_space<semaphore_mem>>) src(%dma_wait3A_180 : memref<10240x128xf32, #tpu.memory_space<hbm>>) dst(%arg15 : memref<128x128xf32, #tpu.memory_space<vmem>>)
        %dma_start3A_181 = arith.constant 3 : i32
        %dma_start3A_182 = arith.constant 0 : i32
        %dma_start3A_183 = tpu.memref_slice %arg13[%dma_start3A_181, %dma_start3A_182] : memref<8x128xi32, #tpu.memory_space<vmem>> -> memref<1x128xi32, #tpu.memory_space<vmem>>
        %dma_start3A_184 = tpu.memref_squeeze %dma_start3A_183 : memref<1x128xi32, #tpu.memory_space<vmem>> -> memref<128xi32, #tpu.memory_space<vmem>>
        %dma_start3A_185 = arith.constant 0 : i32
        %dma_start3A_186 = arith.constant 0 : i32
        %dma_start3A_187 = tpu.memref_slice %arg17[%dma_start3A_185, %dma_start3A_186] : memref<10240x128xf32, #tpu.memory_space<vmem_shared>> -> memref<10240x128xf32, #tpu.memory_space<vmem_shared>>
        tpu.enqueue_indirect_dma source(%arg15 : memref<128x128xf32, #tpu.memory_space<vmem>>) target(%dma_start3A_187 : memref<10240x128xf32, #tpu.memory_space<vmem_shared>>) offsets(%dma_start3A_184 : memref<128xi32, #tpu.memory_space<vmem>>) semaphore(%arg21 : memref<!tpu.dma_semaphore, #tpu.memory_space<semaphore_mem>>) {add = true}
        %dma_start3A_188 = arith.constant 3 : i32
        %dma_start3A_189 = arith.constant 0 : i32
        %dma_start3A_190 = tpu.memref_slice %arg13[%dma_start3A_188, %dma_start3A_189] : memref<8x128xi32, #tpu.memory_space<vmem>> -> memref<1x128xi32, #tpu.memory_space<vmem>>
        %dma_start3A_191 = tpu.memref_squeeze %dma_start3A_190 : memref<1x128xi32, #tpu.memory_space<vmem>> -> memref<128xi32, #tpu.memory_space<vmem>>
        %dma_start3A_192 = arith.constant 0 : i32
        %dma_start3A_193 = tpu.memref_slice %arg25[%dma_start3A_192] : memref<10240xf32, #tpu.memory_space<vmem_shared>> -> memref<10240xf32, #tpu.memory_space<vmem_shared>>
        tpu.enqueue_indirect_dma source(%arg23 : memref<128xf32, #tpu.memory_space<vmem>>) target(%dma_start3A_193 : memref<10240xf32, #tpu.memory_space<vmem_shared>>) offsets(%dma_start3A_191 : memref<128xi32, #tpu.memory_space<vmem>>) semaphore(%arg22 : memref<!tpu.dma_semaphore, #tpu.memory_space<semaphore_mem>>) {add = true}
        %dma_wait3A_194 = arith.constant 3 : i32
        %dma_wait3A_195 = arith.constant 0 : i32
        %dma_wait3A_196 = tpu.memref_slice %arg13[%dma_wait3A_194, %dma_wait3A_195] : memref<8x128xi32, #tpu.memory_space<vmem>> -> memref<1x128xi32, #tpu.memory_space<vmem>>
        %dma_wait3A_197 = tpu.memref_squeeze %dma_wait3A_196 : memref<1x128xi32, #tpu.memory_space<vmem>> -> memref<128xi32, #tpu.memory_space<vmem>>
        %dma_wait3A_198 = arith.constant 0 : i32
        %dma_wait3A_199 = arith.constant 0 : i32
        %dma_wait3A_200 = tpu.memref_slice %arg17[%dma_wait3A_198, %dma_wait3A_199] : memref<10240x128xf32, #tpu.memory_space<vmem_shared>> -> memref<10240x128xf32, #tpu.memory_space<vmem_shared>>
        tpu.wait_indirect_dma semaphore(%arg21 : memref<!tpu.dma_semaphore, #tpu.memory_space<semaphore_mem>>) src(%arg15 : memref<128x128xf32, #tpu.memory_space<vmem>>) dst(%dma_wait3A_200 : memref<10240x128xf32, #tpu.memory_space<vmem_shared>>)
        %dma_start3A_201 = arith.constant 5 : i32
        %dma_start3A_202 = arith.constant 0 : i32
        %dma_start3A_203 = tpu.memref_slice %arg12[%dma_start3A_201, %dma_start3A_202] : memref<8x128xi32, #tpu.memory_space<vmem>> -> memref<1x128xi32, #tpu.memory_space<vmem>>
        %dma_start3A_204 = tpu.memref_squeeze %dma_start3A_203 : memref<1x128xi32, #tpu.memory_space<vmem>> -> memref<128xi32, #tpu.memory_space<vmem>>
        %dma_start3A_205 = arith.constant 0 : i32
        %dma_start3A_206 = arith.constant 0 : i32
        %dma_start3A_207 = tpu.memref_slice %arg3[%dma_start3A_205, %dma_start3A_206] : memref<10240x128xf32, #tpu.memory_space<hbm>> -> memref<10240x128xf32, #tpu.memory_space<hbm>>
        tpu.enqueue_indirect_dma source(%dma_start3A_207 : memref<10240x128xf32, #tpu.memory_space<hbm>>) target(%arg15 : memref<128x128xf32, #tpu.memory_space<vmem>>) offsets(%dma_start3A_204 : memref<128xi32, #tpu.memory_space<vmem>>) semaphore(%arg19 : memref<!tpu.dma_semaphore, #tpu.memory_space<semaphore_mem>>)
        %dma_wait3A_208 = arith.constant 4 : i32
        %dma_wait3A_209 = arith.constant 0 : i32
        %dma_wait3A_210 = tpu.memref_slice %arg12[%dma_wait3A_208, %dma_wait3A_209] : memref<8x128xi32, #tpu.memory_space<vmem>> -> memref<1x128xi32, #tpu.memory_space<vmem>>
        %dma_wait3A_211 = tpu.memref_squeeze %dma_wait3A_210 : memref<1x128xi32, #tpu.memory_space<vmem>> -> memref<128xi32, #tpu.memory_space<vmem>>
        %dma_wait3A_212 = arith.constant 0 : i32
        %dma_wait3A_213 = arith.constant 0 : i32
        %dma_wait3A_214 = tpu.memref_slice %arg3[%dma_wait3A_212, %dma_wait3A_213] : memref<10240x128xf32, #tpu.memory_space<hbm>> -> memref<10240x128xf32, #tpu.memory_space<hbm>>
        tpu.wait_indirect_dma semaphore(%arg18 : memref<!tpu.dma_semaphore, #tpu.memory_space<semaphore_mem>>) src(%dma_wait3A_214 : memref<10240x128xf32, #tpu.memory_space<hbm>>) dst(%arg14 : memref<128x128xf32, #tpu.memory_space<vmem>>)
        %dma_start3A_215 = arith.constant 4 : i32
        %dma_start3A_216 = arith.constant 0 : i32
        %dma_start3A_217 = tpu.memref_slice %arg13[%dma_start3A_215, %dma_start3A_216] : memref<8x128xi32, #tpu.memory_space<vmem>> -> memref<1x128xi32, #tpu.memory_space<vmem>>
        %dma_start3A_218 = tpu.memref_squeeze %dma_start3A_217 : memref<1x128xi32, #tpu.memory_space<vmem>> -> memref<128xi32, #tpu.memory_space<vmem>>
        %dma_start3A_219 = arith.constant 0 : i32
        %dma_start3A_220 = arith.constant 0 : i32
        %dma_start3A_221 = tpu.memref_slice %arg17[%dma_start3A_219, %dma_start3A_220] : memref<10240x128xf32, #tpu.memory_space<vmem_shared>> -> memref<10240x128xf32, #tpu.memory_space<vmem_shared>>
        tpu.enqueue_indirect_dma source(%arg14 : memref<128x128xf32, #tpu.memory_space<vmem>>) target(%dma_start3A_221 : memref<10240x128xf32, #tpu.memory_space<vmem_shared>>) offsets(%dma_start3A_218 : memref<128xi32, #tpu.memory_space<vmem>>) semaphore(%arg20 : memref<!tpu.dma_semaphore, #tpu.memory_space<semaphore_mem>>) {add = true}
        %dma_start3A_222 = arith.constant 4 : i32
        %dma_start3A_223 = arith.constant 0 : i32
        %dma_start3A_224 = tpu.memref_slice %arg13[%dma_start3A_222, %dma_start3A_223] : memref<8x128xi32, #tpu.memory_space<vmem>> -> memref<1x128xi32, #tpu.memory_space<vmem>>
        %dma_start3A_225 = tpu.memref_squeeze %dma_start3A_224 : memref<1x128xi32, #tpu.memory_space<vmem>> -> memref<128xi32, #tpu.memory_space<vmem>>
        %dma_start3A_226 = arith.constant 0 : i32
        %dma_start3A_227 = tpu.memref_slice %arg25[%dma_start3A_226] : memref<10240xf32, #tpu.memory_space<vmem_shared>> -> memref<10240xf32, #tpu.memory_space<vmem_shared>>
        tpu.enqueue_indirect_dma source(%arg23 : memref<128xf32, #tpu.memory_space<vmem>>) target(%dma_start3A_227 : memref<10240xf32, #tpu.memory_space<vmem_shared>>) offsets(%dma_start3A_225 : memref<128xi32, #tpu.memory_space<vmem>>) semaphore(%arg22 : memref<!tpu.dma_semaphore, #tpu.memory_space<semaphore_mem>>) {add = true}
        %dma_wait3A_228 = arith.constant 4 : i32
        %dma_wait3A_229 = arith.constant 0 : i32
        %dma_wait3A_230 = tpu.memref_slice %arg13[%dma_wait3A_228, %dma_wait3A_229] : memref<8x128xi32, #tpu.memory_space<vmem>> -> memref<1x128xi32, #tpu.memory_space<vmem>>
        %dma_wait3A_231 = tpu.memref_squeeze %dma_wait3A_230 : memref<1x128xi32, #tpu.memory_space<vmem>> -> memref<128xi32, #tpu.memory_space<vmem>>
        %dma_wait3A_232 = arith.constant 0 : i32
        %dma_wait3A_233 = arith.constant 0 : i32
        %dma_wait3A_234 = tpu.memref_slice %arg17[%dma_wait3A_232, %dma_wait3A_233] : memref<10240x128xf32, #tpu.memory_space<vmem_shared>> -> memref<10240x128xf32, #tpu.memory_space<vmem_shared>>
        tpu.wait_indirect_dma semaphore(%arg20 : memref<!tpu.dma_semaphore, #tpu.memory_space<semaphore_mem>>) src(%arg14 : memref<128x128xf32, #tpu.memory_space<vmem>>) dst(%dma_wait3A_234 : memref<10240x128xf32, #tpu.memory_space<vmem_shared>>)
        %dma_start3A_235 = arith.constant 6 : i32
        %dma_start3A_236 = arith.constant 0 : i32
        %dma_start3A_237 = tpu.memref_slice %arg12[%dma_start3A_235, %dma_start3A_236] : memref<8x128xi32, #tpu.memory_space<vmem>> -> memref<1x128xi32, #tpu.memory_space<vmem>>
        %dma_start3A_238 = tpu.memref_squeeze %dma_start3A_237 : memref<1x128xi32, #tpu.memory_space<vmem>> -> memref<128xi32, #tpu.memory_space<vmem>>
        %dma_start3A_239 = arith.constant 0 : i32
        %dma_start3A_240 = arith.constant 0 : i32
        %dma_start3A_241 = tpu.memref_slice %arg3[%dma_start3A_239, %dma_start3A_240] : memref<10240x128xf32, #tpu.memory_space<hbm>> -> memref<10240x128xf32, #tpu.memory_space<hbm>>
        tpu.enqueue_indirect_dma source(%dma_start3A_241 : memref<10240x128xf32, #tpu.memory_space<hbm>>) target(%arg14 : memref<128x128xf32, #tpu.memory_space<vmem>>) offsets(%dma_start3A_238 : memref<128xi32, #tpu.memory_space<vmem>>) semaphore(%arg18 : memref<!tpu.dma_semaphore, #tpu.memory_space<semaphore_mem>>)
        %dma_wait3A_242 = arith.constant 5 : i32
        %dma_wait3A_243 = arith.constant 0 : i32
        %dma_wait3A_244 = tpu.memref_slice %arg12[%dma_wait3A_242, %dma_wait3A_243] : memref<8x128xi32, #tpu.memory_space<vmem>> -> memref<1x128xi32, #tpu.memory_space<vmem>>
        %dma_wait3A_245 = tpu.memref_squeeze %dma_wait3A_244 : memref<1x128xi32, #tpu.memory_space<vmem>> -> memref<128xi32, #tpu.memory_space<vmem>>
        %dma_wait3A_246 = arith.constant 0 : i32
        %dma_wait3A_247 = arith.constant 0 : i32
        %dma_wait3A_248 = tpu.memref_slice %arg3[%dma_wait3A_246, %dma_wait3A_247] : memref<10240x128xf32, #tpu.memory_space<hbm>> -> memref<10240x128xf32, #tpu.memory_space<hbm>>
        tpu.wait_indirect_dma semaphore(%arg19 : memref<!tpu.dma_semaphore, #tpu.memory_space<semaphore_mem>>) src(%dma_wait3A_248 : memref<10240x128xf32, #tpu.memory_space<hbm>>) dst(%arg15 : memref<128x128xf32, #tpu.memory_space<vmem>>)
        %dma_start3A_249 = arith.constant 5 : i32
        %dma_start3A_250 = arith.constant 0 : i32
        %dma_start3A_251 = tpu.memref_slice %arg13[%dma_start3A_249, %dma_start3A_250] : memref<8x128xi32, #tpu.memory_space<vmem>> -> memref<1x128xi32, #tpu.memory_space<vmem>>
        %dma_start3A_252 = tpu.memref_squeeze %dma_start3A_251 : memref<1x128xi32, #tpu.memory_space<vmem>> -> memref<128xi32, #tpu.memory_space<vmem>>
        %dma_start3A_253 = arith.constant 0 : i32
        %dma_start3A_254 = arith.constant 0 : i32
        %dma_start3A_255 = tpu.memref_slice %arg17[%dma_start3A_253, %dma_start3A_254] : memref<10240x128xf32, #tpu.memory_space<vmem_shared>> -> memref<10240x128xf32, #tpu.memory_space<vmem_shared>>
        tpu.enqueue_indirect_dma source(%arg15 : memref<128x128xf32, #tpu.memory_space<vmem>>) target(%dma_start3A_255 : memref<10240x128xf32, #tpu.memory_space<vmem_shared>>) offsets(%dma_start3A_252 : memref<128xi32, #tpu.memory_space<vmem>>) semaphore(%arg21 : memref<!tpu.dma_semaphore, #tpu.memory_space<semaphore_mem>>) {add = true}
        %dma_start3A_256 = arith.constant 5 : i32
        %dma_start3A_257 = arith.constant 0 : i32
        %dma_start3A_258 = tpu.memref_slice %arg13[%dma_start3A_256, %dma_start3A_257] : memref<8x128xi32, #tpu.memory_space<vmem>> -> memref<1x128xi32, #tpu.memory_space<vmem>>
        %dma_start3A_259 = tpu.memref_squeeze %dma_start3A_258 : memref<1x128xi32, #tpu.memory_space<vmem>> -> memref<128xi32, #tpu.memory_space<vmem>>
        %dma_start3A_260 = arith.constant 0 : i32
        %dma_start3A_261 = tpu.memref_slice %arg25[%dma_start3A_260] : memref<10240xf32, #tpu.memory_space<vmem_shared>> -> memref<10240xf32, #tpu.memory_space<vmem_shared>>
        tpu.enqueue_indirect_dma source(%arg23 : memref<128xf32, #tpu.memory_space<vmem>>) target(%dma_start3A_261 : memref<10240xf32, #tpu.memory_space<vmem_shared>>) offsets(%dma_start3A_259 : memref<128xi32, #tpu.memory_space<vmem>>) semaphore(%arg22 : memref<!tpu.dma_semaphore, #tpu.memory_space<semaphore_mem>>) {add = true}
        %dma_wait3A_262 = arith.constant 5 : i32
        %dma_wait3A_263 = arith.constant 0 : i32
        %dma_wait3A_264 = tpu.memref_slice %arg13[%dma_wait3A_262, %dma_wait3A_263] : memref<8x128xi32, #tpu.memory_space<vmem>> -> memref<1x128xi32, #tpu.memory_space<vmem>>
        %dma_wait3A_265 = tpu.memref_squeeze %dma_wait3A_264 : memref<1x128xi32, #tpu.memory_space<vmem>> -> memref<128xi32, #tpu.memory_space<vmem>>
        %dma_wait3A_266 = arith.constant 0 : i32
        %dma_wait3A_267 = arith.constant 0 : i32
        %dma_wait3A_268 = tpu.memref_slice %arg17[%dma_wait3A_266, %dma_wait3A_267] : memref<10240x128xf32, #tpu.memory_space<vmem_shared>> -> memref<10240x128xf32, #tpu.memory_space<vmem_shared>>
        tpu.wait_indirect_dma semaphore(%arg21 : memref<!tpu.dma_semaphore, #tpu.memory_space<semaphore_mem>>) src(%arg15 : memref<128x128xf32, #tpu.memory_space<vmem>>) dst(%dma_wait3A_268 : memref<10240x128xf32, #tpu.memory_space<vmem_shared>>)
        %dma_start3A_269 = arith.constant 7 : i32
        %dma_start3A_270 = arith.constant 0 : i32
        %dma_start3A_271 = tpu.memref_slice %arg12[%dma_start3A_269, %dma_start3A_270] : memref<8x128xi32, #tpu.memory_space<vmem>> -> memref<1x128xi32, #tpu.memory_space<vmem>>
        %dma_start3A_272 = tpu.memref_squeeze %dma_start3A_271 : memref<1x128xi32, #tpu.memory_space<vmem>> -> memref<128xi32, #tpu.memory_space<vmem>>
        %dma_start3A_273 = arith.constant 0 : i32
        %dma_start3A_274 = arith.constant 0 : i32
        %dma_start3A_275 = tpu.memref_slice %arg3[%dma_start3A_273, %dma_start3A_274] : memref<10240x128xf32, #tpu.memory_space<hbm>> -> memref<10240x128xf32, #tpu.memory_space<hbm>>
        tpu.enqueue_indirect_dma source(%dma_start3A_275 : memref<10240x128xf32, #tpu.memory_space<hbm>>) target(%arg15 : memref<128x128xf32, #tpu.memory_space<vmem>>) offsets(%dma_start3A_272 : memref<128xi32, #tpu.memory_space<vmem>>) semaphore(%arg19 : memref<!tpu.dma_semaphore, #tpu.memory_space<semaphore_mem>>)
        %dma_wait3A_276 = arith.constant 6 : i32
        %dma_wait3A_277 = arith.constant 0 : i32
        %dma_wait3A_278 = tpu.memref_slice %arg12[%dma_wait3A_276, %dma_wait3A_277] : memref<8x128xi32, #tpu.memory_space<vmem>> -> memref<1x128xi32, #tpu.memory_space<vmem>>
        %dma_wait3A_279 = tpu.memref_squeeze %dma_wait3A_278 : memref<1x128xi32, #tpu.memory_space<vmem>> -> memref<128xi32, #tpu.memory_space<vmem>>
        %dma_wait3A_280 = arith.constant 0 : i32
        %dma_wait3A_281 = arith.constant 0 : i32
        %dma_wait3A_282 = tpu.memref_slice %arg3[%dma_wait3A_280, %dma_wait3A_281] : memref<10240x128xf32, #tpu.memory_space<hbm>> -> memref<10240x128xf32, #tpu.memory_space<hbm>>
        tpu.wait_indirect_dma semaphore(%arg18 : memref<!tpu.dma_semaphore, #tpu.memory_space<semaphore_mem>>) src(%dma_wait3A_282 : memref<10240x128xf32, #tpu.memory_space<hbm>>) dst(%arg14 : memref<128x128xf32, #tpu.memory_space<vmem>>)
        %dma_start3A_283 = arith.constant 6 : i32
        %dma_start3A_284 = arith.constant 0 : i32
        %dma_start3A_285 = tpu.memref_slice %arg13[%dma_start3A_283, %dma_start3A_284] : memref<8x128xi32, #tpu.memory_space<vmem>> -> memref<1x128xi32, #tpu.memory_space<vmem>>
        %dma_start3A_286 = tpu.memref_squeeze %dma_start3A_285 : memref<1x128xi32, #tpu.memory_space<vmem>> -> memref<128xi32, #tpu.memory_space<vmem>>
        %dma_start3A_287 = arith.constant 0 : i32
        %dma_start3A_288 = arith.constant 0 : i32
        %dma_start3A_289 = tpu.memref_slice %arg17[%dma_start3A_287, %dma_start3A_288] : memref<10240x128xf32, #tpu.memory_space<vmem_shared>> -> memref<10240x128xf32, #tpu.memory_space<vmem_shared>>
        tpu.enqueue_indirect_dma source(%arg14 : memref<128x128xf32, #tpu.memory_space<vmem>>) target(%dma_start3A_289 : memref<10240x128xf32, #tpu.memory_space<vmem_shared>>) offsets(%dma_start3A_286 : memref<128xi32, #tpu.memory_space<vmem>>) semaphore(%arg20 : memref<!tpu.dma_semaphore, #tpu.memory_space<semaphore_mem>>) {add = true}
        %dma_start3A_290 = arith.constant 6 : i32
        %dma_start3A_291 = arith.constant 0 : i32
        %dma_start3A_292 = tpu.memref_slice %arg13[%dma_start3A_290, %dma_start3A_291] : memref<8x128xi32, #tpu.memory_space<vmem>> -> memref<1x128xi32, #tpu.memory_space<vmem>>
        %dma_start3A_293 = tpu.memref_squeeze %dma_start3A_292 : memref<1x128xi32, #tpu.memory_space<vmem>> -> memref<128xi32, #tpu.memory_space<vmem>>
        %dma_start3A_294 = arith.constant 0 : i32
        %dma_start3A_295 = tpu.memref_slice %arg25[%dma_start3A_294] : memref<10240xf32, #tpu.memory_space<vmem_shared>> -> memref<10240xf32, #tpu.memory_space<vmem_shared>>
        tpu.enqueue_indirect_dma source(%arg23 : memref<128xf32, #tpu.memory_space<vmem>>) target(%dma_start3A_295 : memref<10240xf32, #tpu.memory_space<vmem_shared>>) offsets(%dma_start3A_293 : memref<128xi32, #tpu.memory_space<vmem>>) semaphore(%arg22 : memref<!tpu.dma_semaphore, #tpu.memory_space<semaphore_mem>>) {add = true}
        %dma_wait3A_296 = arith.constant 7 : i32
        %dma_wait3A_297 = arith.constant 0 : i32
        %dma_wait3A_298 = tpu.memref_slice %arg12[%dma_wait3A_296, %dma_wait3A_297] : memref<8x128xi32, #tpu.memory_space<vmem>> -> memref<1x128xi32, #tpu.memory_space<vmem>>
        %dma_wait3A_299 = tpu.memref_squeeze %dma_wait3A_298 : memref<1x128xi32, #tpu.memory_space<vmem>> -> memref<128xi32, #tpu.memory_space<vmem>>
        %dma_wait3A_300 = arith.constant 0 : i32
        %dma_wait3A_301 = arith.constant 0 : i32
        %dma_wait3A_302 = tpu.memref_slice %arg3[%dma_wait3A_300, %dma_wait3A_301] : memref<10240x128xf32, #tpu.memory_space<hbm>> -> memref<10240x128xf32, #tpu.memory_space<hbm>>
        tpu.wait_indirect_dma semaphore(%arg19 : memref<!tpu.dma_semaphore, #tpu.memory_space<semaphore_mem>>) src(%dma_wait3A_302 : memref<10240x128xf32, #tpu.memory_space<hbm>>) dst(%arg15 : memref<128x128xf32, #tpu.memory_space<vmem>>)
        %dma_start3A_303 = arith.constant 7 : i32
        %dma_start3A_304 = arith.constant 0 : i32
        %dma_start3A_305 = tpu.memref_slice %arg13[%dma_start3A_303, %dma_start3A_304] : memref<8x128xi32, #tpu.memory_space<vmem>> -> memref<1x128xi32, #tpu.memory_space<vmem>>
        %dma_start3A_306 = tpu.memref_squeeze %dma_start3A_305 : memref<1x128xi32, #tpu.memory_space<vmem>> -> memref<128xi32, #tpu.memory_space<vmem>>
        %dma_start3A_307 = arith.constant 0 : i32
        %dma_start3A_308 = arith.constant 0 : i32
        %dma_start3A_309 = tpu.memref_slice %arg17[%dma_start3A_307, %dma_start3A_308] : memref<10240x128xf32, #tpu.memory_space<vmem_shared>> -> memref<10240x128xf32, #tpu.memory_space<vmem_shared>>
        tpu.enqueue_indirect_dma source(%arg15 : memref<128x128xf32, #tpu.memory_space<vmem>>) target(%dma_start3A_309 : memref<10240x128xf32, #tpu.memory_space<vmem_shared>>) offsets(%dma_start3A_306 : memref<128xi32, #tpu.memory_space<vmem>>) semaphore(%arg21 : memref<!tpu.dma_semaphore, #tpu.memory_space<semaphore_mem>>) {add = true}
        %dma_start3A_310 = arith.constant 7 : i32
        %dma_start3A_311 = arith.constant 0 : i32
        %dma_start3A_312 = tpu.memref_slice %arg13[%dma_start3A_310, %dma_start3A_311] : memref<8x128xi32, #tpu.memory_space<vmem>> -> memref<1x128xi32, #tpu.memory_space<vmem>>
        %dma_start3A_313 = tpu.memref_squeeze %dma_start3A_312 : memref<1x128xi32, #tpu.memory_space<vmem>> -> memref<128xi32, #tpu.memory_space<vmem>>
        %dma_start3A_314 = arith.constant 0 : i32
        %dma_start3A_315 = tpu.memref_slice %arg25[%dma_start3A_314] : memref<10240xf32, #tpu.memory_space<vmem_shared>> -> memref<10240xf32, #tpu.memory_space<vmem_shared>>
        tpu.enqueue_indirect_dma source(%arg23 : memref<128xf32, #tpu.memory_space<vmem>>) target(%dma_start3A_315 : memref<10240xf32, #tpu.memory_space<vmem_shared>>) offsets(%dma_start3A_313 : memref<128xi32, #tpu.memory_space<vmem>>) semaphore(%arg22 : memref<!tpu.dma_semaphore, #tpu.memory_space<semaphore_mem>>) {add = true}
        %dma_wait3A_316 = arith.constant 6 : i32
        %dma_wait3A_317 = arith.constant 0 : i32
        %dma_wait3A_318 = tpu.memref_slice %arg13[%dma_wait3A_316, %dma_wait3A_317] : memref<8x128xi32, #tpu.memory_space<vmem>> -> memref<1x128xi32, #tpu.memory_space<vmem>>
        %dma_wait3A_319 = tpu.memref_squeeze %dma_wait3A_318 : memref<1x128xi32, #tpu.memory_space<vmem>> -> memref<128xi32, #tpu.memory_space<vmem>>
        %dma_wait3A_320 = arith.constant 0 : i32
        %dma_wait3A_321 = arith.constant 0 : i32
        %dma_wait3A_322 = tpu.memref_slice %arg17[%dma_wait3A_320, %dma_wait3A_321] : memref<10240x128xf32, #tpu.memory_space<vmem_shared>> -> memref<10240x128xf32, #tpu.memory_space<vmem_shared>>
        tpu.wait_indirect_dma semaphore(%arg20 : memref<!tpu.dma_semaphore, #tpu.memory_space<semaphore_mem>>) src(%arg14 : memref<128x128xf32, #tpu.memory_space<vmem>>) dst(%dma_wait3A_322 : memref<10240x128xf32, #tpu.memory_space<vmem_shared>>)
        %dma_wait3A_323 = arith.constant 7 : i32
        %dma_wait3A_324 = arith.constant 0 : i32
        %dma_wait3A_325 = tpu.memref_slice %arg13[%dma_wait3A_323, %dma_wait3A_324] : memref<8x128xi32, #tpu.memory_space<vmem>> -> memref<1x128xi32, #tpu.memory_space<vmem>>
        %dma_wait3A_326 = tpu.memref_squeeze %dma_wait3A_325 : memref<1x128xi32, #tpu.memory_space<vmem>> -> memref<128xi32, #tpu.memory_space<vmem>>
        %dma_wait3A_327 = arith.constant 0 : i32
        %dma_wait3A_328 = arith.constant 0 : i32
        %dma_wait3A_329 = tpu.memref_slice %arg17[%dma_wait3A_327, %dma_wait3A_328] : memref<10240x128xf32, #tpu.memory_space<vmem_shared>> -> memref<10240x128xf32, #tpu.memory_space<vmem_shared>>
        tpu.wait_indirect_dma semaphore(%arg21 : memref<!tpu.dma_semaphore, #tpu.memory_space<semaphore_mem>>) src(%arg15 : memref<128x128xf32, #tpu.memory_space<vmem>>) dst(%dma_wait3A_329 : memref<10240x128xf32, #tpu.memory_space<vmem_shared>>)
        %dma_wait3A_330 = arith.constant 0 : i32
        %dma_wait3A_331 = arith.constant 0 : i32
        %dma_wait3A_332 = tpu.memref_slice %arg13[%dma_wait3A_330, %dma_wait3A_331] : memref<8x128xi32, #tpu.memory_space<vmem>> -> memref<1x128xi32, #tpu.memory_space<vmem>>
        %dma_wait3A_333 = tpu.memref_squeeze %dma_wait3A_332 : memref<1x128xi32, #tpu.memory_space<vmem>> -> memref<128xi32, #tpu.memory_space<vmem>>
        %dma_wait3A_334 = arith.constant 0 : i32
        %dma_wait3A_335 = tpu.memref_slice %arg25[%dma_wait3A_334] : memref<10240xf32, #tpu.memory_space<vmem_shared>> -> memref<10240xf32, #tpu.memory_space<vmem_shared>>
        tpu.wait_indirect_dma semaphore(%arg22 : memref<!tpu.dma_semaphore, #tpu.memory_space<semaphore_mem>>) src(%arg23 : memref<128xf32, #tpu.memory_space<vmem>>) dst(%dma_wait3A_335 : memref<10240xf32, #tpu.memory_space<vmem_shared>>)
        %dma_wait3A_336 = arith.constant 1 : i32
        %dma_wait3A_337 = arith.constant 0 : i32
        %dma_wait3A_338 = tpu.memref_slice %arg13[%dma_wait3A_336, %dma_wait3A_337] : memref<8x128xi32, #tpu.memory_space<vmem>> -> memref<1x128xi32, #tpu.memory_space<vmem>>
        %dma_wait3A_339 = tpu.memref_squeeze %dma_wait3A_338 : memref<1x128xi32, #tpu.memory_space<vmem>> -> memref<128xi32, #tpu.memory_space<vmem>>
        %dma_wait3A_340 = arith.constant 0 : i32
        %dma_wait3A_341 = tpu.memref_slice %arg25[%dma_wait3A_340] : memref<10240xf32, #tpu.memory_space<vmem_shared>> -> memref<10240xf32, #tpu.memory_space<vmem_shared>>
        tpu.wait_indirect_dma semaphore(%arg22 : memref<!tpu.dma_semaphore, #tpu.memory_space<semaphore_mem>>) src(%arg23 : memref<128xf32, #tpu.memory_space<vmem>>) dst(%dma_wait3A_341 : memref<10240xf32, #tpu.memory_space<vmem_shared>>)
        %dma_wait3A_342 = arith.constant 2 : i32
        %dma_wait3A_343 = arith.constant 0 : i32
        %dma_wait3A_344 = tpu.memref_slice %arg13[%dma_wait3A_342, %dma_wait3A_343] : memref<8x128xi32, #tpu.memory_space<vmem>> -> memref<1x128xi32, #tpu.memory_space<vmem>>
        %dma_wait3A_345 = tpu.memref_squeeze %dma_wait3A_344 : memref<1x128xi32, #tpu.memory_space<vmem>> -> memref<128xi32, #tpu.memory_space<vmem>>
        %dma_wait3A_346 = arith.constant 0 : i32
        %dma_wait3A_347 = tpu.memref_slice %arg25[%dma_wait3A_346] : memref<10240xf32, #tpu.memory_space<vmem_shared>> -> memref<10240xf32, #tpu.memory_space<vmem_shared>>
        tpu.wait_indirect_dma semaphore(%arg22 : memref<!tpu.dma_semaphore, #tpu.memory_space<semaphore_mem>>) src(%arg23 : memref<128xf32, #tpu.memory_space<vmem>>) dst(%dma_wait3A_347 : memref<10240xf32, #tpu.memory_space<vmem_shared>>)
        %dma_wait3A_348 = arith.constant 3 : i32
        %dma_wait3A_349 = arith.constant 0 : i32
        %dma_wait3A_350 = tpu.memref_slice %arg13[%dma_wait3A_348, %dma_wait3A_349] : memref<8x128xi32, #tpu.memory_space<vmem>> -> memref<1x128xi32, #tpu.memory_space<vmem>>
        %dma_wait3A_351 = tpu.memref_squeeze %dma_wait3A_350 : memref<1x128xi32, #tpu.memory_space<vmem>> -> memref<128xi32, #tpu.memory_space<vmem>>
        %dma_wait3A_352 = arith.constant 0 : i32
        %dma_wait3A_353 = tpu.memref_slice %arg25[%dma_wait3A_352] : memref<10240xf32, #tpu.memory_space<vmem_shared>> -> memref<10240xf32, #tpu.memory_space<vmem_shared>>
        tpu.wait_indirect_dma semaphore(%arg22 : memref<!tpu.dma_semaphore, #tpu.memory_space<semaphore_mem>>) src(%arg23 : memref<128xf32, #tpu.memory_space<vmem>>) dst(%dma_wait3A_353 : memref<10240xf32, #tpu.memory_space<vmem_shared>>)
        %dma_wait3A_354 = arith.constant 4 : i32
        %dma_wait3A_355 = arith.constant 0 : i32
        %dma_wait3A_356 = tpu.memref_slice %arg13[%dma_wait3A_354, %dma_wait3A_355] : memref<8x128xi32, #tpu.memory_space<vmem>> -> memref<1x128xi32, #tpu.memory_space<vmem>>
        %dma_wait3A_357 = tpu.memref_squeeze %dma_wait3A_356 : memref<1x128xi32, #tpu.memory_space<vmem>> -> memref<128xi32, #tpu.memory_space<vmem>>
        %dma_wait3A_358 = arith.constant 0 : i32
        %dma_wait3A_359 = tpu.memref_slice %arg25[%dma_wait3A_358] : memref<10240xf32, #tpu.memory_space<vmem_shared>> -> memref<10240xf32, #tpu.memory_space<vmem_shared>>
        tpu.wait_indirect_dma semaphore(%arg22 : memref<!tpu.dma_semaphore, #tpu.memory_space<semaphore_mem>>) src(%arg23 : memref<128xf32, #tpu.memory_space<vmem>>) dst(%dma_wait3A_359 : memref<10240xf32, #tpu.memory_space<vmem_shared>>)
        %dma_wait3A_360 = arith.constant 5 : i32
        %dma_wait3A_361 = arith.constant 0 : i32
        %dma_wait3A_362 = tpu.memref_slice %arg13[%dma_wait3A_360, %dma_wait3A_361] : memref<8x128xi32, #tpu.memory_space<vmem>> -> memref<1x128xi32, #tpu.memory_space<vmem>>
        %dma_wait3A_363 = tpu.memref_squeeze %dma_wait3A_362 : memref<1x128xi32, #tpu.memory_space<vmem>> -> memref<128xi32, #tpu.memory_space<vmem>>
        %dma_wait3A_364 = arith.constant 0 : i32
        %dma_wait3A_365 = tpu.memref_slice %arg25[%dma_wait3A_364] : memref<10240xf32, #tpu.memory_space<vmem_shared>> -> memref<10240xf32, #tpu.memory_space<vmem_shared>>
        tpu.wait_indirect_dma semaphore(%arg22 : memref<!tpu.dma_semaphore, #tpu.memory_space<semaphore_mem>>) src(%arg23 : memref<128xf32, #tpu.memory_space<vmem>>) dst(%dma_wait3A_365 : memref<10240xf32, #tpu.memory_space<vmem_shared>>)
        %dma_wait3A_366 = arith.constant 6 : i32
        %dma_wait3A_367 = arith.constant 0 : i32
        %dma_wait3A_368 = tpu.memref_slice %arg13[%dma_wait3A_366, %dma_wait3A_367] : memref<8x128xi32, #tpu.memory_space<vmem>> -> memref<1x128xi32, #tpu.memory_space<vmem>>
        %dma_wait3A_369 = tpu.memref_squeeze %dma_wait3A_368 : memref<1x128xi32, #tpu.memory_space<vmem>> -> memref<128xi32, #tpu.memory_space<vmem>>
        %dma_wait3A_370 = arith.constant 0 : i32
        %dma_wait3A_371 = tpu.memref_slice %arg25[%dma_wait3A_370] : memref<10240xf32, #tpu.memory_space<vmem_shared>> -> memref<10240xf32, #tpu.memory_space<vmem_shared>>
        tpu.wait_indirect_dma semaphore(%arg22 : memref<!tpu.dma_semaphore, #tpu.memory_space<semaphore_mem>>) src(%arg23 : memref<128xf32, #tpu.memory_space<vmem>>) dst(%dma_wait3A_371 : memref<10240xf32, #tpu.memory_space<vmem_shared>>)
        %dma_wait3A_372 = arith.constant 7 : i32
        %dma_wait3A_373 = arith.constant 0 : i32
        %dma_wait3A_374 = tpu.memref_slice %arg13[%dma_wait3A_372, %dma_wait3A_373] : memref<8x128xi32, #tpu.memory_space<vmem>> -> memref<1x128xi32, #tpu.memory_space<vmem>>
        %dma_wait3A_375 = tpu.memref_squeeze %dma_wait3A_374 : memref<1x128xi32, #tpu.memory_space<vmem>> -> memref<128xi32, #tpu.memory_space<vmem>>
        %dma_wait3A_376 = arith.constant 0 : i32
        %dma_wait3A_377 = tpu.memref_slice %arg25[%dma_wait3A_376] : memref<10240xf32, #tpu.memory_space<vmem_shared>> -> memref<10240xf32, #tpu.memory_space<vmem_shared>>
        tpu.wait_indirect_dma semaphore(%arg22 : memref<!tpu.dma_semaphore, #tpu.memory_space<semaphore_mem>>) src(%arg23 : memref<128xf32, #tpu.memory_space<vmem>>) dst(%dma_wait3A_377 : memref<10240xf32, #tpu.memory_space<vmem_shared>>)
        %scan3A_378 = arith.constant 0 : i32
        scf.yield %scan3A_378 : i32
      }
      %scan3A_44 = arith.constant 20 : i32
      %barrier3A_45 = arith.constant 0 : index
      tpu.barrier barrier_id(%barrier3A_45)
      %mul3A_46 = arith.constant 640 : i32
      %mul3A_47 = arith.muli %arg1, %mul3A_46 : i32
      %mul3A_48 = arith.constant 640 : i32
      %mul3A_49 = arith.muli %arg1, %mul3A_48 : i32
      "tpu.region"() ({
        %run_scoped3A = tpu.sem_alloc : memref<!tpu.dma_semaphore, #tpu.memory_space<semaphore_mem>>
        %dma_start3A = arith.constant 0 : i32
        %dma_start3A_54 = tpu.memref_slice %arg9[%mul3A_49, %dma_start3A] : memref<10240x128xf32, #tpu.memory_space<hbm>> -> memref<640x128xf32, #tpu.memory_space<hbm>>
        %dma_start3A_55 = arith.constant 0 : i32
        %dma_start3A_56 = tpu.memref_slice %arg17[%mul3A_47, %dma_start3A_55] : memref<10240x128xf32, #tpu.memory_space<vmem_shared>> -> memref<640x128xf32, #tpu.memory_space<vmem_shared>>
        tpu.enqueue_dma source(%dma_start3A_56 : memref<640x128xf32, #tpu.memory_space<vmem_shared>>) target(%dma_start3A_54 : memref<640x128xf32, #tpu.memory_space<hbm>>) target_semaphore(%run_scoped3A : memref<!tpu.dma_semaphore, #tpu.memory_space<semaphore_mem>>)
        %dma_wait3A = arith.constant 0 : i32
        %dma_wait3A_57 = tpu.memref_slice %arg9[%mul3A_49, %dma_wait3A] : memref<10240x128xf32, #tpu.memory_space<hbm>> -> memref<640x128xf32, #tpu.memory_space<hbm>>
        %dma_wait3A_58 = arith.constant 0 : i32
        %dma_wait3A_59 = tpu.memref_slice %arg17[%mul3A_47, %dma_wait3A_58] : memref<10240x128xf32, #tpu.memory_space<vmem_shared>> -> memref<640x128xf32, #tpu.memory_space<vmem_shared>>
        tpu.wait_dma2 semaphore(%run_scoped3A : memref<!tpu.dma_semaphore, #tpu.memory_space<semaphore_mem>>) src(%dma_wait3A_59 : memref<640x128xf32, #tpu.memory_space<vmem_shared>>) dst(%dma_wait3A_57 : memref<640x128xf32, #tpu.memory_space<hbm>>)
        tpu.yield
      }) : () -> ()
      %mul3A_50 = arith.constant 640 : i32
      %mul3A_51 = arith.muli %arg1, %mul3A_50 : i32
      %mul3A_52 = arith.constant 640 : i32
      %mul3A_53 = arith.muli %arg1, %mul3A_52 : i32
      "tpu.region"() ({
        %run_scoped3A = tpu.sem_alloc : memref<!tpu.dma_semaphore, #tpu.memory_space<semaphore_mem>>
        %dma_start3A = tpu.memref_slice %arg11[%mul3A_53] : memref<10240xf32, #tpu.memory_space<hbm>> -> memref<640xf32, #tpu.memory_space<hbm>>
        %dma_start3A_54 = tpu.memref_slice %arg25[%mul3A_51] : memref<10240xf32, #tpu.memory_space<vmem_shared>> -> memref<640xf32, #tpu.memory_space<vmem_shared>>
        tpu.enqueue_dma source(%dma_start3A_54 : memref<640xf32, #tpu.memory_space<vmem_shared>>) target(%dma_start3A : memref<640xf32, #tpu.memory_space<hbm>>) target_semaphore(%run_scoped3A : memref<!tpu.dma_semaphore, #tpu.memory_space<semaphore_mem>>)
        %dma_wait3A = tpu.memref_slice %arg11[%mul3A_53] : memref<10240xf32, #tpu.memory_space<hbm>> -> memref<640xf32, #tpu.memory_space<hbm>>
        %dma_wait3A_55 = tpu.memref_slice %arg25[%mul3A_51] : memref<10240xf32, #tpu.memory_space<vmem_shared>> -> memref<640xf32, #tpu.memory_space<vmem_shared>>
        tpu.wait_dma2 semaphore(%run_scoped3A : memref<!tpu.dma_semaphore, #tpu.memory_space<semaphore_mem>>) src(%dma_wait3A_55 : memref<640xf32, #tpu.memory_space<vmem_shared>>) dst(%dma_wait3A : memref<640xf32, #tpu.memory_space<hbm>>)
        tpu.yield
      }) : () -> ()
    } else {
    }
    return
  }
}

#map = affine_map<(d0, d1) -> (0, 0)>
#map1 = affine_map<(d0, d1) -> (0, 0, 0)>
module attributes {stable_mosaic.version = 14 : i64} {
  func.func @body(%arg0: i32, %arg1: i32, %arg2: memref<10240x128xf32, #tpu.memory_space<hbm>>, %arg3: memref<10240x128xf32, #tpu.memory_space<hbm>>, %arg4: memref<16x160x128xi32, #tpu.memory_space<hbm>>, %arg5: memref<16x160x128xi32, #tpu.memory_space<hbm>>, %arg6: memref<16x160x128xi32, #tpu.memory_space<hbm>>, %arg7: memref<16x160x128xi32, #tpu.memory_space<hbm>>, %arg8: memref<10240x128xf32, #tpu.memory_space<hbm>>, %arg9: memref<10240x128xf32, #tpu.memory_space<hbm>>, %arg10: memref<8x128xi32, #tpu.memory_space<vmem>>, %arg11: memref<8x128xi32, #tpu.memory_space<vmem>>, %arg12: memref<128x128xf32, #tpu.memory_space<vmem>>, %arg13: memref<128x128xf32, #tpu.memory_space<vmem>>, %arg14: memref<16x128xf32, #tpu.memory_space<vmem>>, %arg15: memref<10240x128xf32, #tpu.memory_space<vmem_shared>>, %arg16: memref<!tpu.dma_semaphore, #tpu.memory_space<semaphore_mem>>, %arg17: memref<!tpu.dma_semaphore, #tpu.memory_space<semaphore_mem>>, %arg18: memref<!tpu.dma_semaphore, #tpu.memory_space<semaphore_mem>>, %arg19: memref<!tpu.dma_semaphore, #tpu.memory_space<semaphore_mem>>) attributes {dimension_semantics = [#tpu.dimension_semantics<core_parallel>, #tpu.dimension_semantics<subcore_parallel>], iteration_bounds = array<i64: 2, 16>, scalar_prefetch = 0 : i64, scratch_operands = 10 : i64, tpu.core_type = #tpu.core_type<sc_vector_subcore>, window_params = [{transform_indices = #map}, {transform_indices = #map}, {transform_indices = #map1}, {transform_indices = #map1}, {transform_indices = #map1}, {transform_indices = #map1}, {transform_indices = #map}, {transform_indices = #map}]} {
    %broadcast_in_dim3A = arith.constant 0.000000e+00 : f32
    %broadcast_in_dim3A_0 = vector.broadcast %broadcast_in_dim3A : f32 to vector<16xf32>
    %scan3A = arith.constant 0 : i32
    %scan3A_1 = arith.constant 0 : i32
    %scan3A_2 = arith.constant 128 : i32
    %scan3A_3 = arith.addi %scan3A_1, %scan3A_2 : i32
    %scan3A_4 = arith.constant 1 : i32
    %scan3A_5 = scf.for %scan3A_21 = %scan3A_1 to %scan3A_3 step %scan3A_4 iter_args(%scan3A_22 = %scan3A) -> (i32)  : i32 {
      %jit3A = arith.constant 8 : i32
      %div3A = arith.divsi %scan3A_21, %jit3A : i32
      %sign3A = arith.constant 0 : i32
      %sign3A_23 = arith.cmpi sgt, %scan3A_21, %sign3A : i32
      %sign3A_24 = arith.extui %sign3A_23 : i1 to i32
      %sign3A_25 = arith.constant 0 : i32
      %sign3A_26 = arith.cmpi slt, %scan3A_21, %sign3A_25 : i32
      %sign3A_27 = arith.extui %sign3A_26 : i1 to i32
      %sign3A_28 = arith.subi %sign3A_24, %sign3A_27 : i32
      %sign3A_29 = arith.constant 0 : i32
      %sign3A_30 = arith.cmpi sgt, %jit3A, %sign3A_29 : i32
      %sign3A_31 = arith.extui %sign3A_30 : i1 to i32
      %sign3A_32 = arith.constant 0 : i32
      %sign3A_33 = arith.cmpi slt, %jit3A, %sign3A_32 : i32
      %sign3A_34 = arith.extui %sign3A_33 : i1 to i32
      %sign3A_35 = arith.subi %sign3A_31, %sign3A_34 : i32
      %ne3A = arith.cmpi ne, %sign3A_28, %sign3A_35 : i32
      %rem3A = arith.remsi %scan3A_21, %jit3A : i32
      %ne3A_36 = arith.constant 0 : i32
      %ne3A_37 = arith.cmpi ne, %rem3A, %ne3A_36 : i32
      %and3A = arith.andi %ne3A, %ne3A_37 : i1
      %sub3A = arith.constant 1 : i32
      %sub3A_38 = arith.subi %div3A, %sub3A : i32
      %select_n3A = arith.select %and3A, %sub3A_38, %div3A : i32
      %jit3A_39 = arith.constant 8 : i32
      %eq3A_40 = arith.constant 0 : i32
      %eq3A_41 = arith.cmpi eq, %jit3A_39, %eq3A_40 : i32
      %jit3A_42 = arith.constant 1 : i32
      %select_n3A_43 = arith.select %eq3A_41, %jit3A_42, %jit3A_39 : i32
      %rem3A_44 = arith.remsi %scan3A_21, %select_n3A_43 : i32
      %ne3A_45 = arith.constant 0 : i32
      %ne3A_46 = arith.cmpi ne, %rem3A_44, %ne3A_45 : i32
      %lt3A = arith.constant 0 : i32
      %lt3A_47 = arith.cmpi slt, %rem3A_44, %lt3A : i32
      %lt3A_48 = arith.constant 0 : i32
      %lt3A_49 = arith.cmpi slt, %select_n3A_43, %lt3A_48 : i32
      %ne3A_50 = arith.xori %lt3A_47, %lt3A_49 : i1
      %and3A_51 = arith.andi %ne3A_50, %ne3A_46 : i1
      %add3A = arith.addi %rem3A_44, %select_n3A_43 : i32
      %select_n3A_52 = arith.select %and3A_51, %add3A, %rem3A_44 : i32
      %mul3A = arith.constant 16 : i32
      %mul3A_53 = arith.muli %select_n3A_52, %mul3A : i32
      %swap3A = arith.index_cast %select_n3A : i32 to index
      %swap3A_54 = arith.index_cast %mul3A_53 : i32 to index
      %swap3A_55 = tpu.vector_load %arg14[%swap3A, %swap3A_54] {strides = array<i32>} : memref<16x128xf32, #tpu.memory_space<vmem>>, vector<1x16xf32>,
      %swap3A_56 = vector.shape_cast %swap3A_55 : vector<1x16xf32> to vector<16xf32>
      %swap3A_57 = vector.shape_cast %broadcast_in_dim3A_0 : vector<16xf32> to vector<1x16xf32>
      tpu.vector_store %arg14[%swap3A, %swap3A_54], %swap3A_57 {strides = array<i32>} : memref<16x128xf32, #tpu.memory_space<vmem>>, vector<1x16xf32>,
      %scan3A_58 = arith.constant 0 : i32
      scf.yield %scan3A_58 : i32
    }
    %scan3A_6 = arith.constant 128 : i32
    %scan3A_7 = arith.constant 0 : i32
    %scan3A_8 = arith.constant 0 : i32
    %scan3A_9 = arith.constant 40 : i32
    %scan3A_10 = arith.addi %scan3A_8, %scan3A_9 : i32
    %scan3A_11 = arith.constant 1 : i32
    %scan3A_12 = scf.for %scan3A_21 = %scan3A_8 to %scan3A_10 step %scan3A_11 iter_args(%scan3A_22 = %scan3A_7) -> (i32)  : i32 {
      %mul3A = arith.constant 640 : i32
      %mul3A_23 = arith.muli %arg1, %mul3A : i32
      %mul3A_24 = arith.constant 16 : i32
      %mul3A_25 = arith.muli %scan3A_21, %mul3A_24 : i32
      %add3A = arith.addi %mul3A_23, %mul3A_25 : i32
      "tpu.region"() ({
        %run_scoped3A = tpu.sem_alloc : memref<!tpu.dma_semaphore, #tpu.memory_space<semaphore_mem>>
        %dma_start3A = arith.constant 0 : i32
        %dma_start3A_27 = tpu.memref_slice %arg15[%add3A, %dma_start3A] : memref<10240x128xf32, #tpu.memory_space<vmem_shared>> -> memref<16x128xf32, #tpu.memory_space<vmem_shared>>
        %dma_start3A_28 = arith.constant 0 : i32
        %dma_start3A_29 = tpu.memref_slice %arg15[%add3A, %dma_start3A_28] : memref<10240x128xf32, #tpu.memory_space<vmem_shared>> -> memref<16x128xf32, #tpu.memory_space<vmem_shared>>
        tpu.enqueue_dma source(%arg14 : memref<16x128xf32, #tpu.memory_space<vmem>>) target(%dma_start3A_29 : memref<16x128xf32, #tpu.memory_space<vmem_shared>>) target_semaphore(%run_scoped3A : memref<!tpu.dma_semaphore, #tpu.memory_space<semaphore_mem>>)
        %dma_wait3A = arith.constant 0 : i32
        %dma_wait3A_30 = tpu.memref_slice %arg15[%add3A, %dma_wait3A] : memref<10240x128xf32, #tpu.memory_space<vmem_shared>> -> memref<16x128xf32, #tpu.memory_space<vmem_shared>>
        %dma_wait3A_31 = arith.constant 0 : i32
        %dma_wait3A_32 = tpu.memref_slice %arg15[%add3A, %dma_wait3A_31] : memref<10240x128xf32, #tpu.memory_space<vmem_shared>> -> memref<16x128xf32, #tpu.memory_space<vmem_shared>>
        tpu.wait_dma2 semaphore(%run_scoped3A : memref<!tpu.dma_semaphore, #tpu.memory_space<semaphore_mem>>) src(%arg14 : memref<16x128xf32, #tpu.memory_space<vmem>>) dst(%dma_wait3A_32 : memref<16x128xf32, #tpu.memory_space<vmem_shared>>)
        tpu.yield
      }) : () -> ()
      %scan3A_26 = arith.constant 0 : i32
      scf.yield %scan3A_26 : i32
    }
    %scan3A_13 = arith.constant 40 : i32
    %eq3A = arith.constant 0 : i32
    %eq3A_14 = arith.cmpi eq, %arg0, %eq3A : i32
    %convert_element_type3A = arith.extui %eq3A_14 : i1 to i32
    %cond3A = arith.constant 0 : i32
    %cond3A_15 = arith.cmpi ne, %convert_element_type3A, %cond3A : i32
    scf.if %cond3A_15 {
      %barrier3A = arith.constant 0 : index
      tpu.barrier barrier_id(%barrier3A)
      %scan3A_21 = arith.constant 0 : i32
      %scan3A_22 = arith.constant 0 : i32
      %scan3A_23 = arith.constant 20 : i32
      %scan3A_24 = arith.addi %scan3A_22, %scan3A_23 : i32
      %scan3A_25 = arith.constant 1 : i32
      %scan3A_26 = scf.for %scan3A_32 = %scan3A_22 to %scan3A_24 step %scan3A_25 iter_args(%scan3A_33 = %scan3A_21) -> (i32)  : i32 {
        %mul3A_34 = arith.constant 8 : i32
        %mul3A_35 = arith.muli %scan3A_32, %mul3A_34 : i32
        "tpu.region"() ({
          %run_scoped3A = tpu.sem_alloc : memref<!tpu.dma_semaphore, #tpu.memory_space<semaphore_mem>>
          %dma_start3A_261 = arith.constant 0 : i32
          %dma_start3A_262 = tpu.memref_slice %arg4[%arg1, %mul3A_35, %dma_start3A_261] : memref<16x160x128xi32, #tpu.memory_space<hbm>> -> memref<1x8x128xi32, #tpu.memory_space<hbm>>
          %dma_start3A_263 = tpu.memref_squeeze %dma_start3A_262 : memref<1x8x128xi32, #tpu.memory_space<hbm>> -> memref<8x128xi32, #tpu.memory_space<hbm>>
          %dma_start3A_264 = arith.constant 0 : i32
          %dma_start3A_265 = tpu.memref_slice %arg4[%arg1, %mul3A_35, %dma_start3A_264] : memref<16x160x128xi32, #tpu.memory_space<hbm>> -> memref<1x8x128xi32, #tpu.memory_space<hbm>>
          %dma_start3A_266 = tpu.memref_squeeze %dma_start3A_265 : memref<1x8x128xi32, #tpu.memory_space<hbm>> -> memref<8x128xi32, #tpu.memory_space<hbm>>
          tpu.enqueue_dma source(%dma_start3A_266 : memref<8x128xi32, #tpu.memory_space<hbm>>) target(%arg10 : memref<8x128xi32, #tpu.memory_space<vmem>>) target_semaphore(%run_scoped3A : memref<!tpu.dma_semaphore, #tpu.memory_space<semaphore_mem>>)
          %dma_wait3A_267 = arith.constant 0 : i32
          %dma_wait3A_268 = tpu.memref_slice %arg4[%arg1, %mul3A_35, %dma_wait3A_267] : memref<16x160x128xi32, #tpu.memory_space<hbm>> -> memref<1x8x128xi32, #tpu.memory_space<hbm>>
          %dma_wait3A_269 = tpu.memref_squeeze %dma_wait3A_268 : memref<1x8x128xi32, #tpu.memory_space<hbm>> -> memref<8x128xi32, #tpu.memory_space<hbm>>
          %dma_wait3A_270 = arith.constant 0 : i32
          %dma_wait3A_271 = tpu.memref_slice %arg4[%arg1, %mul3A_35, %dma_wait3A_270] : memref<16x160x128xi32, #tpu.memory_space<hbm>> -> memref<1x8x128xi32, #tpu.memory_space<hbm>>
          %dma_wait3A_272 = tpu.memref_squeeze %dma_wait3A_271 : memref<1x8x128xi32, #tpu.memory_space<hbm>> -> memref<8x128xi32, #tpu.memory_space<hbm>>
          tpu.wait_dma2 semaphore(%run_scoped3A : memref<!tpu.dma_semaphore, #tpu.memory_space<semaphore_mem>>) src(%dma_wait3A_272 : memref<8x128xi32, #tpu.memory_space<hbm>>) dst(%arg10 : memref<8x128xi32, #tpu.memory_space<vmem>>)
          tpu.yield
        }) : () -> ()
        %mul3A_36 = arith.constant 8 : i32
        %mul3A_37 = arith.muli %scan3A_32, %mul3A_36 : i32
        "tpu.region"() ({
          %run_scoped3A = tpu.sem_alloc : memref<!tpu.dma_semaphore, #tpu.memory_space<semaphore_mem>>
          %dma_start3A_261 = arith.constant 0 : i32
          %dma_start3A_262 = tpu.memref_slice %arg5[%arg1, %mul3A_37, %dma_start3A_261] : memref<16x160x128xi32, #tpu.memory_space<hbm>> -> memref<1x8x128xi32, #tpu.memory_space<hbm>>
          %dma_start3A_263 = tpu.memref_squeeze %dma_start3A_262 : memref<1x8x128xi32, #tpu.memory_space<hbm>> -> memref<8x128xi32, #tpu.memory_space<hbm>>
          %dma_start3A_264 = arith.constant 0 : i32
          %dma_start3A_265 = tpu.memref_slice %arg5[%arg1, %mul3A_37, %dma_start3A_264] : memref<16x160x128xi32, #tpu.memory_space<hbm>> -> memref<1x8x128xi32, #tpu.memory_space<hbm>>
          %dma_start3A_266 = tpu.memref_squeeze %dma_start3A_265 : memref<1x8x128xi32, #tpu.memory_space<hbm>> -> memref<8x128xi32, #tpu.memory_space<hbm>>
          tpu.enqueue_dma source(%dma_start3A_266 : memref<8x128xi32, #tpu.memory_space<hbm>>) target(%arg11 : memref<8x128xi32, #tpu.memory_space<vmem>>) target_semaphore(%run_scoped3A : memref<!tpu.dma_semaphore, #tpu.memory_space<semaphore_mem>>)
          %dma_wait3A_267 = arith.constant 0 : i32
          %dma_wait3A_268 = tpu.memref_slice %arg5[%arg1, %mul3A_37, %dma_wait3A_267] : memref<16x160x128xi32, #tpu.memory_space<hbm>> -> memref<1x8x128xi32, #tpu.memory_space<hbm>>
          %dma_wait3A_269 = tpu.memref_squeeze %dma_wait3A_268 : memref<1x8x128xi32, #tpu.memory_space<hbm>> -> memref<8x128xi32, #tpu.memory_space<hbm>>
          %dma_wait3A_270 = arith.constant 0 : i32
          %dma_wait3A_271 = tpu.memref_slice %arg5[%arg1, %mul3A_37, %dma_wait3A_270] : memref<16x160x128xi32, #tpu.memory_space<hbm>> -> memref<1x8x128xi32, #tpu.memory_space<hbm>>
          %dma_wait3A_272 = tpu.memref_squeeze %dma_wait3A_271 : memref<1x8x128xi32, #tpu.memory_space<hbm>> -> memref<8x128xi32, #tpu.memory_space<hbm>>
          tpu.wait_dma2 semaphore(%run_scoped3A : memref<!tpu.dma_semaphore, #tpu.memory_space<semaphore_mem>>) src(%dma_wait3A_272 : memref<8x128xi32, #tpu.memory_space<hbm>>) dst(%arg11 : memref<8x128xi32, #tpu.memory_space<vmem>>)
          tpu.yield
        }) : () -> ()
        %dma_start3A = arith.constant 0 : i32
        %dma_start3A_38 = arith.constant 0 : i32
        %dma_start3A_39 = tpu.memref_slice %arg10[%dma_start3A, %dma_start3A_38] : memref<8x128xi32, #tpu.memory_space<vmem>> -> memref<1x128xi32, #tpu.memory_space<vmem>>
        %dma_start3A_40 = tpu.memref_squeeze %dma_start3A_39 : memref<1x128xi32, #tpu.memory_space<vmem>> -> memref<128xi32, #tpu.memory_space<vmem>>
        %dma_start3A_41 = arith.constant 0 : i32
        %dma_start3A_42 = arith.constant 0 : i32
        %dma_start3A_43 = tpu.memref_slice %arg2[%dma_start3A_41, %dma_start3A_42] : memref<10240x128xf32, #tpu.memory_space<hbm>> -> memref<10240x128xf32, #tpu.memory_space<hbm>>
        tpu.enqueue_indirect_dma source(%dma_start3A_43 : memref<10240x128xf32, #tpu.memory_space<hbm>>) target(%arg12 : memref<128x128xf32, #tpu.memory_space<vmem>>) offsets(%dma_start3A_40 : memref<128xi32, #tpu.memory_space<vmem>>) semaphore(%arg16 : memref<!tpu.dma_semaphore, #tpu.memory_space<semaphore_mem>>)
        %dma_start3A_44 = arith.constant 1 : i32
        %dma_start3A_45 = arith.constant 0 : i32
        %dma_start3A_46 = tpu.memref_slice %arg10[%dma_start3A_44, %dma_start3A_45] : memref<8x128xi32, #tpu.memory_space<vmem>> -> memref<1x128xi32, #tpu.memory_space<vmem>>
        %dma_start3A_47 = tpu.memref_squeeze %dma_start3A_46 : memref<1x128xi32, #tpu.memory_space<vmem>> -> memref<128xi32, #tpu.memory_space<vmem>>
        %dma_start3A_48 = arith.constant 0 : i32
        %dma_start3A_49 = arith.constant 0 : i32
        %dma_start3A_50 = tpu.memref_slice %arg2[%dma_start3A_48, %dma_start3A_49] : memref<10240x128xf32, #tpu.memory_space<hbm>> -> memref<10240x128xf32, #tpu.memory_space<hbm>>
        tpu.enqueue_indirect_dma source(%dma_start3A_50 : memref<10240x128xf32, #tpu.memory_space<hbm>>) target(%arg13 : memref<128x128xf32, #tpu.memory_space<vmem>>) offsets(%dma_start3A_47 : memref<128xi32, #tpu.memory_space<vmem>>) semaphore(%arg17 : memref<!tpu.dma_semaphore, #tpu.memory_space<semaphore_mem>>)
        %dma_wait3A = arith.constant 0 : i32
        %dma_wait3A_51 = arith.constant 0 : i32
        %dma_wait3A_52 = tpu.memref_slice %arg10[%dma_wait3A, %dma_wait3A_51] : memref<8x128xi32, #tpu.memory_space<vmem>> -> memref<1x128xi32, #tpu.memory_space<vmem>>
        %dma_wait3A_53 = tpu.memref_squeeze %dma_wait3A_52 : memref<1x128xi32, #tpu.memory_space<vmem>> -> memref<128xi32, #tpu.memory_space<vmem>>
        %dma_wait3A_54 = arith.constant 0 : i32
        %dma_wait3A_55 = arith.constant 0 : i32
        %dma_wait3A_56 = tpu.memref_slice %arg2[%dma_wait3A_54, %dma_wait3A_55] : memref<10240x128xf32, #tpu.memory_space<hbm>> -> memref<10240x128xf32, #tpu.memory_space<hbm>>
        tpu.wait_indirect_dma semaphore(%arg16 : memref<!tpu.dma_semaphore, #tpu.memory_space<semaphore_mem>>) src(%dma_wait3A_56 : memref<10240x128xf32, #tpu.memory_space<hbm>>) dst(%arg12 : memref<128x128xf32, #tpu.memory_space<vmem>>)
        %dma_start3A_57 = arith.constant 0 : i32
        %dma_start3A_58 = arith.constant 0 : i32
        %dma_start3A_59 = tpu.memref_slice %arg11[%dma_start3A_57, %dma_start3A_58] : memref<8x128xi32, #tpu.memory_space<vmem>> -> memref<1x128xi32, #tpu.memory_space<vmem>>
        %dma_start3A_60 = tpu.memref_squeeze %dma_start3A_59 : memref<1x128xi32, #tpu.memory_space<vmem>> -> memref<128xi32, #tpu.memory_space<vmem>>
        %dma_start3A_61 = arith.constant 0 : i32
        %dma_start3A_62 = arith.constant 0 : i32
        %dma_start3A_63 = tpu.memref_slice %arg15[%dma_start3A_61, %dma_start3A_62] : memref<10240x128xf32, #tpu.memory_space<vmem_shared>> -> memref<10240x128xf32, #tpu.memory_space<vmem_shared>>
        tpu.enqueue_indirect_dma source(%arg12 : memref<128x128xf32, #tpu.memory_space<vmem>>) target(%dma_start3A_63 : memref<10240x128xf32, #tpu.memory_space<vmem_shared>>) offsets(%dma_start3A_60 : memref<128xi32, #tpu.memory_space<vmem>>) semaphore(%arg18 : memref<!tpu.dma_semaphore, #tpu.memory_space<semaphore_mem>>) {add = true}
        %dma_wait3A_64 = arith.constant 0 : i32
        %dma_wait3A_65 = arith.constant 0 : i32
        %dma_wait3A_66 = tpu.memref_slice %arg11[%dma_wait3A_64, %dma_wait3A_65] : memref<8x128xi32, #tpu.memory_space<vmem>> -> memref<1x128xi32, #tpu.memory_space<vmem>>
        %dma_wait3A_67 = tpu.memref_squeeze %dma_wait3A_66 : memref<1x128xi32, #tpu.memory_space<vmem>> -> memref<128xi32, #tpu.memory_space<vmem>>
        %dma_wait3A_68 = arith.constant 0 : i32
        %dma_wait3A_69 = arith.constant 0 : i32
        %dma_wait3A_70 = tpu.memref_slice %arg15[%dma_wait3A_68, %dma_wait3A_69] : memref<10240x128xf32, #tpu.memory_space<vmem_shared>> -> memref<10240x128xf32, #tpu.memory_space<vmem_shared>>
        tpu.wait_indirect_dma semaphore(%arg18 : memref<!tpu.dma_semaphore, #tpu.memory_space<semaphore_mem>>) src(%arg12 : memref<128x128xf32, #tpu.memory_space<vmem>>) dst(%dma_wait3A_70 : memref<10240x128xf32, #tpu.memory_space<vmem_shared>>)
        %dma_start3A_71 = arith.constant 2 : i32
        %dma_start3A_72 = arith.constant 0 : i32
        %dma_start3A_73 = tpu.memref_slice %arg10[%dma_start3A_71, %dma_start3A_72] : memref<8x128xi32, #tpu.memory_space<vmem>> -> memref<1x128xi32, #tpu.memory_space<vmem>>
        %dma_start3A_74 = tpu.memref_squeeze %dma_start3A_73 : memref<1x128xi32, #tpu.memory_space<vmem>> -> memref<128xi32, #tpu.memory_space<vmem>>
        %dma_start3A_75 = arith.constant 0 : i32
        %dma_start3A_76 = arith.constant 0 : i32
        %dma_start3A_77 = tpu.memref_slice %arg2[%dma_start3A_75, %dma_start3A_76] : memref<10240x128xf32, #tpu.memory_space<hbm>> -> memref<10240x128xf32, #tpu.memory_space<hbm>>
        tpu.enqueue_indirect_dma source(%dma_start3A_77 : memref<10240x128xf32, #tpu.memory_space<hbm>>) target(%arg12 : memref<128x128xf32, #tpu.memory_space<vmem>>) offsets(%dma_start3A_74 : memref<128xi32, #tpu.memory_space<vmem>>) semaphore(%arg16 : memref<!tpu.dma_semaphore, #tpu.memory_space<semaphore_mem>>)
        %dma_wait3A_78 = arith.constant 1 : i32
        %dma_wait3A_79 = arith.constant 0 : i32
        %dma_wait3A_80 = tpu.memref_slice %arg10[%dma_wait3A_78, %dma_wait3A_79] : memref<8x128xi32, #tpu.memory_space<vmem>> -> memref<1x128xi32, #tpu.memory_space<vmem>>
        %dma_wait3A_81 = tpu.memref_squeeze %dma_wait3A_80 : memref<1x128xi32, #tpu.memory_space<vmem>> -> memref<128xi32, #tpu.memory_space<vmem>>
        %dma_wait3A_82 = arith.constant 0 : i32
        %dma_wait3A_83 = arith.constant 0 : i32
        %dma_wait3A_84 = tpu.memref_slice %arg2[%dma_wait3A_82, %dma_wait3A_83] : memref<10240x128xf32, #tpu.memory_space<hbm>> -> memref<10240x128xf32, #tpu.memory_space<hbm>>
        tpu.wait_indirect_dma semaphore(%arg17 : memref<!tpu.dma_semaphore, #tpu.memory_space<semaphore_mem>>) src(%dma_wait3A_84 : memref<10240x128xf32, #tpu.memory_space<hbm>>) dst(%arg13 : memref<128x128xf32, #tpu.memory_space<vmem>>)
        %dma_start3A_85 = arith.constant 1 : i32
        %dma_start3A_86 = arith.constant 0 : i32
        %dma_start3A_87 = tpu.memref_slice %arg11[%dma_start3A_85, %dma_start3A_86] : memref<8x128xi32, #tpu.memory_space<vmem>> -> memref<1x128xi32, #tpu.memory_space<vmem>>
        %dma_start3A_88 = tpu.memref_squeeze %dma_start3A_87 : memref<1x128xi32, #tpu.memory_space<vmem>> -> memref<128xi32, #tpu.memory_space<vmem>>
        %dma_start3A_89 = arith.constant 0 : i32
        %dma_start3A_90 = arith.constant 0 : i32
        %dma_start3A_91 = tpu.memref_slice %arg15[%dma_start3A_89, %dma_start3A_90] : memref<10240x128xf32, #tpu.memory_space<vmem_shared>> -> memref<10240x128xf32, #tpu.memory_space<vmem_shared>>
        tpu.enqueue_indirect_dma source(%arg13 : memref<128x128xf32, #tpu.memory_space<vmem>>) target(%dma_start3A_91 : memref<10240x128xf32, #tpu.memory_space<vmem_shared>>) offsets(%dma_start3A_88 : memref<128xi32, #tpu.memory_space<vmem>>) semaphore(%arg19 : memref<!tpu.dma_semaphore, #tpu.memory_space<semaphore_mem>>) {add = true}
        %dma_wait3A_92 = arith.constant 1 : i32
        %dma_wait3A_93 = arith.constant 0 : i32
        %dma_wait3A_94 = tpu.memref_slice %arg11[%dma_wait3A_92, %dma_wait3A_93] : memref<8x128xi32, #tpu.memory_space<vmem>> -> memref<1x128xi32, #tpu.memory_space<vmem>>
        %dma_wait3A_95 = tpu.memref_squeeze %dma_wait3A_94 : memref<1x128xi32, #tpu.memory_space<vmem>> -> memref<128xi32, #tpu.memory_space<vmem>>
        %dma_wait3A_96 = arith.constant 0 : i32
        %dma_wait3A_97 = arith.constant 0 : i32
        %dma_wait3A_98 = tpu.memref_slice %arg15[%dma_wait3A_96, %dma_wait3A_97] : memref<10240x128xf32, #tpu.memory_space<vmem_shared>> -> memref<10240x128xf32, #tpu.memory_space<vmem_shared>>
        tpu.wait_indirect_dma semaphore(%arg19 : memref<!tpu.dma_semaphore, #tpu.memory_space<semaphore_mem>>) src(%arg13 : memref<128x128xf32, #tpu.memory_space<vmem>>) dst(%dma_wait3A_98 : memref<10240x128xf32, #tpu.memory_space<vmem_shared>>)
        %dma_start3A_99 = arith.constant 3 : i32
        %dma_start3A_100 = arith.constant 0 : i32
        %dma_start3A_101 = tpu.memref_slice %arg10[%dma_start3A_99, %dma_start3A_100] : memref<8x128xi32, #tpu.memory_space<vmem>> -> memref<1x128xi32, #tpu.memory_space<vmem>>
        %dma_start3A_102 = tpu.memref_squeeze %dma_start3A_101 : memref<1x128xi32, #tpu.memory_space<vmem>> -> memref<128xi32, #tpu.memory_space<vmem>>
        %dma_start3A_103 = arith.constant 0 : i32
        %dma_start3A_104 = arith.constant 0 : i32
        %dma_start3A_105 = tpu.memref_slice %arg2[%dma_start3A_103, %dma_start3A_104] : memref<10240x128xf32, #tpu.memory_space<hbm>> -> memref<10240x128xf32, #tpu.memory_space<hbm>>
        tpu.enqueue_indirect_dma source(%dma_start3A_105 : memref<10240x128xf32, #tpu.memory_space<hbm>>) target(%arg13 : memref<128x128xf32, #tpu.memory_space<vmem>>) offsets(%dma_start3A_102 : memref<128xi32, #tpu.memory_space<vmem>>) semaphore(%arg17 : memref<!tpu.dma_semaphore, #tpu.memory_space<semaphore_mem>>)
        %dma_wait3A_106 = arith.constant 2 : i32
        %dma_wait3A_107 = arith.constant 0 : i32
        %dma_wait3A_108 = tpu.memref_slice %arg10[%dma_wait3A_106, %dma_wait3A_107] : memref<8x128xi32, #tpu.memory_space<vmem>> -> memref<1x128xi32, #tpu.memory_space<vmem>>
        %dma_wait3A_109 = tpu.memref_squeeze %dma_wait3A_108 : memref<1x128xi32, #tpu.memory_space<vmem>> -> memref<128xi32, #tpu.memory_space<vmem>>
        %dma_wait3A_110 = arith.constant 0 : i32
        %dma_wait3A_111 = arith.constant 0 : i32
        %dma_wait3A_112 = tpu.memref_slice %arg2[%dma_wait3A_110, %dma_wait3A_111] : memref<10240x128xf32, #tpu.memory_space<hbm>> -> memref<10240x128xf32, #tpu.memory_space<hbm>>
        tpu.wait_indirect_dma semaphore(%arg16 : memref<!tpu.dma_semaphore, #tpu.memory_space<semaphore_mem>>) src(%dma_wait3A_112 : memref<10240x128xf32, #tpu.memory_space<hbm>>) dst(%arg12 : memref<128x128xf32, #tpu.memory_space<vmem>>)
        %dma_start3A_113 = arith.constant 2 : i32
        %dma_start3A_114 = arith.constant 0 : i32
        %dma_start3A_115 = tpu.memref_slice %arg11[%dma_start3A_113, %dma_start3A_114] : memref<8x128xi32, #tpu.memory_space<vmem>> -> memref<1x128xi32, #tpu.memory_space<vmem>>
        %dma_start3A_116 = tpu.memref_squeeze %dma_start3A_115 : memref<1x128xi32, #tpu.memory_space<vmem>> -> memref<128xi32, #tpu.memory_space<vmem>>
        %dma_start3A_117 = arith.constant 0 : i32
        %dma_start3A_118 = arith.constant 0 : i32
        %dma_start3A_119 = tpu.memref_slice %arg15[%dma_start3A_117, %dma_start3A_118] : memref<10240x128xf32, #tpu.memory_space<vmem_shared>> -> memref<10240x128xf32, #tpu.memory_space<vmem_shared>>
        tpu.enqueue_indirect_dma source(%arg12 : memref<128x128xf32, #tpu.memory_space<vmem>>) target(%dma_start3A_119 : memref<10240x128xf32, #tpu.memory_space<vmem_shared>>) offsets(%dma_start3A_116 : memref<128xi32, #tpu.memory_space<vmem>>) semaphore(%arg18 : memref<!tpu.dma_semaphore, #tpu.memory_space<semaphore_mem>>) {add = true}
        %dma_wait3A_120 = arith.constant 2 : i32
        %dma_wait3A_121 = arith.constant 0 : i32
        %dma_wait3A_122 = tpu.memref_slice %arg11[%dma_wait3A_120, %dma_wait3A_121] : memref<8x128xi32, #tpu.memory_space<vmem>> -> memref<1x128xi32, #tpu.memory_space<vmem>>
        %dma_wait3A_123 = tpu.memref_squeeze %dma_wait3A_122 : memref<1x128xi32, #tpu.memory_space<vmem>> -> memref<128xi32, #tpu.memory_space<vmem>>
        %dma_wait3A_124 = arith.constant 0 : i32
        %dma_wait3A_125 = arith.constant 0 : i32
        %dma_wait3A_126 = tpu.memref_slice %arg15[%dma_wait3A_124, %dma_wait3A_125] : memref<10240x128xf32, #tpu.memory_space<vmem_shared>> -> memref<10240x128xf32, #tpu.memory_space<vmem_shared>>
        tpu.wait_indirect_dma semaphore(%arg18 : memref<!tpu.dma_semaphore, #tpu.memory_space<semaphore_mem>>) src(%arg12 : memref<128x128xf32, #tpu.memory_space<vmem>>) dst(%dma_wait3A_126 : memref<10240x128xf32, #tpu.memory_space<vmem_shared>>)
        %dma_start3A_127 = arith.constant 4 : i32
        %dma_start3A_128 = arith.constant 0 : i32
        %dma_start3A_129 = tpu.memref_slice %arg10[%dma_start3A_127, %dma_start3A_128] : memref<8x128xi32, #tpu.memory_space<vmem>> -> memref<1x128xi32, #tpu.memory_space<vmem>>
        %dma_start3A_130 = tpu.memref_squeeze %dma_start3A_129 : memref<1x128xi32, #tpu.memory_space<vmem>> -> memref<128xi32, #tpu.memory_space<vmem>>
        %dma_start3A_131 = arith.constant 0 : i32
        %dma_start3A_132 = arith.constant 0 : i32
        %dma_start3A_133 = tpu.memref_slice %arg2[%dma_start3A_131, %dma_start3A_132] : memref<10240x128xf32, #tpu.memory_space<hbm>> -> memref<10240x128xf32, #tpu.memory_space<hbm>>
        tpu.enqueue_indirect_dma source(%dma_start3A_133 : memref<10240x128xf32, #tpu.memory_space<hbm>>) target(%arg12 : memref<128x128xf32, #tpu.memory_space<vmem>>) offsets(%dma_start3A_130 : memref<128xi32, #tpu.memory_space<vmem>>) semaphore(%arg16 : memref<!tpu.dma_semaphore, #tpu.memory_space<semaphore_mem>>)
        %dma_wait3A_134 = arith.constant 3 : i32
        %dma_wait3A_135 = arith.constant 0 : i32
        %dma_wait3A_136 = tpu.memref_slice %arg10[%dma_wait3A_134, %dma_wait3A_135] : memref<8x128xi32, #tpu.memory_space<vmem>> -> memref<1x128xi32, #tpu.memory_space<vmem>>
        %dma_wait3A_137 = tpu.memref_squeeze %dma_wait3A_136 : memref<1x128xi32, #tpu.memory_space<vmem>> -> memref<128xi32, #tpu.memory_space<vmem>>
        %dma_wait3A_138 = arith.constant 0 : i32
        %dma_wait3A_139 = arith.constant 0 : i32
        %dma_wait3A_140 = tpu.memref_slice %arg2[%dma_wait3A_138, %dma_wait3A_139] : memref<10240x128xf32, #tpu.memory_space<hbm>> -> memref<10240x128xf32, #tpu.memory_space<hbm>>
        tpu.wait_indirect_dma semaphore(%arg17 : memref<!tpu.dma_semaphore, #tpu.memory_space<semaphore_mem>>) src(%dma_wait3A_140 : memref<10240x128xf32, #tpu.memory_space<hbm>>) dst(%arg13 : memref<128x128xf32, #tpu.memory_space<vmem>>)
        %dma_start3A_141 = arith.constant 3 : i32
        %dma_start3A_142 = arith.constant 0 : i32
        %dma_start3A_143 = tpu.memref_slice %arg11[%dma_start3A_141, %dma_start3A_142] : memref<8x128xi32, #tpu.memory_space<vmem>> -> memref<1x128xi32, #tpu.memory_space<vmem>>
        %dma_start3A_144 = tpu.memref_squeeze %dma_start3A_143 : memref<1x128xi32, #tpu.memory_space<vmem>> -> memref<128xi32, #tpu.memory_space<vmem>>
        %dma_start3A_145 = arith.constant 0 : i32
        %dma_start3A_146 = arith.constant 0 : i32
        %dma_start3A_147 = tpu.memref_slice %arg15[%dma_start3A_145, %dma_start3A_146] : memref<10240x128xf32, #tpu.memory_space<vmem_shared>> -> memref<10240x128xf32, #tpu.memory_space<vmem_shared>>
        tpu.enqueue_indirect_dma source(%arg13 : memref<128x128xf32, #tpu.memory_space<vmem>>) target(%dma_start3A_147 : memref<10240x128xf32, #tpu.memory_space<vmem_shared>>) offsets(%dma_start3A_144 : memref<128xi32, #tpu.memory_space<vmem>>) semaphore(%arg19 : memref<!tpu.dma_semaphore, #tpu.memory_space<semaphore_mem>>) {add = true}
        %dma_wait3A_148 = arith.constant 3 : i32
        %dma_wait3A_149 = arith.constant 0 : i32
        %dma_wait3A_150 = tpu.memref_slice %arg11[%dma_wait3A_148, %dma_wait3A_149] : memref<8x128xi32, #tpu.memory_space<vmem>> -> memref<1x128xi32, #tpu.memory_space<vmem>>
        %dma_wait3A_151 = tpu.memref_squeeze %dma_wait3A_150 : memref<1x128xi32, #tpu.memory_space<vmem>> -> memref<128xi32, #tpu.memory_space<vmem>>
        %dma_wait3A_152 = arith.constant 0 : i32
        %dma_wait3A_153 = arith.constant 0 : i32
        %dma_wait3A_154 = tpu.memref_slice %arg15[%dma_wait3A_152, %dma_wait3A_153] : memref<10240x128xf32, #tpu.memory_space<vmem_shared>> -> memref<10240x128xf32, #tpu.memory_space<vmem_shared>>
        tpu.wait_indirect_dma semaphore(%arg19 : memref<!tpu.dma_semaphore, #tpu.memory_space<semaphore_mem>>) src(%arg13 : memref<128x128xf32, #tpu.memory_space<vmem>>) dst(%dma_wait3A_154 : memref<10240x128xf32, #tpu.memory_space<vmem_shared>>)
        %dma_start3A_155 = arith.constant 5 : i32
        %dma_start3A_156 = arith.constant 0 : i32
        %dma_start3A_157 = tpu.memref_slice %arg10[%dma_start3A_155, %dma_start3A_156] : memref<8x128xi32, #tpu.memory_space<vmem>> -> memref<1x128xi32, #tpu.memory_space<vmem>>
        %dma_start3A_158 = tpu.memref_squeeze %dma_start3A_157 : memref<1x128xi32, #tpu.memory_space<vmem>> -> memref<128xi32, #tpu.memory_space<vmem>>
        %dma_start3A_159 = arith.constant 0 : i32
        %dma_start3A_160 = arith.constant 0 : i32
        %dma_start3A_161 = tpu.memref_slice %arg2[%dma_start3A_159, %dma_start3A_160] : memref<10240x128xf32, #tpu.memory_space<hbm>> -> memref<10240x128xf32, #tpu.memory_space<hbm>>
        tpu.enqueue_indirect_dma source(%dma_start3A_161 : memref<10240x128xf32, #tpu.memory_space<hbm>>) target(%arg13 : memref<128x128xf32, #tpu.memory_space<vmem>>) offsets(%dma_start3A_158 : memref<128xi32, #tpu.memory_space<vmem>>) semaphore(%arg17 : memref<!tpu.dma_semaphore, #tpu.memory_space<semaphore_mem>>)
        %dma_wait3A_162 = arith.constant 4 : i32
        %dma_wait3A_163 = arith.constant 0 : i32
        %dma_wait3A_164 = tpu.memref_slice %arg10[%dma_wait3A_162, %dma_wait3A_163] : memref<8x128xi32, #tpu.memory_space<vmem>> -> memref<1x128xi32, #tpu.memory_space<vmem>>
        %dma_wait3A_165 = tpu.memref_squeeze %dma_wait3A_164 : memref<1x128xi32, #tpu.memory_space<vmem>> -> memref<128xi32, #tpu.memory_space<vmem>>
        %dma_wait3A_166 = arith.constant 0 : i32
        %dma_wait3A_167 = arith.constant 0 : i32
        %dma_wait3A_168 = tpu.memref_slice %arg2[%dma_wait3A_166, %dma_wait3A_167] : memref<10240x128xf32, #tpu.memory_space<hbm>> -> memref<10240x128xf32, #tpu.memory_space<hbm>>
        tpu.wait_indirect_dma semaphore(%arg16 : memref<!tpu.dma_semaphore, #tpu.memory_space<semaphore_mem>>) src(%dma_wait3A_168 : memref<10240x128xf32, #tpu.memory_space<hbm>>) dst(%arg12 : memref<128x128xf32, #tpu.memory_space<vmem>>)
        %dma_start3A_169 = arith.constant 4 : i32
        %dma_start3A_170 = arith.constant 0 : i32
        %dma_start3A_171 = tpu.memref_slice %arg11[%dma_start3A_169, %dma_start3A_170] : memref<8x128xi32, #tpu.memory_space<vmem>> -> memref<1x128xi32, #tpu.memory_space<vmem>>
        %dma_start3A_172 = tpu.memref_squeeze %dma_start3A_171 : memref<1x128xi32, #tpu.memory_space<vmem>> -> memref<128xi32, #tpu.memory_space<vmem>>
        %dma_start3A_173 = arith.constant 0 : i32
        %dma_start3A_174 = arith.constant 0 : i32
        %dma_start3A_175 = tpu.memref_slice %arg15[%dma_start3A_173, %dma_start3A_174] : memref<10240x128xf32, #tpu.memory_space<vmem_shared>> -> memref<10240x128xf32, #tpu.memory_space<vmem_shared>>
        tpu.enqueue_indirect_dma source(%arg12 : memref<128x128xf32, #tpu.memory_space<vmem>>) target(%dma_start3A_175 : memref<10240x128xf32, #tpu.memory_space<vmem_shared>>) offsets(%dma_start3A_172 : memref<128xi32, #tpu.memory_space<vmem>>) semaphore(%arg18 : memref<!tpu.dma_semaphore, #tpu.memory_space<semaphore_mem>>) {add = true}
        %dma_wait3A_176 = arith.constant 4 : i32
        %dma_wait3A_177 = arith.constant 0 : i32
        %dma_wait3A_178 = tpu.memref_slice %arg11[%dma_wait3A_176, %dma_wait3A_177] : memref<8x128xi32, #tpu.memory_space<vmem>> -> memref<1x128xi32, #tpu.memory_space<vmem>>
        %dma_wait3A_179 = tpu.memref_squeeze %dma_wait3A_178 : memref<1x128xi32, #tpu.memory_space<vmem>> -> memref<128xi32, #tpu.memory_space<vmem>>
        %dma_wait3A_180 = arith.constant 0 : i32
        %dma_wait3A_181 = arith.constant 0 : i32
        %dma_wait3A_182 = tpu.memref_slice %arg15[%dma_wait3A_180, %dma_wait3A_181] : memref<10240x128xf32, #tpu.memory_space<vmem_shared>> -> memref<10240x128xf32, #tpu.memory_space<vmem_shared>>
        tpu.wait_indirect_dma semaphore(%arg18 : memref<!tpu.dma_semaphore, #tpu.memory_space<semaphore_mem>>) src(%arg12 : memref<128x128xf32, #tpu.memory_space<vmem>>) dst(%dma_wait3A_182 : memref<10240x128xf32, #tpu.memory_space<vmem_shared>>)
        %dma_start3A_183 = arith.constant 6 : i32
        %dma_start3A_184 = arith.constant 0 : i32
        %dma_start3A_185 = tpu.memref_slice %arg10[%dma_start3A_183, %dma_start3A_184] : memref<8x128xi32, #tpu.memory_space<vmem>> -> memref<1x128xi32, #tpu.memory_space<vmem>>
        %dma_start3A_186 = tpu.memref_squeeze %dma_start3A_185 : memref<1x128xi32, #tpu.memory_space<vmem>> -> memref<128xi32, #tpu.memory_space<vmem>>
        %dma_start3A_187 = arith.constant 0 : i32
        %dma_start3A_188 = arith.constant 0 : i32
        %dma_start3A_189 = tpu.memref_slice %arg2[%dma_start3A_187, %dma_start3A_188] : memref<10240x128xf32, #tpu.memory_space<hbm>> -> memref<10240x128xf32, #tpu.memory_space<hbm>>
        tpu.enqueue_indirect_dma source(%dma_start3A_189 : memref<10240x128xf32, #tpu.memory_space<hbm>>) target(%arg12 : memref<128x128xf32, #tpu.memory_space<vmem>>) offsets(%dma_start3A_186 : memref<128xi32, #tpu.memory_space<vmem>>) semaphore(%arg16 : memref<!tpu.dma_semaphore, #tpu.memory_space<semaphore_mem>>)
        %dma_wait3A_190 = arith.constant 5 : i32
        %dma_wait3A_191 = arith.constant 0 : i32
        %dma_wait3A_192 = tpu.memref_slice %arg10[%dma_wait3A_190, %dma_wait3A_191] : memref<8x128xi32, #tpu.memory_space<vmem>> -> memref<1x128xi32, #tpu.memory_space<vmem>>
        %dma_wait3A_193 = tpu.memref_squeeze %dma_wait3A_192 : memref<1x128xi32, #tpu.memory_space<vmem>> -> memref<128xi32, #tpu.memory_space<vmem>>
        %dma_wait3A_194 = arith.constant 0 : i32
        %dma_wait3A_195 = arith.constant 0 : i32
        %dma_wait3A_196 = tpu.memref_slice %arg2[%dma_wait3A_194, %dma_wait3A_195] : memref<10240x128xf32, #tpu.memory_space<hbm>> -> memref<10240x128xf32, #tpu.memory_space<hbm>>
        tpu.wait_indirect_dma semaphore(%arg17 : memref<!tpu.dma_semaphore, #tpu.memory_space<semaphore_mem>>) src(%dma_wait3A_196 : memref<10240x128xf32, #tpu.memory_space<hbm>>) dst(%arg13 : memref<128x128xf32, #tpu.memory_space<vmem>>)
        %dma_start3A_197 = arith.constant 5 : i32
        %dma_start3A_198 = arith.constant 0 : i32
        %dma_start3A_199 = tpu.memref_slice %arg11[%dma_start3A_197, %dma_start3A_198] : memref<8x128xi32, #tpu.memory_space<vmem>> -> memref<1x128xi32, #tpu.memory_space<vmem>>
        %dma_start3A_200 = tpu.memref_squeeze %dma_start3A_199 : memref<1x128xi32, #tpu.memory_space<vmem>> -> memref<128xi32, #tpu.memory_space<vmem>>
        %dma_start3A_201 = arith.constant 0 : i32
        %dma_start3A_202 = arith.constant 0 : i32
        %dma_start3A_203 = tpu.memref_slice %arg15[%dma_start3A_201, %dma_start3A_202] : memref<10240x128xf32, #tpu.memory_space<vmem_shared>> -> memref<10240x128xf32, #tpu.memory_space<vmem_shared>>
        tpu.enqueue_indirect_dma source(%arg13 : memref<128x128xf32, #tpu.memory_space<vmem>>) target(%dma_start3A_203 : memref<10240x128xf32, #tpu.memory_space<vmem_shared>>) offsets(%dma_start3A_200 : memref<128xi32, #tpu.memory_space<vmem>>) semaphore(%arg19 : memref<!tpu.dma_semaphore, #tpu.memory_space<semaphore_mem>>) {add = true}
        %dma_wait3A_204 = arith.constant 5 : i32
        %dma_wait3A_205 = arith.constant 0 : i32
        %dma_wait3A_206 = tpu.memref_slice %arg11[%dma_wait3A_204, %dma_wait3A_205] : memref<8x128xi32, #tpu.memory_space<vmem>> -> memref<1x128xi32, #tpu.memory_space<vmem>>
        %dma_wait3A_207 = tpu.memref_squeeze %dma_wait3A_206 : memref<1x128xi32, #tpu.memory_space<vmem>> -> memref<128xi32, #tpu.memory_space<vmem>>
        %dma_wait3A_208 = arith.constant 0 : i32
        %dma_wait3A_209 = arith.constant 0 : i32
        %dma_wait3A_210 = tpu.memref_slice %arg15[%dma_wait3A_208, %dma_wait3A_209] : memref<10240x128xf32, #tpu.memory_space<vmem_shared>> -> memref<10240x128xf32, #tpu.memory_space<vmem_shared>>
        tpu.wait_indirect_dma semaphore(%arg19 : memref<!tpu.dma_semaphore, #tpu.memory_space<semaphore_mem>>) src(%arg13 : memref<128x128xf32, #tpu.memory_space<vmem>>) dst(%dma_wait3A_210 : memref<10240x128xf32, #tpu.memory_space<vmem_shared>>)
        %dma_start3A_211 = arith.constant 7 : i32
        %dma_start3A_212 = arith.constant 0 : i32
        %dma_start3A_213 = tpu.memref_slice %arg10[%dma_start3A_211, %dma_start3A_212] : memref<8x128xi32, #tpu.memory_space<vmem>> -> memref<1x128xi32, #tpu.memory_space<vmem>>
        %dma_start3A_214 = tpu.memref_squeeze %dma_start3A_213 : memref<1x128xi32, #tpu.memory_space<vmem>> -> memref<128xi32, #tpu.memory_space<vmem>>
        %dma_start3A_215 = arith.constant 0 : i32
        %dma_start3A_216 = arith.constant 0 : i32
        %dma_start3A_217 = tpu.memref_slice %arg2[%dma_start3A_215, %dma_start3A_216] : memref<10240x128xf32, #tpu.memory_space<hbm>> -> memref<10240x128xf32, #tpu.memory_space<hbm>>
        tpu.enqueue_indirect_dma source(%dma_start3A_217 : memref<10240x128xf32, #tpu.memory_space<hbm>>) target(%arg13 : memref<128x128xf32, #tpu.memory_space<vmem>>) offsets(%dma_start3A_214 : memref<128xi32, #tpu.memory_space<vmem>>) semaphore(%arg17 : memref<!tpu.dma_semaphore, #tpu.memory_space<semaphore_mem>>)
        %dma_wait3A_218 = arith.constant 6 : i32
        %dma_wait3A_219 = arith.constant 0 : i32
        %dma_wait3A_220 = tpu.memref_slice %arg10[%dma_wait3A_218, %dma_wait3A_219] : memref<8x128xi32, #tpu.memory_space<vmem>> -> memref<1x128xi32, #tpu.memory_space<vmem>>
        %dma_wait3A_221 = tpu.memref_squeeze %dma_wait3A_220 : memref<1x128xi32, #tpu.memory_space<vmem>> -> memref<128xi32, #tpu.memory_space<vmem>>
        %dma_wait3A_222 = arith.constant 0 : i32
        %dma_wait3A_223 = arith.constant 0 : i32
        %dma_wait3A_224 = tpu.memref_slice %arg2[%dma_wait3A_222, %dma_wait3A_223] : memref<10240x128xf32, #tpu.memory_space<hbm>> -> memref<10240x128xf32, #tpu.memory_space<hbm>>
        tpu.wait_indirect_dma semaphore(%arg16 : memref<!tpu.dma_semaphore, #tpu.memory_space<semaphore_mem>>) src(%dma_wait3A_224 : memref<10240x128xf32, #tpu.memory_space<hbm>>) dst(%arg12 : memref<128x128xf32, #tpu.memory_space<vmem>>)
        %dma_start3A_225 = arith.constant 6 : i32
        %dma_start3A_226 = arith.constant 0 : i32
        %dma_start3A_227 = tpu.memref_slice %arg11[%dma_start3A_225, %dma_start3A_226] : memref<8x128xi32, #tpu.memory_space<vmem>> -> memref<1x128xi32, #tpu.memory_space<vmem>>
        %dma_start3A_228 = tpu.memref_squeeze %dma_start3A_227 : memref<1x128xi32, #tpu.memory_space<vmem>> -> memref<128xi32, #tpu.memory_space<vmem>>
        %dma_start3A_229 = arith.constant 0 : i32
        %dma_start3A_230 = arith.constant 0 : i32
        %dma_start3A_231 = tpu.memref_slice %arg15[%dma_start3A_229, %dma_start3A_230] : memref<10240x128xf32, #tpu.memory_space<vmem_shared>> -> memref<10240x128xf32, #tpu.memory_space<vmem_shared>>
        tpu.enqueue_indirect_dma source(%arg12 : memref<128x128xf32, #tpu.memory_space<vmem>>) target(%dma_start3A_231 : memref<10240x128xf32, #tpu.memory_space<vmem_shared>>) offsets(%dma_start3A_228 : memref<128xi32, #tpu.memory_space<vmem>>) semaphore(%arg18 : memref<!tpu.dma_semaphore, #tpu.memory_space<semaphore_mem>>) {add = true}
        %dma_wait3A_232 = arith.constant 7 : i32
        %dma_wait3A_233 = arith.constant 0 : i32
        %dma_wait3A_234 = tpu.memref_slice %arg10[%dma_wait3A_232, %dma_wait3A_233] : memref<8x128xi32, #tpu.memory_space<vmem>> -> memref<1x128xi32, #tpu.memory_space<vmem>>
        %dma_wait3A_235 = tpu.memref_squeeze %dma_wait3A_234 : memref<1x128xi32, #tpu.memory_space<vmem>> -> memref<128xi32, #tpu.memory_space<vmem>>
        %dma_wait3A_236 = arith.constant 0 : i32
        %dma_wait3A_237 = arith.constant 0 : i32
        %dma_wait3A_238 = tpu.memref_slice %arg2[%dma_wait3A_236, %dma_wait3A_237] : memref<10240x128xf32, #tpu.memory_space<hbm>> -> memref<10240x128xf32, #tpu.memory_space<hbm>>
        tpu.wait_indirect_dma semaphore(%arg17 : memref<!tpu.dma_semaphore, #tpu.memory_space<semaphore_mem>>) src(%dma_wait3A_238 : memref<10240x128xf32, #tpu.memory_space<hbm>>) dst(%arg13 : memref<128x128xf32, #tpu.memory_space<vmem>>)
        %dma_start3A_239 = arith.constant 7 : i32
        %dma_start3A_240 = arith.constant 0 : i32
        %dma_start3A_241 = tpu.memref_slice %arg11[%dma_start3A_239, %dma_start3A_240] : memref<8x128xi32, #tpu.memory_space<vmem>> -> memref<1x128xi32, #tpu.memory_space<vmem>>
        %dma_start3A_242 = tpu.memref_squeeze %dma_start3A_241 : memref<1x128xi32, #tpu.memory_space<vmem>> -> memref<128xi32, #tpu.memory_space<vmem>>
        %dma_start3A_243 = arith.constant 0 : i32
        %dma_start3A_244 = arith.constant 0 : i32
        %dma_start3A_245 = tpu.memref_slice %arg15[%dma_start3A_243, %dma_start3A_244] : memref<10240x128xf32, #tpu.memory_space<vmem_shared>> -> memref<10240x128xf32, #tpu.memory_space<vmem_shared>>
        tpu.enqueue_indirect_dma source(%arg13 : memref<128x128xf32, #tpu.memory_space<vmem>>) target(%dma_start3A_245 : memref<10240x128xf32, #tpu.memory_space<vmem_shared>>) offsets(%dma_start3A_242 : memref<128xi32, #tpu.memory_space<vmem>>) semaphore(%arg19 : memref<!tpu.dma_semaphore, #tpu.memory_space<semaphore_mem>>) {add = true}
        %dma_wait3A_246 = arith.constant 6 : i32
        %dma_wait3A_247 = arith.constant 0 : i32
        %dma_wait3A_248 = tpu.memref_slice %arg11[%dma_wait3A_246, %dma_wait3A_247] : memref<8x128xi32, #tpu.memory_space<vmem>> -> memref<1x128xi32, #tpu.memory_space<vmem>>
        %dma_wait3A_249 = tpu.memref_squeeze %dma_wait3A_248 : memref<1x128xi32, #tpu.memory_space<vmem>> -> memref<128xi32, #tpu.memory_space<vmem>>
        %dma_wait3A_250 = arith.constant 0 : i32
        %dma_wait3A_251 = arith.constant 0 : i32
        %dma_wait3A_252 = tpu.memref_slice %arg15[%dma_wait3A_250, %dma_wait3A_251] : memref<10240x128xf32, #tpu.memory_space<vmem_shared>> -> memref<10240x128xf32, #tpu.memory_space<vmem_shared>>
        tpu.wait_indirect_dma semaphore(%arg18 : memref<!tpu.dma_semaphore, #tpu.memory_space<semaphore_mem>>) src(%arg12 : memref<128x128xf32, #tpu.memory_space<vmem>>) dst(%dma_wait3A_252 : memref<10240x128xf32, #tpu.memory_space<vmem_shared>>)
        %dma_wait3A_253 = arith.constant 7 : i32
        %dma_wait3A_254 = arith.constant 0 : i32
        %dma_wait3A_255 = tpu.memref_slice %arg11[%dma_wait3A_253, %dma_wait3A_254] : memref<8x128xi32, #tpu.memory_space<vmem>> -> memref<1x128xi32, #tpu.memory_space<vmem>>
        %dma_wait3A_256 = tpu.memref_squeeze %dma_wait3A_255 : memref<1x128xi32, #tpu.memory_space<vmem>> -> memref<128xi32, #tpu.memory_space<vmem>>
        %dma_wait3A_257 = arith.constant 0 : i32
        %dma_wait3A_258 = arith.constant 0 : i32
        %dma_wait3A_259 = tpu.memref_slice %arg15[%dma_wait3A_257, %dma_wait3A_258] : memref<10240x128xf32, #tpu.memory_space<vmem_shared>> -> memref<10240x128xf32, #tpu.memory_space<vmem_shared>>
        tpu.wait_indirect_dma semaphore(%arg19 : memref<!tpu.dma_semaphore, #tpu.memory_space<semaphore_mem>>) src(%arg13 : memref<128x128xf32, #tpu.memory_space<vmem>>) dst(%dma_wait3A_259 : memref<10240x128xf32, #tpu.memory_space<vmem_shared>>)
        %scan3A_260 = arith.constant 0 : i32
        scf.yield %scan3A_260 : i32
      }
      %scan3A_27 = arith.constant 20 : i32
      %barrier3A_28 = arith.constant 0 : index
      tpu.barrier barrier_id(%barrier3A_28)
      %mul3A = arith.constant 640 : i32
      %mul3A_29 = arith.muli %arg1, %mul3A : i32
      %mul3A_30 = arith.constant 640 : i32
      %mul3A_31 = arith.muli %arg1, %mul3A_30 : i32
      "tpu.region"() ({
        %run_scoped3A = tpu.sem_alloc : memref<!tpu.dma_semaphore, #tpu.memory_space<semaphore_mem>>
        %dma_start3A = arith.constant 0 : i32
        %dma_start3A_32 = tpu.memref_slice %arg8[%mul3A_31, %dma_start3A] : memref<10240x128xf32, #tpu.memory_space<hbm>> -> memref<640x128xf32, #tpu.memory_space<hbm>>
        %dma_start3A_33 = arith.constant 0 : i32
        %dma_start3A_34 = tpu.memref_slice %arg15[%mul3A_29, %dma_start3A_33] : memref<10240x128xf32, #tpu.memory_space<vmem_shared>> -> memref<640x128xf32, #tpu.memory_space<vmem_shared>>
        tpu.enqueue_dma source(%dma_start3A_34 : memref<640x128xf32, #tpu.memory_space<vmem_shared>>) target(%dma_start3A_32 : memref<640x128xf32, #tpu.memory_space<hbm>>) target_semaphore(%run_scoped3A : memref<!tpu.dma_semaphore, #tpu.memory_space<semaphore_mem>>)
        %dma_wait3A = arith.constant 0 : i32
        %dma_wait3A_35 = tpu.memref_slice %arg8[%mul3A_31, %dma_wait3A] : memref<10240x128xf32, #tpu.memory_space<hbm>> -> memref<640x128xf32, #tpu.memory_space<hbm>>
        %dma_wait3A_36 = arith.constant 0 : i32
        %dma_wait3A_37 = tpu.memref_slice %arg15[%mul3A_29, %dma_wait3A_36] : memref<10240x128xf32, #tpu.memory_space<vmem_shared>> -> memref<640x128xf32, #tpu.memory_space<vmem_shared>>
        tpu.wait_dma2 semaphore(%run_scoped3A : memref<!tpu.dma_semaphore, #tpu.memory_space<semaphore_mem>>) src(%dma_wait3A_37 : memref<640x128xf32, #tpu.memory_space<vmem_shared>>) dst(%dma_wait3A_35 : memref<640x128xf32, #tpu.memory_space<hbm>>)
        tpu.yield
      }) : () -> ()
    } else {
    }
    %eq3A_16 = arith.constant 1 : i32
    %eq3A_17 = arith.cmpi eq, %arg0, %eq3A_16 : i32
    %convert_element_type3A_18 = arith.extui %eq3A_17 : i1 to i32
    %cond3A_19 = arith.constant 0 : i32
    %cond3A_20 = arith.cmpi ne, %convert_element_type3A_18, %cond3A_19 : i32
    scf.if %cond3A_20 {
      %barrier3A = arith.constant 0 : index
      tpu.barrier barrier_id(%barrier3A)
      %scan3A_21 = arith.constant 0 : i32
      %scan3A_22 = arith.constant 0 : i32
      %scan3A_23 = arith.constant 20 : i32
      %scan3A_24 = arith.addi %scan3A_22, %scan3A_23 : i32
      %scan3A_25 = arith.constant 1 : i32
      %scan3A_26 = scf.for %scan3A_32 = %scan3A_22 to %scan3A_24 step %scan3A_25 iter_args(%scan3A_33 = %scan3A_21) -> (i32)  : i32 {
        %mul3A_34 = arith.constant 8 : i32
        %mul3A_35 = arith.muli %scan3A_32, %mul3A_34 : i32
        "tpu.region"() ({
          %run_scoped3A = tpu.sem_alloc : memref<!tpu.dma_semaphore, #tpu.memory_space<semaphore_mem>>
          %dma_start3A_261 = arith.constant 0 : i32
          %dma_start3A_262 = tpu.memref_slice %arg6[%arg1, %mul3A_35, %dma_start3A_261] : memref<16x160x128xi32, #tpu.memory_space<hbm>> -> memref<1x8x128xi32, #tpu.memory_space<hbm>>
          %dma_start3A_263 = tpu.memref_squeeze %dma_start3A_262 : memref<1x8x128xi32, #tpu.memory_space<hbm>> -> memref<8x128xi32, #tpu.memory_space<hbm>>
          %dma_start3A_264 = arith.constant 0 : i32
          %dma_start3A_265 = tpu.memref_slice %arg6[%arg1, %mul3A_35, %dma_start3A_264] : memref<16x160x128xi32, #tpu.memory_space<hbm>> -> memref<1x8x128xi32, #tpu.memory_space<hbm>>
          %dma_start3A_266 = tpu.memref_squeeze %dma_start3A_265 : memref<1x8x128xi32, #tpu.memory_space<hbm>> -> memref<8x128xi32, #tpu.memory_space<hbm>>
          tpu.enqueue_dma source(%dma_start3A_266 : memref<8x128xi32, #tpu.memory_space<hbm>>) target(%arg10 : memref<8x128xi32, #tpu.memory_space<vmem>>) target_semaphore(%run_scoped3A : memref<!tpu.dma_semaphore, #tpu.memory_space<semaphore_mem>>)
          %dma_wait3A_267 = arith.constant 0 : i32
          %dma_wait3A_268 = tpu.memref_slice %arg6[%arg1, %mul3A_35, %dma_wait3A_267] : memref<16x160x128xi32, #tpu.memory_space<hbm>> -> memref<1x8x128xi32, #tpu.memory_space<hbm>>
          %dma_wait3A_269 = tpu.memref_squeeze %dma_wait3A_268 : memref<1x8x128xi32, #tpu.memory_space<hbm>> -> memref<8x128xi32, #tpu.memory_space<hbm>>
          %dma_wait3A_270 = arith.constant 0 : i32
          %dma_wait3A_271 = tpu.memref_slice %arg6[%arg1, %mul3A_35, %dma_wait3A_270] : memref<16x160x128xi32, #tpu.memory_space<hbm>> -> memref<1x8x128xi32, #tpu.memory_space<hbm>>
          %dma_wait3A_272 = tpu.memref_squeeze %dma_wait3A_271 : memref<1x8x128xi32, #tpu.memory_space<hbm>> -> memref<8x128xi32, #tpu.memory_space<hbm>>
          tpu.wait_dma2 semaphore(%run_scoped3A : memref<!tpu.dma_semaphore, #tpu.memory_space<semaphore_mem>>) src(%dma_wait3A_272 : memref<8x128xi32, #tpu.memory_space<hbm>>) dst(%arg10 : memref<8x128xi32, #tpu.memory_space<vmem>>)
          tpu.yield
        }) : () -> ()
        %mul3A_36 = arith.constant 8 : i32
        %mul3A_37 = arith.muli %scan3A_32, %mul3A_36 : i32
        "tpu.region"() ({
          %run_scoped3A = tpu.sem_alloc : memref<!tpu.dma_semaphore, #tpu.memory_space<semaphore_mem>>
          %dma_start3A_261 = arith.constant 0 : i32
          %dma_start3A_262 = tpu.memref_slice %arg7[%arg1, %mul3A_37, %dma_start3A_261] : memref<16x160x128xi32, #tpu.memory_space<hbm>> -> memref<1x8x128xi32, #tpu.memory_space<hbm>>
          %dma_start3A_263 = tpu.memref_squeeze %dma_start3A_262 : memref<1x8x128xi32, #tpu.memory_space<hbm>> -> memref<8x128xi32, #tpu.memory_space<hbm>>
          %dma_start3A_264 = arith.constant 0 : i32
          %dma_start3A_265 = tpu.memref_slice %arg7[%arg1, %mul3A_37, %dma_start3A_264] : memref<16x160x128xi32, #tpu.memory_space<hbm>> -> memref<1x8x128xi32, #tpu.memory_space<hbm>>
          %dma_start3A_266 = tpu.memref_squeeze %dma_start3A_265 : memref<1x8x128xi32, #tpu.memory_space<hbm>> -> memref<8x128xi32, #tpu.memory_space<hbm>>
          tpu.enqueue_dma source(%dma_start3A_266 : memref<8x128xi32, #tpu.memory_space<hbm>>) target(%arg11 : memref<8x128xi32, #tpu.memory_space<vmem>>) target_semaphore(%run_scoped3A : memref<!tpu.dma_semaphore, #tpu.memory_space<semaphore_mem>>)
          %dma_wait3A_267 = arith.constant 0 : i32
          %dma_wait3A_268 = tpu.memref_slice %arg7[%arg1, %mul3A_37, %dma_wait3A_267] : memref<16x160x128xi32, #tpu.memory_space<hbm>> -> memref<1x8x128xi32, #tpu.memory_space<hbm>>
          %dma_wait3A_269 = tpu.memref_squeeze %dma_wait3A_268 : memref<1x8x128xi32, #tpu.memory_space<hbm>> -> memref<8x128xi32, #tpu.memory_space<hbm>>
          %dma_wait3A_270 = arith.constant 0 : i32
          %dma_wait3A_271 = tpu.memref_slice %arg7[%arg1, %mul3A_37, %dma_wait3A_270] : memref<16x160x128xi32, #tpu.memory_space<hbm>> -> memref<1x8x128xi32, #tpu.memory_space<hbm>>
          %dma_wait3A_272 = tpu.memref_squeeze %dma_wait3A_271 : memref<1x8x128xi32, #tpu.memory_space<hbm>> -> memref<8x128xi32, #tpu.memory_space<hbm>>
          tpu.wait_dma2 semaphore(%run_scoped3A : memref<!tpu.dma_semaphore, #tpu.memory_space<semaphore_mem>>) src(%dma_wait3A_272 : memref<8x128xi32, #tpu.memory_space<hbm>>) dst(%arg11 : memref<8x128xi32, #tpu.memory_space<vmem>>)
          tpu.yield
        }) : () -> ()
        %dma_start3A = arith.constant 0 : i32
        %dma_start3A_38 = arith.constant 0 : i32
        %dma_start3A_39 = tpu.memref_slice %arg10[%dma_start3A, %dma_start3A_38] : memref<8x128xi32, #tpu.memory_space<vmem>> -> memref<1x128xi32, #tpu.memory_space<vmem>>
        %dma_start3A_40 = tpu.memref_squeeze %dma_start3A_39 : memref<1x128xi32, #tpu.memory_space<vmem>> -> memref<128xi32, #tpu.memory_space<vmem>>
        %dma_start3A_41 = arith.constant 0 : i32
        %dma_start3A_42 = arith.constant 0 : i32
        %dma_start3A_43 = tpu.memref_slice %arg3[%dma_start3A_41, %dma_start3A_42] : memref<10240x128xf32, #tpu.memory_space<hbm>> -> memref<10240x128xf32, #tpu.memory_space<hbm>>
        tpu.enqueue_indirect_dma source(%dma_start3A_43 : memref<10240x128xf32, #tpu.memory_space<hbm>>) target(%arg12 : memref<128x128xf32, #tpu.memory_space<vmem>>) offsets(%dma_start3A_40 : memref<128xi32, #tpu.memory_space<vmem>>) semaphore(%arg16 : memref<!tpu.dma_semaphore, #tpu.memory_space<semaphore_mem>>)
        %dma_start3A_44 = arith.constant 1 : i32
        %dma_start3A_45 = arith.constant 0 : i32
        %dma_start3A_46 = tpu.memref_slice %arg10[%dma_start3A_44, %dma_start3A_45] : memref<8x128xi32, #tpu.memory_space<vmem>> -> memref<1x128xi32, #tpu.memory_space<vmem>>
        %dma_start3A_47 = tpu.memref_squeeze %dma_start3A_46 : memref<1x128xi32, #tpu.memory_space<vmem>> -> memref<128xi32, #tpu.memory_space<vmem>>
        %dma_start3A_48 = arith.constant 0 : i32
        %dma_start3A_49 = arith.constant 0 : i32
        %dma_start3A_50 = tpu.memref_slice %arg3[%dma_start3A_48, %dma_start3A_49] : memref<10240x128xf32, #tpu.memory_space<hbm>> -> memref<10240x128xf32, #tpu.memory_space<hbm>>
        tpu.enqueue_indirect_dma source(%dma_start3A_50 : memref<10240x128xf32, #tpu.memory_space<hbm>>) target(%arg13 : memref<128x128xf32, #tpu.memory_space<vmem>>) offsets(%dma_start3A_47 : memref<128xi32, #tpu.memory_space<vmem>>) semaphore(%arg17 : memref<!tpu.dma_semaphore, #tpu.memory_space<semaphore_mem>>)
        %dma_wait3A = arith.constant 0 : i32
        %dma_wait3A_51 = arith.constant 0 : i32
        %dma_wait3A_52 = tpu.memref_slice %arg10[%dma_wait3A, %dma_wait3A_51] : memref<8x128xi32, #tpu.memory_space<vmem>> -> memref<1x128xi32, #tpu.memory_space<vmem>>
        %dma_wait3A_53 = tpu.memref_squeeze %dma_wait3A_52 : memref<1x128xi32, #tpu.memory_space<vmem>> -> memref<128xi32, #tpu.memory_space<vmem>>
        %dma_wait3A_54 = arith.constant 0 : i32
        %dma_wait3A_55 = arith.constant 0 : i32
        %dma_wait3A_56 = tpu.memref_slice %arg3[%dma_wait3A_54, %dma_wait3A_55] : memref<10240x128xf32, #tpu.memory_space<hbm>> -> memref<10240x128xf32, #tpu.memory_space<hbm>>
        tpu.wait_indirect_dma semaphore(%arg16 : memref<!tpu.dma_semaphore, #tpu.memory_space<semaphore_mem>>) src(%dma_wait3A_56 : memref<10240x128xf32, #tpu.memory_space<hbm>>) dst(%arg12 : memref<128x128xf32, #tpu.memory_space<vmem>>)
        %dma_start3A_57 = arith.constant 0 : i32
        %dma_start3A_58 = arith.constant 0 : i32
        %dma_start3A_59 = tpu.memref_slice %arg11[%dma_start3A_57, %dma_start3A_58] : memref<8x128xi32, #tpu.memory_space<vmem>> -> memref<1x128xi32, #tpu.memory_space<vmem>>
        %dma_start3A_60 = tpu.memref_squeeze %dma_start3A_59 : memref<1x128xi32, #tpu.memory_space<vmem>> -> memref<128xi32, #tpu.memory_space<vmem>>
        %dma_start3A_61 = arith.constant 0 : i32
        %dma_start3A_62 = arith.constant 0 : i32
        %dma_start3A_63 = tpu.memref_slice %arg15[%dma_start3A_61, %dma_start3A_62] : memref<10240x128xf32, #tpu.memory_space<vmem_shared>> -> memref<10240x128xf32, #tpu.memory_space<vmem_shared>>
        tpu.enqueue_indirect_dma source(%arg12 : memref<128x128xf32, #tpu.memory_space<vmem>>) target(%dma_start3A_63 : memref<10240x128xf32, #tpu.memory_space<vmem_shared>>) offsets(%dma_start3A_60 : memref<128xi32, #tpu.memory_space<vmem>>) semaphore(%arg18 : memref<!tpu.dma_semaphore, #tpu.memory_space<semaphore_mem>>) {add = true}
        %dma_wait3A_64 = arith.constant 0 : i32
        %dma_wait3A_65 = arith.constant 0 : i32
        %dma_wait3A_66 = tpu.memref_slice %arg11[%dma_wait3A_64, %dma_wait3A_65] : memref<8x128xi32, #tpu.memory_space<vmem>> -> memref<1x128xi32, #tpu.memory_space<vmem>>
        %dma_wait3A_67 = tpu.memref_squeeze %dma_wait3A_66 : memref<1x128xi32, #tpu.memory_space<vmem>> -> memref<128xi32, #tpu.memory_space<vmem>>
        %dma_wait3A_68 = arith.constant 0 : i32
        %dma_wait3A_69 = arith.constant 0 : i32
        %dma_wait3A_70 = tpu.memref_slice %arg15[%dma_wait3A_68, %dma_wait3A_69] : memref<10240x128xf32, #tpu.memory_space<vmem_shared>> -> memref<10240x128xf32, #tpu.memory_space<vmem_shared>>
        tpu.wait_indirect_dma semaphore(%arg18 : memref<!tpu.dma_semaphore, #tpu.memory_space<semaphore_mem>>) src(%arg12 : memref<128x128xf32, #tpu.memory_space<vmem>>) dst(%dma_wait3A_70 : memref<10240x128xf32, #tpu.memory_space<vmem_shared>>)
        %dma_start3A_71 = arith.constant 2 : i32
        %dma_start3A_72 = arith.constant 0 : i32
        %dma_start3A_73 = tpu.memref_slice %arg10[%dma_start3A_71, %dma_start3A_72] : memref<8x128xi32, #tpu.memory_space<vmem>> -> memref<1x128xi32, #tpu.memory_space<vmem>>
        %dma_start3A_74 = tpu.memref_squeeze %dma_start3A_73 : memref<1x128xi32, #tpu.memory_space<vmem>> -> memref<128xi32, #tpu.memory_space<vmem>>
        %dma_start3A_75 = arith.constant 0 : i32
        %dma_start3A_76 = arith.constant 0 : i32
        %dma_start3A_77 = tpu.memref_slice %arg3[%dma_start3A_75, %dma_start3A_76] : memref<10240x128xf32, #tpu.memory_space<hbm>> -> memref<10240x128xf32, #tpu.memory_space<hbm>>
        tpu.enqueue_indirect_dma source(%dma_start3A_77 : memref<10240x128xf32, #tpu.memory_space<hbm>>) target(%arg12 : memref<128x128xf32, #tpu.memory_space<vmem>>) offsets(%dma_start3A_74 : memref<128xi32, #tpu.memory_space<vmem>>) semaphore(%arg16 : memref<!tpu.dma_semaphore, #tpu.memory_space<semaphore_mem>>)
        %dma_wait3A_78 = arith.constant 1 : i32
        %dma_wait3A_79 = arith.constant 0 : i32
        %dma_wait3A_80 = tpu.memref_slice %arg10[%dma_wait3A_78, %dma_wait3A_79] : memref<8x128xi32, #tpu.memory_space<vmem>> -> memref<1x128xi32, #tpu.memory_space<vmem>>
        %dma_wait3A_81 = tpu.memref_squeeze %dma_wait3A_80 : memref<1x128xi32, #tpu.memory_space<vmem>> -> memref<128xi32, #tpu.memory_space<vmem>>
        %dma_wait3A_82 = arith.constant 0 : i32
        %dma_wait3A_83 = arith.constant 0 : i32
        %dma_wait3A_84 = tpu.memref_slice %arg3[%dma_wait3A_82, %dma_wait3A_83] : memref<10240x128xf32, #tpu.memory_space<hbm>> -> memref<10240x128xf32, #tpu.memory_space<hbm>>
        tpu.wait_indirect_dma semaphore(%arg17 : memref<!tpu.dma_semaphore, #tpu.memory_space<semaphore_mem>>) src(%dma_wait3A_84 : memref<10240x128xf32, #tpu.memory_space<hbm>>) dst(%arg13 : memref<128x128xf32, #tpu.memory_space<vmem>>)
        %dma_start3A_85 = arith.constant 1 : i32
        %dma_start3A_86 = arith.constant 0 : i32
        %dma_start3A_87 = tpu.memref_slice %arg11[%dma_start3A_85, %dma_start3A_86] : memref<8x128xi32, #tpu.memory_space<vmem>> -> memref<1x128xi32, #tpu.memory_space<vmem>>
        %dma_start3A_88 = tpu.memref_squeeze %dma_start3A_87 : memref<1x128xi32, #tpu.memory_space<vmem>> -> memref<128xi32, #tpu.memory_space<vmem>>
        %dma_start3A_89 = arith.constant 0 : i32
        %dma_start3A_90 = arith.constant 0 : i32
        %dma_start3A_91 = tpu.memref_slice %arg15[%dma_start3A_89, %dma_start3A_90] : memref<10240x128xf32, #tpu.memory_space<vmem_shared>> -> memref<10240x128xf32, #tpu.memory_space<vmem_shared>>
        tpu.enqueue_indirect_dma source(%arg13 : memref<128x128xf32, #tpu.memory_space<vmem>>) target(%dma_start3A_91 : memref<10240x128xf32, #tpu.memory_space<vmem_shared>>) offsets(%dma_start3A_88 : memref<128xi32, #tpu.memory_space<vmem>>) semaphore(%arg19 : memref<!tpu.dma_semaphore, #tpu.memory_space<semaphore_mem>>) {add = true}
        %dma_wait3A_92 = arith.constant 1 : i32
        %dma_wait3A_93 = arith.constant 0 : i32
        %dma_wait3A_94 = tpu.memref_slice %arg11[%dma_wait3A_92, %dma_wait3A_93] : memref<8x128xi32, #tpu.memory_space<vmem>> -> memref<1x128xi32, #tpu.memory_space<vmem>>
        %dma_wait3A_95 = tpu.memref_squeeze %dma_wait3A_94 : memref<1x128xi32, #tpu.memory_space<vmem>> -> memref<128xi32, #tpu.memory_space<vmem>>
        %dma_wait3A_96 = arith.constant 0 : i32
        %dma_wait3A_97 = arith.constant 0 : i32
        %dma_wait3A_98 = tpu.memref_slice %arg15[%dma_wait3A_96, %dma_wait3A_97] : memref<10240x128xf32, #tpu.memory_space<vmem_shared>> -> memref<10240x128xf32, #tpu.memory_space<vmem_shared>>
        tpu.wait_indirect_dma semaphore(%arg19 : memref<!tpu.dma_semaphore, #tpu.memory_space<semaphore_mem>>) src(%arg13 : memref<128x128xf32, #tpu.memory_space<vmem>>) dst(%dma_wait3A_98 : memref<10240x128xf32, #tpu.memory_space<vmem_shared>>)
        %dma_start3A_99 = arith.constant 3 : i32
        %dma_start3A_100 = arith.constant 0 : i32
        %dma_start3A_101 = tpu.memref_slice %arg10[%dma_start3A_99, %dma_start3A_100] : memref<8x128xi32, #tpu.memory_space<vmem>> -> memref<1x128xi32, #tpu.memory_space<vmem>>
        %dma_start3A_102 = tpu.memref_squeeze %dma_start3A_101 : memref<1x128xi32, #tpu.memory_space<vmem>> -> memref<128xi32, #tpu.memory_space<vmem>>
        %dma_start3A_103 = arith.constant 0 : i32
        %dma_start3A_104 = arith.constant 0 : i32
        %dma_start3A_105 = tpu.memref_slice %arg3[%dma_start3A_103, %dma_start3A_104] : memref<10240x128xf32, #tpu.memory_space<hbm>> -> memref<10240x128xf32, #tpu.memory_space<hbm>>
        tpu.enqueue_indirect_dma source(%dma_start3A_105 : memref<10240x128xf32, #tpu.memory_space<hbm>>) target(%arg13 : memref<128x128xf32, #tpu.memory_space<vmem>>) offsets(%dma_start3A_102 : memref<128xi32, #tpu.memory_space<vmem>>) semaphore(%arg17 : memref<!tpu.dma_semaphore, #tpu.memory_space<semaphore_mem>>)
        %dma_wait3A_106 = arith.constant 2 : i32
        %dma_wait3A_107 = arith.constant 0 : i32
        %dma_wait3A_108 = tpu.memref_slice %arg10[%dma_wait3A_106, %dma_wait3A_107] : memref<8x128xi32, #tpu.memory_space<vmem>> -> memref<1x128xi32, #tpu.memory_space<vmem>>
        %dma_wait3A_109 = tpu.memref_squeeze %dma_wait3A_108 : memref<1x128xi32, #tpu.memory_space<vmem>> -> memref<128xi32, #tpu.memory_space<vmem>>
        %dma_wait3A_110 = arith.constant 0 : i32
        %dma_wait3A_111 = arith.constant 0 : i32
        %dma_wait3A_112 = tpu.memref_slice %arg3[%dma_wait3A_110, %dma_wait3A_111] : memref<10240x128xf32, #tpu.memory_space<hbm>> -> memref<10240x128xf32, #tpu.memory_space<hbm>>
        tpu.wait_indirect_dma semaphore(%arg16 : memref<!tpu.dma_semaphore, #tpu.memory_space<semaphore_mem>>) src(%dma_wait3A_112 : memref<10240x128xf32, #tpu.memory_space<hbm>>) dst(%arg12 : memref<128x128xf32, #tpu.memory_space<vmem>>)
        %dma_start3A_113 = arith.constant 2 : i32
        %dma_start3A_114 = arith.constant 0 : i32
        %dma_start3A_115 = tpu.memref_slice %arg11[%dma_start3A_113, %dma_start3A_114] : memref<8x128xi32, #tpu.memory_space<vmem>> -> memref<1x128xi32, #tpu.memory_space<vmem>>
        %dma_start3A_116 = tpu.memref_squeeze %dma_start3A_115 : memref<1x128xi32, #tpu.memory_space<vmem>> -> memref<128xi32, #tpu.memory_space<vmem>>
        %dma_start3A_117 = arith.constant 0 : i32
        %dma_start3A_118 = arith.constant 0 : i32
        %dma_start3A_119 = tpu.memref_slice %arg15[%dma_start3A_117, %dma_start3A_118] : memref<10240x128xf32, #tpu.memory_space<vmem_shared>> -> memref<10240x128xf32, #tpu.memory_space<vmem_shared>>
        tpu.enqueue_indirect_dma source(%arg12 : memref<128x128xf32, #tpu.memory_space<vmem>>) target(%dma_start3A_119 : memref<10240x128xf32, #tpu.memory_space<vmem_shared>>) offsets(%dma_start3A_116 : memref<128xi32, #tpu.memory_space<vmem>>) semaphore(%arg18 : memref<!tpu.dma_semaphore, #tpu.memory_space<semaphore_mem>>) {add = true}
        %dma_wait3A_120 = arith.constant 2 : i32
        %dma_wait3A_121 = arith.constant 0 : i32
        %dma_wait3A_122 = tpu.memref_slice %arg11[%dma_wait3A_120, %dma_wait3A_121] : memref<8x128xi32, #tpu.memory_space<vmem>> -> memref<1x128xi32, #tpu.memory_space<vmem>>
        %dma_wait3A_123 = tpu.memref_squeeze %dma_wait3A_122 : memref<1x128xi32, #tpu.memory_space<vmem>> -> memref<128xi32, #tpu.memory_space<vmem>>
        %dma_wait3A_124 = arith.constant 0 : i32
        %dma_wait3A_125 = arith.constant 0 : i32
        %dma_wait3A_126 = tpu.memref_slice %arg15[%dma_wait3A_124, %dma_wait3A_125] : memref<10240x128xf32, #tpu.memory_space<vmem_shared>> -> memref<10240x128xf32, #tpu.memory_space<vmem_shared>>
        tpu.wait_indirect_dma semaphore(%arg18 : memref<!tpu.dma_semaphore, #tpu.memory_space<semaphore_mem>>) src(%arg12 : memref<128x128xf32, #tpu.memory_space<vmem>>) dst(%dma_wait3A_126 : memref<10240x128xf32, #tpu.memory_space<vmem_shared>>)
        %dma_start3A_127 = arith.constant 4 : i32
        %dma_start3A_128 = arith.constant 0 : i32
        %dma_start3A_129 = tpu.memref_slice %arg10[%dma_start3A_127, %dma_start3A_128] : memref<8x128xi32, #tpu.memory_space<vmem>> -> memref<1x128xi32, #tpu.memory_space<vmem>>
        %dma_start3A_130 = tpu.memref_squeeze %dma_start3A_129 : memref<1x128xi32, #tpu.memory_space<vmem>> -> memref<128xi32, #tpu.memory_space<vmem>>
        %dma_start3A_131 = arith.constant 0 : i32
        %dma_start3A_132 = arith.constant 0 : i32
        %dma_start3A_133 = tpu.memref_slice %arg3[%dma_start3A_131, %dma_start3A_132] : memref<10240x128xf32, #tpu.memory_space<hbm>> -> memref<10240x128xf32, #tpu.memory_space<hbm>>
        tpu.enqueue_indirect_dma source(%dma_start3A_133 : memref<10240x128xf32, #tpu.memory_space<hbm>>) target(%arg12 : memref<128x128xf32, #tpu.memory_space<vmem>>) offsets(%dma_start3A_130 : memref<128xi32, #tpu.memory_space<vmem>>) semaphore(%arg16 : memref<!tpu.dma_semaphore, #tpu.memory_space<semaphore_mem>>)
        %dma_wait3A_134 = arith.constant 3 : i32
        %dma_wait3A_135 = arith.constant 0 : i32
        %dma_wait3A_136 = tpu.memref_slice %arg10[%dma_wait3A_134, %dma_wait3A_135] : memref<8x128xi32, #tpu.memory_space<vmem>> -> memref<1x128xi32, #tpu.memory_space<vmem>>
        %dma_wait3A_137 = tpu.memref_squeeze %dma_wait3A_136 : memref<1x128xi32, #tpu.memory_space<vmem>> -> memref<128xi32, #tpu.memory_space<vmem>>
        %dma_wait3A_138 = arith.constant 0 : i32
        %dma_wait3A_139 = arith.constant 0 : i32
        %dma_wait3A_140 = tpu.memref_slice %arg3[%dma_wait3A_138, %dma_wait3A_139] : memref<10240x128xf32, #tpu.memory_space<hbm>> -> memref<10240x128xf32, #tpu.memory_space<hbm>>
        tpu.wait_indirect_dma semaphore(%arg17 : memref<!tpu.dma_semaphore, #tpu.memory_space<semaphore_mem>>) src(%dma_wait3A_140 : memref<10240x128xf32, #tpu.memory_space<hbm>>) dst(%arg13 : memref<128x128xf32, #tpu.memory_space<vmem>>)
        %dma_start3A_141 = arith.constant 3 : i32
        %dma_start3A_142 = arith.constant 0 : i32
        %dma_start3A_143 = tpu.memref_slice %arg11[%dma_start3A_141, %dma_start3A_142] : memref<8x128xi32, #tpu.memory_space<vmem>> -> memref<1x128xi32, #tpu.memory_space<vmem>>
        %dma_start3A_144 = tpu.memref_squeeze %dma_start3A_143 : memref<1x128xi32, #tpu.memory_space<vmem>> -> memref<128xi32, #tpu.memory_space<vmem>>
        %dma_start3A_145 = arith.constant 0 : i32
        %dma_start3A_146 = arith.constant 0 : i32
        %dma_start3A_147 = tpu.memref_slice %arg15[%dma_start3A_145, %dma_start3A_146] : memref<10240x128xf32, #tpu.memory_space<vmem_shared>> -> memref<10240x128xf32, #tpu.memory_space<vmem_shared>>
        tpu.enqueue_indirect_dma source(%arg13 : memref<128x128xf32, #tpu.memory_space<vmem>>) target(%dma_start3A_147 : memref<10240x128xf32, #tpu.memory_space<vmem_shared>>) offsets(%dma_start3A_144 : memref<128xi32, #tpu.memory_space<vmem>>) semaphore(%arg19 : memref<!tpu.dma_semaphore, #tpu.memory_space<semaphore_mem>>) {add = true}
        %dma_wait3A_148 = arith.constant 3 : i32
        %dma_wait3A_149 = arith.constant 0 : i32
        %dma_wait3A_150 = tpu.memref_slice %arg11[%dma_wait3A_148, %dma_wait3A_149] : memref<8x128xi32, #tpu.memory_space<vmem>> -> memref<1x128xi32, #tpu.memory_space<vmem>>
        %dma_wait3A_151 = tpu.memref_squeeze %dma_wait3A_150 : memref<1x128xi32, #tpu.memory_space<vmem>> -> memref<128xi32, #tpu.memory_space<vmem>>
        %dma_wait3A_152 = arith.constant 0 : i32
        %dma_wait3A_153 = arith.constant 0 : i32
        %dma_wait3A_154 = tpu.memref_slice %arg15[%dma_wait3A_152, %dma_wait3A_153] : memref<10240x128xf32, #tpu.memory_space<vmem_shared>> -> memref<10240x128xf32, #tpu.memory_space<vmem_shared>>
        tpu.wait_indirect_dma semaphore(%arg19 : memref<!tpu.dma_semaphore, #tpu.memory_space<semaphore_mem>>) src(%arg13 : memref<128x128xf32, #tpu.memory_space<vmem>>) dst(%dma_wait3A_154 : memref<10240x128xf32, #tpu.memory_space<vmem_shared>>)
        %dma_start3A_155 = arith.constant 5 : i32
        %dma_start3A_156 = arith.constant 0 : i32
        %dma_start3A_157 = tpu.memref_slice %arg10[%dma_start3A_155, %dma_start3A_156] : memref<8x128xi32, #tpu.memory_space<vmem>> -> memref<1x128xi32, #tpu.memory_space<vmem>>
        %dma_start3A_158 = tpu.memref_squeeze %dma_start3A_157 : memref<1x128xi32, #tpu.memory_space<vmem>> -> memref<128xi32, #tpu.memory_space<vmem>>
        %dma_start3A_159 = arith.constant 0 : i32
        %dma_start3A_160 = arith.constant 0 : i32
        %dma_start3A_161 = tpu.memref_slice %arg3[%dma_start3A_159, %dma_start3A_160] : memref<10240x128xf32, #tpu.memory_space<hbm>> -> memref<10240x128xf32, #tpu.memory_space<hbm>>
        tpu.enqueue_indirect_dma source(%dma_start3A_161 : memref<10240x128xf32, #tpu.memory_space<hbm>>) target(%arg13 : memref<128x128xf32, #tpu.memory_space<vmem>>) offsets(%dma_start3A_158 : memref<128xi32, #tpu.memory_space<vmem>>) semaphore(%arg17 : memref<!tpu.dma_semaphore, #tpu.memory_space<semaphore_mem>>)
        %dma_wait3A_162 = arith.constant 4 : i32
        %dma_wait3A_163 = arith.constant 0 : i32
        %dma_wait3A_164 = tpu.memref_slice %arg10[%dma_wait3A_162, %dma_wait3A_163] : memref<8x128xi32, #tpu.memory_space<vmem>> -> memref<1x128xi32, #tpu.memory_space<vmem>>
        %dma_wait3A_165 = tpu.memref_squeeze %dma_wait3A_164 : memref<1x128xi32, #tpu.memory_space<vmem>> -> memref<128xi32, #tpu.memory_space<vmem>>
        %dma_wait3A_166 = arith.constant 0 : i32
        %dma_wait3A_167 = arith.constant 0 : i32
        %dma_wait3A_168 = tpu.memref_slice %arg3[%dma_wait3A_166, %dma_wait3A_167] : memref<10240x128xf32, #tpu.memory_space<hbm>> -> memref<10240x128xf32, #tpu.memory_space<hbm>>
        tpu.wait_indirect_dma semaphore(%arg16 : memref<!tpu.dma_semaphore, #tpu.memory_space<semaphore_mem>>) src(%dma_wait3A_168 : memref<10240x128xf32, #tpu.memory_space<hbm>>) dst(%arg12 : memref<128x128xf32, #tpu.memory_space<vmem>>)
        %dma_start3A_169 = arith.constant 4 : i32
        %dma_start3A_170 = arith.constant 0 : i32
        %dma_start3A_171 = tpu.memref_slice %arg11[%dma_start3A_169, %dma_start3A_170] : memref<8x128xi32, #tpu.memory_space<vmem>> -> memref<1x128xi32, #tpu.memory_space<vmem>>
        %dma_start3A_172 = tpu.memref_squeeze %dma_start3A_171 : memref<1x128xi32, #tpu.memory_space<vmem>> -> memref<128xi32, #tpu.memory_space<vmem>>
        %dma_start3A_173 = arith.constant 0 : i32
        %dma_start3A_174 = arith.constant 0 : i32
        %dma_start3A_175 = tpu.memref_slice %arg15[%dma_start3A_173, %dma_start3A_174] : memref<10240x128xf32, #tpu.memory_space<vmem_shared>> -> memref<10240x128xf32, #tpu.memory_space<vmem_shared>>
        tpu.enqueue_indirect_dma source(%arg12 : memref<128x128xf32, #tpu.memory_space<vmem>>) target(%dma_start3A_175 : memref<10240x128xf32, #tpu.memory_space<vmem_shared>>) offsets(%dma_start3A_172 : memref<128xi32, #tpu.memory_space<vmem>>) semaphore(%arg18 : memref<!tpu.dma_semaphore, #tpu.memory_space<semaphore_mem>>) {add = true}
        %dma_wait3A_176 = arith.constant 4 : i32
        %dma_wait3A_177 = arith.constant 0 : i32
        %dma_wait3A_178 = tpu.memref_slice %arg11[%dma_wait3A_176, %dma_wait3A_177] : memref<8x128xi32, #tpu.memory_space<vmem>> -> memref<1x128xi32, #tpu.memory_space<vmem>>
        %dma_wait3A_179 = tpu.memref_squeeze %dma_wait3A_178 : memref<1x128xi32, #tpu.memory_space<vmem>> -> memref<128xi32, #tpu.memory_space<vmem>>
        %dma_wait3A_180 = arith.constant 0 : i32
        %dma_wait3A_181 = arith.constant 0 : i32
        %dma_wait3A_182 = tpu.memref_slice %arg15[%dma_wait3A_180, %dma_wait3A_181] : memref<10240x128xf32, #tpu.memory_space<vmem_shared>> -> memref<10240x128xf32, #tpu.memory_space<vmem_shared>>
        tpu.wait_indirect_dma semaphore(%arg18 : memref<!tpu.dma_semaphore, #tpu.memory_space<semaphore_mem>>) src(%arg12 : memref<128x128xf32, #tpu.memory_space<vmem>>) dst(%dma_wait3A_182 : memref<10240x128xf32, #tpu.memory_space<vmem_shared>>)
        %dma_start3A_183 = arith.constant 6 : i32
        %dma_start3A_184 = arith.constant 0 : i32
        %dma_start3A_185 = tpu.memref_slice %arg10[%dma_start3A_183, %dma_start3A_184] : memref<8x128xi32, #tpu.memory_space<vmem>> -> memref<1x128xi32, #tpu.memory_space<vmem>>
        %dma_start3A_186 = tpu.memref_squeeze %dma_start3A_185 : memref<1x128xi32, #tpu.memory_space<vmem>> -> memref<128xi32, #tpu.memory_space<vmem>>
        %dma_start3A_187 = arith.constant 0 : i32
        %dma_start3A_188 = arith.constant 0 : i32
        %dma_start3A_189 = tpu.memref_slice %arg3[%dma_start3A_187, %dma_start3A_188] : memref<10240x128xf32, #tpu.memory_space<hbm>> -> memref<10240x128xf32, #tpu.memory_space<hbm>>
        tpu.enqueue_indirect_dma source(%dma_start3A_189 : memref<10240x128xf32, #tpu.memory_space<hbm>>) target(%arg12 : memref<128x128xf32, #tpu.memory_space<vmem>>) offsets(%dma_start3A_186 : memref<128xi32, #tpu.memory_space<vmem>>) semaphore(%arg16 : memref<!tpu.dma_semaphore, #tpu.memory_space<semaphore_mem>>)
        %dma_wait3A_190 = arith.constant 5 : i32
        %dma_wait3A_191 = arith.constant 0 : i32
        %dma_wait3A_192 = tpu.memref_slice %arg10[%dma_wait3A_190, %dma_wait3A_191] : memref<8x128xi32, #tpu.memory_space<vmem>> -> memref<1x128xi32, #tpu.memory_space<vmem>>
        %dma_wait3A_193 = tpu.memref_squeeze %dma_wait3A_192 : memref<1x128xi32, #tpu.memory_space<vmem>> -> memref<128xi32, #tpu.memory_space<vmem>>
        %dma_wait3A_194 = arith.constant 0 : i32
        %dma_wait3A_195 = arith.constant 0 : i32
        %dma_wait3A_196 = tpu.memref_slice %arg3[%dma_wait3A_194, %dma_wait3A_195] : memref<10240x128xf32, #tpu.memory_space<hbm>> -> memref<10240x128xf32, #tpu.memory_space<hbm>>
        tpu.wait_indirect_dma semaphore(%arg17 : memref<!tpu.dma_semaphore, #tpu.memory_space<semaphore_mem>>) src(%dma_wait3A_196 : memref<10240x128xf32, #tpu.memory_space<hbm>>) dst(%arg13 : memref<128x128xf32, #tpu.memory_space<vmem>>)
        %dma_start3A_197 = arith.constant 5 : i32
        %dma_start3A_198 = arith.constant 0 : i32
        %dma_start3A_199 = tpu.memref_slice %arg11[%dma_start3A_197, %dma_start3A_198] : memref<8x128xi32, #tpu.memory_space<vmem>> -> memref<1x128xi32, #tpu.memory_space<vmem>>
        %dma_start3A_200 = tpu.memref_squeeze %dma_start3A_199 : memref<1x128xi32, #tpu.memory_space<vmem>> -> memref<128xi32, #tpu.memory_space<vmem>>
        %dma_start3A_201 = arith.constant 0 : i32
        %dma_start3A_202 = arith.constant 0 : i32
        %dma_start3A_203 = tpu.memref_slice %arg15[%dma_start3A_201, %dma_start3A_202] : memref<10240x128xf32, #tpu.memory_space<vmem_shared>> -> memref<10240x128xf32, #tpu.memory_space<vmem_shared>>
        tpu.enqueue_indirect_dma source(%arg13 : memref<128x128xf32, #tpu.memory_space<vmem>>) target(%dma_start3A_203 : memref<10240x128xf32, #tpu.memory_space<vmem_shared>>) offsets(%dma_start3A_200 : memref<128xi32, #tpu.memory_space<vmem>>) semaphore(%arg19 : memref<!tpu.dma_semaphore, #tpu.memory_space<semaphore_mem>>) {add = true}
        %dma_wait3A_204 = arith.constant 5 : i32
        %dma_wait3A_205 = arith.constant 0 : i32
        %dma_wait3A_206 = tpu.memref_slice %arg11[%dma_wait3A_204, %dma_wait3A_205] : memref<8x128xi32, #tpu.memory_space<vmem>> -> memref<1x128xi32, #tpu.memory_space<vmem>>
        %dma_wait3A_207 = tpu.memref_squeeze %dma_wait3A_206 : memref<1x128xi32, #tpu.memory_space<vmem>> -> memref<128xi32, #tpu.memory_space<vmem>>
        %dma_wait3A_208 = arith.constant 0 : i32
        %dma_wait3A_209 = arith.constant 0 : i32
        %dma_wait3A_210 = tpu.memref_slice %arg15[%dma_wait3A_208, %dma_wait3A_209] : memref<10240x128xf32, #tpu.memory_space<vmem_shared>> -> memref<10240x128xf32, #tpu.memory_space<vmem_shared>>
        tpu.wait_indirect_dma semaphore(%arg19 : memref<!tpu.dma_semaphore, #tpu.memory_space<semaphore_mem>>) src(%arg13 : memref<128x128xf32, #tpu.memory_space<vmem>>) dst(%dma_wait3A_210 : memref<10240x128xf32, #tpu.memory_space<vmem_shared>>)
        %dma_start3A_211 = arith.constant 7 : i32
        %dma_start3A_212 = arith.constant 0 : i32
        %dma_start3A_213 = tpu.memref_slice %arg10[%dma_start3A_211, %dma_start3A_212] : memref<8x128xi32, #tpu.memory_space<vmem>> -> memref<1x128xi32, #tpu.memory_space<vmem>>
        %dma_start3A_214 = tpu.memref_squeeze %dma_start3A_213 : memref<1x128xi32, #tpu.memory_space<vmem>> -> memref<128xi32, #tpu.memory_space<vmem>>
        %dma_start3A_215 = arith.constant 0 : i32
        %dma_start3A_216 = arith.constant 0 : i32
        %dma_start3A_217 = tpu.memref_slice %arg3[%dma_start3A_215, %dma_start3A_216] : memref<10240x128xf32, #tpu.memory_space<hbm>> -> memref<10240x128xf32, #tpu.memory_space<hbm>>
        tpu.enqueue_indirect_dma source(%dma_start3A_217 : memref<10240x128xf32, #tpu.memory_space<hbm>>) target(%arg13 : memref<128x128xf32, #tpu.memory_space<vmem>>) offsets(%dma_start3A_214 : memref<128xi32, #tpu.memory_space<vmem>>) semaphore(%arg17 : memref<!tpu.dma_semaphore, #tpu.memory_space<semaphore_mem>>)
        %dma_wait3A_218 = arith.constant 6 : i32
        %dma_wait3A_219 = arith.constant 0 : i32
        %dma_wait3A_220 = tpu.memref_slice %arg10[%dma_wait3A_218, %dma_wait3A_219] : memref<8x128xi32, #tpu.memory_space<vmem>> -> memref<1x128xi32, #tpu.memory_space<vmem>>
        %dma_wait3A_221 = tpu.memref_squeeze %dma_wait3A_220 : memref<1x128xi32, #tpu.memory_space<vmem>> -> memref<128xi32, #tpu.memory_space<vmem>>
        %dma_wait3A_222 = arith.constant 0 : i32
        %dma_wait3A_223 = arith.constant 0 : i32
        %dma_wait3A_224 = tpu.memref_slice %arg3[%dma_wait3A_222, %dma_wait3A_223] : memref<10240x128xf32, #tpu.memory_space<hbm>> -> memref<10240x128xf32, #tpu.memory_space<hbm>>
        tpu.wait_indirect_dma semaphore(%arg16 : memref<!tpu.dma_semaphore, #tpu.memory_space<semaphore_mem>>) src(%dma_wait3A_224 : memref<10240x128xf32, #tpu.memory_space<hbm>>) dst(%arg12 : memref<128x128xf32, #tpu.memory_space<vmem>>)
        %dma_start3A_225 = arith.constant 6 : i32
        %dma_start3A_226 = arith.constant 0 : i32
        %dma_start3A_227 = tpu.memref_slice %arg11[%dma_start3A_225, %dma_start3A_226] : memref<8x128xi32, #tpu.memory_space<vmem>> -> memref<1x128xi32, #tpu.memory_space<vmem>>
        %dma_start3A_228 = tpu.memref_squeeze %dma_start3A_227 : memref<1x128xi32, #tpu.memory_space<vmem>> -> memref<128xi32, #tpu.memory_space<vmem>>
        %dma_start3A_229 = arith.constant 0 : i32
        %dma_start3A_230 = arith.constant 0 : i32
        %dma_start3A_231 = tpu.memref_slice %arg15[%dma_start3A_229, %dma_start3A_230] : memref<10240x128xf32, #tpu.memory_space<vmem_shared>> -> memref<10240x128xf32, #tpu.memory_space<vmem_shared>>
        tpu.enqueue_indirect_dma source(%arg12 : memref<128x128xf32, #tpu.memory_space<vmem>>) target(%dma_start3A_231 : memref<10240x128xf32, #tpu.memory_space<vmem_shared>>) offsets(%dma_start3A_228 : memref<128xi32, #tpu.memory_space<vmem>>) semaphore(%arg18 : memref<!tpu.dma_semaphore, #tpu.memory_space<semaphore_mem>>) {add = true}
        %dma_wait3A_232 = arith.constant 7 : i32
        %dma_wait3A_233 = arith.constant 0 : i32
        %dma_wait3A_234 = tpu.memref_slice %arg10[%dma_wait3A_232, %dma_wait3A_233] : memref<8x128xi32, #tpu.memory_space<vmem>> -> memref<1x128xi32, #tpu.memory_space<vmem>>
        %dma_wait3A_235 = tpu.memref_squeeze %dma_wait3A_234 : memref<1x128xi32, #tpu.memory_space<vmem>> -> memref<128xi32, #tpu.memory_space<vmem>>
        %dma_wait3A_236 = arith.constant 0 : i32
        %dma_wait3A_237 = arith.constant 0 : i32
        %dma_wait3A_238 = tpu.memref_slice %arg3[%dma_wait3A_236, %dma_wait3A_237] : memref<10240x128xf32, #tpu.memory_space<hbm>> -> memref<10240x128xf32, #tpu.memory_space<hbm>>
        tpu.wait_indirect_dma semaphore(%arg17 : memref<!tpu.dma_semaphore, #tpu.memory_space<semaphore_mem>>) src(%dma_wait3A_238 : memref<10240x128xf32, #tpu.memory_space<hbm>>) dst(%arg13 : memref<128x128xf32, #tpu.memory_space<vmem>>)
        %dma_start3A_239 = arith.constant 7 : i32
        %dma_start3A_240 = arith.constant 0 : i32
        %dma_start3A_241 = tpu.memref_slice %arg11[%dma_start3A_239, %dma_start3A_240] : memref<8x128xi32, #tpu.memory_space<vmem>> -> memref<1x128xi32, #tpu.memory_space<vmem>>
        %dma_start3A_242 = tpu.memref_squeeze %dma_start3A_241 : memref<1x128xi32, #tpu.memory_space<vmem>> -> memref<128xi32, #tpu.memory_space<vmem>>
        %dma_start3A_243 = arith.constant 0 : i32
        %dma_start3A_244 = arith.constant 0 : i32
        %dma_start3A_245 = tpu.memref_slice %arg15[%dma_start3A_243, %dma_start3A_244] : memref<10240x128xf32, #tpu.memory_space<vmem_shared>> -> memref<10240x128xf32, #tpu.memory_space<vmem_shared>>
        tpu.enqueue_indirect_dma source(%arg13 : memref<128x128xf32, #tpu.memory_space<vmem>>) target(%dma_start3A_245 : memref<10240x128xf32, #tpu.memory_space<vmem_shared>>) offsets(%dma_start3A_242 : memref<128xi32, #tpu.memory_space<vmem>>) semaphore(%arg19 : memref<!tpu.dma_semaphore, #tpu.memory_space<semaphore_mem>>) {add = true}
        %dma_wait3A_246 = arith.constant 6 : i32
        %dma_wait3A_247 = arith.constant 0 : i32
        %dma_wait3A_248 = tpu.memref_slice %arg11[%dma_wait3A_246, %dma_wait3A_247] : memref<8x128xi32, #tpu.memory_space<vmem>> -> memref<1x128xi32, #tpu.memory_space<vmem>>
        %dma_wait3A_249 = tpu.memref_squeeze %dma_wait3A_248 : memref<1x128xi32, #tpu.memory_space<vmem>> -> memref<128xi32, #tpu.memory_space<vmem>>
        %dma_wait3A_250 = arith.constant 0 : i32
        %dma_wait3A_251 = arith.constant 0 : i32
        %dma_wait3A_252 = tpu.memref_slice %arg15[%dma_wait3A_250, %dma_wait3A_251] : memref<10240x128xf32, #tpu.memory_space<vmem_shared>> -> memref<10240x128xf32, #tpu.memory_space<vmem_shared>>
        tpu.wait_indirect_dma semaphore(%arg18 : memref<!tpu.dma_semaphore, #tpu.memory_space<semaphore_mem>>) src(%arg12 : memref<128x128xf32, #tpu.memory_space<vmem>>) dst(%dma_wait3A_252 : memref<10240x128xf32, #tpu.memory_space<vmem_shared>>)
        %dma_wait3A_253 = arith.constant 7 : i32
        %dma_wait3A_254 = arith.constant 0 : i32
        %dma_wait3A_255 = tpu.memref_slice %arg11[%dma_wait3A_253, %dma_wait3A_254] : memref<8x128xi32, #tpu.memory_space<vmem>> -> memref<1x128xi32, #tpu.memory_space<vmem>>
        %dma_wait3A_256 = tpu.memref_squeeze %dma_wait3A_255 : memref<1x128xi32, #tpu.memory_space<vmem>> -> memref<128xi32, #tpu.memory_space<vmem>>
        %dma_wait3A_257 = arith.constant 0 : i32
        %dma_wait3A_258 = arith.constant 0 : i32
        %dma_wait3A_259 = tpu.memref_slice %arg15[%dma_wait3A_257, %dma_wait3A_258] : memref<10240x128xf32, #tpu.memory_space<vmem_shared>> -> memref<10240x128xf32, #tpu.memory_space<vmem_shared>>
        tpu.wait_indirect_dma semaphore(%arg19 : memref<!tpu.dma_semaphore, #tpu.memory_space<semaphore_mem>>) src(%arg13 : memref<128x128xf32, #tpu.memory_space<vmem>>) dst(%dma_wait3A_259 : memref<10240x128xf32, #tpu.memory_space<vmem_shared>>)
        %scan3A_260 = arith.constant 0 : i32
        scf.yield %scan3A_260 : i32
      }
      %scan3A_27 = arith.constant 20 : i32
      %barrier3A_28 = arith.constant 0 : index
      tpu.barrier barrier_id(%barrier3A_28)
      %mul3A = arith.constant 640 : i32
      %mul3A_29 = arith.muli %arg1, %mul3A : i32
      %mul3A_30 = arith.constant 640 : i32
      %mul3A_31 = arith.muli %arg1, %mul3A_30 : i32
      "tpu.region"() ({
        %run_scoped3A = tpu.sem_alloc : memref<!tpu.dma_semaphore, #tpu.memory_space<semaphore_mem>>
        %dma_start3A = arith.constant 0 : i32
        %dma_start3A_32 = tpu.memref_slice %arg9[%mul3A_31, %dma_start3A] : memref<10240x128xf32, #tpu.memory_space<hbm>> -> memref<640x128xf32, #tpu.memory_space<hbm>>
        %dma_start3A_33 = arith.constant 0 : i32
        %dma_start3A_34 = tpu.memref_slice %arg15[%mul3A_29, %dma_start3A_33] : memref<10240x128xf32, #tpu.memory_space<vmem_shared>> -> memref<640x128xf32, #tpu.memory_space<vmem_shared>>
        tpu.enqueue_dma source(%dma_start3A_34 : memref<640x128xf32, #tpu.memory_space<vmem_shared>>) target(%dma_start3A_32 : memref<640x128xf32, #tpu.memory_space<hbm>>) target_semaphore(%run_scoped3A : memref<!tpu.dma_semaphore, #tpu.memory_space<semaphore_mem>>)
        %dma_wait3A = arith.constant 0 : i32
        %dma_wait3A_35 = tpu.memref_slice %arg9[%mul3A_31, %dma_wait3A] : memref<10240x128xf32, #tpu.memory_space<hbm>> -> memref<640x128xf32, #tpu.memory_space<hbm>>
        %dma_wait3A_36 = arith.constant 0 : i32
        %dma_wait3A_37 = tpu.memref_slice %arg15[%mul3A_29, %dma_wait3A_36] : memref<10240x128xf32, #tpu.memory_space<vmem_shared>> -> memref<640x128xf32, #tpu.memory_space<vmem_shared>>
        tpu.wait_dma2 semaphore(%run_scoped3A : memref<!tpu.dma_semaphore, #tpu.memory_space<semaphore_mem>>) src(%dma_wait3A_37 : memref<640x128xf32, #tpu.memory_space<vmem_shared>>) dst(%dma_wait3A_35 : memref<640x128xf32, #tpu.memory_space<hbm>>)
        tpu.yield
      }) : () -> ()
    } else {
    }
    return
  }
}

module attributes {stable_mosaic.version = 14 : i64} {
  func.func @_k1_body(%arg0: i32, %arg1: memref<1024x128xf32, #tpu.memory_space<vmem>>, %arg2: memref<1024x128xf32, #tpu.memory_space<vmem>>, %arg3: memref<128x128xf32, #tpu.memory_space<vmem>>, %arg4: memref<1x128xf32, #tpu.memory_space<vmem>>, %arg5: memref<128x128xf32, #tpu.memory_space<vmem>>, %arg6: memref<1x128xf32, #tpu.memory_space<vmem>>, %arg7: memref<128x128xf32, #tpu.memory_space<vmem>>, %arg8: memref<128x128xf32, #tpu.memory_space<vmem>>, %arg9: memref<1024x128xf32, #tpu.memory_space<vmem>>, %arg10: memref<1024x128xf32, #tpu.memory_space<vmem>>, %arg11: memref<1024x128xf32, #tpu.memory_space<vmem>>, %arg12: memref<1024x128xf32, #tpu.memory_space<vmem>>) attributes {dimension_semantics = [#tpu.dimension_semantics<arbitrary>], iteration_bounds = array<i64: 10>, scalar_prefetch = 0 : i64, scratch_operands = 0 : i64, tpu.core_type = #tpu.core_type<tc>, window_params = [{transform_indices = @transform_0, window_bounds = array<i64: 1024, 128>}, {transform_indices = @transform_1, window_bounds = array<i64: 1024, 128>}, {pipeline_mode = #tpu.pipeline_mode<synchronous>, transform_indices = @transform_2, window_bounds = array<i64: 128, 128>}, {pipeline_mode = #tpu.pipeline_mode<synchronous>, transform_indices = @transform_3, window_bounds = array<i64: 1, 128>}, {pipeline_mode = #tpu.pipeline_mode<synchronous>, transform_indices = @transform_4, window_bounds = array<i64: 128, 128>}, {pipeline_mode = #tpu.pipeline_mode<synchronous>, transform_indices = @transform_5, window_bounds = array<i64: 1, 128>}, {pipeline_mode = #tpu.pipeline_mode<synchronous>, transform_indices = @transform_6, window_bounds = array<i64: 128, 128>}, {pipeline_mode = #tpu.pipeline_mode<synchronous>, transform_indices = @transform_7, window_bounds = array<i64: 128, 128>}, {transform_indices = @transform_8, window_bounds = array<i64: 1024, 128>}, {transform_indices = @transform_9, window_bounds = array<i64: 1024, 128>}, {transform_indices = @transform_10, window_bounds = array<i64: 1024, 128>}, {transform_indices = @transform_11, window_bounds = array<i64: 1024, 128>}]} {
    %get3A = arith.constant 0 : index
    %get3A_0 = arith.constant 0 : index
    %get3A_1 = vector.load %arg1[%get3A, %get3A_0] : memref<1024x128xf32, #tpu.memory_space<vmem>>, vector<1024x128xf32>
    %get3A_2 = arith.constant 0 : index
    %get3A_3 = arith.constant 0 : index
    %get3A_4 = vector.load %arg3[%get3A_2, %get3A_3] : memref<128x128xf32, #tpu.memory_space<vmem>>, vector<128x128xf32>
    %dot_general3A = arith.constant dense<0.000000e+00> : vector<1024x128xf32>
    %dot_general3A_5 = tpu.matmul %get3A_1, %get3A_4, %dot_general3A {dimension_numbers = #tpu.dot_dimension_numbers<[1], [0], [0], [1], [0, 0, 1, 1], [], []>, transpose_lhs_hint = false} : vector<1024x128xf32>, vector<128x128xf32>, vector<1024x128xf32> -> vector<1024x128xf32>
    %get3A_6 = arith.constant 0 : index
    %get3A_7 = arith.constant 0 : index
    %get3A_8 = vector.load %arg4[%get3A_6, %get3A_7] : memref<1x128xf32, #tpu.memory_space<vmem>>, vector<1x128xf32>
    %add3A = vector.broadcast %get3A_8 : vector<1x128xf32> to vector<1024x128xf32>
    %add3A_9 = arith.addf %dot_general3A_5, %add3A : vector<1024x128xf32>
    %get3A_10 = arith.constant 0 : index
    %get3A_11 = arith.constant 0 : index
    %get3A_12 = vector.load %arg2[%get3A_10, %get3A_11] : memref<1024x128xf32, #tpu.memory_space<vmem>>, vector<1024x128xf32>
    %get3A_13 = arith.constant 0 : index
    %get3A_14 = arith.constant 0 : index
    %get3A_15 = vector.load %arg5[%get3A_13, %get3A_14] : memref<128x128xf32, #tpu.memory_space<vmem>>, vector<128x128xf32>
    %dot_general3A_16 = arith.constant dense<0.000000e+00> : vector<1024x128xf32>
    %dot_general3A_17 = tpu.matmul %get3A_12, %get3A_15, %dot_general3A_16 {dimension_numbers = #tpu.dot_dimension_numbers<[1], [0], [0], [1], [0, 0, 1, 1], [], []>, transpose_lhs_hint = false} : vector<1024x128xf32>, vector<128x128xf32>, vector<1024x128xf32> -> vector<1024x128xf32>
    %get3A_18 = arith.constant 0 : index
    %get3A_19 = arith.constant 0 : index
    %get3A_20 = vector.load %arg6[%get3A_18, %get3A_19] : memref<1x128xf32, #tpu.memory_space<vmem>>, vector<1x128xf32>
    %add3A_21 = vector.broadcast %get3A_20 : vector<1x128xf32> to vector<1024x128xf32>
    %add3A_22 = arith.addf %dot_general3A_17, %add3A_21 : vector<1024x128xf32>
    %swap3A = arith.constant 0 : index
    %swap3A_23 = arith.constant 0 : index
    %swap3A_24 = vector.load %arg9[%swap3A, %swap3A_23] : memref<1024x128xf32, #tpu.memory_space<vmem>>, vector<1024x128xf32>
    tpu.vector_store %arg9[%swap3A, %swap3A_23], %add3A_9 {strides = array<i32>} : memref<1024x128xf32, #tpu.memory_space<vmem>>, vector<1024x128xf32>,
    %swap3A_25 = arith.constant 0 : index
    %swap3A_26 = arith.constant 0 : index
    %swap3A_27 = vector.load %arg10[%swap3A_25, %swap3A_26] : memref<1024x128xf32, #tpu.memory_space<vmem>>, vector<1024x128xf32>
    tpu.vector_store %arg10[%swap3A_25, %swap3A_26], %add3A_22 {strides = array<i32>} : memref<1024x128xf32, #tpu.memory_space<vmem>>, vector<1024x128xf32>,
    %get3A_28 = arith.constant 0 : index
    %get3A_29 = arith.constant 0 : index
    %get3A_30 = vector.load %arg7[%get3A_28, %get3A_29] : memref<128x128xf32, #tpu.memory_space<vmem>>, vector<128x128xf32>
    %dot_general3A_31 = arith.constant dense<0.000000e+00> : vector<1024x128xf32>
    %dot_general3A_32 = tpu.matmul %add3A_9, %get3A_30, %dot_general3A_31 {dimension_numbers = #tpu.dot_dimension_numbers<[1], [0], [0], [1], [0, 0, 1, 1], [], []>, transpose_lhs_hint = false} : vector<1024x128xf32>, vector<128x128xf32>, vector<1024x128xf32> -> vector<1024x128xf32>
    %swap3A_33 = arith.constant 0 : index
    %swap3A_34 = arith.constant 0 : index
    %swap3A_35 = vector.load %arg11[%swap3A_33, %swap3A_34] : memref<1024x128xf32, #tpu.memory_space<vmem>>, vector<1024x128xf32>
    tpu.vector_store %arg11[%swap3A_33, %swap3A_34], %dot_general3A_32 {strides = array<i32>} : memref<1024x128xf32, #tpu.memory_space<vmem>>, vector<1024x128xf32>,
    %get3A_36 = arith.constant 0 : index
    %get3A_37 = arith.constant 0 : index
    %get3A_38 = vector.load %arg8[%get3A_36, %get3A_37] : memref<128x128xf32, #tpu.memory_space<vmem>>, vector<128x128xf32>
    %dot_general3A_39 = arith.constant dense<0.000000e+00> : vector<1024x128xf32>
    %dot_general3A_40 = tpu.matmul %add3A_22, %get3A_38, %dot_general3A_39 {dimension_numbers = #tpu.dot_dimension_numbers<[1], [0], [0], [1], [0, 0, 1, 1], [], []>, transpose_lhs_hint = false} : vector<1024x128xf32>, vector<128x128xf32>, vector<1024x128xf32> -> vector<1024x128xf32>
    %swap3A_41 = arith.constant 0 : index
    %swap3A_42 = arith.constant 0 : index
    %swap3A_43 = vector.load %arg12[%swap3A_41, %swap3A_42] : memref<1024x128xf32, #tpu.memory_space<vmem>>, vector<1024x128xf32>
    tpu.vector_store %arg12[%swap3A_41, %swap3A_42], %dot_general3A_40 {strides = array<i32>} : memref<1024x128xf32, #tpu.memory_space<vmem>>, vector<1024x128xf32>,
    return
  }
  func.func @transform_0(%arg0: i32) -> (i32, i32) {
    %c0_i32 = arith.constant 0 : i32
    %c0_i32_0 = arith.constant 0 : i32
    return %arg0, %c0_i32 : i32, i32
  }
  func.func @transform_1(%arg0: i32) -> (i32, i32) {
    %c0_i32 = arith.constant 0 : i32
    %c0_i32_0 = arith.constant 0 : i32
    return %arg0, %c0_i32 : i32, i32
  }
  func.func @transform_2(%arg0: i32) -> (i32, i32) {
    %c0_i32 = arith.constant 0 : i32
    %c0_i32_0 = arith.constant 0 : i32
    %c0_i32_1 = arith.constant 0 : i32
    return %c0_i32, %c0_i32_0 : i32, i32
  }
  func.func @transform_3(%arg0: i32) -> (i32, i32) {
    %c0_i32 = arith.constant 0 : i32
    %c0_i32_0 = arith.constant 0 : i32
    %c0_i32_1 = arith.constant 0 : i32
    return %c0_i32, %c0_i32_0 : i32, i32
  }
  func.func @transform_4(%arg0: i32) -> (i32, i32) {
    %c0_i32 = arith.constant 0 : i32
    %c0_i32_0 = arith.constant 0 : i32
    %c0_i32_1 = arith.constant 0 : i32
    return %c0_i32, %c0_i32_0 : i32, i32
  }
  func.func @transform_5(%arg0: i32) -> (i32, i32) {
    %c0_i32 = arith.constant 0 : i32
    %c0_i32_0 = arith.constant 0 : i32
    %c0_i32_1 = arith.constant 0 : i32
    return %c0_i32, %c0_i32_0 : i32, i32
  }
  func.func @transform_6(%arg0: i32) -> (i32, i32) {
    %c0_i32 = arith.constant 0 : i32
    %c0_i32_0 = arith.constant 0 : i32
    %c0_i32_1 = arith.constant 0 : i32
    return %c0_i32, %c0_i32_0 : i32, i32
  }
  func.func @transform_7(%arg0: i32) -> (i32, i32) {
    %c0_i32 = arith.constant 0 : i32
    %c0_i32_0 = arith.constant 0 : i32
    %c0_i32_1 = arith.constant 0 : i32
    return %c0_i32, %c0_i32_0 : i32, i32
  }
  func.func @transform_8(%arg0: i32) -> (i32, i32) {
    %c0_i32 = arith.constant 0 : i32
    %c0_i32_0 = arith.constant 0 : i32
    return %arg0, %c0_i32 : i32, i32
  }
  func.func @transform_9(%arg0: i32) -> (i32, i32) {
    %c0_i32 = arith.constant 0 : i32
    %c0_i32_0 = arith.constant 0 : i32
    return %arg0, %c0_i32 : i32, i32
  }
  func.func @transform_10(%arg0: i32) -> (i32, i32) {
    %c0_i32 = arith.constant 0 : i32
    %c0_i32_0 = arith.constant 0 : i32
    return %arg0, %c0_i32 : i32, i32
  }
  func.func @transform_11(%arg0: i32) -> (i32, i32) {
    %c0_i32 = arith.constant 0 : i32
    %c0_i32_0 = arith.constant 0 : i32
    return %arg0, %c0_i32 : i32, i32
  }
}

module attributes {stable_mosaic.version = 14 : i64} {
  func.func @_k3_body(%arg0: i32, %arg1: memref<1024x128xf32, #tpu.memory_space<vmem>>, %arg2: memref<1024x128xf32, #tpu.memory_space<vmem>>, %arg3: memref<1024x128xf32, #tpu.memory_space<vmem>>, %arg4: memref<1024x128xf32, #tpu.memory_space<vmem>>, %arg5: memref<1024x1xf32, #tpu.memory_space<vmem>>, %arg6: memref<1024x1xf32, #tpu.memory_space<vmem>>, %arg7: memref<128x128xf32, #tpu.memory_space<vmem>>, %arg8: memref<1x128xf32, #tpu.memory_space<vmem>>, %arg9: memref<128x384xf32, #tpu.memory_space<vmem>>, %arg10: memref<1x384xf32, #tpu.memory_space<vmem>>, %arg11: memref<1x384xf32, #tpu.memory_space<vmem>>, %arg12: memref<128x128xf32, #tpu.memory_space<vmem>>, %arg13: memref<128x128xf32, #tpu.memory_space<vmem>>, %arg14: memref<1x128xf32, #tpu.memory_space<vmem>>, %arg15: memref<128x384xf32, #tpu.memory_space<vmem>>, %arg16: memref<1x384xf32, #tpu.memory_space<vmem>>, %arg17: memref<1x384xf32, #tpu.memory_space<vmem>>, %arg18: memref<128x128xf32, #tpu.memory_space<vmem>>, %arg19: memref<1024x128xf32, #tpu.memory_space<vmem>>, %arg20: memref<1024x128xf32, #tpu.memory_space<vmem>>, %arg21: memref<1024x128xf32, #tpu.memory_space<vmem>>, %arg22: memref<1024x128xf32, #tpu.memory_space<vmem>>) attributes {dimension_semantics = [#tpu.dimension_semantics<arbitrary>], iteration_bounds = array<i64: 10>, scalar_prefetch = 0 : i64, scratch_operands = 0 : i64, tpu.core_type = #tpu.core_type<tc>, window_params = [{transform_indices = @transform_0, window_bounds = array<i64: 1024, 128>}, {transform_indices = @transform_1, window_bounds = array<i64: 1024, 128>}, {transform_indices = @transform_2, window_bounds = array<i64: 1024, 128>}, {transform_indices = @transform_3, window_bounds = array<i64: 1024, 128>}, {transform_indices = @transform_4, window_bounds = array<i64: 1024, 1>}, {transform_indices = @transform_5, window_bounds = array<i64: 1024, 1>}, {pipeline_mode = #tpu.pipeline_mode<synchronous>, transform_indices = @transform_6, window_bounds = array<i64: 128, 128>}, {pipeline_mode = #tpu.pipeline_mode<synchronous>, transform_indices = @transform_7, window_bounds = array<i64: 1, 128>}, {pipeline_mode = #tpu.pipeline_mode<synchronous>, transform_indices = @transform_8, window_bounds = array<i64: 128, 384>}, {pipeline_mode = #tpu.pipeline_mode<synchronous>, transform_indices = @transform_9, window_bounds = array<i64: 1, 384>}, {pipeline_mode = #tpu.pipeline_mode<synchronous>, transform_indices = @transform_10, window_bounds = array<i64: 1, 384>}, {pipeline_mode = #tpu.pipeline_mode<synchronous>, transform_indices = @transform_11, window_bounds = array<i64: 128, 128>}, {pipeline_mode = #tpu.pipeline_mode<synchronous>, transform_indices = @transform_12, window_bounds = array<i64: 128, 128>}, {pipeline_mode = #tpu.pipeline_mode<synchronous>, transform_indices = @transform_13, window_bounds = array<i64: 1, 128>}, {pipeline_mode = #tpu.pipeline_mode<synchronous>, transform_indices = @transform_14, window_bounds = array<i64: 128, 384>}, {pipeline_mode = #tpu.pipeline_mode<synchronous>, transform_indices = @transform_15, window_bounds = array<i64: 1, 384>}, {pipeline_mode = #tpu.pipeline_mode<synchronous>, transform_indices = @transform_16, window_bounds = array<i64: 1, 384>}, {pipeline_mode = #tpu.pipeline_mode<synchronous>, transform_indices = @transform_17, window_bounds = array<i64: 128, 128>}, {transform_indices = @transform_18, window_bounds = array<i64: 1024, 128>}, {transform_indices = @transform_19, window_bounds = array<i64: 1024, 128>}, {transform_indices = @transform_20, window_bounds = array<i64: 1024, 128>}, {transform_indices = @transform_21, window_bounds = array<i64: 1024, 128>}]} {
    %get3A = arith.constant 0 : index
    %get3A_0 = arith.constant 0 : index
    %get3A_1 = vector.load %arg1[%get3A, %get3A_0] : memref<1024x128xf32, #tpu.memory_space<vmem>>, vector<1024x128xf32>
    %get3A_2 = arith.constant 0 : index
    %get3A_3 = arith.constant 0 : index
    %get3A_4 = vector.load %arg3[%get3A_2, %get3A_3] : memref<1024x128xf32, #tpu.memory_space<vmem>>, vector<1024x128xf32>
    %get3A_5 = arith.constant 0 : index
    %get3A_6 = arith.constant 0 : index
    %get3A_7 = vector.load %arg5[%get3A_5, %get3A_6] : memref<1024x1xf32, #tpu.memory_space<vmem>>, vector<1024x1xf32>
    %get3A_8 = arith.constant 0 : index
    %get3A_9 = arith.constant 0 : index
    %get3A_10 = vector.load %arg7[%get3A_8, %get3A_9] : memref<128x128xf32, #tpu.memory_space<vmem>>, vector<128x128xf32>
    %get3A_11 = arith.constant 0 : index
    %get3A_12 = arith.constant 0 : index
    %get3A_13 = vector.load %arg8[%get3A_11, %get3A_12] : memref<1x128xf32, #tpu.memory_space<vmem>>, vector<1x128xf32>
    %get3A_14 = arith.constant 0 : index
    %get3A_15 = arith.constant 0 : index
    %get3A_16 = vector.load %arg9[%get3A_14, %get3A_15] : memref<128x384xf32, #tpu.memory_space<vmem>>, vector<128x384xf32>
    %get3A_17 = arith.constant 0 : index
    %get3A_18 = arith.constant 0 : index
    %get3A_19 = vector.load %arg10[%get3A_17, %get3A_18] : memref<1x384xf32, #tpu.memory_space<vmem>>, vector<1x384xf32>
    %get3A_20 = arith.constant 0 : index
    %get3A_21 = arith.constant 0 : index
    %get3A_22 = vector.load %arg11[%get3A_20, %get3A_21] : memref<1x384xf32, #tpu.memory_space<vmem>>, vector<1x384xf32>
    %max3A = arith.constant 1.000000e+00 : f32
    %max3A_23 = vector.broadcast %max3A : f32 to vector<1024x1xf32>
    %max3A_24 = arith.maximumf %get3A_7, %max3A_23 : vector<1024x1xf32>
    %div3A = vector.broadcast %max3A_24 : vector<1024x1xf32> to vector<1024x128xf32>
    %div3A_25 = arith.divf %get3A_4, %div3A : vector<1024x128xf32>
    %dot_general3A = arith.constant dense<0.000000e+00> : vector<1024x128xf32>
    %dot_general3A_26 = tpu.matmul %get3A_1, %get3A_10, %dot_general3A {dimension_numbers = #tpu.dot_dimension_numbers<[1], [0], [0], [1], [0, 0, 1, 1], [], []>, transpose_lhs_hint = false} : vector<1024x128xf32>, vector<128x128xf32>, vector<1024x128xf32> -> vector<1024x128xf32>
    %add3A = arith.addf %dot_general3A_26, %div3A_25 : vector<1024x128xf32>
    %add3A_27 = vector.broadcast %get3A_13 : vector<1x128xf32> to vector<1024x128xf32>
    %add3A_28 = arith.addf %add3A, %add3A_27 : vector<1024x128xf32>
    %max3A_29 = arith.constant 0.000000e+00 : f32
    %max3A_30 = vector.broadcast %max3A_29 : f32 to vector<1024x128xf32>
    %max3A_31 = arith.maximumf %add3A_28, %max3A_30 : vector<1024x128xf32>
    %dot_general3A_32 = arith.constant dense<0.000000e+00> : vector<1024x384xf32>
    %dot_general3A_33 = tpu.matmul %max3A_31, %get3A_16, %dot_general3A_32 {dimension_numbers = #tpu.dot_dimension_numbers<[1], [0], [0], [1], [0, 0, 1, 1], [], []>, transpose_lhs_hint = false} : vector<1024x128xf32>, vector<128x384xf32>, vector<1024x384xf32> -> vector<1024x384xf32>
    %add3A_34 = vector.broadcast %get3A_19 : vector<1x384xf32> to vector<1024x384xf32>
    %add3A_35 = arith.addf %dot_general3A_33, %add3A_34 : vector<1024x384xf32>
    %slice3A = vector.extract_strided_slice %add3A_35 {offsets = [0, 0], sizes = [1024, 128], strides = [1, 1]} : vector<1024x384xf32> to vector<1024x128xf32>
    %slice3A_36 = vector.extract_strided_slice %add3A_35 {offsets = [0, 128], sizes = [1024, 128], strides = [1, 1]} : vector<1024x384xf32> to vector<1024x128xf32>
    %slice3A_37 = vector.extract_strided_slice %add3A_35 {offsets = [0, 256], sizes = [1024, 128], strides = [1, 1]} : vector<1024x384xf32> to vector<1024x128xf32>
    %slice3A_38 = vector.extract_strided_slice %get3A_22 {offsets = [0, 0], sizes = [1, 128], strides = [1, 1]} : vector<1x384xf32> to vector<1x128xf32>
    %add3A_39 = vector.broadcast %slice3A_38 : vector<1x128xf32> to vector<1024x128xf32>
    %add3A_40 = arith.addf %slice3A, %add3A_39 : vector<1024x128xf32>
    %neg3A = arith.constant 0.000000e+00 : f32
    %neg3A_41 = vector.broadcast %neg3A : f32 to vector<1024x128xf32>
    %neg3A_42 = arith.subf %neg3A_41, %add3A_40 : vector<1024x128xf32>
    %exp3A = math.exp %neg3A_42 : vector<1024x128xf32>
    %add3A_43 = arith.constant 1.000000e+00 : f32
    %add3A_44 = vector.broadcast %add3A_43 : f32 to vector<1024x128xf32>
    %add3A_45 = arith.addf %add3A_44, %exp3A : vector<1024x128xf32>
    %div3A_46 = arith.constant 1.000000e+00 : f32
    %div3A_47 = vector.broadcast %div3A_46 : f32 to vector<1024x128xf32>
    %div3A_48 = arith.divf %div3A_47, %add3A_45 : vector<1024x128xf32>
    %slice3A_49 = vector.extract_strided_slice %get3A_22 {offsets = [0, 128], sizes = [1, 128], strides = [1, 1]} : vector<1x384xf32> to vector<1x128xf32>
    %add3A_50 = vector.broadcast %slice3A_49 : vector<1x128xf32> to vector<1024x128xf32>
    %add3A_51 = arith.addf %slice3A_36, %add3A_50 : vector<1024x128xf32>
    %neg3A_52 = arith.constant 0.000000e+00 : f32
    %neg3A_53 = vector.broadcast %neg3A_52 : f32 to vector<1024x128xf32>
    %neg3A_54 = arith.subf %neg3A_53, %add3A_51 : vector<1024x128xf32>
    %exp3A_55 = math.exp %neg3A_54 : vector<1024x128xf32>
    %add3A_56 = arith.constant 1.000000e+00 : f32
    %add3A_57 = vector.broadcast %add3A_56 : f32 to vector<1024x128xf32>
    %add3A_58 = arith.addf %add3A_57, %exp3A_55 : vector<1024x128xf32>
    %div3A_59 = arith.constant 1.000000e+00 : f32
    %div3A_60 = vector.broadcast %div3A_59 : f32 to vector<1024x128xf32>
    %div3A_61 = arith.divf %div3A_60, %add3A_58 : vector<1024x128xf32>
    %slice3A_62 = vector.extract_strided_slice %get3A_22 {offsets = [0, 256], sizes = [1, 128], strides = [1, 1]} : vector<1x384xf32> to vector<1x128xf32>
    %mul3A = vector.broadcast %slice3A_62 : vector<1x128xf32> to vector<1024x128xf32>
    %mul3A_63 = arith.mulf %div3A_48, %mul3A : vector<1024x128xf32>
    %add3A_64 = arith.addf %slice3A_37, %mul3A_63 : vector<1024x128xf32>
    %tanh3A = math.tanh %add3A_64 : vector<1024x128xf32>
    %sub3A = arith.constant 1.000000e+00 : f32
    %sub3A_65 = vector.broadcast %sub3A : f32 to vector<1024x128xf32>
    %sub3A_66 = arith.subf %sub3A_65, %div3A_61 : vector<1024x128xf32>
    %mul3A_67 = arith.mulf %sub3A_66, %tanh3A : vector<1024x128xf32>
    %get3A_68 = arith.constant 0 : index
    %get3A_69 = arith.constant 0 : index
    %get3A_70 = vector.load %arg2[%get3A_68, %get3A_69] : memref<1024x128xf32, #tpu.memory_space<vmem>>, vector<1024x128xf32>
    %get3A_71 = arith.constant 0 : index
    %get3A_72 = arith.constant 0 : index
    %get3A_73 = vector.load %arg4[%get3A_71, %get3A_72] : memref<1024x128xf32, #tpu.memory_space<vmem>>, vector<1024x128xf32>
    %get3A_74 = arith.constant 0 : index
    %get3A_75 = arith.constant 0 : index
    %get3A_76 = vector.load %arg6[%get3A_74, %get3A_75] : memref<1024x1xf32, #tpu.memory_space<vmem>>, vector<1024x1xf32>
    %get3A_77 = arith.constant 0 : index
    %get3A_78 = arith.constant 0 : index
    %get3A_79 = vector.load %arg13[%get3A_77, %get3A_78] : memref<128x128xf32, #tpu.memory_space<vmem>>, vector<128x128xf32>
    %get3A_80 = arith.constant 0 : index
    %get3A_81 = arith.constant 0 : index
    %get3A_82 = vector.load %arg14[%get3A_80, %get3A_81] : memref<1x128xf32, #tpu.memory_space<vmem>>, vector<1x128xf32>
    %get3A_83 = arith.constant 0 : index
    %get3A_84 = arith.constant 0 : index
    %get3A_85 = vector.load %arg15[%get3A_83, %get3A_84] : memref<128x384xf32, #tpu.memory_space<vmem>>, vector<128x384xf32>
    %get3A_86 = arith.constant 0 : index
    %get3A_87 = arith.constant 0 : index
    %get3A_88 = vector.load %arg16[%get3A_86, %get3A_87] : memref<1x384xf32, #tpu.memory_space<vmem>>, vector<1x384xf32>
    %get3A_89 = arith.constant 0 : index
    %get3A_90 = arith.constant 0 : index
    %get3A_91 = vector.load %arg17[%get3A_89, %get3A_90] : memref<1x384xf32, #tpu.memory_space<vmem>>, vector<1x384xf32>
    %max3A_92 = arith.constant 1.000000e+00 : f32
    %max3A_93 = vector.broadcast %max3A_92 : f32 to vector<1024x1xf32>
    %max3A_94 = arith.maximumf %get3A_76, %max3A_93 : vector<1024x1xf32>
    %div3A_95 = vector.broadcast %max3A_94 : vector<1024x1xf32> to vector<1024x128xf32>
    %div3A_96 = arith.divf %get3A_73, %div3A_95 : vector<1024x128xf32>
    %dot_general3A_97 = arith.constant dense<0.000000e+00> : vector<1024x128xf32>
    %dot_general3A_98 = tpu.matmul %get3A_70, %get3A_79, %dot_general3A_97 {dimension_numbers = #tpu.dot_dimension_numbers<[1], [0], [0], [1], [0, 0, 1, 1], [], []>, transpose_lhs_hint = false} : vector<1024x128xf32>, vector<128x128xf32>, vector<1024x128xf32> -> vector<1024x128xf32>
    %add3A_99 = arith.addf %dot_general3A_98, %div3A_96 : vector<1024x128xf32>
    %add3A_100 = vector.broadcast %get3A_82 : vector<1x128xf32> to vector<1024x128xf32>
    %add3A_101 = arith.addf %add3A_99, %add3A_100 : vector<1024x128xf32>
    %max3A_102 = arith.constant 0.000000e+00 : f32
    %max3A_103 = vector.broadcast %max3A_102 : f32 to vector<1024x128xf32>
    %max3A_104 = arith.maximumf %add3A_101, %max3A_103 : vector<1024x128xf32>
    %dot_general3A_105 = arith.constant dense<0.000000e+00> : vector<1024x384xf32>
    %dot_general3A_106 = tpu.matmul %max3A_104, %get3A_85, %dot_general3A_105 {dimension_numbers = #tpu.dot_dimension_numbers<[1], [0], [0], [1], [0, 0, 1, 1], [], []>, transpose_lhs_hint = false} : vector<1024x128xf32>, vector<128x384xf32>, vector<1024x384xf32> -> vector<1024x384xf32>
    %add3A_107 = vector.broadcast %get3A_88 : vector<1x384xf32> to vector<1024x384xf32>
    %add3A_108 = arith.addf %dot_general3A_106, %add3A_107 : vector<1024x384xf32>
    %slice3A_109 = vector.extract_strided_slice %add3A_108 {offsets = [0, 0], sizes = [1024, 128], strides = [1, 1]} : vector<1024x384xf32> to vector<1024x128xf32>
    %slice3A_110 = vector.extract_strided_slice %add3A_108 {offsets = [0, 128], sizes = [1024, 128], strides = [1, 1]} : vector<1024x384xf32> to vector<1024x128xf32>
    %slice3A_111 = vector.extract_strided_slice %add3A_108 {offsets = [0, 256], sizes = [1024, 128], strides = [1, 1]} : vector<1024x384xf32> to vector<1024x128xf32>
    %slice3A_112 = vector.extract_strided_slice %get3A_91 {offsets = [0, 0], sizes = [1, 128], strides = [1, 1]} : vector<1x384xf32> to vector<1x128xf32>
    %add3A_113 = vector.broadcast %slice3A_112 : vector<1x128xf32> to vector<1024x128xf32>
    %add3A_114 = arith.addf %slice3A_109, %add3A_113 : vector<1024x128xf32>
    %neg3A_115 = arith.constant 0.000000e+00 : f32
    %neg3A_116 = vector.broadcast %neg3A_115 : f32 to vector<1024x128xf32>
    %neg3A_117 = arith.subf %neg3A_116, %add3A_114 : vector<1024x128xf32>
    %exp3A_118 = math.exp %neg3A_117 : vector<1024x128xf32>
    %add3A_119 = arith.constant 1.000000e+00 : f32
    %add3A_120 = vector.broadcast %add3A_119 : f32 to vector<1024x128xf32>
    %add3A_121 = arith.addf %add3A_120, %exp3A_118 : vector<1024x128xf32>
    %div3A_122 = arith.constant 1.000000e+00 : f32
    %div3A_123 = vector.broadcast %div3A_122 : f32 to vector<1024x128xf32>
    %div3A_124 = arith.divf %div3A_123, %add3A_121 : vector<1024x128xf32>
    %slice3A_125 = vector.extract_strided_slice %get3A_91 {offsets = [0, 128], sizes = [1, 128], strides = [1, 1]} : vector<1x384xf32> to vector<1x128xf32>
    %add3A_126 = vector.broadcast %slice3A_125 : vector<1x128xf32> to vector<1024x128xf32>
    %add3A_127 = arith.addf %slice3A_110, %add3A_126 : vector<1024x128xf32>
    %neg3A_128 = arith.constant 0.000000e+00 : f32
    %neg3A_129 = vector.broadcast %neg3A_128 : f32 to vector<1024x128xf32>
    %neg3A_130 = arith.subf %neg3A_129, %add3A_127 : vector<1024x128xf32>
    %exp3A_131 = math.exp %neg3A_130 : vector<1024x128xf32>
    %add3A_132 = arith.constant 1.000000e+00 : f32
    %add3A_133 = vector.broadcast %add3A_132 : f32 to vector<1024x128xf32>
    %add3A_134 = arith.addf %add3A_133, %exp3A_131 : vector<1024x128xf32>
    %div3A_135 = arith.constant 1.000000e+00 : f32
    %div3A_136 = vector.broadcast %div3A_135 : f32 to vector<1024x128xf32>
    %div3A_137 = arith.divf %div3A_136, %add3A_134 : vector<1024x128xf32>
    %slice3A_138 = vector.extract_strided_slice %get3A_91 {offsets = [0, 256], sizes = [1, 128], strides = [1, 1]} : vector<1x384xf32> to vector<1x128xf32>
    %mul3A_139 = vector.broadcast %slice3A_138 : vector<1x128xf32> to vector<1024x128xf32>
    %mul3A_140 = arith.mulf %div3A_124, %mul3A_139 : vector<1024x128xf32>
    %add3A_141 = arith.addf %slice3A_111, %mul3A_140 : vector<1024x128xf32>
    %tanh3A_142 = math.tanh %add3A_141 : vector<1024x128xf32>
    %sub3A_143 = arith.constant 1.000000e+00 : f32
    %sub3A_144 = vector.broadcast %sub3A_143 : f32 to vector<1024x128xf32>
    %sub3A_145 = arith.subf %sub3A_144, %div3A_137 : vector<1024x128xf32>
    %mul3A_146 = arith.mulf %sub3A_145, %tanh3A_142 : vector<1024x128xf32>
    %swap3A = arith.constant 0 : index
    %swap3A_147 = arith.constant 0 : index
    %swap3A_148 = vector.load %arg19[%swap3A, %swap3A_147] : memref<1024x128xf32, #tpu.memory_space<vmem>>, vector<1024x128xf32>
    tpu.vector_store %arg19[%swap3A, %swap3A_147], %mul3A_67 {strides = array<i32>} : memref<1024x128xf32, #tpu.memory_space<vmem>>, vector<1024x128xf32>,
    %swap3A_149 = arith.constant 0 : index
    %swap3A_150 = arith.constant 0 : index
    %swap3A_151 = vector.load %arg20[%swap3A_149, %swap3A_150] : memref<1024x128xf32, #tpu.memory_space<vmem>>, vector<1024x128xf32>
    tpu.vector_store %arg20[%swap3A_149, %swap3A_150], %mul3A_146 {strides = array<i32>} : memref<1024x128xf32, #tpu.memory_space<vmem>>, vector<1024x128xf32>,
    %get3A_152 = arith.constant 0 : index
    %get3A_153 = arith.constant 0 : index
    %get3A_154 = vector.load %arg12[%get3A_152, %get3A_153] : memref<128x128xf32, #tpu.memory_space<vmem>>, vector<128x128xf32>
    %dot_general3A_155 = arith.constant dense<0.000000e+00> : vector<1024x128xf32>
    %dot_general3A_156 = tpu.matmul %mul3A_67, %get3A_154, %dot_general3A_155 {dimension_numbers = #tpu.dot_dimension_numbers<[1], [0], [0], [1], [0, 0, 1, 1], [], []>, transpose_lhs_hint = false} : vector<1024x128xf32>, vector<128x128xf32>, vector<1024x128xf32> -> vector<1024x128xf32>
    %swap3A_157 = arith.constant 0 : index
    %swap3A_158 = arith.constant 0 : index
    %swap3A_159 = vector.load %arg21[%swap3A_157, %swap3A_158] : memref<1024x128xf32, #tpu.memory_space<vmem>>, vector<1024x128xf32>
    tpu.vector_store %arg21[%swap3A_157, %swap3A_158], %dot_general3A_156 {strides = array<i32>} : memref<1024x128xf32, #tpu.memory_space<vmem>>, vector<1024x128xf32>,
    %get3A_160 = arith.constant 0 : index
    %get3A_161 = arith.constant 0 : index
    %get3A_162 = vector.load %arg18[%get3A_160, %get3A_161] : memref<128x128xf32, #tpu.memory_space<vmem>>, vector<128x128xf32>
    %dot_general3A_163 = arith.constant dense<0.000000e+00> : vector<1024x128xf32>
    %dot_general3A_164 = tpu.matmul %mul3A_146, %get3A_162, %dot_general3A_163 {dimension_numbers = #tpu.dot_dimension_numbers<[1], [0], [0], [1], [0, 0, 1, 1], [], []>, transpose_lhs_hint = false} : vector<1024x128xf32>, vector<128x128xf32>, vector<1024x128xf32> -> vector<1024x128xf32>
    %swap3A_165 = arith.constant 0 : index
    %swap3A_166 = arith.constant 0 : index
    %swap3A_167 = vector.load %arg22[%swap3A_165, %swap3A_166] : memref<1024x128xf32, #tpu.memory_space<vmem>>, vector<1024x128xf32>
    tpu.vector_store %arg22[%swap3A_165, %swap3A_166], %dot_general3A_164 {strides = array<i32>} : memref<1024x128xf32, #tpu.memory_space<vmem>>, vector<1024x128xf32>,
    return
  }
  func.func @transform_0(%arg0: i32) -> (i32, i32) {
    %c0_i32 = arith.constant 0 : i32
    %c0_i32_0 = arith.constant 0 : i32
    return %arg0, %c0_i32 : i32, i32
  }
  func.func @transform_1(%arg0: i32) -> (i32, i32) {
    %c0_i32 = arith.constant 0 : i32
    %c0_i32_0 = arith.constant 0 : i32
    return %arg0, %c0_i32 : i32, i32
  }
  func.func @transform_2(%arg0: i32) -> (i32, i32) {
    %c0_i32 = arith.constant 0 : i32
    %c0_i32_0 = arith.constant 0 : i32
    return %arg0, %c0_i32 : i32, i32
  }
  func.func @transform_3(%arg0: i32) -> (i32, i32) {
    %c0_i32 = arith.constant 0 : i32
    %c0_i32_0 = arith.constant 0 : i32
    return %arg0, %c0_i32 : i32, i32
  }
  func.func @transform_4(%arg0: i32) -> (i32, i32) {
    %c0_i32 = arith.constant 0 : i32
    %c0_i32_0 = arith.constant 0 : i32
    return %arg0, %c0_i32 : i32, i32
  }
  func.func @transform_5(%arg0: i32) -> (i32, i32) {
    %c0_i32 = arith.constant 0 : i32
    %c0_i32_0 = arith.constant 0 : i32
    return %arg0, %c0_i32 : i32, i32
  }
  func.func @transform_6(%arg0: i32) -> (i32, i32) {
    %c0_i32 = arith.constant 0 : i32
    %c0_i32_0 = arith.constant 0 : i32
    %c0_i32_1 = arith.constant 0 : i32
    return %c0_i32, %c0_i32_0 : i32, i32
  }
  func.func @transform_7(%arg0: i32) -> (i32, i32) {
    %c0_i32 = arith.constant 0 : i32
    %c0_i32_0 = arith.constant 0 : i32
    %c0_i32_1 = arith.constant 0 : i32
    return %c0_i32, %c0_i32_0 : i32, i32
  }
  func.func @transform_8(%arg0: i32) -> (i32, i32) {
    %c0_i32 = arith.constant 0 : i32
    %c0_i32_0 = arith.constant 0 : i32
    %c0_i32_1 = arith.constant 0 : i32
    return %c0_i32, %c0_i32_0 : i32, i32
  }
  func.func @transform_9(%arg0: i32) -> (i32, i32) {
    %c0_i32 = arith.constant 0 : i32
    %c0_i32_0 = arith.constant 0 : i32
    %c0_i32_1 = arith.constant 0 : i32
    return %c0_i32, %c0_i32_0 : i32, i32
  }
  func.func @transform_10(%arg0: i32) -> (i32, i32) {
    %c0_i32 = arith.constant 0 : i32
    %c0_i32_0 = arith.constant 0 : i32
    %c0_i32_1 = arith.constant 0 : i32
    return %c0_i32, %c0_i32_0 : i32, i32
  }
  func.func @transform_11(%arg0: i32) -> (i32, i32) {
    %c0_i32 = arith.constant 0 : i32
    %c0_i32_0 = arith.constant 0 : i32
    %c0_i32_1 = arith.constant 0 : i32
    return %c0_i32, %c0_i32_0 : i32, i32
  }
  func.func @transform_12(%arg0: i32) -> (i32, i32) {
    %c0_i32 = arith.constant 0 : i32
    %c0_i32_0 = arith.constant 0 : i32
    %c0_i32_1 = arith.constant 0 : i32
    return %c0_i32, %c0_i32_0 : i32, i32
  }
  func.func @transform_13(%arg0: i32) -> (i32, i32) {
    %c0_i32 = arith.constant 0 : i32
    %c0_i32_0 = arith.constant 0 : i32
    %c0_i32_1 = arith.constant 0 : i32
    return %c0_i32, %c0_i32_0 : i32, i32
  }
  func.func @transform_14(%arg0: i32) -> (i32, i32) {
    %c0_i32 = arith.constant 0 : i32
    %c0_i32_0 = arith.constant 0 : i32
    %c0_i32_1 = arith.constant 0 : i32
    return %c0_i32, %c0_i32_0 : i32, i32
  }
  func.func @transform_15(%arg0: i32) -> (i32, i32) {
    %c0_i32 = arith.constant 0 : i32
    %c0_i32_0 = arith.constant 0 : i32
    %c0_i32_1 = arith.constant 0 : i32
    return %c0_i32, %c0_i32_0 : i32, i32
  }
  func.func @transform_16(%arg0: i32) -> (i32, i32) {
    %c0_i32 = arith.constant 0 : i32
    %c0_i32_0 = arith.constant 0 : i32
    %c0_i32_1 = arith.constant 0 : i32
    return %c0_i32, %c0_i32_0 : i32, i32
  }
  func.func @transform_17(%arg0: i32) -> (i32, i32) {
    %c0_i32 = arith.constant 0 : i32
    %c0_i32_0 = arith.constant 0 : i32
    %c0_i32_1 = arith.constant 0 : i32
    return %c0_i32, %c0_i32_0 : i32, i32
  }
  func.func @transform_18(%arg0: i32) -> (i32, i32) {
    %c0_i32 = arith.constant 0 : i32
    %c0_i32_0 = arith.constant 0 : i32
    return %arg0, %c0_i32 : i32, i32
  }
  func.func @transform_19(%arg0: i32) -> (i32, i32) {
    %c0_i32 = arith.constant 0 : i32
    %c0_i32_0 = arith.constant 0 : i32
    return %arg0, %c0_i32 : i32, i32
  }
  func.func @transform_20(%arg0: i32) -> (i32, i32) {
    %c0_i32 = arith.constant 0 : i32
    %c0_i32_0 = arith.constant 0 : i32
    return %arg0, %c0_i32 : i32, i32
  }
  func.func @transform_21(%arg0: i32) -> (i32, i32) {
    %c0_i32 = arith.constant 0 : i32
    %c0_i32_0 = arith.constant 0 : i32
    return %arg0, %c0_i32 : i32, i32
  }
}

module attributes {stable_mosaic.version = 14 : i64} {
  func.func @_k5_body(%arg0: i32, %arg1: memref<1024x128xf32, #tpu.memory_space<vmem>>, %arg2: memref<1024x128xf32, #tpu.memory_space<vmem>>, %arg3: memref<1024x128xf32, #tpu.memory_space<vmem>>, %arg4: memref<1024x128xf32, #tpu.memory_space<vmem>>, %arg5: memref<1024x1xf32, #tpu.memory_space<vmem>>, %arg6: memref<1024x1xf32, #tpu.memory_space<vmem>>, %arg7: memref<1024x1xi32, #tpu.memory_space<vmem>>, %arg8: memref<1024x1xi32, #tpu.memory_space<vmem>>, %arg9: memref<128x128xf32, #tpu.memory_space<vmem>>, %arg10: memref<1x128xf32, #tpu.memory_space<vmem>>, %arg11: memref<128x384xf32, #tpu.memory_space<vmem>>, %arg12: memref<1x384xf32, #tpu.memory_space<vmem>>, %arg13: memref<1x384xf32, #tpu.memory_space<vmem>>, %arg14: memref<128x128xf32, #tpu.memory_space<vmem>>, %arg15: memref<1x128xf32, #tpu.memory_space<vmem>>, %arg16: memref<128x384xf32, #tpu.memory_space<vmem>>, %arg17: memref<1x384xf32, #tpu.memory_space<vmem>>, %arg18: memref<1x384xf32, #tpu.memory_space<vmem>>, %arg19: memref<64x128xf32, #tpu.memory_space<vmem>>, %arg20: memref<64x128xf32, #tpu.memory_space<vmem>>, %arg21: memref<64x128xf32, #tpu.memory_space<vmem>>, %arg22: memref<64x128xf32, #tpu.memory_space<vmem>>) attributes {dimension_semantics = [#tpu.dimension_semantics<arbitrary>], iteration_bounds = array<i64: 10>, scalar_prefetch = 0 : i64, scratch_operands = 0 : i64, tpu.core_type = #tpu.core_type<tc>, window_params = [{transform_indices = @transform_0, window_bounds = array<i64: 1024, 128>}, {transform_indices = @transform_1, window_bounds = array<i64: 1024, 128>}, {transform_indices = @transform_2, window_bounds = array<i64: 1024, 128>}, {transform_indices = @transform_3, window_bounds = array<i64: 1024, 128>}, {transform_indices = @transform_4, window_bounds = array<i64: 1024, 1>}, {transform_indices = @transform_5, window_bounds = array<i64: 1024, 1>}, {transform_indices = @transform_6, window_bounds = array<i64: 1024, 1>}, {transform_indices = @transform_7, window_bounds = array<i64: 1024, 1>}, {pipeline_mode = #tpu.pipeline_mode<synchronous>, transform_indices = @transform_8, window_bounds = array<i64: 128, 128>}, {pipeline_mode = #tpu.pipeline_mode<synchronous>, transform_indices = @transform_9, window_bounds = array<i64: 1, 128>}, {pipeline_mode = #tpu.pipeline_mode<synchronous>, transform_indices = @transform_10, window_bounds = array<i64: 128, 384>}, {pipeline_mode = #tpu.pipeline_mode<synchronous>, transform_indices = @transform_11, window_bounds = array<i64: 1, 384>}, {pipeline_mode = #tpu.pipeline_mode<synchronous>, transform_indices = @transform_12, window_bounds = array<i64: 1, 384>}, {pipeline_mode = #tpu.pipeline_mode<synchronous>, transform_indices = @transform_13, window_bounds = array<i64: 128, 128>}, {pipeline_mode = #tpu.pipeline_mode<synchronous>, transform_indices = @transform_14, window_bounds = array<i64: 1, 128>}, {pipeline_mode = #tpu.pipeline_mode<synchronous>, transform_indices = @transform_15, window_bounds = array<i64: 128, 384>}, {pipeline_mode = #tpu.pipeline_mode<synchronous>, transform_indices = @transform_16, window_bounds = array<i64: 1, 384>}, {pipeline_mode = #tpu.pipeline_mode<synchronous>, transform_indices = @transform_17, window_bounds = array<i64: 1, 384>}, {pipeline_mode = #tpu.pipeline_mode<synchronous>, transform_indices = @transform_18, window_bounds = array<i64: 64, 128>}, {pipeline_mode = #tpu.pipeline_mode<synchronous>, transform_indices = @transform_19, window_bounds = array<i64: 64, 128>}, {pipeline_mode = #tpu.pipeline_mode<synchronous>, transform_indices = @transform_20, window_bounds = array<i64: 64, 128>}, {pipeline_mode = #tpu.pipeline_mode<synchronous>, transform_indices = @transform_21, window_bounds = array<i64: 64, 128>}]} {
    %get3A = arith.constant 0 : index
    %get3A_0 = arith.constant 0 : index
    %get3A_1 = vector.load %arg1[%get3A, %get3A_0] : memref<1024x128xf32, #tpu.memory_space<vmem>>, vector<1024x128xf32>
    %get3A_2 = arith.constant 0 : index
    %get3A_3 = arith.constant 0 : index
    %get3A_4 = vector.load %arg3[%get3A_2, %get3A_3] : memref<1024x128xf32, #tpu.memory_space<vmem>>, vector<1024x128xf32>
    %get3A_5 = arith.constant 0 : index
    %get3A_6 = arith.constant 0 : index
    %get3A_7 = vector.load %arg5[%get3A_5, %get3A_6] : memref<1024x1xf32, #tpu.memory_space<vmem>>, vector<1024x1xf32>
    %get3A_8 = arith.constant 0 : index
    %get3A_9 = arith.constant 0 : index
    %get3A_10 = vector.load %arg9[%get3A_8, %get3A_9] : memref<128x128xf32, #tpu.memory_space<vmem>>, vector<128x128xf32>
    %get3A_11 = arith.constant 0 : index
    %get3A_12 = arith.constant 0 : index
    %get3A_13 = vector.load %arg10[%get3A_11, %get3A_12] : memref<1x128xf32, #tpu.memory_space<vmem>>, vector<1x128xf32>
    %get3A_14 = arith.constant 0 : index
    %get3A_15 = arith.constant 0 : index
    %get3A_16 = vector.load %arg11[%get3A_14, %get3A_15] : memref<128x384xf32, #tpu.memory_space<vmem>>, vector<128x384xf32>
    %get3A_17 = arith.constant 0 : index
    %get3A_18 = arith.constant 0 : index
    %get3A_19 = vector.load %arg12[%get3A_17, %get3A_18] : memref<1x384xf32, #tpu.memory_space<vmem>>, vector<1x384xf32>
    %get3A_20 = arith.constant 0 : index
    %get3A_21 = arith.constant 0 : index
    %get3A_22 = vector.load %arg13[%get3A_20, %get3A_21] : memref<1x384xf32, #tpu.memory_space<vmem>>, vector<1x384xf32>
    %max3A = arith.constant 1.000000e+00 : f32
    %max3A_23 = vector.broadcast %max3A : f32 to vector<1024x1xf32>
    %max3A_24 = arith.maximumf %get3A_7, %max3A_23 : vector<1024x1xf32>
    %div3A = vector.broadcast %max3A_24 : vector<1024x1xf32> to vector<1024x128xf32>
    %div3A_25 = arith.divf %get3A_4, %div3A : vector<1024x128xf32>
    %dot_general3A = arith.constant dense<0.000000e+00> : vector<1024x128xf32>
    %dot_general3A_26 = tpu.matmul %get3A_1, %get3A_10, %dot_general3A {dimension_numbers = #tpu.dot_dimension_numbers<[1], [0], [0], [1], [0, 0, 1, 1], [], []>, transpose_lhs_hint = false} : vector<1024x128xf32>, vector<128x128xf32>, vector<1024x128xf32> -> vector<1024x128xf32>
    %add3A = arith.addf %dot_general3A_26, %div3A_25 : vector<1024x128xf32>
    %add3A_27 = vector.broadcast %get3A_13 : vector<1x128xf32> to vector<1024x128xf32>
    %add3A_28 = arith.addf %add3A, %add3A_27 : vector<1024x128xf32>
    %max3A_29 = arith.constant 0.000000e+00 : f32
    %max3A_30 = vector.broadcast %max3A_29 : f32 to vector<1024x128xf32>
    %max3A_31 = arith.maximumf %add3A_28, %max3A_30 : vector<1024x128xf32>
    %dot_general3A_32 = arith.constant dense<0.000000e+00> : vector<1024x384xf32>
    %dot_general3A_33 = tpu.matmul %max3A_31, %get3A_16, %dot_general3A_32 {dimension_numbers = #tpu.dot_dimension_numbers<[1], [0], [0], [1], [0, 0, 1, 1], [], []>, transpose_lhs_hint = false} : vector<1024x128xf32>, vector<128x384xf32>, vector<1024x384xf32> -> vector<1024x384xf32>
    %add3A_34 = vector.broadcast %get3A_19 : vector<1x384xf32> to vector<1024x384xf32>
    %add3A_35 = arith.addf %dot_general3A_33, %add3A_34 : vector<1024x384xf32>
    %slice3A = vector.extract_strided_slice %add3A_35 {offsets = [0, 0], sizes = [1024, 128], strides = [1, 1]} : vector<1024x384xf32> to vector<1024x128xf32>
    %slice3A_36 = vector.extract_strided_slice %add3A_35 {offsets = [0, 128], sizes = [1024, 128], strides = [1, 1]} : vector<1024x384xf32> to vector<1024x128xf32>
    %slice3A_37 = vector.extract_strided_slice %add3A_35 {offsets = [0, 256], sizes = [1024, 128], strides = [1, 1]} : vector<1024x384xf32> to vector<1024x128xf32>
    %slice3A_38 = vector.extract_strided_slice %get3A_22 {offsets = [0, 0], sizes = [1, 128], strides = [1, 1]} : vector<1x384xf32> to vector<1x128xf32>
    %add3A_39 = vector.broadcast %slice3A_38 : vector<1x128xf32> to vector<1024x128xf32>
    %add3A_40 = arith.addf %slice3A, %add3A_39 : vector<1024x128xf32>
    %neg3A = arith.constant 0.000000e+00 : f32
    %neg3A_41 = vector.broadcast %neg3A : f32 to vector<1024x128xf32>
    %neg3A_42 = arith.subf %neg3A_41, %add3A_40 : vector<1024x128xf32>
    %exp3A = math.exp %neg3A_42 : vector<1024x128xf32>
    %add3A_43 = arith.constant 1.000000e+00 : f32
    %add3A_44 = vector.broadcast %add3A_43 : f32 to vector<1024x128xf32>
    %add3A_45 = arith.addf %add3A_44, %exp3A : vector<1024x128xf32>
    %div3A_46 = arith.constant 1.000000e+00 : f32
    %div3A_47 = vector.broadcast %div3A_46 : f32 to vector<1024x128xf32>
    %div3A_48 = arith.divf %div3A_47, %add3A_45 : vector<1024x128xf32>
    %slice3A_49 = vector.extract_strided_slice %get3A_22 {offsets = [0, 128], sizes = [1, 128], strides = [1, 1]} : vector<1x384xf32> to vector<1x128xf32>
    %add3A_50 = vector.broadcast %slice3A_49 : vector<1x128xf32> to vector<1024x128xf32>
    %add3A_51 = arith.addf %slice3A_36, %add3A_50 : vector<1024x128xf32>
    %neg3A_52 = arith.constant 0.000000e+00 : f32
    %neg3A_53 = vector.broadcast %neg3A_52 : f32 to vector<1024x128xf32>
    %neg3A_54 = arith.subf %neg3A_53, %add3A_51 : vector<1024x128xf32>
    %exp3A_55 = math.exp %neg3A_54 : vector<1024x128xf32>
    %add3A_56 = arith.constant 1.000000e+00 : f32
    %add3A_57 = vector.broadcast %add3A_56 : f32 to vector<1024x128xf32>
    %add3A_58 = arith.addf %add3A_57, %exp3A_55 : vector<1024x128xf32>
    %div3A_59 = arith.constant 1.000000e+00 : f32
    %div3A_60 = vector.broadcast %div3A_59 : f32 to vector<1024x128xf32>
    %div3A_61 = arith.divf %div3A_60, %add3A_58 : vector<1024x128xf32>
    %slice3A_62 = vector.extract_strided_slice %get3A_22 {offsets = [0, 256], sizes = [1, 128], strides = [1, 1]} : vector<1x384xf32> to vector<1x128xf32>
    %mul3A = vector.broadcast %slice3A_62 : vector<1x128xf32> to vector<1024x128xf32>
    %mul3A_63 = arith.mulf %div3A_48, %mul3A : vector<1024x128xf32>
    %add3A_64 = arith.addf %slice3A_37, %mul3A_63 : vector<1024x128xf32>
    %tanh3A = math.tanh %add3A_64 : vector<1024x128xf32>
    %sub3A = arith.constant 1.000000e+00 : f32
    %sub3A_65 = vector.broadcast %sub3A : f32 to vector<1024x128xf32>
    %sub3A_66 = arith.subf %sub3A_65, %div3A_61 : vector<1024x128xf32>
    %mul3A_67 = arith.mulf %sub3A_66, %tanh3A : vector<1024x128xf32>
    %get3A_68 = arith.constant 0 : index
    %get3A_69 = arith.constant 0 : index
    %get3A_70 = vector.load %arg2[%get3A_68, %get3A_69] : memref<1024x128xf32, #tpu.memory_space<vmem>>, vector<1024x128xf32>
    %get3A_71 = arith.constant 0 : index
    %get3A_72 = arith.constant 0 : index
    %get3A_73 = vector.load %arg4[%get3A_71, %get3A_72] : memref<1024x128xf32, #tpu.memory_space<vmem>>, vector<1024x128xf32>
    %get3A_74 = arith.constant 0 : index
    %get3A_75 = arith.constant 0 : index
    %get3A_76 = vector.load %arg6[%get3A_74, %get3A_75] : memref<1024x1xf32, #tpu.memory_space<vmem>>, vector<1024x1xf32>
    %get3A_77 = arith.constant 0 : index
    %get3A_78 = arith.constant 0 : index
    %get3A_79 = vector.load %arg14[%get3A_77, %get3A_78] : memref<128x128xf32, #tpu.memory_space<vmem>>, vector<128x128xf32>
    %get3A_80 = arith.constant 0 : index
    %get3A_81 = arith.constant 0 : index
    %get3A_82 = vector.load %arg15[%get3A_80, %get3A_81] : memref<1x128xf32, #tpu.memory_space<vmem>>, vector<1x128xf32>
    %get3A_83 = arith.constant 0 : index
    %get3A_84 = arith.constant 0 : index
    %get3A_85 = vector.load %arg16[%get3A_83, %get3A_84] : memref<128x384xf32, #tpu.memory_space<vmem>>, vector<128x384xf32>
    %get3A_86 = arith.constant 0 : index
    %get3A_87 = arith.constant 0 : index
    %get3A_88 = vector.load %arg17[%get3A_86, %get3A_87] : memref<1x384xf32, #tpu.memory_space<vmem>>, vector<1x384xf32>
    %get3A_89 = arith.constant 0 : index
    %get3A_90 = arith.constant 0 : index
    %get3A_91 = vector.load %arg18[%get3A_89, %get3A_90] : memref<1x384xf32, #tpu.memory_space<vmem>>, vector<1x384xf32>
    %max3A_92 = arith.constant 1.000000e+00 : f32
    %max3A_93 = vector.broadcast %max3A_92 : f32 to vector<1024x1xf32>
    %max3A_94 = arith.maximumf %get3A_76, %max3A_93 : vector<1024x1xf32>
    %div3A_95 = vector.broadcast %max3A_94 : vector<1024x1xf32> to vector<1024x128xf32>
    %div3A_96 = arith.divf %get3A_73, %div3A_95 : vector<1024x128xf32>
    %dot_general3A_97 = arith.constant dense<0.000000e+00> : vector<1024x128xf32>
    %dot_general3A_98 = tpu.matmul %get3A_70, %get3A_79, %dot_general3A_97 {dimension_numbers = #tpu.dot_dimension_numbers<[1], [0], [0], [1], [0, 0, 1, 1], [], []>, transpose_lhs_hint = false} : vector<1024x128xf32>, vector<128x128xf32>, vector<1024x128xf32> -> vector<1024x128xf32>
    %add3A_99 = arith.addf %dot_general3A_98, %div3A_96 : vector<1024x128xf32>
    %add3A_100 = vector.broadcast %get3A_82 : vector<1x128xf32> to vector<1024x128xf32>
    %add3A_101 = arith.addf %add3A_99, %add3A_100 : vector<1024x128xf32>
    %max3A_102 = arith.constant 0.000000e+00 : f32
    %max3A_103 = vector.broadcast %max3A_102 : f32 to vector<1024x128xf32>
    %max3A_104 = arith.maximumf %add3A_101, %max3A_103 : vector<1024x128xf32>
    %dot_general3A_105 = arith.constant dense<0.000000e+00> : vector<1024x384xf32>
    %dot_general3A_106 = tpu.matmul %max3A_104, %get3A_85, %dot_general3A_105 {dimension_numbers = #tpu.dot_dimension_numbers<[1], [0], [0], [1], [0, 0, 1, 1], [], []>, transpose_lhs_hint = false} : vector<1024x128xf32>, vector<128x384xf32>, vector<1024x384xf32> -> vector<1024x384xf32>
    %add3A_107 = vector.broadcast %get3A_88 : vector<1x384xf32> to vector<1024x384xf32>
    %add3A_108 = arith.addf %dot_general3A_106, %add3A_107 : vector<1024x384xf32>
    %slice3A_109 = vector.extract_strided_slice %add3A_108 {offsets = [0, 0], sizes = [1024, 128], strides = [1, 1]} : vector<1024x384xf32> to vector<1024x128xf32>
    %slice3A_110 = vector.extract_strided_slice %add3A_108 {offsets = [0, 128], sizes = [1024, 128], strides = [1, 1]} : vector<1024x384xf32> to vector<1024x128xf32>
    %slice3A_111 = vector.extract_strided_slice %add3A_108 {offsets = [0, 256], sizes = [1024, 128], strides = [1, 1]} : vector<1024x384xf32> to vector<1024x128xf32>
    %slice3A_112 = vector.extract_strided_slice %get3A_91 {offsets = [0, 0], sizes = [1, 128], strides = [1, 1]} : vector<1x384xf32> to vector<1x128xf32>
    %add3A_113 = vector.broadcast %slice3A_112 : vector<1x128xf32> to vector<1024x128xf32>
    %add3A_114 = arith.addf %slice3A_109, %add3A_113 : vector<1024x128xf32>
    %neg3A_115 = arith.constant 0.000000e+00 : f32
    %neg3A_116 = vector.broadcast %neg3A_115 : f32 to vector<1024x128xf32>
    %neg3A_117 = arith.subf %neg3A_116, %add3A_114 : vector<1024x128xf32>
    %exp3A_118 = math.exp %neg3A_117 : vector<1024x128xf32>
    %add3A_119 = arith.constant 1.000000e+00 : f32
    %add3A_120 = vector.broadcast %add3A_119 : f32 to vector<1024x128xf32>
    %add3A_121 = arith.addf %add3A_120, %exp3A_118 : vector<1024x128xf32>
    %div3A_122 = arith.constant 1.000000e+00 : f32
    %div3A_123 = vector.broadcast %div3A_122 : f32 to vector<1024x128xf32>
    %div3A_124 = arith.divf %div3A_123, %add3A_121 : vector<1024x128xf32>
    %slice3A_125 = vector.extract_strided_slice %get3A_91 {offsets = [0, 128], sizes = [1, 128], strides = [1, 1]} : vector<1x384xf32> to vector<1x128xf32>
    %add3A_126 = vector.broadcast %slice3A_125 : vector<1x128xf32> to vector<1024x128xf32>
    %add3A_127 = arith.addf %slice3A_110, %add3A_126 : vector<1024x128xf32>
    %neg3A_128 = arith.constant 0.000000e+00 : f32
    %neg3A_129 = vector.broadcast %neg3A_128 : f32 to vector<1024x128xf32>
    %neg3A_130 = arith.subf %neg3A_129, %add3A_127 : vector<1024x128xf32>
    %exp3A_131 = math.exp %neg3A_130 : vector<1024x128xf32>
    %add3A_132 = arith.constant 1.000000e+00 : f32
    %add3A_133 = vector.broadcast %add3A_132 : f32 to vector<1024x128xf32>
    %add3A_134 = arith.addf %add3A_133, %exp3A_131 : vector<1024x128xf32>
    %div3A_135 = arith.constant 1.000000e+00 : f32
    %div3A_136 = vector.broadcast %div3A_135 : f32 to vector<1024x128xf32>
    %div3A_137 = arith.divf %div3A_136, %add3A_134 : vector<1024x128xf32>
    %slice3A_138 = vector.extract_strided_slice %get3A_91 {offsets = [0, 256], sizes = [1, 128], strides = [1, 1]} : vector<1x384xf32> to vector<1x128xf32>
    %mul3A_139 = vector.broadcast %slice3A_138 : vector<1x128xf32> to vector<1024x128xf32>
    %mul3A_140 = arith.mulf %div3A_124, %mul3A_139 : vector<1024x128xf32>
    %add3A_141 = arith.addf %slice3A_111, %mul3A_140 : vector<1024x128xf32>
    %tanh3A_142 = math.tanh %add3A_141 : vector<1024x128xf32>
    %sub3A_143 = arith.constant 1.000000e+00 : f32
    %sub3A_144 = vector.broadcast %sub3A_143 : f32 to vector<1024x128xf32>
    %sub3A_145 = arith.subf %sub3A_144, %div3A_137 : vector<1024x128xf32>
    %mul3A_146 = arith.mulf %sub3A_145, %tanh3A_142 : vector<1024x128xf32>
    %iota3A = tpu.iota {dimensions = array<i32: 1>} : vector<1024x64xi32>
    %get3A_147 = arith.constant 0 : index
    %get3A_148 = arith.constant 0 : index
    %get3A_149 = vector.load %arg7[%get3A_147, %get3A_148] : memref<1024x1xi32, #tpu.memory_space<vmem>>, vector<1024x1xi32>
    %eq3A = vector.broadcast %get3A_149 : vector<1024x1xi32> to vector<1024x64xi32>
    %eq3A_150 = arith.cmpi eq, %eq3A, %iota3A : vector<1024x64xi32>
    %convert_element_type3A = arith.extui %eq3A_150 : vector<1024x64xi1> to vector<1024x64xi32>
    %convert_element_type3A_151 = arith.sitofp %convert_element_type3A : vector<1024x64xi32> to vector<1024x64xf32>
    %get3A_152 = arith.constant 0 : index
    %get3A_153 = arith.constant 0 : index
    %get3A_154 = vector.load %arg8[%get3A_152, %get3A_153] : memref<1024x1xi32, #tpu.memory_space<vmem>>, vector<1024x1xi32>
    %eq3A_155 = vector.broadcast %get3A_154 : vector<1024x1xi32> to vector<1024x64xi32>
    %eq3A_156 = arith.cmpi eq, %eq3A_155, %iota3A : vector<1024x64xi32>
    %convert_element_type3A_157 = arith.extui %eq3A_156 : vector<1024x64xi1> to vector<1024x64xi32>
    %convert_element_type3A_158 = arith.sitofp %convert_element_type3A_157 : vector<1024x64xi32> to vector<1024x64xf32>
    %broadcast_in_dim3A = arith.constant 1.000000e+00 : f32
    %broadcast_in_dim3A_159 = vector.broadcast %broadcast_in_dim3A : f32 to vector<1024x128xf32>
    %eq3A_160 = arith.constant 0 : i32
    %eq3A_161 = arith.cmpi eq, %arg0, %eq3A_160 : i32
    %convert_element_type3A_162 = arith.extui %eq3A_161 : i1 to i32
    %cond3A = arith.constant 0 : i32
    %cond3A_163 = arith.cmpi ne, %convert_element_type3A_162, %cond3A : i32
    scf.if %cond3A_163 {
      %broadcast_in_dim3A_199 = arith.constant 0.000000e+00 : f32
      %broadcast_in_dim3A_200 = vector.broadcast %broadcast_in_dim3A_199 : f32 to vector<64x128xf32>
      %swap3A_201 = arith.constant 0 : index
      %swap3A_202 = arith.constant 0 : index
      %swap3A_203 = vector.load %arg19[%swap3A_201, %swap3A_202] : memref<64x128xf32, #tpu.memory_space<vmem>>, vector<64x128xf32>
      tpu.vector_store %arg19[%swap3A_201, %swap3A_202], %broadcast_in_dim3A_200 {strides = array<i32>} : memref<64x128xf32, #tpu.memory_space<vmem>>, vector<64x128xf32>,
      %broadcast_in_dim3A_204 = arith.constant 0.000000e+00 : f32
      %broadcast_in_dim3A_205 = vector.broadcast %broadcast_in_dim3A_204 : f32 to vector<64x128xf32>
      %swap3A_206 = arith.constant 0 : index
      %swap3A_207 = arith.constant 0 : index
      %swap3A_208 = vector.load %arg20[%swap3A_206, %swap3A_207] : memref<64x128xf32, #tpu.memory_space<vmem>>, vector<64x128xf32>
      tpu.vector_store %arg20[%swap3A_206, %swap3A_207], %broadcast_in_dim3A_205 {strides = array<i32>} : memref<64x128xf32, #tpu.memory_space<vmem>>, vector<64x128xf32>,
      %broadcast_in_dim3A_209 = arith.constant 0.000000e+00 : f32
      %broadcast_in_dim3A_210 = vector.broadcast %broadcast_in_dim3A_209 : f32 to vector<64x128xf32>
      %swap3A_211 = arith.constant 0 : index
      %swap3A_212 = arith.constant 0 : index
      %swap3A_213 = vector.load %arg21[%swap3A_211, %swap3A_212] : memref<64x128xf32, #tpu.memory_space<vmem>>, vector<64x128xf32>
      tpu.vector_store %arg21[%swap3A_211, %swap3A_212], %broadcast_in_dim3A_210 {strides = array<i32>} : memref<64x128xf32, #tpu.memory_space<vmem>>, vector<64x128xf32>,
      %broadcast_in_dim3A_214 = arith.constant 0.000000e+00 : f32
      %broadcast_in_dim3A_215 = vector.broadcast %broadcast_in_dim3A_214 : f32 to vector<64x128xf32>
      %swap3A_216 = arith.constant 0 : index
      %swap3A_217 = arith.constant 0 : index
      %swap3A_218 = vector.load %arg22[%swap3A_216, %swap3A_217] : memref<64x128xf32, #tpu.memory_space<vmem>>, vector<64x128xf32>
      tpu.vector_store %arg22[%swap3A_216, %swap3A_217], %broadcast_in_dim3A_215 {strides = array<i32>} : memref<64x128xf32, #tpu.memory_space<vmem>>, vector<64x128xf32>,
    } else {
    }
    %get3A_164 = arith.constant 0 : index
    %get3A_165 = arith.constant 0 : index
    %get3A_166 = vector.load %arg19[%get3A_164, %get3A_165] : memref<64x128xf32, #tpu.memory_space<vmem>>, vector<64x128xf32>
    %dot_general3A_167 = arith.constant dense<0.000000e+00> : vector<64x128xf32>
    %dot_general3A_168 = tpu.matmul %convert_element_type3A_151, %mul3A_67, %dot_general3A_167 {dimension_numbers = #tpu.dot_dimension_numbers<[0], [0], [1], [1], [0, 1, 1, 1], [], []>, precision = #tpu.contract_precision<fp32>, transpose_lhs_hint = false} : vector<1024x64xf32>, vector<1024x128xf32>, vector<64x128xf32> -> vector<64x128xf32>
    %add3A_169 = arith.addf %get3A_166, %dot_general3A_168 : vector<64x128xf32>
    %swap3A = arith.constant 0 : index
    %swap3A_170 = arith.constant 0 : index
    %swap3A_171 = vector.load %arg19[%swap3A, %swap3A_170] : memref<64x128xf32, #tpu.memory_space<vmem>>, vector<64x128xf32>
    tpu.vector_store %arg19[%swap3A, %swap3A_170], %add3A_169 {strides = array<i32>} : memref<64x128xf32, #tpu.memory_space<vmem>>, vector<64x128xf32>,
    %get3A_172 = arith.constant 0 : index
    %get3A_173 = arith.constant 0 : index
    %get3A_174 = vector.load %arg20[%get3A_172, %get3A_173] : memref<64x128xf32, #tpu.memory_space<vmem>>, vector<64x128xf32>
    %dot_general3A_175 = arith.constant dense<0.000000e+00> : vector<64x128xf32>
    %dot_general3A_176 = tpu.matmul %convert_element_type3A_151, %broadcast_in_dim3A_159, %dot_general3A_175 {dimension_numbers = #tpu.dot_dimension_numbers<[0], [0], [1], [1], [0, 1, 1, 1], [], []>, precision = #tpu.contract_precision<fp32>, transpose_lhs_hint = false} : vector<1024x64xf32>, vector<1024x128xf32>, vector<64x128xf32> -> vector<64x128xf32>
    %add3A_177 = arith.addf %get3A_174, %dot_general3A_176 : vector<64x128xf32>
    %swap3A_178 = arith.constant 0 : index
    %swap3A_179 = arith.constant 0 : index
    %swap3A_180 = vector.load %arg20[%swap3A_178, %swap3A_179] : memref<64x128xf32, #tpu.memory_space<vmem>>, vector<64x128xf32>
    tpu.vector_store %arg20[%swap3A_178, %swap3A_179], %add3A_177 {strides = array<i32>} : memref<64x128xf32, #tpu.memory_space<vmem>>, vector<64x128xf32>,
    %get3A_181 = arith.constant 0 : index
    %get3A_182 = arith.constant 0 : index
    %get3A_183 = vector.load %arg21[%get3A_181, %get3A_182] : memref<64x128xf32, #tpu.memory_space<vmem>>, vector<64x128xf32>
    %dot_general3A_184 = arith.constant dense<0.000000e+00> : vector<64x128xf32>
    %dot_general3A_185 = tpu.matmul %convert_element_type3A_158, %mul3A_146, %dot_general3A_184 {dimension_numbers = #tpu.dot_dimension_numbers<[0], [0], [1], [1], [0, 1, 1, 1], [], []>, precision = #tpu.contract_precision<fp32>, transpose_lhs_hint = false} : vector<1024x64xf32>, vector<1024x128xf32>, vector<64x128xf32> -> vector<64x128xf32>
    %add3A_186 = arith.addf %get3A_183, %dot_general3A_185 : vector<64x128xf32>
    %swap3A_187 = arith.constant 0 : index
    %swap3A_188 = arith.constant 0 : index
    %swap3A_189 = vector.load %arg21[%swap3A_187, %swap3A_188] : memref<64x128xf32, #tpu.memory_space<vmem>>, vector<64x128xf32>
    tpu.vector_store %arg21[%swap3A_187, %swap3A_188], %add3A_186 {strides = array<i32>} : memref<64x128xf32, #tpu.memory_space<vmem>>, vector<64x128xf32>,
    %get3A_190 = arith.constant 0 : index
    %get3A_191 = arith.constant 0 : index
    %get3A_192 = vector.load %arg22[%get3A_190, %get3A_191] : memref<64x128xf32, #tpu.memory_space<vmem>>, vector<64x128xf32>
    %dot_general3A_193 = arith.constant dense<0.000000e+00> : vector<64x128xf32>
    %dot_general3A_194 = tpu.matmul %convert_element_type3A_158, %broadcast_in_dim3A_159, %dot_general3A_193 {dimension_numbers = #tpu.dot_dimension_numbers<[0], [0], [1], [1], [0, 1, 1, 1], [], []>, precision = #tpu.contract_precision<fp32>, transpose_lhs_hint = false} : vector<1024x64xf32>, vector<1024x128xf32>, vector<64x128xf32> -> vector<64x128xf32>
    %add3A_195 = arith.addf %get3A_192, %dot_general3A_194 : vector<64x128xf32>
    %swap3A_196 = arith.constant 0 : index
    %swap3A_197 = arith.constant 0 : index
    %swap3A_198 = vector.load %arg22[%swap3A_196, %swap3A_197] : memref<64x128xf32, #tpu.memory_space<vmem>>, vector<64x128xf32>
    tpu.vector_store %arg22[%swap3A_196, %swap3A_197], %add3A_195 {strides = array<i32>} : memref<64x128xf32, #tpu.memory_space<vmem>>, vector<64x128xf32>,
    return
  }
  func.func @transform_0(%arg0: i32) -> (i32, i32) {
    %c0_i32 = arith.constant 0 : i32
    %c0_i32_0 = arith.constant 0 : i32
    return %arg0, %c0_i32 : i32, i32
  }
  func.func @transform_1(%arg0: i32) -> (i32, i32) {
    %c0_i32 = arith.constant 0 : i32
    %c0_i32_0 = arith.constant 0 : i32
    return %arg0, %c0_i32 : i32, i32
  }
  func.func @transform_2(%arg0: i32) -> (i32, i32) {
    %c0_i32 = arith.constant 0 : i32
    %c0_i32_0 = arith.constant 0 : i32
    return %arg0, %c0_i32 : i32, i32
  }
  func.func @transform_3(%arg0: i32) -> (i32, i32) {
    %c0_i32 = arith.constant 0 : i32
    %c0_i32_0 = arith.constant 0 : i32
    return %arg0, %c0_i32 : i32, i32
  }
  func.func @transform_4(%arg0: i32) -> (i32, i32) {
    %c0_i32 = arith.constant 0 : i32
    %c0_i32_0 = arith.constant 0 : i32
    return %arg0, %c0_i32 : i32, i32
  }
  func.func @transform_5(%arg0: i32) -> (i32, i32) {
    %c0_i32 = arith.constant 0 : i32
    %c0_i32_0 = arith.constant 0 : i32
    return %arg0, %c0_i32 : i32, i32
  }
  func.func @transform_6(%arg0: i32) -> (i32, i32) {
    %c0_i32 = arith.constant 0 : i32
    %c0_i32_0 = arith.constant 0 : i32
    return %arg0, %c0_i32 : i32, i32
  }
  func.func @transform_7(%arg0: i32) -> (i32, i32) {
    %c0_i32 = arith.constant 0 : i32
    %c0_i32_0 = arith.constant 0 : i32
    return %arg0, %c0_i32 : i32, i32
  }
  func.func @transform_8(%arg0: i32) -> (i32, i32) {
    %c0_i32 = arith.constant 0 : i32
    %c0_i32_0 = arith.constant 0 : i32
    %c0_i32_1 = arith.constant 0 : i32
    return %c0_i32, %c0_i32_0 : i32, i32
  }
  func.func @transform_9(%arg0: i32) -> (i32, i32) {
    %c0_i32 = arith.constant 0 : i32
    %c0_i32_0 = arith.constant 0 : i32
    %c0_i32_1 = arith.constant 0 : i32
    return %c0_i32, %c0_i32_0 : i32, i32
  }
  func.func @transform_10(%arg0: i32) -> (i32, i32) {
    %c0_i32 = arith.constant 0 : i32
    %c0_i32_0 = arith.constant 0 : i32
    %c0_i32_1 = arith.constant 0 : i32
    return %c0_i32, %c0_i32_0 : i32, i32
  }
  func.func @transform_11(%arg0: i32) -> (i32, i32) {
    %c0_i32 = arith.constant 0 : i32
    %c0_i32_0 = arith.constant 0 : i32
    %c0_i32_1 = arith.constant 0 : i32
    return %c0_i32, %c0_i32_0 : i32, i32
  }
  func.func @transform_12(%arg0: i32) -> (i32, i32) {
    %c0_i32 = arith.constant 0 : i32
    %c0_i32_0 = arith.constant 0 : i32
    %c0_i32_1 = arith.constant 0 : i32
    return %c0_i32, %c0_i32_0 : i32, i32
  }
  func.func @transform_13(%arg0: i32) -> (i32, i32) {
    %c0_i32 = arith.constant 0 : i32
    %c0_i32_0 = arith.constant 0 : i32
    %c0_i32_1 = arith.constant 0 : i32
    return %c0_i32, %c0_i32_0 : i32, i32
  }
  func.func @transform_14(%arg0: i32) -> (i32, i32) {
    %c0_i32 = arith.constant 0 : i32
    %c0_i32_0 = arith.constant 0 : i32
    %c0_i32_1 = arith.constant 0 : i32
    return %c0_i32, %c0_i32_0 : i32, i32
  }
  func.func @transform_15(%arg0: i32) -> (i32, i32) {
    %c0_i32 = arith.constant 0 : i32
    %c0_i32_0 = arith.constant 0 : i32
    %c0_i32_1 = arith.constant 0 : i32
    return %c0_i32, %c0_i32_0 : i32, i32
  }
  func.func @transform_16(%arg0: i32) -> (i32, i32) {
    %c0_i32 = arith.constant 0 : i32
    %c0_i32_0 = arith.constant 0 : i32
    %c0_i32_1 = arith.constant 0 : i32
    return %c0_i32, %c0_i32_0 : i32, i32
  }
  func.func @transform_17(%arg0: i32) -> (i32, i32) {
    %c0_i32 = arith.constant 0 : i32
    %c0_i32_0 = arith.constant 0 : i32
    %c0_i32_1 = arith.constant 0 : i32
    return %c0_i32, %c0_i32_0 : i32, i32
  }
  func.func @transform_18(%arg0: i32) -> (i32, i32) {
    %c0_i32 = arith.constant 0 : i32
    %c0_i32_0 = arith.constant 0 : i32
    %c0_i32_1 = arith.constant 0 : i32
    return %c0_i32, %c0_i32_0 : i32, i32
  }
  func.func @transform_19(%arg0: i32) -> (i32, i32) {
    %c0_i32 = arith.constant 0 : i32
    %c0_i32_0 = arith.constant 0 : i32
    %c0_i32_1 = arith.constant 0 : i32
    return %c0_i32, %c0_i32_0 : i32, i32
  }
  func.func @transform_20(%arg0: i32) -> (i32, i32) {
    %c0_i32 = arith.constant 0 : i32
    %c0_i32_0 = arith.constant 0 : i32
    %c0_i32_1 = arith.constant 0 : i32
    return %c0_i32, %c0_i32_0 : i32, i32
  }
  func.func @transform_21(%arg0: i32) -> (i32, i32) {
    %c0_i32 = arith.constant 0 : i32
    %c0_i32_0 = arith.constant 0 : i32
    %c0_i32_1 = arith.constant 0 : i32
    return %c0_i32, %c0_i32_0 : i32, i32
  }
}

module attributes {stable_mosaic.version = 14 : i64} {
  func.func @_k6_body(%arg0: memref<64x128xf32, #tpu.memory_space<vmem>>, %arg1: memref<64x128xf32, #tpu.memory_space<vmem>>, %arg2: memref<64x128xf32, #tpu.memory_space<vmem>>, %arg3: memref<64x128xf32, #tpu.memory_space<vmem>>, %arg4: memref<256x256xf32, #tpu.memory_space<vmem>>, %arg5: memref<1x256xf32, #tpu.memory_space<vmem>>, %arg6: memref<256x128xf32, #tpu.memory_space<vmem>>, %arg7: memref<1x128xf32, #tpu.memory_space<vmem>>, %arg8: memref<64x128xf32, #tpu.memory_space<vmem>>) attributes {dimension_semantics = [], scalar_prefetch = 0 : i64, scratch_operands = 0 : i64, tpu.core_type = #tpu.core_type<tc>} {
    %get3A = arith.constant 0 : index
    %get3A_0 = arith.constant 0 : index
    %get3A_1 = vector.load %arg0[%get3A, %get3A_0] : memref<64x128xf32, #tpu.memory_space<vmem>>, vector<64x128xf32>
    %get3A_2 = arith.constant 0 : index
    %get3A_3 = arith.constant 0 : index
    %get3A_4 = vector.load %arg1[%get3A_2, %get3A_3] : memref<64x128xf32, #tpu.memory_space<vmem>>, vector<64x128xf32>
    %max3A = arith.constant 1.000000e+00 : f32
    %max3A_5 = vector.broadcast %max3A : f32 to vector<64x128xf32>
    %max3A_6 = arith.maximumf %get3A_4, %max3A_5 : vector<64x128xf32>
    %div3A = arith.divf %get3A_1, %max3A_6 : vector<64x128xf32>
    %get3A_7 = arith.constant 0 : index
    %get3A_8 = arith.constant 0 : index
    %get3A_9 = vector.load %arg2[%get3A_7, %get3A_8] : memref<64x128xf32, #tpu.memory_space<vmem>>, vector<64x128xf32>
    %get3A_10 = arith.constant 0 : index
    %get3A_11 = arith.constant 0 : index
    %get3A_12 = vector.load %arg3[%get3A_10, %get3A_11] : memref<64x128xf32, #tpu.memory_space<vmem>>, vector<64x128xf32>
    %max3A_13 = arith.constant 1.000000e+00 : f32
    %max3A_14 = vector.broadcast %max3A_13 : f32 to vector<64x128xf32>
    %max3A_15 = arith.maximumf %get3A_12, %max3A_14 : vector<64x128xf32>
    %div3A_16 = arith.divf %get3A_9, %max3A_15 : vector<64x128xf32>
    %concatenate3A = tpu.concatenate %div3A, %div3A_16 in 1 : vector<64x128xf32>, vector<64x128xf32> -> vector<64x256xf32>
    %get3A_17 = arith.constant 0 : index
    %get3A_18 = arith.constant 0 : index
    %get3A_19 = vector.load %arg4[%get3A_17, %get3A_18] : memref<256x256xf32, #tpu.memory_space<vmem>>, vector<256x256xf32>
    %dot_general3A = arith.constant dense<0.000000e+00> : vector<64x256xf32>
    %dot_general3A_20 = tpu.matmul %concatenate3A, %get3A_19, %dot_general3A {dimension_numbers = #tpu.dot_dimension_numbers<[1], [0], [0], [1], [0, 0, 1, 1], [], []>, transpose_lhs_hint = false} : vector<64x256xf32>, vector<256x256xf32>, vector<64x256xf32> -> vector<64x256xf32>
    %get3A_21 = arith.constant 0 : index
    %get3A_22 = arith.constant 0 : index
    %get3A_23 = vector.load %arg5[%get3A_21, %get3A_22] : memref<1x256xf32, #tpu.memory_space<vmem>>, vector<1x256xf32>
    %add3A = vector.broadcast %get3A_23 : vector<1x256xf32> to vector<64x256xf32>
    %add3A_24 = arith.addf %dot_general3A_20, %add3A : vector<64x256xf32>
    %max3A_25 = arith.constant 0.000000e+00 : f32
    %max3A_26 = vector.broadcast %max3A_25 : f32 to vector<64x256xf32>
    %max3A_27 = arith.maximumf %add3A_24, %max3A_26 : vector<64x256xf32>
    %get3A_28 = arith.constant 0 : index
    %get3A_29 = arith.constant 0 : index
    %get3A_30 = vector.load %arg4[%get3A_28, %get3A_29] : memref<256x256xf32, #tpu.memory_space<vmem>>, vector<256x256xf32>
    %dot_general3A_31 = arith.constant dense<0.000000e+00> : vector<64x256xf32>
    %dot_general3A_32 = tpu.matmul %max3A_27, %get3A_30, %dot_general3A_31 {dimension_numbers = #tpu.dot_dimension_numbers<[1], [0], [0], [1], [0, 0, 1, 1], [], []>, transpose_lhs_hint = false} : vector<64x256xf32>, vector<256x256xf32>, vector<64x256xf32> -> vector<64x256xf32>
    %get3A_33 = arith.constant 0 : index
    %get3A_34 = arith.constant 0 : index
    %get3A_35 = vector.load %arg5[%get3A_33, %get3A_34] : memref<1x256xf32, #tpu.memory_space<vmem>>, vector<1x256xf32>
    %add3A_36 = vector.broadcast %get3A_35 : vector<1x256xf32> to vector<64x256xf32>
    %add3A_37 = arith.addf %dot_general3A_32, %add3A_36 : vector<64x256xf32>
    %max3A_38 = arith.constant 0.000000e+00 : f32
    %max3A_39 = vector.broadcast %max3A_38 : f32 to vector<64x256xf32>
    %max3A_40 = arith.maximumf %add3A_37, %max3A_39 : vector<64x256xf32>
    %get3A_41 = arith.constant 0 : index
    %get3A_42 = arith.constant 0 : index
    %get3A_43 = vector.load %arg6[%get3A_41, %get3A_42] : memref<256x128xf32, #tpu.memory_space<vmem>>, vector<256x128xf32>
    %dot_general3A_44 = arith.constant dense<0.000000e+00> : vector<64x128xf32>
    %dot_general3A_45 = tpu.matmul %max3A_40, %get3A_43, %dot_general3A_44 {dimension_numbers = #tpu.dot_dimension_numbers<[1], [0], [0], [1], [0, 0, 1, 1], [], []>, transpose_lhs_hint = false} : vector<64x256xf32>, vector<256x128xf32>, vector<64x128xf32> -> vector<64x128xf32>
    %get3A_46 = arith.constant 0 : index
    %get3A_47 = arith.constant 0 : index
    %get3A_48 = vector.load %arg7[%get3A_46, %get3A_47] : memref<1x128xf32, #tpu.memory_space<vmem>>, vector<1x128xf32>
    %add3A_49 = vector.broadcast %get3A_48 : vector<1x128xf32> to vector<64x128xf32>
    %add3A_50 = arith.addf %dot_general3A_45, %add3A_49 : vector<64x128xf32>
    %swap3A = arith.constant 0 : index
    %swap3A_51 = arith.constant 0 : index
    %swap3A_52 = vector.load %arg8[%swap3A, %swap3A_51] : memref<64x128xf32, #tpu.memory_space<vmem>>, vector<64x128xf32>
    tpu.vector_store %arg8[%swap3A, %swap3A_51], %add3A_50 {strides = array<i32>} : memref<64x128xf32, #tpu.memory_space<vmem>>, vector<64x128xf32>,
    return
  }
}

</mosaic_0001>

<sc_bundles>
// kernel: kernel.11.cloned.1.call-start
scs
__scs_entry_jumppad:
0x0: {  	(pc) =	sbr.rel $0x88, $3  }
0x1: {  	(tag) =	ssettag $0x0;
	lr =	simm.s32 $0x1  }
0x2: {  	[smem:$0x3F81] =	sst lr;
	_ =	strace $0xD0000000  }
0x3: {  	_ = 	snop  }
0x4: {  	_ = 	snop  }
0x5: {  	_ = 	snop  }
0x6: {  	_ = 	snop  }
0x7: {  	_ = 	snop  }
__scs_overlays_trampoline_lowered:
0x8: {  	[smem:$0x3F90] =	sst s0  }
0x9: {  	[smem:$0x3F91] =	sst s1  }
0xa: {  	[smem:$0x3F92] =	sst s2  }
0xb: {  	[smem:$0x3F93] =	sst s3  }
0xc: {  	[smem:$0x3F94] =	sst s4  }
0xd: {  	[smem:$0x3F95] =	sst s5  }
0xe: {  	[smem:$0x3F96] =	sst s6  }
0xf: {  	[smem:$0x3F97] =	sst s7  }
0x10: {  	[smem:$0x3F98] =	sst s8  }
0x11: {  	[smem:$0x3F99] =	sst s9;
	s0 =	simm.s32 @!p0 $0x0  }
0x12: {  	s1 =	sld [smem:$0x3F7F];
	s0 =	simm.s32 @p0 $0x1  }
0x13: {  	[smem:$0x3F9A] =	sst s0;
	s0 =	simm.s32 @!p1 $0x0  }
0x14: {  	s2 =	sld [smem:$0x3F7E];
	s0 =	simm.s32 @p1 $0x1  }
0x15: {  	[smem:$0x3F9B] =	sst s0;
	s0 =	simm.s32 @!p2 $0x0  }
0x16: {  	s3 =	sld [smem:$0x3FDB];
	s0 =	simm.s32 @p2 $0x1  }
0x17: {  	s4 =	simm.s32 $0x1BF5;
	[smem:$0x3F9D] =	sst s0  }
0x18: {  	s0 =	sld [smem:$0x3F80];
	_ =	swait.ge [sflag:s4], $0x0  }
0x19: {  	s7 =	sld [smem:$0x3F81]  }
0x1a: {  	s8 =	sadd.s32 $0xFFFFE003, lr  }
0x1b: {  	s9 =	sadd.s32 $0xFFFFFEF7, lr;
	s5 =	simm.s32 $0xFFFFFFFF;
	p2 =	slt.u32 s8, $0xFFFFF086  }
0x1c: {  	p1 =	slt.u32 s9, $0xF7A;
	s5 =	simm.s32 @!p2 $0x0  }
0x1d: {  	s5 =	simm.s32 @p1 $0x1;
	p0 =	seq.s32 s7, s2  }
0x1e: {  	s7 =	smul.u32 @!p0 $0xF7A, s2;
	p2 =	seq.s32 @!p0 s5, $0x0  }
0x1f: {  	s9 =	smul.u32 $0xF7A, s1;
	s8 =	simm.s32 @!p0 $0x1BF5;
	p2 =	por !p2, p0  }
0x20: {  	[sflag:s8] =	ssyncset.s32 @!p0 $0xFFFFF086;
	s6 =	sadd.s32 @!p0 s3, s7;
	s7 =	simm.s32 @!p0 $0x108  }
0x21: {  	s3 =	sadd.s32 s3, s9;
	s6 =	sadd.s32 @!p0 $0x88, s6;
	s7 =	simm.s32 @p2 $0x1082  }
0x22: {  	[simem:s7], [sflag:s8] =	dma.local @!p0 [hbm:s6], $0xF7A  }
0x23: {  	s9 =	sor.u32 $0xD0000000, s2;
	s6 =	simm.s32 $0x108;
	_ =	swait.ge @!p0 [sflag:s8], $0x0  }
0x24: {  	s3 =	sadd.s32 $0x88, s3;
	s6 =	simm.s32 @!p1 $0x1082;
	[sflag:s4] =	ssyncset.s32 $0xFFFFF086  }
0x25: {  	[simem:s6], [sflag:s4] =	dma.local [hbm:s3], $0xF7A  }
0x26: {  	[smem:$0x3F81] =	sst s1;
	(tag) =	ssettag s2;
	_ =	strace s9  }
0x27: {  	s1 =	sld [smem:$0x3F91]  }
0x28: {  	s2 =	sld [smem:$0x3F92]  }
0x29: {  	s4 =	sld [smem:$0x3F94]  }
0x2a: {  	p0 =	seq.s32 s5, $0x0;
	s5 =	sld [smem:$0x3F95]  }
0x2b: {  	s6 =	sld [smem:$0x3F96]  }
0x2c: {  	s7 =	sld [smem:$0x3F97]  }
0x2d: {  	s3 =	simm.s32 $0x108;
	s8 =	sld [smem:$0x3F98]  }
0x2e: {  	s3 =	simm.s32 @!p0 $0x1082;
	s9 =	sld [smem:$0x3F99]  }
0x2f: {  	lr =	sadd.s32 s0, s3;
	s0 =	sld [smem:$0x3F90]  }
0x30: {  	s3 =	sld [smem:$0x3F93]  }
0x31: {  	[smem:$0x3F9C] =	sst s10  }
0x32: {  	s10 =	sld [smem:$0x3F9A];
	_ =	sdelay $0x3  }
0x33: {  	p0 =	seq.s32 s10, $0x1;
	s10 =	sld [smem:$0x3F9C];
	_ =	sdelay $0x3  }
0x34: {  	[smem:$0x3F9C] =	sst s10  }
0x35: {  	s10 =	sld [smem:$0x3F9B];
	_ =	sdelay $0x3  }
0x36: {  	p1 =	seq.s32 s10, $0x1;
	s10 =	sld [smem:$0x3F9C];
	_ =	sdelay $0x3  }
0x37: {  	[smem:$0x3F9C] =	sst s10  }
0x38: {  	s10 =	sld [smem:$0x3F9D]  }
0x39: {  	_ = 	snop;
	(pc) =	sbr.ind lr, $3  }
0x3a: {  	_ = 	snop  }
0x3b: {  	_ = 	snop  }
0x3c: {  	p2 =	seq.s32 s10, $0x1;
	s10 =	sld [smem:$0x3F9C]  }
0x3d: {  	_ =	shalt  }
0x3e: {  	_ =	shalt  }
0x3f: {  	_ =	shalt  }
0x40: {  	_ =	shalt  }
0x41: {  	_ =	shalt  }
0x42: {  	_ =	shalt  }
0x43: {  	_ =	shalt  }
0x44: {  	_ =	shalt  }
0x45: {  	_ =	shalt  }
0x46: {  	_ =	shalt  }
0x47: {  	_ =	shalt  }
0x48: {  	_ =	shalt  }
0x49: {  	_ =	shalt  }
0x4a: {  	_ =	shalt  }
0x4b: {  	_ =	shalt  }
0x4c: {  	_ =	shalt  }
0x4d: {  	_ =	shalt  }
0x4e: {  	_ =	shalt  }
0x4f: {  	_ =	shalt  }
0x50: {  	_ =	shalt  }
0x51: {  	_ =	shalt  }
0x52: {  	_ =	shalt  }
0x53: {  	_ =	shalt  }
0x54: {  	_ =	shalt  }
0x55: {  	_ =	shalt  }
0x56: {  	_ =	shalt  }
0x57: {  	_ =	shalt  }
0x58: {  	_ =	shalt  }
0x59: {  	_ =	shalt  }
0x5a: {  	_ =	shalt  }
0x5b: {  	_ =	shalt  }
0x5c: {  	_ =	shalt  }
0x5d: {  	_ =	shalt  }
0x5e: {  	_ =	shalt  }
0x5f: {  	_ =	shalt  }
0x60: {  	_ =	shalt  }
0x61: {  	_ =	shalt  }
0x62: {  	_ =	shalt  }
0x63: {  	_ =	shalt  }
0x64: {  	_ =	shalt  }
0x65: {  	_ =	shalt  }
0x66: {  	_ =	shalt  }
0x67: {  	_ =	shalt  }
0x68: {  	_ =	shalt  }
0x69: {  	_ =	shalt  }
0x6a: {  	_ =	shalt  }
0x6b: {  	_ =	shalt  }
0x6c: {  	_ =	shalt  }
0x6d: {  	_ =	shalt  }
0x6e: {  	_ =	shalt  }
0x6f: {  	_ =	shalt  }
0x70: {  	_ =	shalt  }
0x71: {  	_ =	shalt  }
0x72: {  	_ =	shalt  }
0x73: {  	_ =	shalt  }
0x74: {  	_ =	shalt  }
0x75: {  	_ =	shalt  }
0x76: {  	_ =	shalt  }
0x77: {  	_ =	shalt  }
0x78: {  	_ =	shalt  }
0x79: {  	_ =	shalt  }
0x7a: {  	_ =	shalt  }
0x7b: {  	_ =	shalt  }
0x7c: {  	_ =	shalt  }
0x7d: {  	_ =	shalt  }
0x7e: {  	_ =	shalt  }
0x7f: {  	_ =	shalt  }
0x80: {  	_ =	shalt  }
0x81: {  	_ =	shalt  }
0x82: {  	_ =	shalt  }
0x83: {  	_ =	shalt  }
0x84: {  	_ =	shalt  }
0x85: {  	_ =	shalt  }
0x86: {  	_ =	shalt  }
0x87: {  	_ =	shalt  }
.Lfunc_end0:
.L_simem_size_0:
called_computation.1_lowered:
.L_overlay_start_0:
0x88: {  	s2 =	sld [smem:$0x3FD9]  }
0x89: {  	s3 =	sld [smem:$0x3FFE];
	_ =	sdelay $0x1  }
0x8a: {  	s1 =	srdreg.scid  }
0x8b: {  	s0 =	sand.u32 $0x1, s1  }
0x8c: {  	s16 =	sshll.u32 s0, $0xA;
	s2 =	sadd.s32 s3, s2  }
0x8d: {  	s2 =	sadd.s32 s2, s16  }
0x8e: {  	[smem:$0x3FA8] =	sst s2  }
0x8f: {  	_ = 	snop  }
0x90: {  	(tm) =	ssettm $0x1  }
0x91: {  	s17 =	sld [smem:$0x3FFB];
	_ =	sdelay $0x3  }
0x92: {  	_ =	strace s17  }
0x93: {  	s2 =	sld [smem:$0x3FFC];
	_ =	sdelay $0x3  }
0x94: {  	_ =	strace s2  }
0x95: {  	s2 =	sld [smem:$0x3FFD];
	_ =	sdelay $0x3  }
0x96: {  	_ =	strace s2  }
0x97: {  	_ =	strace $0x8FFFFFFF  }
0x98: {  	s18 =	sld [smem:$0x3FDB];
	_ =	sdelay $0x1  }
0x99: {  	s19 =	simm.s32 $_scs_section_size  }
0x9a: {  	s4 =	simm.s32 $_size__tile_overlayer_lowered;
	s5 =	simm.s32 $_tile_overlayer_lowered  }
0x9b: {  	s22 =	simm.s32 $0x1BFF;
	s21 =	sshll.u32 s5, $0x1;
	s2 =	sadd.s32 s19, s18  }
0x9c: {  	s6 =	simm.s32 $0x0;
	s20 =	sshll.u32 s4, $0x1;
	s4 =	sadd.s32 s21, s2  }
0x9d: {  	[timem:s6], [sflag:s22] =	dma.local [hbm:s4], s20  }
0x9e: {  	_ =	swait.ge [sflag:s22], s20  }
0x9f: {  	s3 =	ssub.s32 $0x0, s20;
	[sflag:s22] =	ssyncset.done $0x0  }
0xa0: {  	[sflag:s22] =	ssyncadd.s32 s3;
	_ =	sdelay $0x1  }
0xa1: {  	s23 =	simm.s32 $0x1B8B  }
0xa2: {  	_ =	swait.ge [sflag:s23], $0x1  }
0xa3: {  	[sflag:s23] =	ssyncset.done $0x0  }
0xa4: {  	s25 =	simm.s32 $0x1B8E;
	s24 =	sld [smem:$0x3FFE];
	[sflag:s23] =	ssyncadd.s32 $0xFFFFFFFF  }
0xa5: {  	s26 =	simm.s32 $execute0_lowered;
	[smem:$0x3FD2] =	sst s25  }
0xa6: {  	s4 =	sshll.u32 s26, $0x1;
	_ =	strace $0x80000049;
	[dreg:$0x1] =	wrdreg $0xFFFFFFFF  }
0xa7: {  	s28 =	simm.s32 $_size_execute0_lowered;
	s2 =	sadd.s32 s2, s4;
	[dreg:$0x0] =	wrdreg $0x0  }
0xa8: {  	s4 =	sshll.u32 s28, $0x1;
	[dreg:$0x2] =	wrdreg s2  }
0xa9: {  	[dreg:$0x3] =	wrdreg s4  }
0xaa: {  	[dreg:$0x4] =	wrdreg $0xC0  }
0xab: {  	_ =	task [dreg:s6], $0x5FFFF  }
0xac: {  	[dreg:$0x1] =	wrdreg $0xFFFFFFFF  }
0xad: {  	[dreg:$0x0] =	wrdreg $0x60  }
0xae: {  	[dreg:$0x2] =	wrdreg s24  }
0xaf: {  	[dreg:$0x3] =	wrdreg $0x90000  }
0xb0: {  	[dreg:$0x4] =	wrdreg $0x9  }
0xb1: {  	_ =	task.clear_ibuf [dreg:s6], $0x5FFFF;
	_ =	strace $0x90000049  }
0xb2: {  	s29 =	simm.s32 $0x9;
	_ =	strace $0x8000004B  }
0xb3: {  	_ =	swait.ge [sflag:s29], $0x1  }
0xb4: {  	[sflag:s29] =	ssyncadd.s32 $0xFFFFFFFF  }
0xb5: {  	_ =	strace $0x9000004B  }
0xb6: {  	_ =	sfence  }
0xb7: {  	s30 =	sld [smem:$0x0];
	_ =	sdelay $0x2  }
0xb8: {  	s31 =	sshll.u32 s1, $0xD;
	s1 =	sshrl.u32 s1, $0x2  }
0xb9: {  	s3 =	sand.u32 $0x4000, s31;
	s1 =	sadd.s32 s1, s30  }
0xba: {  	s0 =	sor.u32 s3, s0;
	s1 =	sshll.u32 s1, $0x11  }
0xbb: {  	s0 =	sor.u32 s1, s0  }
0xbc: {  	s0 =	sadd.s32 $0x8F2B, s0  }
0xbd: {  	[sflag:s0] =	ssyncadd.remote.s32 $0x1  }
0xbe: {  	_ =	sfence.sel $0xFFFF  }
0xbf: {  	[dreg:$0x0] =	wrdreg $0xFFFFFFFF;
	(pc) =	sbr.abs _section_cstart, $3  }
0xc0: {  	[dreg:$0x1] =	wrdreg $0xFFFFFFFF  }
0xc1: {  	_ =	task.clear_ibuf [dreg:s6], $0x2FFFF;
	_ =	strace $0x9FFFFFFF  }
0xc2: {  	(tm) =	ssettm $0x7FFFFFFF  }
0xc3: {  	_ =	shalt  }
tec
execute0_lowered:
.L_overlay_start_1:
0x0: {  	(tag) =	ssettag $0x1  }
0x1: {  	s0 =	rddreg [dreg:$0x0]  }
0x2: {  	s2 =	rddreg [dreg:$0x1];
	s3 =	simm.s32 $0x0  }
0x3: {  	s10 =	stileid.u32;
	s5 =	srdreg.scid;
	s14 =	simm.s32 $0x5  }
0x4: {  	s15 =	simm.s32 $0x400;
	s16 =	simm.s32 $0x80;
	s17 =	simm.s32 $0x800  }
0x5: {  	s18 =	simm.s32 $0x4800;
	s19 =	simm.s32 $0x1;
	s20 =	simm.s32 $0x3  }
0x6: {  	s28 =	simm.s32 $0x200;
	s29 =	simm.s32 $0x580;
	s30 =	simm.s32 $0x280  }
0x7: {  	s31 =	simm.s32 $0x600;
	[smem:$0x7FF] =	sst s3;
	s1 =	smul.u32 $0xA00, s10  }
0x8: {  	s4 =	sadd.s32 $0x7D400, s0;
	s6 =	sand.u32 $0x1, s5;
	s7 =	smul.u32 $0x50000, s10  }
0x9: {  	s5 =	sadd.s32 $0xA5400, s0;
	s9 =	sadd.s32 $0xCD400, s0;
	s23 =	smul.u32 $0x2800, s10  }
0xa: {  	_ =	strace $0x8000004A;
	s8 =	ssub.s32 $0x2, s6;
	[dreg:$0x7] =	wrdreg s9  }
0xb: {  	p0 =	seq.s32 s6, $0x1;
	s6 =	simm.s32 $0x680;
	s9 =	simm.s32 $0x780  }
0xc: {  	s1 =	sadd.s32 s1, s0;
	s21 =	sshrl.u32 s8, $0x1;
	s7 =	sshrl.u32 s7, $0x2  }
0xd: {  	s0 =	sadd.s32 $0xF5400, s0;
	[dreg:$0x9] =	wrdreg s23;
	s23 =	simm.s32 $0x0  }
0xe: {  	[dreg:$0x8] =	wrdreg s0;
	s22 =	ssub.s32 s8, s21;
	s8 =	sadd.s32 s7, s2  }
0xf: {  	s24 =	sadd.s32 $0x69400, s1;
	s25 =	sadd.s32 $0x73400, s1;
	s21 =	sadd.s32 $0x55400, s1  }
.Ltmp0:
0x10: {  	s26 =	sadd.s32 $0x5F400, s1;
	[dreg:$0x3] =	wrdreg s24;
	(pc) =	sbr.rel .LBB2_1-.Ltmp0, $4  }
0x11: {  	s7 =	simm.s32 $0x380;
	s1 =	simm.s32 $0x700;
	[dreg:$0x4] =	wrdreg s25  }
0x12: {  	s0 =	smax.u32 s22, $0x1;
	[dreg:$0x5] =	wrdreg s26;
	s22 =	simm.s32 $0x2  }
0x13: {  	s24 =	simm.s32 $0x4;
	s25 =	simm.s32 $0x180;
	[dreg:$0x6] =	wrdreg s21  }
0x14: {  	v0 =	vimm.f32 $0.0e+00;
	s26 =	simm.s32 $0x500;
	[dreg:$0xa] =	wrdreg s0;
	s0 =	simm.s32 $0x300  }
.LBB2_8:
0x15: {  	s11 =	sadd.s32 s10, s21;
	[sflag:s24] =	ssyncadd.s32 $0xFFFFC000  }
0x16: {  	[tilespmem:s3], [sflag:$0x5] =	stream.linear.gather [hbm4b:s11+s3], $0x400, $0x38;
	[tilespmem:$0x1D000] =	vst v63  }
0x17: {  	_ =	swait.ge [sflag:s14], $0x400  }
0x18: {  	s12 =	rddreg [dreg:$0x3];
	[sflag:s14] =	ssyncset.done $0x0  }
0x19: {  	s12 =	sadd.s32 s10, s12;
	[sflag:s14] =	ssyncadd.s32 $0xFFFFFC00  }
0x1a: {  	[tilespmem:s15], [sflag:$0x5] =	stream.linear.gather [hbm4b:s12+s3], $0x400, $0x38;
	[tilespmem:$0x1D000] =	vst v63  }
0x1b: {  	_ =	swait.ge [sflag:s14], $0x400  }
0x1c: {  	[sflag:s14] =	ssyncset.done $0x0  }
0x1d: {  	[sflag:s14] =	ssyncadd.s32 $0xFFFFFC00  }
0x1e: {  	[tilespmem:s17], [sflag:$0x1] =	stream.indirect.gather [hbm4b:s4+s16], $0x80, s3, s16, $0xb8;
	[tilespmem:$0x1D000] =	vst v63  }
0x1f: {  	_ = 	snop  }
0x20: {  	[tilespmem:s18], [sflag:$0x2] =	stream.indirect.gather [hbm4b:s4+s16], $0x80, s16, s16, $0xb8;
	[tilespmem:$0x1D000] =	vst v63  }
0x21: {  	_ =	swait.ge [sflag:s19], $0x4000  }
0x22: {  	[sflag:s19] =	ssyncset.done $0x0  }
0x23: {  	[sflag:s19] =	ssyncadd.s32 $0xFFFFC000  }
0x24: {  	[spmem:s2] =	stream.indirect.scatter.add.f32 [tilespmem:s17], [sflag:$0x3], $0x80, s15, s16, $0xb8;
	[tilespmem:$0x1D000] =	vst v63  }
0x25: {  	_ =	swait.ge [sflag:s20], $0x4000  }
0x26: {  	[sflag:s20] =	ssyncset.done $0x0  }
0x27: {  	[sflag:s20] =	ssyncadd.s32 $0xFFFFC000  }
0x28: {  	[tilespmem:s17], [sflag:$0x1] =	stream.indirect.gather [hbm4b:s4+s16], $0x80, s13, s16, $0xb8;
	[tilespmem:$0x1D000] =	vst v63  }
0x29: {  	_ =	swait.ge [sflag:s22], $0x4000  }
0x2a: {  	[sflag:s22] =	ssyncset.done $0x0  }
0x2b: {  	[sflag:s22] =	ssyncadd.s32 $0xFFFFC000  }
0x2c: {  	[spmem:s2] =	stream.indirect.scatter.add.f32 [tilespmem:s18], [sflag:$0x4], $0x80, s25, s16, $0xb8;
	[tilespmem:$0x1D000] =	vst v63  }
0x2d: {  	_ =	swait.ge [sflag:s24], $0x4000  }
0x2e: {  	[sflag:s24] =	ssyncset.done $0x0  }
0x2f: {  	[sflag:s24] =	ssyncadd.s32 $0xFFFFC000  }
0x30: {  	[tilespmem:s18], [sflag:$0x2] =	stream.indirect.gather [hbm4b:s4+s16], $0x80, s26, s16, $0xb8;
	[tilespmem:$0x1D000] =	vst v63  }
0x31: {  	_ =	swait.ge [sflag:s19], $0x4000  }
0x32: {  	[sflag:s19] =	ssyncset.done $0x0  }
0x33: {  	[sflag:s19] =	ssyncadd.s32 $0xFFFFC000  }
0x34: {  	[spmem:s2] =	stream.indirect.scatter.add.f32 [tilespmem:s17], [sflag:$0x3], $0x80, s28, s16, $0xb8;
	[tilespmem:$0x1D000] =	vst v63  }
0x35: {  	_ =	swait.ge [sflag:s20], $0x4000  }
0x36: {  	[sflag:s20] =	ssyncset.done $0x0  }
0x37: {  	[sflag:s20] =	ssyncadd.s32 $0xFFFFC000  }
0x38: {  	[tilespmem:s17], [sflag:$0x1] =	stream.indirect.gather [hbm4b:s4+s16], $0x80, s29, s16, $0xb8;
	[tilespmem:$0x1D000] =	vst v63  }
0x39: {  	_ =	swait.ge [sflag:s22], $0x4000  }
0x3a: {  	[sflag:s22] =	ssyncset.done $0x0  }
0x3b: {  	[sflag:s22] =	ssyncadd.s32 $0xFFFFC000  }
0x3c: {  	[spmem:s2] =	stream.indirect.scatter.add.f32 [tilespmem:s18], [sflag:$0x4], $0x80, s30, s16, $0xb8;
	[tilespmem:$0x1D000] =	vst v63  }
0x3d: {  	_ =	swait.ge [sflag:s24], $0x4000  }
0x3e: {  	[sflag:s24] =	ssyncset.done $0x0  }
0x3f: {  	[sflag:s24] =	ssyncadd.s32 $0xFFFFC000  }
0x40: {  	[tilespmem:s18], [sflag:$0x2] =	stream.indirect.gather [hbm4b:s4+s16], $0x80, s31, s16, $0xb8;
	[tilespmem:$0x1D000] =	vst v63  }
0x41: {  	_ =	swait.ge [sflag:s19], $0x4000  }
0x42: {  	[sflag:s19] =	ssyncset.done $0x0  }
0x43: {  	[sflag:s19] =	ssyncadd.s32 $0xFFFFC000  }
0x44: {  	[spmem:s2] =	stream.indirect.scatter.add.f32 [tilespmem:s17], [sflag:$0x3], $0x80, s0, s16, $0xb8;
	[tilespmem:$0x1D000] =	vst v63  }
0x45: {  	_ =	swait.ge [sflag:s20], $0x4000  }
0x46: {  	[sflag:s20] =	ssyncset.done $0x0  }
0x47: {  	[sflag:s20] =	ssyncadd.s32 $0xFFFFC000  }
0x48: {  	[tilespmem:s17], [sflag:$0x1] =	stream.indirect.gather [hbm4b:s4+s16], $0x80, s6, s16, $0xb8;
	[tilespmem:$0x1D000] =	vst v63  }
0x49: {  	_ =	swait.ge [sflag:s22], $0x4000  }
0x4a: {  	[sflag:s22] =	ssyncset.done $0x0  }
0x4b: {  	[sflag:s22] =	ssyncadd.s32 $0xFFFFC000  }
0x4c: {  	[spmem:s2] =	stream.indirect.scatter.add.f32 [tilespmem:s18], [sflag:$0x4], $0x80, s7, s16, $0xb8;
	[tilespmem:$0x1D000] =	vst v63  }
0x4d: {  	_ =	swait.ge [sflag:s24], $0x4000  }
0x4e: {  	[sflag:s24] =	ssyncset.done $0x0  }
0x4f: {  	[sflag:s24] =	ssyncadd.s32 $0xFFFFC000  }
0x50: {  	[tilespmem:s18], [sflag:$0x2] =	stream.indirect.gather [hbm4b:s4+s16], $0x80, s1, s16, $0xb8;
	[tilespmem:$0x1D000] =	vst v63  }
0x51: {  	_ =	swait.ge [sflag:s19], $0x4000  }
0x52: {  	[sflag:s19] =	ssyncset.done $0x0  }
0x53: {  	[sflag:s19] =	ssyncadd.s32 $0xFFFFC000  }
0x54: {  	[spmem:s2] =	stream.indirect.scatter.add.f32 [tilespmem:s17], [sflag:$0x3], $0x80, s9, s16, $0xb8;
	[tilespmem:$0x1D000] =	vst v63  }
0x55: {  	_ =	swait.ge [sflag:s22], $0x4000  }
0x56: {  	[sflag:s22] =	ssyncset.done $0x0  }
0x57: {  	s25 =	simm.s32 $0x180;
	[sflag:s22] =	ssyncadd.s32 $0xFFFFC000  }
0x58: {  	[spmem:s2] =	stream.indirect.scatter.add.f32 [tilespmem:s18], [sflag:$0x4], $0x80, s23, s16, $0xb8;
	[tilespmem:$0x1D000] =	vst v63  }
0x59: {  	s26 =	simm.s32 $0x500;
	s28 =	simm.s32 $0x200;
	_ =	swait.ge [sflag:s20], $0x4000  }
0x5a: {  	s29 =	simm.s32 $0x580;
	s30 =	simm.s32 $0x280;
	[sflag:s20] =	ssyncset.done $0x0  }
0x5b: {  	s31 =	simm.s32 $0x600;
	s0 =	simm.s32 $0x300;
	[sflag:s20] =	ssyncadd.s32 $0xFFFFC000  }
0x5c: {  	s6 =	simm.s32 $0x680;
	s7 =	simm.s32 $0x380;
	_ =	swait.ge [sflag:s24], $0x4000  }
0x5d: {  	s1 =	simm.s32 $0x700;
	[sflag:s24] =	ssyncset.done $0x0;
	s10 =	rddreg [dreg:$0x7]  }
0x5e: {  	s9 =	simm.s32 $0x780;
	s23 =	rddreg [dreg:$0xb];
	[sflag:s24] =	ssyncadd.s32 $0xFFFFC000  }
.LBB2_12:
0x5f: {  	s11 =	rddreg [dreg:$0x9];
	s12 =	stileid.u32  }
0x60: {  	s10 =	sadd.s32 s10, s11;
	s11 =	sshll.u32 s12, $0x6  }
0x61: {  	[bflag:$0x0] =	sbarrier.arrive $0xFFFF;
	s12 =	sshrl.u32 s8, $0x3;
	s11 =	sor.u32 $0x1C05, s11  }
0x62: {  	[hbm:s10], [sflag:s11] =	dma.local [spmem:s12], $0x2800  }
0x63: {  	_ =	swait.ge [sflag:s14], $0x2800  }
0x64: {  	s23 =	sadd.s32 $0x1, s23;
	s13 =	rddreg [dreg:$0xa]  }
0x65: {  	p1 =	sne.s32 s23, s13  }
.Ltmp1:
0x66: {  	_ = 	snop;
	(pc) =	sbr.rel @!p1 .LBB2_13-.Ltmp1, $3  }
0x67: {  	_ =	sdelay $0x1  }
0x68: {  	[sflag:s14] =	ssyncset.done $0x0  }
0x69: {  	[sflag:s14] =	ssyncadd.s32 $0xFFFFD800  }
.LBB2_1:
0x6a: {  	s10 =	simm.s32 $0x0;
	s11 =	simm.s32 $0x0  }
.LBB2_2:
0x6b: {  	p1 =	sne.s32 s11, $0x1FC0  }
.Ltmp2:
0x6c: {  	_ = 	snop;
	(pc) =	sbr.rel @p1 .LBB2_2-.Ltmp2, $4  }
0x6d: {  	s12 =	sand.u32 $0x1E00, s11  }
0x6e: {  	s13 =	sand.u32 $0x70, s10;
	s12 =	sshrl.u32 s12, $0x2  }
0x6f: {  	s12 =	sor.u32 s13, s12  }
0x70: {  	s10 =	sadd.s32 $0x10, s10;
	s11 =	sadd.s32 $0x40, s11;
	[tilespmem:s12+$0x8800] =	vst v0  }
0x71: {  	s10 =	sadd.s32 $0x0, s8;
	s12 =	simm.s32 $0x8800  }
0x72: {  	[spmem:s10] =	stream.linear.scatter [tilespmem:s12], [sflag:$0x5], $0x800, $0x38;
	[tilespmem:$0x1D000] =	vst v63  }
0x73: {  	s10 =	simm.s32 $0x2000;
	_ =	swait.ge [sflag:s14], $0x800  }
.LBB2_4:
0x74: {  	s11 =	sshra.s32 s10, $0x2;
	[sflag:s14] =	ssyncset.done $0x0;
	p1 =	sne.s32 s10, $0x4E000  }
.Ltmp3:
0x75: {  	s11 =	sadd.s32 s11, s8;
	[sflag:s14] =	ssyncadd.s32 $0xFFFFF800;
	(pc) =	sbr.rel @p1 .LBB2_4-.Ltmp3, $3  }
0x76: {  	[spmem:s11] =	stream.linear.scatter [tilespmem:s12], [sflag:$0x5], $0x800, $0x38;
	[tilespmem:$0x1D000] =	vst v63  }
0x77: {  	s10 =	sadd.s32 $0x2000, s10;
	_ =	sdelay $0x1  }
0x78: {  	_ =	swait.ge [sflag:s14], $0x800  }
.Ltmp4:
0x79: {  	(pc) =	sbr.rel @!p0 .LBB2_6-.Ltmp4, $4  }
0x7a: {  	[sflag:s14] =	ssyncset.done $0x0  }
0x7b: {  	[sflag:s14] =	ssyncadd.s32 $0xFFFFF800  }
0x7c: {  	[bflag:$0x0] =	sbarrier.arrive $0xFFFF  }
0x7d: {  	s12 =	simm.s32 $0x100  }
0x7e: {  	s11 =	rddreg [dreg:$0x5]  }
0x7f: {  	s10 =	sadd.s32 $0x0, s11  }
0x80: {  	[tilespmem:s3], [sflag:$0x5] =	stream.linear.gather [hbm4b:s10+s3], $0x400, $0x38;
	[tilespmem:$0x1D000] =	vst v63  }
0x81: {  	_ =	swait.ge [sflag:s14], $0x400  }
0x82: {  	s13 =	rddreg [dreg:$0x4];
	[sflag:s14] =	ssyncset.done $0x0  }
0x83: {  	[sflag:s14] =	ssyncadd.s32 $0xFFFFFC00;
	s10 =	sadd.s32 $0x0, s13  }
0x84: {  	[tilespmem:s15], [sflag:$0x5] =	stream.linear.gather [hbm4b:s10+s3], $0x400, $0x38;
	[tilespmem:$0x1D000] =	vst v63  }
0x85: {  	_ =	swait.ge [sflag:s14], $0x400  }
0x86: {  	[sflag:s14] =	ssyncset.done $0x0  }
0x87: {  	[sflag:s14] =	ssyncadd.s32 $0xFFFFFC00  }
0x88: {  	[tilespmem:s17], [sflag:$0x1] =	stream.indirect.gather [hbm4b:s5+s16], $0x80, s3, s16, $0xb8;
	[tilespmem:$0x1D000] =	vst v63  }
0x89: {  	_ = 	snop  }
0x8a: {  	[tilespmem:s18], [sflag:$0x2] =	stream.indirect.gather [hbm4b:s5+s16], $0x80, s16, s16, $0xb8;
	[tilespmem:$0x1D000] =	vst v63  }
0x8b: {  	_ =	swait.ge [sflag:s19], $0x4000  }
0x8c: {  	[sflag:s19] =	ssyncset.done $0x0  }
0x8d: {  	[sflag:s19] =	ssyncadd.s32 $0xFFFFC000  }
0x8e: {  	[spmem:s2] =	stream.indirect.scatter.add.f32 [tilespmem:s17], [sflag:$0x3], $0x80, s15, s16, $0xb8;
	[tilespmem:$0x1D000] =	vst v63  }
0x8f: {  	_ =	swait.ge [sflag:s20], $0x4000  }
0x90: {  	[sflag:s20] =	ssyncset.done $0x0  }
0x91: {  	[sflag:s20] =	ssyncadd.s32 $0xFFFFC000  }
0x92: {  	[tilespmem:s17], [sflag:$0x1] =	stream.indirect.gather [hbm4b:s5+s16], $0x80, s12, s16, $0xb8;
	[tilespmem:$0x1D000] =	vst v63  }
0x93: {  	_ =	swait.ge [sflag:s22], $0x4000  }
0x94: {  	[sflag:s22] =	ssyncset.done $0x0  }
0x95: {  	s21 =	simm.s32 $0x480;
	[sflag:s22] =	ssyncadd.s32 $0xFFFFC000  }
0x96: {  	[spmem:s2] =	stream.indirect.scatter.add.f32 [tilespmem:s18], [sflag:$0x4], $0x80, s21, s16, $0xb8;
	[tilespmem:$0x1D000] =	vst v63  }
0x97: {  	_ =	swait.ge [sflag:s24], $0x4000  }
0x98: {  	[sflag:s24] =	ssyncset.done $0x0  }
0x99: {  	[sflag:s24] =	ssyncadd.s32 $0xFFFFC000  }
0x9a: {  	[tilespmem:s18], [sflag:$0x2] =	stream.indirect.gather [hbm4b:s5+s16], $0x80, s25, s16, $0xb8;
	[tilespmem:$0x1D000] =	vst v63  }
0x9b: {  	_ =	swait.ge [sflag:s19], $0x4000  }
0x9c: {  	[sflag:s19] =	ssyncset.done $0x0  }
0x9d: {  	[sflag:s19] =	ssyncadd.s32 $0xFFFFC000  }
0x9e: {  	[spmem:s2] =	stream.indirect.scatter.add.f32 [tilespmem:s17], [sflag:$0x3], $0x80, s26, s16, $0xb8;
	[tilespmem:$0x1D000] =	vst v63  }
0x9f: {  	_ =	swait.ge [sflag:s20], $0x4000  }
0xa0: {  	[sflag:s20] =	ssyncset.done $0x0  }
0xa1: {  	[sflag:s20] =	ssyncadd.s32 $0xFFFFC000  }
0xa2: {  	[tilespmem:s17], [sflag:$0x1] =	stream.indirect.gather [hbm4b:s5+s16], $0x80, s28, s16, $0xb8;
	[tilespmem:$0x1D000] =	vst v63  }
0xa3: {  	_ =	swait.ge [sflag:s22], $0x4000  }
0xa4: {  	[sflag:s22] =	ssyncset.done $0x0  }
0xa5: {  	[sflag:s22] =	ssyncadd.s32 $0xFFFFC000  }
0xa6: {  	[spmem:s2] =	stream.indirect.scatter.add.f32 [tilespmem:s18], [sflag:$0x4], $0x80, s29, s16, $0xb8;
	[tilespmem:$0x1D000] =	vst v63  }
0xa7: {  	_ =	swait.ge [sflag:s24], $0x4000  }
0xa8: {  	[sflag:s24] =	ssyncset.done $0x0  }
0xa9: {  	[sflag:s24] =	ssyncadd.s32 $0xFFFFC000  }
0xaa: {  	[tilespmem:s18], [sflag:$0x2] =	stream.indirect.gather [hbm4b:s5+s16], $0x80, s30, s16, $0xb8;
	[tilespmem:$0x1D000] =	vst v63  }
0xab: {  	_ =	swait.ge [sflag:s19], $0x4000  }
0xac: {  	[sflag:s19] =	ssyncset.done $0x0  }
0xad: {  	[sflag:s19] =	ssyncadd.s32 $0xFFFFC000  }
0xae: {  	[spmem:s2] =	stream.indirect.scatter.add.f32 [tilespmem:s17], [sflag:$0x3], $0x80, s31, s16, $0xb8;
	[tilespmem:$0x1D000] =	vst v63  }
0xaf: {  	_ =	swait.ge [sflag:s20], $0x4000  }
0xb0: {  	[sflag:s20] =	ssyncset.done $0x0  }
0xb1: {  	[sflag:s20] =	ssyncadd.s32 $0xFFFFC000  }
0xb2: {  	[tilespmem:s17], [sflag:$0x1] =	stream.indirect.gather [hbm4b:s5+s16], $0x80, s0, s16, $0xb8;
	[tilespmem:$0x1D000] =	vst v63  }
0xb3: {  	_ =	swait.ge [sflag:s22], $0x4000  }
0xb4: {  	[sflag:s22] =	ssyncset.done $0x0  }
0xb5: {  	[sflag:s22] =	ssyncadd.s32 $0xFFFFC000  }
0xb6: {  	[spmem:s2] =	stream.indirect.scatter.add.f32 [tilespmem:s18], [sflag:$0x4], $0x80, s6, s16, $0xb8;
	[tilespmem:$0x1D000] =	vst v63  }
0xb7: {  	_ =	swait.ge [sflag:s24], $0x4000  }
0xb8: {  	[sflag:s24] =	ssyncset.done $0x0  }
0xb9: {  	[sflag:s24] =	ssyncadd.s32 $0xFFFFC000  }
0xba: {  	[tilespmem:s18], [sflag:$0x2] =	stream.indirect.gather [hbm4b:s5+s16], $0x80, s7, s16, $0xb8;
	[tilespmem:$0x1D000] =	vst v63  }
0xbb: {  	_ =	swait.ge [sflag:s19], $0x4000  }
0xbc: {  	[sflag:s19] =	ssyncset.done $0x0  }
0xbd: {  	[sflag:s19] =	ssyncadd.s32 $0xFFFFC000  }
0xbe: {  	[spmem:s2] =	stream.indirect.scatter.add.f32 [tilespmem:s17], [sflag:$0x3], $0x80, s1, s16, $0xb8;
	[tilespmem:$0x1D000] =	vst v63  }
0xbf: {  	_ =	swait.ge [sflag:s22], $0x4000  }
0xc0: {  	[sflag:s22] =	ssyncset.done $0x0  }
0xc1: {  	[sflag:s22] =	ssyncadd.s32 $0xFFFFC000  }
0xc2: {  	[spmem:s2] =	stream.indirect.scatter.add.f32 [tilespmem:s18], [sflag:$0x4], $0x80, s9, s16, $0xb8;
	[tilespmem:$0x1D000] =	vst v63  }
0xc3: {  	_ =	swait.ge [sflag:s20], $0x4000  }
0xc4: {  	[sflag:s20] =	ssyncset.done $0x0  }
0xc5: {  	[sflag:s20] =	ssyncadd.s32 $0xFFFFC000  }
0xc6: {  	_ =	swait.ge [sflag:s24], $0x4000  }
0xc7: {  	s10 =	simm.s32 $0x80;
	s12 =	simm.s32 $0x100;
	[sflag:s24] =	ssyncset.done $0x0  }
.LBB2_10:
0xc8: {  	s13 =	sadd.s32 s10, s11;
	[sflag:s24] =	ssyncadd.s32 $0xFFFFC000  }
0xc9: {  	[tilespmem:s3], [sflag:$0x5] =	stream.linear.gather [hbm4b:s13+s3], $0x400, $0x38;
	[tilespmem:$0x1D000] =	vst v63  }
0xca: {  	s21 =	smov.u32 s12;
	s11 =	sadd.s32 $0x80, s12;
	_ =	swait.ge [sflag:s14], $0x400  }
0xcb: {  	p1 =	sne.s32 s12, $0x980;
	s12 =	rddreg [dreg:$0x4];
	[sflag:s14] =	ssyncset.done $0x0  }
0xcc: {  	[sflag:s14] =	ssyncadd.s32 $0xFFFFFC00;
	s12 =	sadd.s32 s10, s12  }
0xcd: {  	[tilespmem:s15], [sflag:$0x5] =	stream.linear.gather [hbm4b:s12+s3], $0x400, $0x38;
	[tilespmem:$0x1D000] =	vst v63  }
0xce: {  	_ =	swait.ge [sflag:s14], $0x400  }
0xcf: {  	[sflag:s14] =	ssyncset.done $0x0  }
0xd0: {  	[sflag:s14] =	ssyncadd.s32 $0xFFFFFC00  }
0xd1: {  	[tilespmem:s17], [sflag:$0x1] =	stream.indirect.gather [hbm4b:s5+s16], $0x80, s3, s16, $0xb8;
	[tilespmem:$0x1D000] =	vst v63  }
0xd2: {  	_ = 	snop  }
0xd3: {  	[tilespmem:s18], [sflag:$0x2] =	stream.indirect.gather [hbm4b:s5+s16], $0x80, s16, s16, $0xb8;
	[tilespmem:$0x1D000] =	vst v63  }
0xd4: {  	_ =	swait.ge [sflag:s19], $0x4000  }
0xd5: {  	[sflag:s19] =	ssyncset.done $0x0  }
0xd6: {  	[sflag:s19] =	ssyncadd.s32 $0xFFFFC000  }
0xd7: {  	[spmem:s2] =	stream.indirect.scatter.add.f32 [tilespmem:s17], [sflag:$0x3], $0x80, s15, s16, $0xb8;
	[tilespmem:$0x1D000] =	vst v63  }
0xd8: {  	_ =	swait.ge [sflag:s20], $0x4000  }
0xd9: {  	[sflag:s20] =	ssyncset.done $0x0  }
0xda: {  	s13 =	simm.s32 $0x100;
	[sflag:s20] =	ssyncadd.s32 $0xFFFFC000  }
0xdb: {  	[tilespmem:s17], [sflag:$0x1] =	stream.indirect.gather [hbm4b:s5+s16], $0x80, s13, s16, $0xb8;
	[tilespmem:$0x1D000] =	vst v63  }
0xdc: {  	_ =	swait.ge [sflag:s22], $0x4000  }
0xdd: {  	[sflag:s22] =	ssyncset.done $0x0  }
0xde: {  	s10 =	smov.u32 s21;
	s21 =	simm.s32 $0x480;
	[sflag:s22] =	ssyncadd.s32 $0xFFFFC000  }
0xdf: {  	[spmem:s2] =	stream.indirect.scatter.add.f32 [tilespmem:s18], [sflag:$0x4], $0x80, s21, s16, $0xb8;
	[tilespmem:$0x1D000] =	vst v63  }
0xe0: {  	_ =	swait.ge [sflag:s24], $0x4000  }
0xe1: {  	[sflag:s24] =	ssyncset.done $0x0  }
0xe2: {  	[sflag:s24] =	ssyncadd.s32 $0xFFFFC000  }
0xe3: {  	[tilespmem:s18], [sflag:$0x2] =	stream.indirect.gather [hbm4b:s5+s16], $0x80, s25, s16, $0xb8;
	[tilespmem:$0x1D000] =	vst v63  }
0xe4: {  	_ =	swait.ge [sflag:s19], $0x4000  }
0xe5: {  	[sflag:s19] =	ssyncset.done $0x0  }
0xe6: {  	[sflag:s19] =	ssyncadd.s32 $0xFFFFC000  }
0xe7: {  	[spmem:s2] =	stream.indirect.scatter.add.f32 [tilespmem:s17], [sflag:$0x3], $0x80, s26, s16, $0xb8;
	[tilespmem:$0x1D000] =	vst v63  }
0xe8: {  	_ =	swait.ge [sflag:s20], $0x4000  }
0xe9: {  	[sflag:s20] =	ssyncset.done $0x0  }
0xea: {  	[sflag:s20] =	ssyncadd.s32 $0xFFFFC000  }
0xeb: {  	[tilespmem:s17], [sflag:$0x1] =	stream.indirect.gather [hbm4b:s5+s16], $0x80, s28, s16, $0xb8;
	[tilespmem:$0x1D000] =	vst v63  }
0xec: {  	_ =	swait.ge [sflag:s22], $0x4000  }
0xed: {  	[sflag:s22] =	ssyncset.done $0x0  }
0xee: {  	[sflag:s22] =	ssyncadd.s32 $0xFFFFC000  }
0xef: {  	[spmem:s2] =	stream.indirect.scatter.add.f32 [tilespmem:s18], [sflag:$0x4], $0x80, s29, s16, $0xb8;
	[tilespmem:$0x1D000] =	vst v63  }
0xf0: {  	_ =	swait.ge [sflag:s24], $0x4000  }
0xf1: {  	[sflag:s24] =	ssyncset.done $0x0  }
0xf2: {  	[sflag:s24] =	ssyncadd.s32 $0xFFFFC000  }
0xf3: {  	[tilespmem:s18], [sflag:$0x2] =	stream.indirect.gather [hbm4b:s5+s16], $0x80, s30, s16, $0xb8;
	[tilespmem:$0x1D000] =	vst v63  }
0xf4: {  	_ =	swait.ge [sflag:s19], $0x4000  }
0xf5: {  	[sflag:s19] =	ssyncset.done $0x0  }
0xf6: {  	[sflag:s19] =	ssyncadd.s32 $0xFFFFC000  }
0xf7: {  	[spmem:s2] =	stream.indirect.scatter.add.f32 [tilespmem:s17], [sflag:$0x3], $0x80, s31, s16, $0xb8;
	[tilespmem:$0x1D000] =	vst v63  }
0xf8: {  	_ =	swait.ge [sflag:s20], $0x4000  }
0xf9: {  	[sflag:s20] =	ssyncset.done $0x0  }
0xfa: {  	[sflag:s20] =	ssyncadd.s32 $0xFFFFC000  }
0xfb: {  	[tilespmem:s17], [sflag:$0x1] =	stream.indirect.gather [hbm4b:s5+s16], $0x80, s0, s16, $0xb8;
	[tilespmem:$0x1D000] =	vst v63  }
0xfc: {  	_ =	swait.ge [sflag:s22], $0x4000  }
0xfd: {  	[sflag:s22] =	ssyncset.done $0x0  }
0xfe: {  	[sflag:s22] =	ssyncadd.s32 $0xFFFFC000  }
0xff: {  	[spmem:s2] =	stream.indirect.scatter.add.f32 [tilespmem:s18], [sflag:$0x4], $0x80, s6, s16, $0xb8;
	[tilespmem:$0x1D000] =	vst v63  }
0x100: {  	_ =	swait.ge [sflag:s24], $0x4000  }
0x101: {  	[sflag:s24] =	ssyncset.done $0x0  }
0x102: {  	[sflag:s24] =	ssyncadd.s32 $0xFFFFC000  }
0x103: {  	[tilespmem:s18], [sflag:$0x2] =	stream.indirect.gather [hbm4b:s5+s16], $0x80, s7, s16, $0xb8;
	[tilespmem:$0x1D000] =	vst v63  }
0x104: {  	_ =	swait.ge [sflag:s19], $0x4000  }
0x105: {  	[sflag:s19] =	ssyncset.done $0x0  }
0x106: {  	[sflag:s19] =	ssyncadd.s32 $0xFFFFC000  }
0x107: {  	[spmem:s2] =	stream.indirect.scatter.add.f32 [tilespmem:s17], [sflag:$0x3], $0x80, s1, s16, $0xb8;
	[tilespmem:$0x1D000] =	vst v63  }
0x108: {  	_ =	swait.ge [sflag:s22], $0x4000  }
0x109: {  	[sflag:s22] =	ssyncset.done $0x0  }
0x10a: {  	[sflag:s22] =	ssyncadd.s32 $0xFFFFC000  }
0x10b: {  	[spmem:s2] =	stream.indirect.scatter.add.f32 [tilespmem:s18], [sflag:$0x4], $0x80, s9, s16, $0xb8;
	[tilespmem:$0x1D000] =	vst v63  }
.Ltmp5:
0x10c: {  	_ =	swait.ge [sflag:s20], $0x4000;
	(pc) =	sbr.rel @p1 .LBB2_10-.Ltmp5, $4  }
0x10d: {  	[sflag:s20] =	ssyncset.done $0x0  }
0x10e: {  	[sflag:s20] =	ssyncadd.s32 $0xFFFFC000  }
0x10f: {  	_ =	swait.ge [sflag:s24], $0x4000  }
0x110: {  	s12 =	smov.u32 s11;
	[sflag:s24] =	ssyncset.done $0x0;
	s11 =	rddreg [dreg:$0x5]  }
0x111: {  	s11 =	sadd.s32 s10, s11;
	[sflag:s24] =	ssyncadd.s32 $0xFFFFC000  }
0x112: {  	[tilespmem:s3], [sflag:$0x5] =	stream.linear.gather [hbm4b:s11+s3], $0x400, $0x38;
	[tilespmem:$0x1D000] =	vst v63  }
0x113: {  	_ =	swait.ge [sflag:s14], $0x400  }
0x114: {  	s12 =	rddreg [dreg:$0x4];
	[sflag:s14] =	ssyncset.done $0x0  }
0x115: {  	s12 =	sadd.s32 s10, s12;
	[sflag:s14] =	ssyncadd.s32 $0xFFFFFC00  }
0x116: {  	[tilespmem:s15], [sflag:$0x5] =	stream.linear.gather [hbm4b:s12+s3], $0x400, $0x38;
	[tilespmem:$0x1D000] =	vst v63  }
0x117: {  	_ =	swait.ge [sflag:s14], $0x400  }
0x118: {  	[sflag:s14] =	ssyncset.done $0x0  }
0x119: {  	[sflag:s14] =	ssyncadd.s32 $0xFFFFFC00  }
0x11a: {  	[tilespmem:s17], [sflag:$0x1] =	stream.indirect.gather [hbm4b:s5+s16], $0x80, s3, s16, $0xb8;
	[tilespmem:$0x1D000] =	vst v63  }
0x11b: {  	_ = 	snop  }
0x11c: {  	[tilespmem:s18], [sflag:$0x2] =	stream.indirect.gather [hbm4b:s5+s16], $0x80, s16, s16, $0xb8;
	[tilespmem:$0x1D000] =	vst v63  }
0x11d: {  	_ =	swait.ge [sflag:s19], $0x4000  }
0x11e: {  	[sflag:s19] =	ssyncset.done $0x0  }
0x11f: {  	[sflag:s19] =	ssyncadd.s32 $0xFFFFC000  }
0x120: {  	[spmem:s2] =	stream.indirect.scatter.add.f32 [tilespmem:s17], [sflag:$0x3], $0x80, s15, s16, $0xb8;
	[tilespmem:$0x1D000] =	vst v63  }
0x121: {  	_ =	swait.ge [sflag:s20], $0x4000  }
0x122: {  	[sflag:s20] =	ssyncset.done $0x0  }
0x123: {  	[sflag:s20] =	ssyncadd.s32 $0xFFFFC000  }
0x124: {  	[tilespmem:s17], [sflag:$0x1] =	stream.indirect.gather [hbm4b:s5+s16], $0x80, s13, s16, $0xb8;
	[tilespmem:$0x1D000] =	vst v63  }
0x125: {  	_ =	swait.ge [sflag:s22], $0x4000  }
0x126: {  	[sflag:s22] =	ssyncset.done $0x0  }
0x127: {  	[sflag:s22] =	ssyncadd.s32 $0xFFFFC000  }
0x128: {  	[spmem:s2] =	stream.indirect.scatter.add.f32 [tilespmem:s18], [sflag:$0x4], $0x80, s21, s16, $0xb8;
	[tilespmem:$0x1D000] =	vst v63  }
0x129: {  	_ =	swait.ge [sflag:s24], $0x4000  }
0x12a: {  	[sflag:s24] =	ssyncset.done $0x0  }
0x12b: {  	[sflag:s24] =	ssyncadd.s32 $0xFFFFC000  }
0x12c: {  	[tilespmem:s18], [sflag:$0x2] =	stream.indirect.gather [hbm4b:s5+s16], $0x80, s25, s16, $0xb8;
	[tilespmem:$0x1D000] =	vst v63  }
0x12d: {  	_ =	swait.ge [sflag:s19], $0x4000  }
0x12e: {  	[sflag:s19] =	ssyncset.done $0x0  }
0x12f: {  	[sflag:s19] =	ssyncadd.s32 $0xFFFFC000  }
0x130: {  	[spmem:s2] =	stream.indirect.scatter.add.f32 [tilespmem:s17], [sflag:$0x3], $0x80, s26, s16, $0xb8;
	[tilespmem:$0x1D000] =	vst v63  }
0x131: {  	_ =	swait.ge [sflag:s20], $0x4000  }
0x132: {  	[sflag:s20] =	ssyncset.done $0x0  }
0x133: {  	[sflag:s20] =	ssyncadd.s32 $0xFFFFC000  }
0x134: {  	[tilespmem:s17], [sflag:$0x1] =	stream.indirect.gather [hbm4b:s5+s16], $0x80, s28, s16, $0xb8;
	[tilespmem:$0x1D000] =	vst v63  }
0x135: {  	_ =	swait.ge [sflag:s22], $0x4000  }
0x136: {  	[sflag:s22] =	ssyncset.done $0x0  }
0x137: {  	[sflag:s22] =	ssyncadd.s32 $0xFFFFC000  }
0x138: {  	[spmem:s2] =	stream.indirect.scatter.add.f32 [tilespmem:s18], [sflag:$0x4], $0x80, s29, s16, $0xb8;
	[tilespmem:$0x1D000] =	vst v63  }
0x139: {  	_ =	swait.ge [sflag:s24], $0x4000  }
0x13a: {  	[sflag:s24] =	ssyncset.done $0x0  }
0x13b: {  	[sflag:s24] =	ssyncadd.s32 $0xFFFFC000  }
0x13c: {  	[tilespmem:s18], [sflag:$0x2] =	stream.indirect.gather [hbm4b:s5+s16], $0x80, s30, s16, $0xb8;
	[tilespmem:$0x1D000] =	vst v63  }
0x13d: {  	_ =	swait.ge [sflag:s19], $0x4000  }
0x13e: {  	[sflag:s19] =	ssyncset.done $0x0  }
0x13f: {  	[sflag:s19] =	ssyncadd.s32 $0xFFFFC000  }
0x140: {  	[spmem:s2] =	stream.indirect.scatter.add.f32 [tilespmem:s17], [sflag:$0x3], $0x80, s31, s16, $0xb8;
	[tilespmem:$0x1D000] =	vst v63  }
0x141: {  	_ =	swait.ge [sflag:s20], $0x4000  }
0x142: {  	[sflag:s20] =	ssyncset.done $0x0  }
0x143: {  	[sflag:s20] =	ssyncadd.s32 $0xFFFFC000  }
0x144: {  	[tilespmem:s17], [sflag:$0x1] =	stream.indirect.gather [hbm4b:s5+s16], $0x80, s0, s16, $0xb8;
	[tilespmem:$0x1D000] =	vst v63  }
0x145: {  	_ =	swait.ge [sflag:s22], $0x4000  }
0x146: {  	[sflag:s22] =	ssyncset.done $0x0  }
0x147: {  	[sflag:s22] =	ssyncadd.s32 $0xFFFFC000  }
0x148: {  	[spmem:s2] =	stream.indirect.scatter.add.f32 [tilespmem:s18], [sflag:$0x4], $0x80, s6, s16, $0xb8;
	[tilespmem:$0x1D000] =	vst v63  }
0x149: {  	_ =	swait.ge [sflag:s24], $0x4000  }
0x14a: {  	[sflag:s24] =	ssyncset.done $0x0  }
0x14b: {  	[sflag:s24] =	ssyncadd.s32 $0xFFFFC000  }
0x14c: {  	[tilespmem:s18], [sflag:$0x2] =	stream.indirect.gather [hbm4b:s5+s16], $0x80, s7, s16, $0xb8;
	[tilespmem:$0x1D000] =	vst v63  }
0x14d: {  	_ =	swait.ge [sflag:s19], $0x4000  }
0x14e: {  	[sflag:s19] =	ssyncset.done $0x0  }
0x14f: {  	[sflag:s19] =	ssyncadd.s32 $0xFFFFC000  }
0x150: {  	[spmem:s2] =	stream.indirect.scatter.add.f32 [tilespmem:s17], [sflag:$0x3], $0x80, s1, s16, $0xb8;
	[tilespmem:$0x1D000] =	vst v63  }
0x151: {  	_ =	swait.ge [sflag:s22], $0x4000  }
0x152: {  	[sflag:s22] =	ssyncset.done $0x0  }
0x153: {  	[sflag:s22] =	ssyncadd.s32 $0xFFFFC000  }
0x154: {  	[spmem:s2] =	stream.indirect.scatter.add.f32 [tilespmem:s18], [sflag:$0x4], $0x80, s9, s16, $0xb8;
	[tilespmem:$0x1D000] =	vst v63  }
0x155: {  	_ =	swait.ge [sflag:s20], $0x4000  }
.Ltmp6:
0x156: {  	[sflag:s20] =	ssyncset.done $0x0;
	(pc) =	sbr.rel .LBB2_12-.Ltmp6, $4  }
0x157: {  	[sflag:s20] =	ssyncadd.s32 $0xFFFFC000  }
0x158: {  	_ =	swait.ge [sflag:s24], $0x4000  }
0x159: {  	[sflag:s24] =	ssyncset.done $0x0;
	s10 =	rddreg [dreg:$0x8]  }
0x15a: {  	s21 =	rddreg [dreg:$0x6];
	[sflag:s24] =	ssyncadd.s32 $0xFFFFC000  }
.LBB2_6:
0x15b: {  	[dreg:$0xb] =	wrdreg s23;
	s10 =	sadd.s32 $0x0, s21  }
0x15c: {  	[tilespmem:s3], [sflag:$0x5] =	stream.linear.gather [hbm4b:s10+s3], $0x400, $0x38;
	[tilespmem:$0x1D000] =	vst v63  }
0x15d: {  	_ =	swait.ge [sflag:s14], $0x400  }
0x15e: {  	s26 =	rddreg [dreg:$0x3];
	[sflag:s14] =	ssyncset.done $0x0  }
0x15f: {  	[sflag:s14] =	ssyncadd.s32 $0xFFFFFC00;
	s10 =	sadd.s32 $0x0, s26  }
0x160: {  	[tilespmem:s15], [sflag:$0x5] =	stream.linear.gather [hbm4b:s10+s3], $0x400, $0x38;
	[tilespmem:$0x1D000] =	vst v63  }
0x161: {  	_ =	swait.ge [sflag:s14], $0x400  }
0x162: {  	[sflag:s14] =	ssyncset.done $0x0  }
0x163: {  	[sflag:s14] =	ssyncadd.s32 $0xFFFFFC00  }
0x164: {  	[tilespmem:s17], [sflag:$0x1] =	stream.indirect.gather [hbm4b:s4+s16], $0x80, s3, s16, $0xb8;
	[tilespmem:$0x1D000] =	vst v63  }
0x165: {  	_ = 	snop  }
0x166: {  	[tilespmem:s18], [sflag:$0x2] =	stream.indirect.gather [hbm4b:s4+s16], $0x80, s16, s16, $0xb8;
	[tilespmem:$0x1D000] =	vst v63  }
0x167: {  	_ =	swait.ge [sflag:s19], $0x4000  }
0x168: {  	[sflag:s19] =	ssyncset.done $0x0  }
0x169: {  	[sflag:s19] =	ssyncadd.s32 $0xFFFFC000  }
0x16a: {  	[spmem:s2] =	stream.indirect.scatter.add.f32 [tilespmem:s17], [sflag:$0x3], $0x80, s15, s16, $0xb8;
	[tilespmem:$0x1D000] =	vst v63  }
0x16b: {  	_ =	swait.ge [sflag:s20], $0x4000  }
0x16c: {  	[sflag:s20] =	ssyncset.done $0x0  }
0x16d: {  	[sflag:s20] =	ssyncadd.s32 $0xFFFFC000  }
0x16e: {  	[tilespmem:s17], [sflag:$0x1] =	stream.indirect.gather [hbm4b:s4+s16], $0x80, s12, s16, $0xb8;
	[tilespmem:$0x1D000] =	vst v63  }
0x16f: {  	_ =	swait.ge [sflag:s22], $0x4000  }
0x170: {  	[sflag:s22] =	ssyncset.done $0x0  }
0x171: {  	s25 =	simm.s32 $0x480;
	[sflag:s22] =	ssyncadd.s32 $0xFFFFC000  }
0x172: {  	[spmem:s2] =	stream.indirect.scatter.add.f32 [tilespmem:s18], [sflag:$0x4], $0x80, s25, s16, $0xb8;
	[tilespmem:$0x1D000] =	vst v63  }
0x173: {  	_ =	swait.ge [sflag:s24], $0x4000  }
0x174: {  	[sflag:s24] =	ssyncset.done $0x0  }
0x175: {  	s26 =	simm.s32 $0x180;
	[sflag:s24] =	ssyncadd.s32 $0xFFFFC000  }
0x176: {  	[tilespmem:s18], [sflag:$0x2] =	stream.indirect.gather [hbm4b:s4+s16], $0x80, s26, s16, $0xb8;
	[tilespmem:$0x1D000] =	vst v63  }
0x177: {  	_ =	swait.ge [sflag:s19], $0x4000  }
0x178: {  	[sflag:s19] =	ssyncset.done $0x0  }
0x179: {  	s28 =	simm.s32 $0x500;
	[sflag:s19] =	ssyncadd.s32 $0xFFFFC000  }
0x17a: {  	[spmem:s2] =	stream.indirect.scatter.add.f32 [tilespmem:s17], [sflag:$0x3], $0x80, s28, s16, $0xb8;
	[tilespmem:$0x1D000] =	vst v63  }
0x17b: {  	_ =	swait.ge [sflag:s20], $0x4000  }
0x17c: {  	[sflag:s20] =	ssyncset.done $0x0  }
0x17d: {  	s29 =	simm.s32 $0x200;
	[sflag:s20] =	ssyncadd.s32 $0xFFFFC000  }
0x17e: {  	[tilespmem:s17], [sflag:$0x1] =	stream.indirect.gather [hbm4b:s4+s16], $0x80, s29, s16, $0xb8;
	[tilespmem:$0x1D000] =	vst v63  }
0x17f: {  	_ =	swait.ge [sflag:s22], $0x4000  }
0x180: {  	[sflag:s22] =	ssyncset.done $0x0  }
0x181: {  	s30 =	simm.s32 $0x580;
	[sflag:s22] =	ssyncadd.s32 $0xFFFFC000  }
0x182: {  	[spmem:s2] =	stream.indirect.scatter.add.f32 [tilespmem:s18], [sflag:$0x4], $0x80, s30, s16, $0xb8;
	[tilespmem:$0x1D000] =	vst v63  }
0x183: {  	_ =	swait.ge [sflag:s24], $0x4000  }
0x184: {  	[sflag:s24] =	ssyncset.done $0x0  }
0x185: {  	s31 =	simm.s32 $0x280;
	[sflag:s24] =	ssyncadd.s32 $0xFFFFC000  }
0x186: {  	[tilespmem:s18], [sflag:$0x2] =	stream.indirect.gather [hbm4b:s4+s16], $0x80, s31, s16, $0xb8;
	[tilespmem:$0x1D000] =	vst v63  }
0x187: {  	_ =	swait.ge [sflag:s19], $0x4000  }
0x188: {  	[sflag:s19] =	ssyncset.done $0x0  }
0x189: {  	s0 =	simm.s32 $0x600;
	[sflag:s19] =	ssyncadd.s32 $0xFFFFC000  }
0x18a: {  	[spmem:s2] =	stream.indirect.scatter.add.f32 [tilespmem:s17], [sflag:$0x3], $0x80, s0, s16, $0xb8;
	[tilespmem:$0x1D000] =	vst v63  }
0x18b: {  	_ =	swait.ge [sflag:s20], $0x4000  }
0x18c: {  	[sflag:s20] =	ssyncset.done $0x0  }
0x18d: {  	s6 =	simm.s32 $0x300;
	[sflag:s20] =	ssyncadd.s32 $0xFFFFC000  }
0x18e: {  	[tilespmem:s17], [sflag:$0x1] =	stream.indirect.gather [hbm4b:s4+s16], $0x80, s6, s16, $0xb8;
	[tilespmem:$0x1D000] =	vst v63  }
0x18f: {  	_ =	swait.ge [sflag:s22], $0x4000  }
0x190: {  	[sflag:s22] =	ssyncset.done $0x0  }
0x191: {  	s7 =	simm.s32 $0x680;
	[sflag:s22] =	ssyncadd.s32 $0xFFFFC000  }
0x192: {  	[spmem:s2] =	stream.indirect.scatter.add.f32 [tilespmem:s18], [sflag:$0x4], $0x80, s7, s16, $0xb8;
	[tilespmem:$0x1D000] =	vst v63  }
0x193: {  	_ =	swait.ge [sflag:s24], $0x4000  }
0x194: {  	[sflag:s24] =	ssyncset.done $0x0  }
0x195: {  	s1 =	simm.s32 $0x380;
	[sflag:s24] =	ssyncadd.s32 $0xFFFFC000  }
0x196: {  	[tilespmem:s18], [sflag:$0x2] =	stream.indirect.gather [hbm4b:s4+s16], $0x80, s1, s16, $0xb8;
	[tilespmem:$0x1D000] =	vst v63  }
0x197: {  	_ =	swait.ge [sflag:s19], $0x4000  }
0x198: {  	[sflag:s19] =	ssyncset.done $0x0  }
0x199: {  	s9 =	simm.s32 $0x700;
	[sflag:s19] =	ssyncadd.s32 $0xFFFFC000  }
0x19a: {  	[spmem:s2] =	stream.indirect.scatter.add.f32 [tilespmem:s17], [sflag:$0x3], $0x80, s9, s16, $0xb8;
	[tilespmem:$0x1D000] =	vst v63  }
0x19b: {  	_ =	swait.ge [sflag:s22], $0x4000  }
0x19c: {  	[sflag:s22] =	ssyncset.done $0x0  }
0x19d: {  	s23 =	simm.s32 $0x780;
	[sflag:s22] =	ssyncadd.s32 $0xFFFFC000  }
0x19e: {  	[spmem:s2] =	stream.indirect.scatter.add.f32 [tilespmem:s18], [sflag:$0x4], $0x80, s23, s16, $0xb8;
	[tilespmem:$0x1D000] =	vst v63  }
0x19f: {  	_ =	swait.ge [sflag:s20], $0x4000  }
0x1a0: {  	[sflag:s20] =	ssyncset.done $0x0  }
0x1a1: {  	[sflag:s20] =	ssyncadd.s32 $0xFFFFC000  }
0x1a2: {  	_ =	swait.ge [sflag:s24], $0x4000  }
0x1a3: {  	s11 =	simm.s32 $0x100;
	s10 =	simm.s32 $0x80;
	[sflag:s24] =	ssyncset.done $0x0  }
.LBB2_7:
0x1a4: {  	s13 =	sadd.s32 s10, s21;
	[sflag:s24] =	ssyncadd.s32 $0xFFFFC000  }
0x1a5: {  	[tilespmem:s3], [sflag:$0x5] =	stream.linear.gather [hbm4b:s13+s3], $0x400, $0x38;
	[tilespmem:$0x1D000] =	vst v63  }
0x1a6: {  	s21 =	smov.u32 s11;
	s12 =	sadd.s32 $0x80, s11;
	_ =	swait.ge [sflag:s14], $0x400  }
0x1a7: {  	p1 =	seq.s32 s11, $0x980;
	s11 =	rddreg [dreg:$0x3];
	[sflag:s14] =	ssyncset.done $0x0  }
0x1a8: {  	[sflag:s14] =	ssyncadd.s32 $0xFFFFFC00;
	s11 =	sadd.s32 s10, s11  }
0x1a9: {  	[tilespmem:s15], [sflag:$0x5] =	stream.linear.gather [hbm4b:s11+s3], $0x400, $0x38;
	[tilespmem:$0x1D000] =	vst v63  }
0x1aa: {  	s10 =	smov.u32 s21;
	s21 =	rddreg [dreg:$0x6];
	_ =	swait.ge [sflag:s14], $0x400  }
0x1ab: {  	[sflag:s14] =	ssyncset.done $0x0  }
0x1ac: {  	[sflag:s14] =	ssyncadd.s32 $0xFFFFFC00  }
0x1ad: {  	[tilespmem:s17], [sflag:$0x1] =	stream.indirect.gather [hbm4b:s4+s16], $0x80, s3, s16, $0xb8;
	[tilespmem:$0x1D000] =	vst v63  }
0x1ae: {  	_ = 	snop  }
0x1af: {  	[tilespmem:s18], [sflag:$0x2] =	stream.indirect.gather [hbm4b:s4+s16], $0x80, s16, s16, $0xb8;
	[tilespmem:$0x1D000] =	vst v63  }
0x1b0: {  	_ =	swait.ge [sflag:s19], $0x4000  }
0x1b1: {  	[sflag:s19] =	ssyncset.done $0x0  }
0x1b2: {  	[sflag:s19] =	ssyncadd.s32 $0xFFFFC000  }
0x1b3: {  	[spmem:s2] =	stream.indirect.scatter.add.f32 [tilespmem:s17], [sflag:$0x3], $0x80, s15, s16, $0xb8;
	[tilespmem:$0x1D000] =	vst v63  }
0x1b4: {  	_ =	swait.ge [sflag:s20], $0x4000  }
0x1b5: {  	[sflag:s20] =	ssyncset.done $0x0  }
0x1b6: {  	s13 =	simm.s32 $0x100;
	[sflag:s20] =	ssyncadd.s32 $0xFFFFC000  }
0x1b7: {  	[tilespmem:s17], [sflag:$0x1] =	stream.indirect.gather [hbm4b:s4+s16], $0x80, s13, s16, $0xb8;
	[tilespmem:$0x1D000] =	vst v63  }
0x1b8: {  	_ =	swait.ge [sflag:s22], $0x4000  }
0x1b9: {  	[sflag:s22] =	ssyncset.done $0x0  }
0x1ba: {  	[sflag:s22] =	ssyncadd.s32 $0xFFFFC000  }
0x1bb: {  	[spmem:s2] =	stream.indirect.scatter.add.f32 [tilespmem:s18], [sflag:$0x4], $0x80, s25, s16, $0xb8;
	[tilespmem:$0x1D000] =	vst v63  }
0x1bc: {  	_ =	swait.ge [sflag:s24], $0x4000  }
0x1bd: {  	[sflag:s24] =	ssyncset.done $0x0  }
0x1be: {  	[sflag:s24] =	ssyncadd.s32 $0xFFFFC000  }
0x1bf: {  	[tilespmem:s18], [sflag:$0x2] =	stream.indirect.gather [hbm4b:s4+s16], $0x80, s26, s16, $0xb8;
	[tilespmem:$0x1D000] =	vst v63  }
0x1c0: {  	_ =	swait.ge [sflag:s19], $0x4000  }
0x1c1: {  	[sflag:s19] =	ssyncset.done $0x0  }
0x1c2: {  	[sflag:s19] =	ssyncadd.s32 $0xFFFFC000  }
0x1c3: {  	[spmem:s2] =	stream.indirect.scatter.add.f32 [tilespmem:s17], [sflag:$0x3], $0x80, s28, s16, $0xb8;
	[tilespmem:$0x1D000] =	vst v63  }
0x1c4: {  	_ =	swait.ge [sflag:s20], $0x4000  }
0x1c5: {  	[sflag:s20] =	ssyncset.done $0x0  }
0x1c6: {  	[sflag:s20] =	ssyncadd.s32 $0xFFFFC000  }
0x1c7: {  	[tilespmem:s17], [sflag:$0x1] =	stream.indirect.gather [hbm4b:s4+s16], $0x80, s29, s16, $0xb8;
	[tilespmem:$0x1D000] =	vst v63  }
0x1c8: {  	_ =	swait.ge [sflag:s22], $0x4000  }
0x1c9: {  	[sflag:s22] =	ssyncset.done $0x0  }
0x1ca: {  	[sflag:s22] =	ssyncadd.s32 $0xFFFFC000  }
0x1cb: {  	[spmem:s2] =	stream.indirect.scatter.add.f32 [tilespmem:s18], [sflag:$0x4], $0x80, s30, s16, $0xb8;
	[tilespmem:$0x1D000] =	vst v63  }
0x1cc: {  	_ =	swait.ge [sflag:s24], $0x4000  }
0x1cd: {  	[sflag:s24] =	ssyncset.done $0x0  }
0x1ce: {  	[sflag:s24] =	ssyncadd.s32 $0xFFFFC000  }
0x1cf: {  	[tilespmem:s18], [sflag:$0x2] =	stream.indirect.gather [hbm4b:s4+s16], $0x80, s31, s16, $0xb8;
	[tilespmem:$0x1D000] =	vst v63  }
0x1d0: {  	_ =	swait.ge [sflag:s19], $0x4000  }
0x1d1: {  	[sflag:s19] =	ssyncset.done $0x0  }
0x1d2: {  	[sflag:s19] =	ssyncadd.s32 $0xFFFFC000  }
0x1d3: {  	[spmem:s2] =	stream.indirect.scatter.add.f32 [tilespmem:s17], [sflag:$0x3], $0x80, s0, s16, $0xb8;
	[tilespmem:$0x1D000] =	vst v63  }
0x1d4: {  	_ =	swait.ge [sflag:s20], $0x4000  }
0x1d5: {  	[sflag:s20] =	ssyncset.done $0x0  }
0x1d6: {  	[sflag:s20] =	ssyncadd.s32 $0xFFFFC000  }
0x1d7: {  	[tilespmem:s17], [sflag:$0x1] =	stream.indirect.gather [hbm4b:s4+s16], $0x80, s6, s16, $0xb8;
	[tilespmem:$0x1D000] =	vst v63  }
0x1d8: {  	_ =	swait.ge [sflag:s22], $0x4000  }
0x1d9: {  	[sflag:s22] =	ssyncset.done $0x0  }
0x1da: {  	[sflag:s22] =	ssyncadd.s32 $0xFFFFC000  }
0x1db: {  	[spmem:s2] =	stream.indirect.scatter.add.f32 [tilespmem:s18], [sflag:$0x4], $0x80, s7, s16, $0xb8;
	[tilespmem:$0x1D000] =	vst v63  }
0x1dc: {  	_ =	swait.ge [sflag:s24], $0x4000  }
0x1dd: {  	[sflag:s24] =	ssyncset.done $0x0  }
0x1de: {  	[sflag:s24] =	ssyncadd.s32 $0xFFFFC000  }
0x1df: {  	[tilespmem:s18], [sflag:$0x2] =	stream.indirect.gather [hbm4b:s4+s16], $0x80, s1, s16, $0xb8;
	[tilespmem:$0x1D000] =	vst v63  }
0x1e0: {  	_ =	swait.ge [sflag:s19], $0x4000  }
0x1e1: {  	[sflag:s19] =	ssyncset.done $0x0  }
0x1e2: {  	[sflag:s19] =	ssyncadd.s32 $0xFFFFC000  }
0x1e3: {  	[spmem:s2] =	stream.indirect.scatter.add.f32 [tilespmem:s17], [sflag:$0x3], $0x80, s9, s16, $0xb8;
	[tilespmem:$0x1D000] =	vst v63  }
0x1e4: {  	_ =	swait.ge [sflag:s22], $0x4000  }
0x1e5: {  	[sflag:s22] =	ssyncset.done $0x0  }
0x1e6: {  	[sflag:s22] =	ssyncadd.s32 $0xFFFFC000  }
0x1e7: {  	[spmem:s2] =	stream.indirect.scatter.add.f32 [tilespmem:s18], [sflag:$0x4], $0x80, s23, s16, $0xb8;
	[tilespmem:$0x1D000] =	vst v63  }
.Ltmp7:
0x1e8: {  	_ =	swait.ge [sflag:s20], $0x4000;
	(pc) =	sbr.rel @!p1 .LBB2_7-.Ltmp7, $4  }
0x1e9: {  	[sflag:s20] =	ssyncset.done $0x0  }
0x1ea: {  	[sflag:s20] =	ssyncadd.s32 $0xFFFFC000  }
0x1eb: {  	_ =	swait.ge [sflag:s24], $0x4000  }
0x1ec: {  	s11 =	smov.u32 s12;
	[sflag:s24] =	ssyncset.done $0x0  }
.Ltmp8:
0x1ed: {  	_ = 	snop;
	(pc) =	sbr.rel .LBB2_8-.Ltmp8, $1  }
0x1ee: {  	_ =	sdelay $0x3  }
.LBB2_13:
0x1ef: {  	_ =	sfence.sel $0x180000  }
0x1f0: {  	[bflag:$0x0] =	sbarrier.arrive $0xFFFF  }
0x1f1: {  	_ =	strace $0x9000004A  }
0x1f2: {  	s0 =	stileid.u32;
	[bflag:$0x2] =	sbarrier.arrive $0xFFFF  }
0x1f3: {  	p0 =	sne.s32 s0, $0x0;
	s0 =	rddreg [dreg:$0x2]  }
0x1f4: {  	s0 =	sadd.s32 @!p0 $0x100000, s0  }
0x1f5: {  	[sflag:s0] =	ssyncadd.tile.s32 @!p0 $0x1;
	_ =	shalt  }
.Lfunc_end2:
_tile_overlayer_lowered:
.L_overlay_start_2:
0x1f6: {  	(tag) =	ssettag $0x2  }
0x1f7: {  	s0 =	rddreg [dreg:$0x0];
	s2 =	stileid.u32  }
0x1f8: {  	s1 =	rddreg [dreg:$0x1];
	p0 =	sne.s32 s2, $0x0  }
0x1f9: {  	s3 =	rddreg [dreg:$0x2];
	[bflag:$0x3] =	sbarrier.arrive $0xFFFF;
	s2 =	simm.s32 @!p0 $0x1C05  }
0x1fa: {  	[timem:s3], [sflag:s2] =	dma.local @!p0 [hbm:s0], s1  }
0x1fb: {  	s0 =	simm.s32 @!p0 $0x5  }
0x1fc: {  	_ =	swait.ge @!p0 [sflag:s0], s1  }
0x1fd: {  	s1 =	ssub.s32 @!p0 $0x0, s1;
	[sflag:s0] =	ssyncset.done @!p0 $0x0  }
0x1fe: {  	[sflag:s0] =	ssyncadd.s32 @!p0 s1  }
0x1ff: {  	[bflag:$0x3] =	sbarrier.arrive $0xFFFF  }
0x200: {  	_ =	shalt  }

// kernel: kernel.8.cloned.1.call-start
scs
__scs_entry_jumppad:
0x0: {  	(pc) =	sbr.rel $0x88, $3  }
0x1: {  	(tag) =	ssettag $0x0;
	lr =	simm.s32 $0x1  }
0x2: {  	[smem:$0x3F81] =	sst lr;
	_ =	strace $0xD0000000  }
0x3: {  	_ = 	snop  }
0x4: {  	_ = 	snop  }
0x5: {  	_ = 	snop  }
0x6: {  	_ = 	snop  }
0x7: {  	_ = 	snop  }
__scs_overlays_trampoline_lowered:
0x8: {  	[smem:$0x3F90] =	sst s0  }
0x9: {  	[smem:$0x3F91] =	sst s1  }
0xa: {  	[smem:$0x3F92] =	sst s2  }
0xb: {  	[smem:$0x3F93] =	sst s3  }
0xc: {  	[smem:$0x3F94] =	sst s4  }
0xd: {  	[smem:$0x3F95] =	sst s5  }
0xe: {  	[smem:$0x3F96] =	sst s6  }
0xf: {  	[smem:$0x3F97] =	sst s7  }
0x10: {  	[smem:$0x3F98] =	sst s8  }
0x11: {  	[smem:$0x3F99] =	sst s9;
	s0 =	simm.s32 @!p0 $0x0  }
0x12: {  	s1 =	sld [smem:$0x3F7F];
	s0 =	simm.s32 @p0 $0x1  }
0x13: {  	[smem:$0x3F9A] =	sst s0;
	s0 =	simm.s32 @!p1 $0x0  }
0x14: {  	s2 =	sld [smem:$0x3F7E];
	s0 =	simm.s32 @p1 $0x1  }
0x15: {  	[smem:$0x3F9B] =	sst s0;
	s0 =	simm.s32 @!p2 $0x0  }
0x16: {  	s3 =	sld [smem:$0x3FDB];
	s0 =	simm.s32 @p2 $0x1  }
0x17: {  	s4 =	simm.s32 $0x1BF5;
	[smem:$0x3F9D] =	sst s0  }
0x18: {  	s0 =	sld [smem:$0x3F80];
	_ =	swait.ge [sflag:s4], $0x0  }
0x19: {  	s7 =	sld [smem:$0x3F81]  }
0x1a: {  	s8 =	sadd.s32 $0xFFFFE003, lr  }
0x1b: {  	s9 =	sadd.s32 $0xFFFFFEF7, lr;
	s5 =	simm.s32 $0xFFFFFFFF;
	p2 =	slt.u32 s8, $0xFFFFF086  }
0x1c: {  	p1 =	slt.u32 s9, $0xF7A;
	s5 =	simm.s32 @!p2 $0x0  }
0x1d: {  	s5 =	simm.s32 @p1 $0x1;
	p0 =	seq.s32 s7, s2  }
0x1e: {  	s7 =	smul.u32 @!p0 $0xF7A, s2;
	p2 =	seq.s32 @!p0 s5, $0x0  }
0x1f: {  	s9 =	smul.u32 $0xF7A, s1;
	s8 =	simm.s32 @!p0 $0x1BF5;
	p2 =	por !p2, p0  }
0x20: {  	[sflag:s8] =	ssyncset.s32 @!p0 $0xFFFFF086;
	s6 =	sadd.s32 @!p0 s3, s7;
	s7 =	simm.s32 @!p0 $0x108  }
0x21: {  	s3 =	sadd.s32 s3, s9;
	s6 =	sadd.s32 @!p0 $0x88, s6;
	s7 =	simm.s32 @p2 $0x1082  }
0x22: {  	[simem:s7], [sflag:s8] =	dma.local @!p0 [hbm:s6], $0xF7A  }
0x23: {  	s9 =	sor.u32 $0xD0000000, s2;
	s6 =	simm.s32 $0x108;
	_ =	swait.ge @!p0 [sflag:s8], $0x0  }
0x24: {  	s3 =	sadd.s32 $0x88, s3;
	s6 =	simm.s32 @!p1 $0x1082;
	[sflag:s4] =	ssyncset.s32 $0xFFFFF086  }
0x25: {  	[simem:s6], [sflag:s4] =	dma.local [hbm:s3], $0xF7A  }
0x26: {  	[smem:$0x3F81] =	sst s1;
	(tag) =	ssettag s2;
	_ =	strace s9  }
0x27: {  	s1 =	sld [smem:$0x3F91]  }
0x28: {  	s2 =	sld [smem:$0x3F92]  }
0x29: {  	s4 =	sld [smem:$0x3F94]  }
0x2a: {  	p0 =	seq.s32 s5, $0x0;
	s5 =	sld [smem:$0x3F95]  }
0x2b: {  	s6 =	sld [smem:$0x3F96]  }
0x2c: {  	s7 =	sld [smem:$0x3F97]  }
0x2d: {  	s3 =	simm.s32 $0x108;
	s8 =	sld [smem:$0x3F98]  }
0x2e: {  	s3 =	simm.s32 @!p0 $0x1082;
	s9 =	sld [smem:$0x3F99]  }
0x2f: {  	lr =	sadd.s32 s0, s3;
	s0 =	sld [smem:$0x3F90]  }
0x30: {  	s3 =	sld [smem:$0x3F93]  }
0x31: {  	[smem:$0x3F9C] =	sst s10  }
0x32: {  	s10 =	sld [smem:$0x3F9A];
	_ =	sdelay $0x3  }
0x33: {  	p0 =	seq.s32 s10, $0x1;
	s10 =	sld [smem:$0x3F9C];
	_ =	sdelay $0x3  }
0x34: {  	[smem:$0x3F9C] =	sst s10  }
0x35: {  	s10 =	sld [smem:$0x3F9B];
	_ =	sdelay $0x3  }
0x36: {  	p1 =	seq.s32 s10, $0x1;
	s10 =	sld [smem:$0x3F9C];
	_ =	sdelay $0x3  }
0x37: {  	[smem:$0x3F9C] =	sst s10  }
0x38: {  	s10 =	sld [smem:$0x3F9D]  }
0x39: {  	_ = 	snop;
	(pc) =	sbr.ind lr, $3  }
0x3a: {  	_ = 	snop  }
0x3b: {  	_ = 	snop  }
0x3c: {  	p2 =	seq.s32 s10, $0x1;
	s10 =	sld [smem:$0x3F9C]  }
0x3d: {  	_ =	shalt  }
0x3e: {  	_ =	shalt  }
0x3f: {  	_ =	shalt  }
0x40: {  	_ =	shalt  }
0x41: {  	_ =	shalt  }
0x42: {  	_ =	shalt  }
0x43: {  	_ =	shalt  }
0x44: {  	_ =	shalt  }
0x45: {  	_ =	shalt  }
0x46: {  	_ =	shalt  }
0x47: {  	_ =	shalt  }
0x48: {  	_ =	shalt  }
0x49: {  	_ =	shalt  }
0x4a: {  	_ =	shalt  }
0x4b: {  	_ =	shalt  }
0x4c: {  	_ =	shalt  }
0x4d: {  	_ =	shalt  }
0x4e: {  	_ =	shalt  }
0x4f: {  	_ =	shalt  }
0x50: {  	_ =	shalt  }
0x51: {  	_ =	shalt  }
0x52: {  	_ =	shalt  }
0x53: {  	_ =	shalt  }
0x54: {  	_ =	shalt  }
0x55: {  	_ =	shalt  }
0x56: {  	_ =	shalt  }
0x57: {  	_ =	shalt  }
0x58: {  	_ =	shalt  }
0x59: {  	_ =	shalt  }
0x5a: {  	_ =	shalt  }
0x5b: {  	_ =	shalt  }
0x5c: {  	_ =	shalt  }
0x5d: {  	_ =	shalt  }
0x5e: {  	_ =	shalt  }
0x5f: {  	_ =	shalt  }
0x60: {  	_ =	shalt  }
0x61: {  	_ =	shalt  }
0x62: {  	_ =	shalt  }
0x63: {  	_ =	shalt  }
0x64: {  	_ =	shalt  }
0x65: {  	_ =	shalt  }
0x66: {  	_ =	shalt  }
0x67: {  	_ =	shalt  }
0x68: {  	_ =	shalt  }
0x69: {  	_ =	shalt  }
0x6a: {  	_ =	shalt  }
0x6b: {  	_ =	shalt  }
0x6c: {  	_ =	shalt  }
0x6d: {  	_ =	shalt  }
0x6e: {  	_ =	shalt  }
0x6f: {  	_ =	shalt  }
0x70: {  	_ =	shalt  }
0x71: {  	_ =	shalt  }
0x72: {  	_ =	shalt  }
0x73: {  	_ =	shalt  }
0x74: {  	_ =	shalt  }
0x75: {  	_ =	shalt  }
0x76: {  	_ =	shalt  }
0x77: {  	_ =	shalt  }
0x78: {  	_ =	shalt  }
0x79: {  	_ =	shalt  }
0x7a: {  	_ =	shalt  }
0x7b: {  	_ =	shalt  }
0x7c: {  	_ =	shalt  }
0x7d: {  	_ =	shalt  }
0x7e: {  	_ =	shalt  }
0x7f: {  	_ =	shalt  }
0x80: {  	_ =	shalt  }
0x81: {  	_ =	shalt  }
0x82: {  	_ =	shalt  }
0x83: {  	_ =	shalt  }
0x84: {  	_ =	shalt  }
0x85: {  	_ =	shalt  }
0x86: {  	_ =	shalt  }
0x87: {  	_ =	shalt  }
.Lfunc_end0:
.L_simem_size_0:
called_computation_lowered:
.L_overlay_start_0:
0x88: {  	s2 =	sld [smem:$0x3FD9]  }
0x89: {  	s3 =	sld [smem:$0x3FFE];
	_ =	sdelay $0x1  }
0x8a: {  	s1 =	srdreg.scid  }
0x8b: {  	s0 =	sand.u32 $0x1, s1  }
0x8c: {  	s16 =	sshll.u32 s0, $0xA;
	s2 =	sadd.s32 s3, s2  }
0x8d: {  	s2 =	sadd.s32 s2, s16  }
0x8e: {  	[smem:$0x3FA8] =	sst s2  }
0x8f: {  	_ = 	snop  }
0x90: {  	(tm) =	ssettm $0x1  }
0x91: {  	s17 =	sld [smem:$0x3FFB];
	_ =	sdelay $0x3  }
0x92: {  	_ =	strace s17  }
0x93: {  	s2 =	sld [smem:$0x3FFC];
	_ =	sdelay $0x3  }
0x94: {  	_ =	strace s2  }
0x95: {  	s2 =	sld [smem:$0x3FFD];
	_ =	sdelay $0x3  }
0x96: {  	_ =	strace s2  }
0x97: {  	_ =	strace $0x8FFFFFFF  }
0x98: {  	s18 =	sld [smem:$0x3FDB];
	_ =	sdelay $0x1  }
0x99: {  	s19 =	simm.s32 $_scs_section_size  }
0x9a: {  	s4 =	simm.s32 $_size__tile_overlayer_lowered;
	s5 =	simm.s32 $_tile_overlayer_lowered  }
0x9b: {  	s22 =	simm.s32 $0x1BFF;
	s21 =	sshll.u32 s5, $0x1;
	s2 =	sadd.s32 s19, s18  }
0x9c: {  	s6 =	simm.s32 $0x0;
	s20 =	sshll.u32 s4, $0x1;
	s4 =	sadd.s32 s21, s2  }
0x9d: {  	[timem:s6], [sflag:s22] =	dma.local [hbm:s4], s20  }
0x9e: {  	_ =	swait.ge [sflag:s22], s20  }
0x9f: {  	s3 =	ssub.s32 $0x0, s20;
	[sflag:s22] =	ssyncset.done $0x0  }
0xa0: {  	[sflag:s22] =	ssyncadd.s32 s3;
	_ =	sdelay $0x1  }
0xa1: {  	s23 =	simm.s32 $0x1B8B  }
0xa2: {  	_ =	swait.ge [sflag:s23], $0x1  }
0xa3: {  	[sflag:s23] =	ssyncset.done $0x0  }
0xa4: {  	s25 =	simm.s32 $0x1B8E;
	s24 =	sld [smem:$0x3FFE];
	[sflag:s23] =	ssyncadd.s32 $0xFFFFFFFF  }
0xa5: {  	s26 =	simm.s32 $execute0_lowered;
	[smem:$0x3FD2] =	sst s25  }
0xa6: {  	s4 =	sshll.u32 s26, $0x1;
	_ =	strace $0x80000046;
	[dreg:$0x1] =	wrdreg $0xFFFFFFFF  }
0xa7: {  	s28 =	simm.s32 $_size_execute0_lowered;
	s2 =	sadd.s32 s2, s4;
	[dreg:$0x0] =	wrdreg $0x0  }
0xa8: {  	s4 =	sshll.u32 s28, $0x1;
	[dreg:$0x2] =	wrdreg s2  }
0xa9: {  	[dreg:$0x3] =	wrdreg s4  }
0xaa: {  	[dreg:$0x4] =	wrdreg $0xC0  }
0xab: {  	_ =	task [dreg:s6], $0x5FFFF  }
0xac: {  	[dreg:$0x1] =	wrdreg $0xFFFFFFFF  }
0xad: {  	[dreg:$0x0] =	wrdreg $0x60  }
0xae: {  	[dreg:$0x2] =	wrdreg s24  }
0xaf: {  	[dreg:$0x3] =	wrdreg $0x90000  }
0xb0: {  	[dreg:$0x4] =	wrdreg $0x1D3000  }
0xb1: {  	[dreg:$0x5] =	wrdreg $0x9  }
0xb2: {  	_ =	task.clear_ibuf [dreg:s6], $0x6FFFF;
	_ =	strace $0x90000046  }
0xb3: {  	s29 =	simm.s32 $0x9;
	_ =	strace $0x80000048  }
0xb4: {  	_ =	swait.ge [sflag:s29], $0x1  }
0xb5: {  	[sflag:s29] =	ssyncadd.s32 $0xFFFFFFFF  }
0xb6: {  	_ =	strace $0x90000048  }
0xb7: {  	_ =	sfence  }
0xb8: {  	s30 =	sld [smem:$0x0];
	_ =	sdelay $0x2  }
0xb9: {  	s31 =	sshll.u32 s1, $0xD;
	s1 =	sshrl.u32 s1, $0x2  }
0xba: {  	s3 =	sand.u32 $0x4000, s31;
	s1 =	sadd.s32 s1, s30  }
0xbb: {  	s0 =	sor.u32 s3, s0;
	s1 =	sshll.u32 s1, $0x11  }
0xbc: {  	s0 =	sor.u32 s1, s0  }
0xbd: {  	s0 =	sadd.s32 $0x8F2B, s0  }
0xbe: {  	[sflag:s0] =	ssyncadd.remote.s32 $0x1  }
0xbf: {  	_ =	sfence.sel $0xFFFF  }
0xc0: {  	[dreg:$0x0] =	wrdreg $0xFFFFFFFF;
	(pc) =	sbr.abs _section_cstart, $3  }
0xc1: {  	[dreg:$0x1] =	wrdreg $0xFFFFFFFF  }
0xc2: {  	_ =	task.clear_ibuf [dreg:s6], $0x2FFFF;
	_ =	strace $0x9FFFFFFF  }
0xc3: {  	(tm) =	ssettm $0x7FFFFFFF  }
tec
execute0_lowered:
.L_overlay_start_1:
0x0: {  	(tag) =	ssettag $0x1  }
0x1: {  	s0 =	rddreg [dreg:$0x0]  }
0x2: {  	s2 =	rddreg [dreg:$0x1]  }
0x3: {  	s3 =	rddreg [dreg:$0x2];
	s4 =	simm.s32 $0x0;
	s12 =	stileid.u32  }
0x4: {  	s18 =	srdreg.scid;
	s17 =	simm.s32 $0x6;
	s28 =	simm.s32 $0x2  }
0x5: {  	s29 =	simm.s32 $0x480;
	s30 =	simm.s32 $0x4;
	s14 =	simm.s32 $0x700  }
0x6: {  	s15 =	simm.s32 $0x780;
	[smem:$0x7FF] =	sst s4;
	s1 =	smul.u32 $0xA00, s12  }
0x7: {  	s5 =	sadd.s32 $0x5400, s0;
	s6 =	sadd.s32 $0x2D400, s0;
	s7 =	sadd.s32 $0xCE000, s0  }
0x8: {  	s8 =	sadd.s32 $0xF6000, s0;
	s19 =	smul.u32 $0x50000, s12;
	s9 =	sadd.s32 $0xCD400, s0  }
0x9: {  	s10 =	smul.u32 $0x280, s12;
	_ =	strace $0x80000047;
	[dreg:$0x8] =	wrdreg s7  }
0xa: {  	s26 =	smul.u32 $0x2800, s12;
	s12 =	simm.s32 $0x5;
	[dreg:$0x9] =	wrdreg s8  }
0xb: {  	s7 =	sand.u32 $0x1, s18;
	[dreg:$0xa] =	wrdreg s9;
	s9 =	simm.s32 $0x600  }
0xc: {  	s1 =	sadd.s32 s1, s0;
	s0 =	sadd.s32 $0xCDA00, s0;
	s20 =	ssub.s32 $0x2, s7  }
0xd: {  	s8 =	sshrl.u32 s19, $0x2;
	s23 =	sadd.s32 s10, s3;
	[dreg:$0xd] =	wrdreg s26  }
0xe: {  	p0 =	seq.s32 s7, $0x1;
	s31 =	sshrl.u32 s10, $0x3;
	[dreg:$0xb] =	wrdreg s0  }
0xf: {  	s19 =	simm.s32 $0x400;
	s7 =	simm.s32 $0x580;
	[dreg:$0xc] =	wrdreg s23  }
0x10: {  	s21 =	sshrl.u32 s20, $0x1;
	s22 =	sadd.s32 $0x69400, s1;
	[dreg:$0xe] =	wrdreg s31  }
0x11: {  	s11 =	sadd.s32 s8, s2;
	s24 =	sadd.s32 $0x55400, s1;
	[dreg:$0x4] =	wrdreg s22  }
0x12: {  	s25 =	sadd.s32 $0x73400, s1;
	s1 =	sadd.s32 $0x5F400, s1;
	[dreg:$0x5] =	wrdreg s24  }
.Ltmp0:
0x13: {  	s23 =	simm.s32 $0x1;
	[dreg:$0x6] =	wrdreg s25;
	(pc) =	sbr.rel .LBB2_1-.Ltmp0, $4  }
0x14: {  	s8 =	simm.s32 $0x0;
	s0 =	ssub.s32 s20, s21;
	[dreg:$0x7] =	wrdreg s1  }
0x15: {  	s20 =	simm.s32 $0x80;
	s21 =	simm.s32 $0x800;
	s22 =	simm.s32 $0x4800  }
0x16: {  	s24 =	simm.s32 $0x1D000;
	s25 =	simm.s32 $0x3;
	s0 =	smax.u32 s0, $0x1  }
0x17: {  	v0 =	vimm.f32 $0.0e+00;
	v1 =	vimm.f32 $1.000000000e+00;
	s1 =	simm.s32 $0x680;
	[dreg:$0xf] =	wrdreg s0;
	s0 =	simm.s32 $0x500  }
.LBB2_8:
0x18: {  	[sflag:s12] =	ssyncadd.s32 $0xFFFFFF80;
	s18 =	sadd.s32 s16, s31  }
0x19: {  	[tilespmem:s4], [sflag:$0x6] =	stream.linear.gather [hbm4b:s18+s4], $0x400, $0x38;
	[tilespmem:$0x1D580] =	vst v63  }
0x1a: {  	_ =	swait.ge [sflag:s17], $0x400  }
0x1b: {  	s26 =	rddreg [dreg:$0x4];
	[sflag:s17] =	ssyncset.done $0x0  }
0x1c: {  	[sflag:s17] =	ssyncadd.s32 $0xFFFFFC00;
	s31 =	sadd.s32 s16, s26  }
0x1d: {  	[tilespmem:s19], [sflag:$0x6] =	stream.linear.gather [hbm4b:s31+s4], $0x400, $0x38;
	[tilespmem:$0x1D580] =	vst v63  }
0x1e: {  	_ =	swait.ge [sflag:s17], $0x400  }
0x1f: {  	[sflag:s17] =	ssyncset.done $0x0  }
0x20: {  	[sflag:s17] =	ssyncadd.s32 $0xFFFFFC00  }
0x21: {  	[tilespmem:s21], [sflag:$0x1] =	stream.indirect.gather [hbm4b:s5+s20], $0x80, s4, s20, $0xb8;
	[tilespmem:$0x1D580] =	vst v63  }
0x22: {  	_ = 	snop  }
0x23: {  	[tilespmem:s22], [sflag:$0x2] =	stream.indirect.gather [hbm4b:s5+s20], $0x80, s20, s20, $0xb8;
	[tilespmem:$0x1D580] =	vst v63  }
0x24: {  	_ =	swait.ge [sflag:s23], $0x4000  }
0x25: {  	[sflag:s23] =	ssyncset.done $0x0  }
0x26: {  	[sflag:s23] =	ssyncadd.s32 $0xFFFFC000  }
0x27: {  	[spmem:s2] =	stream.indirect.scatter.add.f32 [tilespmem:s21], [sflag:$0x3], $0x80, s19, s20, $0xb8;
	[tilespmem:$0x1D580] =	vst v63  }
0x28: {  	_ = 	snop  }
0x29: {  	[spmem:s3] =	stream.indirect.scatter.add.f32 [tilespmem:s24], [sflag:$0x5], $0x1, s19, s20, $0xb8;
	[tilespmem:$0x1D580] =	vst v63  }
0x2a: {  	_ =	swait.ge [sflag:s25], $0x4000  }
0x2b: {  	[sflag:s25] =	ssyncset.done $0x0  }
0x2c: {  	[sflag:s25] =	ssyncadd.s32 $0xFFFFC000  }
0x2d: {  	[tilespmem:s21], [sflag:$0x1] =	stream.indirect.gather [hbm4b:s5+s20], $0x80, s8, s20, $0xb8;
	[tilespmem:$0x1D580] =	vst v63  }
0x2e: {  	_ =	swait.ge [sflag:s28], $0x4000  }
0x2f: {  	[sflag:s28] =	ssyncset.done $0x0  }
0x30: {  	[sflag:s28] =	ssyncadd.s32 $0xFFFFC000  }
0x31: {  	[spmem:s2] =	stream.indirect.scatter.add.f32 [tilespmem:s22], [sflag:$0x4], $0x80, s29, s20, $0xb8;
	[tilespmem:$0x1D580] =	vst v63  }
0x32: {  	_ = 	snop  }
0x33: {  	[spmem:s3] =	stream.indirect.scatter.add.f32 [tilespmem:s24], [sflag:$0x5], $0x1, s29, s20, $0xb8;
	[tilespmem:$0x1D580] =	vst v63  }
0x34: {  	_ =	swait.ge [sflag:s30], $0x4000  }
0x35: {  	[sflag:s30] =	ssyncset.done $0x0  }
0x36: {  	[sflag:s30] =	ssyncadd.s32 $0xFFFFC000  }
0x37: {  	[tilespmem:s22], [sflag:$0x2] =	stream.indirect.gather [hbm4b:s5+s20], $0x80, s10, s20, $0xb8;
	[tilespmem:$0x1D580] =	vst v63  }
0x38: {  	_ =	swait.ge [sflag:s23], $0x4000  }
0x39: {  	[sflag:s23] =	ssyncset.done $0x0  }
0x3a: {  	[sflag:s23] =	ssyncadd.s32 $0xFFFFC000  }
0x3b: {  	[spmem:s2] =	stream.indirect.scatter.add.f32 [tilespmem:s21], [sflag:$0x3], $0x80, s0, s20, $0xb8;
	[tilespmem:$0x1D580] =	vst v63  }
0x3c: {  	_ = 	snop  }
0x3d: {  	[spmem:s3] =	stream.indirect.scatter.add.f32 [tilespmem:s24], [sflag:$0x5], $0x1, s0, s20, $0xb8;
	[tilespmem:$0x1D580] =	vst v63  }
0x3e: {  	_ =	swait.ge [sflag:s25], $0x4000  }
0x3f: {  	[sflag:s25] =	ssyncset.done $0x0  }
0x40: {  	[sflag:s25] =	ssyncadd.s32 $0xFFFFC000  }
0x41: {  	[tilespmem:s21], [sflag:$0x1] =	stream.indirect.gather [hbm4b:s5+s20], $0x80, s13, s20, $0xb8;
	[tilespmem:$0x1D580] =	vst v63  }
0x42: {  	_ =	swait.ge [sflag:s28], $0x4000  }
0x43: {  	[sflag:s28] =	ssyncset.done $0x0  }
0x44: {  	[sflag:s28] =	ssyncadd.s32 $0xFFFFC000  }
0x45: {  	[spmem:s2] =	stream.indirect.scatter.add.f32 [tilespmem:s22], [sflag:$0x4], $0x80, s7, s20, $0xb8;
	[tilespmem:$0x1D580] =	vst v63  }
0x46: {  	_ = 	snop  }
0x47: {  	[spmem:s3] =	stream.indirect.scatter.add.f32 [tilespmem:s24], [sflag:$0x5], $0x1, s7, s20, $0xb8;
	[tilespmem:$0x1D580] =	vst v63  }
0x48: {  	_ =	swait.ge [sflag:s30], $0x4000  }
0x49: {  	[sflag:s30] =	ssyncset.done $0x0  }
0x4a: {  	s18 =	simm.s32 $0x280;
	[sflag:s30] =	ssyncadd.s32 $0xFFFFC000  }
0x4b: {  	[tilespmem:s22], [sflag:$0x2] =	stream.indirect.gather [hbm4b:s5+s20], $0x80, s18, s20, $0xb8;
	[tilespmem:$0x1D580] =	vst v63  }
0x4c: {  	_ =	swait.ge [sflag:s23], $0x4000  }
0x4d: {  	[sflag:s23] =	ssyncset.done $0x0  }
0x4e: {  	[sflag:s23] =	ssyncadd.s32 $0xFFFFC000  }
0x4f: {  	[spmem:s2] =	stream.indirect.scatter.add.f32 [tilespmem:s21], [sflag:$0x3], $0x80, s9, s20, $0xb8;
	[tilespmem:$0x1D580] =	vst v63  }
0x50: {  	_ = 	snop  }
0x51: {  	[spmem:s3] =	stream.indirect.scatter.add.f32 [tilespmem:s24], [sflag:$0x5], $0x1, s9, s20, $0xb8;
	[tilespmem:$0x1D580] =	vst v63  }
0x52: {  	_ =	swait.ge [sflag:s25], $0x4000  }
0x53: {  	[sflag:s25] =	ssyncset.done $0x0  }
0x54: {  	s26 =	simm.s32 $0x300;
	[sflag:s25] =	ssyncadd.s32 $0xFFFFC000  }
0x55: {  	[tilespmem:s21], [sflag:$0x1] =	stream.indirect.gather [hbm4b:s5+s20], $0x80, s26, s20, $0xb8;
	[tilespmem:$0x1D580] =	vst v63  }
0x56: {  	_ =	swait.ge [sflag:s28], $0x4000  }
0x57: {  	[sflag:s28] =	ssyncset.done $0x0  }
0x58: {  	[sflag:s28] =	ssyncadd.s32 $0xFFFFC000  }
0x59: {  	[spmem:s2] =	stream.indirect.scatter.add.f32 [tilespmem:s22], [sflag:$0x4], $0x80, s1, s20, $0xb8;
	[tilespmem:$0x1D580] =	vst v63  }
0x5a: {  	_ = 	snop  }
0x5b: {  	[spmem:s3] =	stream.indirect.scatter.add.f32 [tilespmem:s24], [sflag:$0x5], $0x1, s1, s20, $0xb8;
	[tilespmem:$0x1D580] =	vst v63  }
0x5c: {  	_ =	swait.ge [sflag:s30], $0x4000  }
0x5d: {  	[sflag:s30] =	ssyncset.done $0x0  }
0x5e: {  	s31 =	simm.s32 $0x380;
	[sflag:s30] =	ssyncadd.s32 $0xFFFFC000  }
0x5f: {  	[tilespmem:s22], [sflag:$0x2] =	stream.indirect.gather [hbm4b:s5+s20], $0x80, s31, s20, $0xb8;
	[tilespmem:$0x1D580] =	vst v63  }
0x60: {  	_ =	swait.ge [sflag:s23], $0x4000  }
0x61: {  	[sflag:s23] =	ssyncset.done $0x0  }
0x62: {  	[sflag:s23] =	ssyncadd.s32 $0xFFFFC000  }
0x63: {  	[spmem:s2] =	stream.indirect.scatter.add.f32 [tilespmem:s21], [sflag:$0x3], $0x80, s14, s20, $0xb8;
	[tilespmem:$0x1D580] =	vst v63  }
0x64: {  	_ = 	snop  }
0x65: {  	[spmem:s3] =	stream.indirect.scatter.add.f32 [tilespmem:s24], [sflag:$0x5], $0x1, s14, s20, $0xb8;
	[tilespmem:$0x1D580] =	vst v63  }
0x66: {  	_ =	swait.ge [sflag:s28], $0x4000  }
0x67: {  	[sflag:s28] =	ssyncset.done $0x0  }
0x68: {  	[sflag:s28] =	ssyncadd.s32 $0xFFFFC000  }
0x69: {  	[spmem:s2] =	stream.indirect.scatter.add.f32 [tilespmem:s22], [sflag:$0x4], $0x80, s15, s20, $0xb8;
	[tilespmem:$0x1D580] =	vst v63  }
0x6a: {  	_ = 	snop  }
0x6b: {  	[spmem:s3] =	stream.indirect.scatter.add.f32 [tilespmem:s24], [sflag:$0x5], $0x1, s15, s20, $0xb8;
	[tilespmem:$0x1D580] =	vst v63  }
0x6c: {  	_ =	swait.ge [sflag:s25], $0x4000  }
0x6d: {  	[sflag:s25] =	ssyncset.done $0x0  }
0x6e: {  	[sflag:s25] =	ssyncadd.s32 $0xFFFFC000  }
0x6f: {  	_ =	swait.ge [sflag:s30], $0x4000  }
0x70: {  	[sflag:s30] =	ssyncset.done $0x0  }
0x71: {  	[sflag:s30] =	ssyncadd.s32 $0xFFFFC000  }
0x72: {  	_ =	swait.ge [sflag:s12], $0x80  }
0x73: {  	[sflag:s12] =	ssyncset.done $0x0  }
0x74: {  	[sflag:s12] =	ssyncadd.s32 $0xFFFFFF80  }
0x75: {  	_ =	swait.ge [sflag:s12], $0x80  }
0x76: {  	[sflag:s12] =	ssyncset.done $0x0  }
0x77: {  	[sflag:s12] =	ssyncadd.s32 $0xFFFFFF80  }
0x78: {  	_ =	swait.ge [sflag:s12], $0x80  }
0x79: {  	[sflag:s12] =	ssyncset.done $0x0  }
0x7a: {  	[sflag:s12] =	ssyncadd.s32 $0xFFFFFF80  }
0x7b: {  	_ =	swait.ge [sflag:s12], $0x80  }
0x7c: {  	[sflag:s12] =	ssyncset.done $0x0  }
0x7d: {  	[sflag:s12] =	ssyncadd.s32 $0xFFFFFF80  }
0x7e: {  	_ =	swait.ge [sflag:s12], $0x80  }
0x7f: {  	[sflag:s12] =	ssyncset.done $0x0  }
0x80: {  	[sflag:s12] =	ssyncadd.s32 $0xFFFFFF80  }
0x81: {  	_ =	swait.ge [sflag:s12], $0x80  }
0x82: {  	[sflag:s12] =	ssyncset.done $0x0  }
0x83: {  	[sflag:s12] =	ssyncadd.s32 $0xFFFFFF80  }
0x84: {  	_ =	swait.ge [sflag:s12], $0x80  }
0x85: {  	[sflag:s12] =	ssyncset.done $0x0  }
0x86: {  	[sflag:s12] =	ssyncadd.s32 $0xFFFFFF80  }
0x87: {  	_ =	swait.ge [sflag:s12], $0x80  }
0x88: {  	s26 =	rddreg [dreg:$0x8]  }
0x89: {  	[sflag:s12] =	ssyncset.done $0x0;
	s16 =	rddreg [dreg:$0xa]  }
0x8a: {  	s8 =	rddreg [dreg:$0x10];
	[sflag:s12] =	ssyncadd.s32 $0xFFFFFF80  }
.LBB2_12:
0x8b: {  	s18 =	rddreg [dreg:$0xd];
	s31 =	stileid.u32  }
0x8c: {  	s18 =	sadd.s32 s26, s18;
	s26 =	sshll.u32 s31, $0x6  }
0x8d: {  	[bflag:$0x0] =	sbarrier.arrive $0xFFFF;
	s31 =	sshrl.u32 s11, $0x3;
	s26 =	sor.u32 $0x1C06, s26  }
0x8e: {  	[hbm:s18], [sflag:s26] =	dma.local [spmem:s31], $0x2800  }
0x8f: {  	_ =	swait.ge [sflag:s17], $0x2800  }
0x90: {  	s10 =	rddreg [dreg:$0xe]  }
0x91: {  	[sflag:s17] =	ssyncset.done $0x0;
	s13 =	rddreg [dreg:$0xc]  }
0x92: {  	s16 =	sadd.s32 s16, s10;
	[sflag:s17] =	ssyncadd.s32 $0xFFFFD800;
	s18 =	sshrl.u32 s13, $0x3  }
0x93: {  	[hbm:s16], [sflag:s26] =	dma.local [spmem:s18], $0x50  }
0x94: {  	_ =	swait.ge [sflag:s17], $0x50  }
0x95: {  	s8 =	sadd.s32 $0x1, s8;
	s31 =	rddreg [dreg:$0xf]  }
0x96: {  	p1 =	sne.s32 s8, s31  }
.Ltmp1:
0x97: {  	_ = 	snop;
	(pc) =	sbr.rel @!p1 .LBB2_13-.Ltmp1, $3  }
0x98: {  	_ =	sdelay $0x1  }
0x99: {  	[sflag:s17] =	ssyncset.done $0x0  }
0x9a: {  	[sflag:s17] =	ssyncadd.s32 $0xFFFFFFB0  }
.LBB2_1:
0x9b: {  	s16 =	simm.s32 $0x0;
	s26 =	simm.s32 $0x0  }
.LBB2_2:
0x9c: {  	p1 =	sne.s32 s26, $0x1FC0  }
.Ltmp2:
0x9d: {  	_ = 	snop;
	(pc) =	sbr.rel @p1 .LBB2_2-.Ltmp2, $4  }
0x9e: {  	s31 =	sand.u32 $0x1E00, s26  }
0x9f: {  	s18 =	sand.u32 $0x70, s16;
	s31 =	sshrl.u32 s31, $0x2  }
0xa0: {  	s18 =	sor.u32 s18, s31  }
0xa1: {  	s16 =	sadd.s32 $0x10, s16;
	s26 =	sadd.s32 $0x40, s26;
	[tilespmem:s18+$0x8800] =	vst v0  }
0xa2: {  	[dreg:$0x10] =	wrdreg s8;
	s16 =	sadd.s32 $0x0, s11;
	s26 =	simm.s32 $0x8800  }
0xa3: {  	[spmem:s16] =	stream.linear.scatter [tilespmem:s26], [sflag:$0x6], $0x800, $0x38;
	[tilespmem:$0x1D580] =	vst v63  }
0xa4: {  	s16 =	simm.s32 $0x2000;
	_ =	swait.ge [sflag:s17], $0x800  }
.LBB2_4:
0xa5: {  	s18 =	sshra.s32 s16, $0x2;
	[sflag:s17] =	ssyncset.done $0x0;
	p1 =	sne.s32 s16, $0x4E000  }
.Ltmp3:
0xa6: {  	s18 =	sadd.s32 s18, s11;
	[sflag:s17] =	ssyncadd.s32 $0xFFFFF800;
	(pc) =	sbr.rel @p1 .LBB2_4-.Ltmp3, $3  }
0xa7: {  	[spmem:s18] =	stream.linear.scatter [tilespmem:s26], [sflag:$0x6], $0x800, $0x38;
	[tilespmem:$0x1D580] =	vst v63  }
0xa8: {  	s16 =	sadd.s32 $0x2000, s16;
	_ =	sdelay $0x1  }
0xa9: {  	_ =	swait.ge [sflag:s17], $0x800  }
0xaa: {  	[sflag:s17] =	ssyncset.done $0x0  }
0xab: {  	[sflag:s17] =	ssyncadd.s32 $0xFFFFF800  }
0xac: {  	[tilespmem:$0x1D080] =	vst v0  }
0xad: {  	[tilespmem:$0x1D090] =	vst v0  }
0xae: {  	[tilespmem:$0x1D0A0] =	vst v0  }
0xaf: {  	[tilespmem:$0x1D0B0] =	vst v0  }
0xb0: {  	[tilespmem:$0x1D0C0] =	vst v0  }
0xb1: {  	[tilespmem:$0x1D0D0] =	vst v0  }
0xb2: {  	[tilespmem:$0x1D0E0] =	vst v0  }
0xb3: {  	[tilespmem:$0x1D0F0] =	vst v0  }
0xb4: {  	[tilespmem:$0x1D100] =	vst v0  }
0xb5: {  	[tilespmem:$0x1D110] =	vst v0  }
0xb6: {  	[tilespmem:$0x1D120] =	vst v0  }
0xb7: {  	[tilespmem:$0x1D130] =	vst v0  }
0xb8: {  	[tilespmem:$0x1D140] =	vst v0  }
0xb9: {  	[tilespmem:$0x1D150] =	vst v0  }
0xba: {  	[tilespmem:$0x1D160] =	vst v0  }
0xbb: {  	[tilespmem:$0x1D170] =	vst v0  }
0xbc: {  	[tilespmem:$0x1D180] =	vst v0  }
0xbd: {  	[tilespmem:$0x1D190] =	vst v0  }
0xbe: {  	[tilespmem:$0x1D1A0] =	vst v0  }
0xbf: {  	[tilespmem:$0x1D1B0] =	vst v0  }
0xc0: {  	[tilespmem:$0x1D1C0] =	vst v0  }
0xc1: {  	[tilespmem:$0x1D1D0] =	vst v0  }
0xc2: {  	[tilespmem:$0x1D1E0] =	vst v0  }
0xc3: {  	[tilespmem:$0x1D1F0] =	vst v0  }
0xc4: {  	[tilespmem:$0x1D200] =	vst v0  }
0xc5: {  	[tilespmem:$0x1D210] =	vst v0  }
0xc6: {  	[tilespmem:$0x1D220] =	vst v0  }
0xc7: {  	[tilespmem:$0x1D230] =	vst v0  }
0xc8: {  	[tilespmem:$0x1D240] =	vst v0  }
0xc9: {  	[tilespmem:$0x1D250] =	vst v0  }
0xca: {  	[tilespmem:$0x1D260] =	vst v0  }
0xcb: {  	[tilespmem:$0x1D270] =	vst v0  }
0xcc: {  	[tilespmem:$0x1D280] =	vst v0  }
0xcd: {  	[tilespmem:$0x1D290] =	vst v0  }
0xce: {  	[tilespmem:$0x1D2A0] =	vst v0  }
0xcf: {  	[tilespmem:$0x1D2B0] =	vst v0  }
0xd0: {  	[tilespmem:$0x1D2C0] =	vst v0  }
0xd1: {  	[tilespmem:$0x1D2D0] =	vst v0  }
0xd2: {  	[tilespmem:$0x1D2E0] =	vst v0  }
0xd3: {  	[tilespmem:$0x1D2F0] =	vst v0  }
0xd4: {  	[tilespmem:$0x1D000] =	vst v1  }
0xd5: {  	[tilespmem:$0x1D010] =	vst v1  }
0xd6: {  	[tilespmem:$0x1D020] =	vst v1  }
0xd7: {  	[tilespmem:$0x1D030] =	vst v1  }
0xd8: {  	[tilespmem:$0x1D040] =	vst v1  }
0xd9: {  	[tilespmem:$0x1D050] =	vst v1  }
0xda: {  	[tilespmem:$0x1D060] =	vst v1  }
0xdb: {  	s16 =	rddreg [dreg:$0xc];
	s18 =	simm.s32 $0x1D080;
	[tilespmem:$0x1D070] =	vst v1  }
0xdc: {  	[spmem:s16] =	stream.linear.scatter [tilespmem:s18], [sflag:$0x6], $0x280, $0x38;
	[tilespmem:$0x1D580] =	vst v63  }
.Ltmp4:
0xdd: {  	_ =	swait.ge [sflag:s17], $0x280;
	(pc) =	sbr.rel @!p0 .LBB2_6-.Ltmp4, $4  }
0xde: {  	[sflag:s17] =	ssyncset.done $0x0  }
0xdf: {  	[sflag:s17] =	ssyncadd.s32 $0xFFFFFD80  }
0xe0: {  	[bflag:$0x0] =	sbarrier.arrive $0xFFFF  }
0xe1: {  	s8 =	simm.s32 $0x100  }
0xe2: {  	s16 =	rddreg [dreg:$0x7]  }
0xe3: {  	s16 =	sadd.s32 $0x0, s16  }
0xe4: {  	[tilespmem:s4], [sflag:$0x6] =	stream.linear.gather [hbm4b:s16+s4], $0x400, $0x38;
	[tilespmem:$0x1D580] =	vst v63  }
0xe5: {  	_ =	swait.ge [sflag:s17], $0x400  }
0xe6: {  	s13 =	rddreg [dreg:$0x6];
	[sflag:s17] =	ssyncset.done $0x0  }
0xe7: {  	[sflag:s17] =	ssyncadd.s32 $0xFFFFFC00;
	s16 =	sadd.s32 $0x0, s13  }
0xe8: {  	[tilespmem:s19], [sflag:$0x6] =	stream.linear.gather [hbm4b:s16+s4], $0x400, $0x38;
	[tilespmem:$0x1D580] =	vst v63  }
0xe9: {  	_ =	swait.ge [sflag:s17], $0x400  }
0xea: {  	[sflag:s17] =	ssyncset.done $0x0  }
0xeb: {  	[sflag:s17] =	ssyncadd.s32 $0xFFFFFC00  }
0xec: {  	[tilespmem:s21], [sflag:$0x1] =	stream.indirect.gather [hbm4b:s6+s20], $0x80, s4, s20, $0xb8;
	[tilespmem:$0x1D580] =	vst v63  }
0xed: {  	_ = 	snop  }
0xee: {  	[tilespmem:s22], [sflag:$0x2] =	stream.indirect.gather [hbm4b:s6+s20], $0x80, s20, s20, $0xb8;
	[tilespmem:$0x1D580] =	vst v63  }
0xef: {  	_ =	swait.ge [sflag:s23], $0x4000  }
0xf0: {  	[sflag:s23] =	ssyncset.done $0x0  }
0xf1: {  	[sflag:s23] =	ssyncadd.s32 $0xFFFFC000  }
0xf2: {  	[spmem:s2] =	stream.indirect.scatter.add.f32 [tilespmem:s21], [sflag:$0x3], $0x80, s19, s20, $0xb8;
	[tilespmem:$0x1D580] =	vst v63  }
0xf3: {  	_ = 	snop  }
0xf4: {  	[spmem:s3] =	stream.indirect.scatter.add.f32 [tilespmem:s24], [sflag:$0x5], $0x1, s19, s20, $0xb8;
	[tilespmem:$0x1D580] =	vst v63  }
0xf5: {  	_ =	swait.ge [sflag:s25], $0x4000  }
0xf6: {  	[sflag:s25] =	ssyncset.done $0x0  }
0xf7: {  	[sflag:s25] =	ssyncadd.s32 $0xFFFFC000  }
0xf8: {  	[tilespmem:s21], [sflag:$0x1] =	stream.indirect.gather [hbm4b:s6+s20], $0x80, s8, s20, $0xb8;
	[tilespmem:$0x1D580] =	vst v63  }
0xf9: {  	_ =	swait.ge [sflag:s28], $0x4000  }
0xfa: {  	[sflag:s28] =	ssyncset.done $0x0  }
0xfb: {  	[sflag:s28] =	ssyncadd.s32 $0xFFFFC000  }
0xfc: {  	[spmem:s2] =	stream.indirect.scatter.add.f32 [tilespmem:s22], [sflag:$0x4], $0x80, s29, s20, $0xb8;
	[tilespmem:$0x1D580] =	vst v63  }
0xfd: {  	_ = 	snop  }
0xfe: {  	[spmem:s3] =	stream.indirect.scatter.add.f32 [tilespmem:s24], [sflag:$0x5], $0x1, s29, s20, $0xb8;
	[tilespmem:$0x1D580] =	vst v63  }
0xff: {  	_ =	swait.ge [sflag:s30], $0x4000  }
0x100: {  	[sflag:s30] =	ssyncset.done $0x0  }
0x101: {  	s10 =	simm.s32 $0x180;
	[sflag:s30] =	ssyncadd.s32 $0xFFFFC000  }
0x102: {  	[tilespmem:s22], [sflag:$0x2] =	stream.indirect.gather [hbm4b:s6+s20], $0x80, s10, s20, $0xb8;
	[tilespmem:$0x1D580] =	vst v63  }
0x103: {  	_ =	swait.ge [sflag:s23], $0x4000  }
0x104: {  	[sflag:s23] =	ssyncset.done $0x0  }
0x105: {  	[sflag:s23] =	ssyncadd.s32 $0xFFFFC000  }
0x106: {  	[spmem:s2] =	stream.indirect.scatter.add.f32 [tilespmem:s21], [sflag:$0x3], $0x80, s0, s20, $0xb8;
	[tilespmem:$0x1D580] =	vst v63  }
0x107: {  	_ = 	snop  }
0x108: {  	[spmem:s3] =	stream.indirect.scatter.add.f32 [tilespmem:s24], [sflag:$0x5], $0x1, s0, s20, $0xb8;
	[tilespmem:$0x1D580] =	vst v63  }
0x109: {  	_ =	swait.ge [sflag:s25], $0x4000  }
0x10a: {  	[sflag:s25] =	ssyncset.done $0x0  }
0x10b: {  	s13 =	simm.s32 $0x200;
	[sflag:s25] =	ssyncadd.s32 $0xFFFFC000  }
0x10c: {  	[tilespmem:s21], [sflag:$0x1] =	stream.indirect.gather [hbm4b:s6+s20], $0x80, s13, s20, $0xb8;
	[tilespmem:$0x1D580] =	vst v63  }
0x10d: {  	_ =	swait.ge [sflag:s28], $0x4000  }
0x10e: {  	[sflag:s28] =	ssyncset.done $0x0  }
0x10f: {  	[sflag:s28] =	ssyncadd.s32 $0xFFFFC000  }
0x110: {  	[spmem:s2] =	stream.indirect.scatter.add.f32 [tilespmem:s22], [sflag:$0x4], $0x80, s7, s20, $0xb8;
	[tilespmem:$0x1D580] =	vst v63  }
0x111: {  	_ = 	snop  }
0x112: {  	[spmem:s3] =	stream.indirect.scatter.add.f32 [tilespmem:s24], [sflag:$0x5], $0x1, s7, s20, $0xb8;
	[tilespmem:$0x1D580] =	vst v63  }
0x113: {  	_ =	swait.ge [sflag:s30], $0x4000  }
0x114: {  	[sflag:s30] =	ssyncset.done $0x0  }
0x115: {  	s16 =	simm.s32 $0x280;
	[sflag:s30] =	ssyncadd.s32 $0xFFFFC000  }
0x116: {  	[tilespmem:s22], [sflag:$0x2] =	stream.indirect.gather [hbm4b:s6+s20], $0x80, s16, s20, $0xb8;
	[tilespmem:$0x1D580] =	vst v63  }
0x117: {  	_ =	swait.ge [sflag:s23], $0x4000  }
0x118: {  	[sflag:s23] =	ssyncset.done $0x0  }
0x119: {  	[sflag:s23] =	ssyncadd.s32 $0xFFFFC000  }
0x11a: {  	[spmem:s2] =	stream.indirect.scatter.add.f32 [tilespmem:s21], [sflag:$0x3], $0x80, s9, s20, $0xb8;
	[tilespmem:$0x1D580] =	vst v63  }
0x11b: {  	_ = 	snop  }
0x11c: {  	[spmem:s3] =	stream.indirect.scatter.add.f32 [tilespmem:s24], [sflag:$0x5], $0x1, s9, s20, $0xb8;
	[tilespmem:$0x1D580] =	vst v63  }
0x11d: {  	_ =	swait.ge [sflag:s25], $0x4000  }
0x11e: {  	[sflag:s25] =	ssyncset.done $0x0  }
0x11f: {  	s18 =	simm.s32 $0x300;
	[sflag:s25] =	ssyncadd.s32 $0xFFFFC000  }
0x120: {  	[tilespmem:s21], [sflag:$0x1] =	stream.indirect.gather [hbm4b:s6+s20], $0x80, s18, s20, $0xb8;
	[tilespmem:$0x1D580] =	vst v63  }
0x121: {  	_ =	swait.ge [sflag:s28], $0x4000  }
0x122: {  	[sflag:s28] =	ssyncset.done $0x0  }
0x123: {  	[sflag:s28] =	ssyncadd.s32 $0xFFFFC000  }
0x124: {  	[spmem:s2] =	stream.indirect.scatter.add.f32 [tilespmem:s22], [sflag:$0x4], $0x80, s1, s20, $0xb8;
	[tilespmem:$0x1D580] =	vst v63  }
0x125: {  	_ = 	snop  }
0x126: {  	[spmem:s3] =	stream.indirect.scatter.add.f32 [tilespmem:s24], [sflag:$0x5], $0x1, s1, s20, $0xb8;
	[tilespmem:$0x1D580] =	vst v63  }
0x127: {  	_ =	swait.ge [sflag:s30], $0x4000  }
0x128: {  	[sflag:s30] =	ssyncset.done $0x0  }
0x129: {  	s26 =	simm.s32 $0x380;
	[sflag:s30] =	ssyncadd.s32 $0xFFFFC000  }
0x12a: {  	[tilespmem:s22], [sflag:$0x2] =	stream.indirect.gather [hbm4b:s6+s20], $0x80, s26, s20, $0xb8;
	[tilespmem:$0x1D580] =	vst v63  }
0x12b: {  	_ =	swait.ge [sflag:s23], $0x4000  }
0x12c: {  	[sflag:s23] =	ssyncset.done $0x0  }
0x12d: {  	[sflag:s23] =	ssyncadd.s32 $0xFFFFC000  }
0x12e: {  	[spmem:s2] =	stream.indirect.scatter.add.f32 [tilespmem:s21], [sflag:$0x3], $0x80, s14, s20, $0xb8;
	[tilespmem:$0x1D580] =	vst v63  }
0x12f: {  	_ = 	snop  }
0x130: {  	[spmem:s3] =	stream.indirect.scatter.add.f32 [tilespmem:s24], [sflag:$0x5], $0x1, s14, s20, $0xb8;
	[tilespmem:$0x1D580] =	vst v63  }
0x131: {  	_ =	swait.ge [sflag:s28], $0x4000  }
0x132: {  	[sflag:s28] =	ssyncset.done $0x0  }
0x133: {  	[sflag:s28] =	ssyncadd.s32 $0xFFFFC000  }
0x134: {  	[spmem:s2] =	stream.indirect.scatter.add.f32 [tilespmem:s22], [sflag:$0x4], $0x80, s15, s20, $0xb8;
	[tilespmem:$0x1D580] =	vst v63  }
0x135: {  	_ = 	snop  }
0x136: {  	[spmem:s3] =	stream.indirect.scatter.add.f32 [tilespmem:s24], [sflag:$0x5], $0x1, s15, s20, $0xb8;
	[tilespmem:$0x1D580] =	vst v63  }
0x137: {  	_ =	swait.ge [sflag:s25], $0x4000  }
0x138: {  	[sflag:s25] =	ssyncset.done $0x0  }
0x139: {  	[sflag:s25] =	ssyncadd.s32 $0xFFFFC000  }
0x13a: {  	_ =	swait.ge [sflag:s30], $0x4000  }
0x13b: {  	[sflag:s30] =	ssyncset.done $0x0  }
0x13c: {  	[sflag:s30] =	ssyncadd.s32 $0xFFFFC000  }
0x13d: {  	_ =	swait.ge [sflag:s12], $0x80  }
0x13e: {  	[sflag:s12] =	ssyncset.done $0x0  }
0x13f: {  	[sflag:s12] =	ssyncadd.s32 $0xFFFFFF80  }
0x140: {  	_ =	swait.ge [sflag:s12], $0x80  }
0x141: {  	[sflag:s12] =	ssyncset.done $0x0  }
0x142: {  	[sflag:s12] =	ssyncadd.s32 $0xFFFFFF80  }
0x143: {  	_ =	swait.ge [sflag:s12], $0x80  }
0x144: {  	[sflag:s12] =	ssyncset.done $0x0  }
0x145: {  	[sflag:s12] =	ssyncadd.s32 $0xFFFFFF80  }
0x146: {  	_ =	swait.ge [sflag:s12], $0x80  }
0x147: {  	[sflag:s12] =	ssyncset.done $0x0  }
0x148: {  	[sflag:s12] =	ssyncadd.s32 $0xFFFFFF80  }
0x149: {  	_ =	swait.ge [sflag:s12], $0x80  }
0x14a: {  	[sflag:s12] =	ssyncset.done $0x0  }
0x14b: {  	[sflag:s12] =	ssyncadd.s32 $0xFFFFFF80  }
0x14c: {  	_ =	swait.ge [sflag:s12], $0x80  }
0x14d: {  	[sflag:s12] =	ssyncset.done $0x0  }
0x14e: {  	[sflag:s12] =	ssyncadd.s32 $0xFFFFFF80  }
0x14f: {  	_ =	swait.ge [sflag:s12], $0x80  }
0x150: {  	[sflag:s12] =	ssyncset.done $0x0  }
0x151: {  	[sflag:s12] =	ssyncadd.s32 $0xFFFFFF80  }
0x152: {  	s8 =	simm.s32 $0x100;
	s16 =	simm.s32 $0x80;
	_ =	swait.ge [sflag:s12], $0x80  }
0x153: {  	s26 =	simm.s32 $0x100;
	s31 =	rddreg [dreg:$0x7];
	[sflag:s12] =	ssyncset.done $0x0  }
.LBB2_10:
0x154: {  	[sflag:s12] =	ssyncadd.s32 $0xFFFFFF80;
	s31 =	sadd.s32 s16, s31  }
0x155: {  	[tilespmem:s4], [sflag:$0x6] =	stream.linear.gather [hbm4b:s31+s4], $0x400, $0x38;
	[tilespmem:$0x1D580] =	vst v63  }
0x156: {  	_ =	swait.ge [sflag:s17], $0x400  }
0x157: {  	s31 =	rddreg [dreg:$0x6];
	[sflag:s17] =	ssyncset.done $0x0  }
0x158: {  	[sflag:s17] =	ssyncadd.s32 $0xFFFFFC00;
	s31 =	sadd.s32 s16, s31  }
0x159: {  	[tilespmem:s19], [sflag:$0x6] =	stream.linear.gather [hbm4b:s31+s4], $0x400, $0x38;
	[tilespmem:$0x1D580] =	vst v63  }
0x15a: {  	_ =	swait.ge [sflag:s17], $0x400  }
0x15b: {  	[sflag:s17] =	ssyncset.done $0x0  }
0x15c: {  	[sflag:s17] =	ssyncadd.s32 $0xFFFFFC00  }
0x15d: {  	[tilespmem:s21], [sflag:$0x1] =	stream.indirect.gather [hbm4b:s6+s20], $0x80, s4, s20, $0xb8;
	[tilespmem:$0x1D580] =	vst v63  }
0x15e: {  	_ = 	snop  }
0x15f: {  	[tilespmem:s22], [sflag:$0x2] =	stream.indirect.gather [hbm4b:s6+s20], $0x80, s20, s20, $0xb8;
	[tilespmem:$0x1D580] =	vst v63  }
0x160: {  	_ =	swait.ge [sflag:s23], $0x4000  }
0x161: {  	[sflag:s23] =	ssyncset.done $0x0  }
0x162: {  	[sflag:s23] =	ssyncadd.s32 $0xFFFFC000  }
0x163: {  	[spmem:s2] =	stream.indirect.scatter.add.f32 [tilespmem:s21], [sflag:$0x3], $0x80, s19, s20, $0xb8;
	[tilespmem:$0x1D580] =	vst v63  }
0x164: {  	_ = 	snop  }
0x165: {  	[spmem:s3] =	stream.indirect.scatter.add.f32 [tilespmem:s24], [sflag:$0x5], $0x1, s19, s20, $0xb8;
	[tilespmem:$0x1D580] =	vst v63  }
0x166: {  	_ =	swait.ge [sflag:s25], $0x4000  }
0x167: {  	[sflag:s25] =	ssyncset.done $0x0  }
0x168: {  	[sflag:s25] =	ssyncadd.s32 $0xFFFFC000  }
0x169: {  	[tilespmem:s21], [sflag:$0x1] =	stream.indirect.gather [hbm4b:s6+s20], $0x80, s8, s20, $0xb8;
	[tilespmem:$0x1D580] =	vst v63  }
0x16a: {  	_ =	swait.ge [sflag:s28], $0x4000  }
0x16b: {  	[sflag:s28] =	ssyncset.done $0x0  }
0x16c: {  	[sflag:s28] =	ssyncadd.s32 $0xFFFFC000  }
0x16d: {  	[spmem:s2] =	stream.indirect.scatter.add.f32 [tilespmem:s22], [sflag:$0x4], $0x80, s29, s20, $0xb8;
	[tilespmem:$0x1D580] =	vst v63  }
0x16e: {  	_ = 	snop  }
0x16f: {  	[spmem:s3] =	stream.indirect.scatter.add.f32 [tilespmem:s24], [sflag:$0x5], $0x1, s29, s20, $0xb8;
	[tilespmem:$0x1D580] =	vst v63  }
0x170: {  	_ =	swait.ge [sflag:s30], $0x4000  }
0x171: {  	[sflag:s30] =	ssyncset.done $0x0  }
0x172: {  	[sflag:s30] =	ssyncadd.s32 $0xFFFFC000  }
0x173: {  	[tilespmem:s22], [sflag:$0x2] =	stream.indirect.gather [hbm4b:s6+s20], $0x80, s10, s20, $0xb8;
	[tilespmem:$0x1D580] =	vst v63  }
0x174: {  	_ =	swait.ge [sflag:s23], $0x4000  }
0x175: {  	[sflag:s23] =	ssyncset.done $0x0  }
0x176: {  	[sflag:s23] =	ssyncadd.s32 $0xFFFFC000  }
0x177: {  	[spmem:s2] =	stream.indirect.scatter.add.f32 [tilespmem:s21], [sflag:$0x3], $0x80, s0, s20, $0xb8;
	[tilespmem:$0x1D580] =	vst v63  }
0x178: {  	_ = 	snop  }
0x179: {  	[spmem:s3] =	stream.indirect.scatter.add.f32 [tilespmem:s24], [sflag:$0x5], $0x1, s0, s20, $0xb8;
	[tilespmem:$0x1D580] =	vst v63  }
0x17a: {  	_ =	swait.ge [sflag:s25], $0x4000  }
0x17b: {  	[sflag:s25] =	ssyncset.done $0x0  }
0x17c: {  	[sflag:s25] =	ssyncadd.s32 $0xFFFFC000  }
0x17d: {  	[tilespmem:s21], [sflag:$0x1] =	stream.indirect.gather [hbm4b:s6+s20], $0x80, s13, s20, $0xb8;
	[tilespmem:$0x1D580] =	vst v63  }
0x17e: {  	_ =	swait.ge [sflag:s28], $0x4000  }
0x17f: {  	[sflag:s28] =	ssyncset.done $0x0  }
0x180: {  	[sflag:s28] =	ssyncadd.s32 $0xFFFFC000  }
0x181: {  	[spmem:s2] =	stream.indirect.scatter.add.f32 [tilespmem:s22], [sflag:$0x4], $0x80, s7, s20, $0xb8;
	[tilespmem:$0x1D580] =	vst v63  }
0x182: {  	_ = 	snop  }
0x183: {  	[spmem:s3] =	stream.indirect.scatter.add.f32 [tilespmem:s24], [sflag:$0x5], $0x1, s7, s20, $0xb8;
	[tilespmem:$0x1D580] =	vst v63  }
0x184: {  	_ =	swait.ge [sflag:s30], $0x4000  }
0x185: {  	s18 =	smov.u32 s26;
	[sflag:s30] =	ssyncset.done $0x0  }
0x186: {  	s16 =	smov.u32 s18;
	s18 =	simm.s32 $0x280;
	[sflag:s30] =	ssyncadd.s32 $0xFFFFC000  }
0x187: {  	[tilespmem:s22], [sflag:$0x2] =	stream.indirect.gather [hbm4b:s6+s20], $0x80, s18, s20, $0xb8;
	[tilespmem:$0x1D580] =	vst v63  }
0x188: {  	_ =	swait.ge [sflag:s23], $0x4000  }
0x189: {  	[sflag:s23] =	ssyncset.done $0x0  }
0x18a: {  	[sflag:s23] =	ssyncadd.s32 $0xFFFFC000  }
0x18b: {  	[spmem:s2] =	stream.indirect.scatter.add.f32 [tilespmem:s21], [sflag:$0x3], $0x80, s9, s20, $0xb8;
	[tilespmem:$0x1D580] =	vst v63  }
0x18c: {  	_ = 	snop  }
0x18d: {  	[spmem:s3] =	stream.indirect.scatter.add.f32 [tilespmem:s24], [sflag:$0x5], $0x1, s9, s20, $0xb8;
	[tilespmem:$0x1D580] =	vst v63  }
0x18e: {  	_ =	swait.ge [sflag:s25], $0x4000  }
0x18f: {  	[sflag:s25] =	ssyncset.done $0x0  }
0x190: {  	s18 =	simm.s32 $0x300;
	[sflag:s25] =	ssyncadd.s32 $0xFFFFC000  }
0x191: {  	[tilespmem:s21], [sflag:$0x1] =	stream.indirect.gather [hbm4b:s6+s20], $0x80, s18, s20, $0xb8;
	[tilespmem:$0x1D580] =	vst v63  }
0x192: {  	_ =	swait.ge [sflag:s28], $0x4000  }
0x193: {  	[sflag:s28] =	ssyncset.done $0x0  }
0x194: {  	[sflag:s28] =	ssyncadd.s32 $0xFFFFC000  }
0x195: {  	[spmem:s2] =	stream.indirect.scatter.add.f32 [tilespmem:s22], [sflag:$0x4], $0x80, s1, s20, $0xb8;
	[tilespmem:$0x1D580] =	vst v63  }
0x196: {  	_ = 	snop  }
0x197: {  	[spmem:s3] =	stream.indirect.scatter.add.f32 [tilespmem:s24], [sflag:$0x5], $0x1, s1, s20, $0xb8;
	[tilespmem:$0x1D580] =	vst v63  }
0x198: {  	_ =	swait.ge [sflag:s30], $0x4000  }
0x199: {  	[sflag:s30] =	ssyncset.done $0x0  }
0x19a: {  	s18 =	simm.s32 $0x380;
	[sflag:s30] =	ssyncadd.s32 $0xFFFFC000  }
0x19b: {  	[tilespmem:s22], [sflag:$0x2] =	stream.indirect.gather [hbm4b:s6+s20], $0x80, s18, s20, $0xb8;
	[tilespmem:$0x1D580] =	vst v63  }
0x19c: {  	_ =	swait.ge [sflag:s23], $0x4000  }
0x19d: {  	[sflag:s23] =	ssyncset.done $0x0  }
0x19e: {  	[sflag:s23] =	ssyncadd.s32 $0xFFFFC000  }
0x19f: {  	[spmem:s2] =	stream.indirect.scatter.add.f32 [tilespmem:s21], [sflag:$0x3], $0x80, s14, s20, $0xb8;
	[tilespmem:$0x1D580] =	vst v63  }
0x1a0: {  	_ = 	snop  }
0x1a1: {  	[spmem:s3] =	stream.indirect.scatter.add.f32 [tilespmem:s24], [sflag:$0x5], $0x1, s14, s20, $0xb8;
	[tilespmem:$0x1D580] =	vst v63  }
0x1a2: {  	_ =	swait.ge [sflag:s28], $0x4000  }
0x1a3: {  	[sflag:s28] =	ssyncset.done $0x0  }
0x1a4: {  	[sflag:s28] =	ssyncadd.s32 $0xFFFFC000  }
0x1a5: {  	[spmem:s2] =	stream.indirect.scatter.add.f32 [tilespmem:s22], [sflag:$0x4], $0x80, s15, s20, $0xb8;
	[tilespmem:$0x1D580] =	vst v63  }
0x1a6: {  	_ = 	snop  }
0x1a7: {  	[spmem:s3] =	stream.indirect.scatter.add.f32 [tilespmem:s24], [sflag:$0x5], $0x1, s15, s20, $0xb8;
	[tilespmem:$0x1D580] =	vst v63  }
0x1a8: {  	_ =	swait.ge [sflag:s25], $0x4000  }
0x1a9: {  	[sflag:s25] =	ssyncset.done $0x0  }
0x1aa: {  	[sflag:s25] =	ssyncadd.s32 $0xFFFFC000  }
0x1ab: {  	_ =	swait.ge [sflag:s30], $0x4000  }
0x1ac: {  	[sflag:s30] =	ssyncset.done $0x0  }
0x1ad: {  	[sflag:s30] =	ssyncadd.s32 $0xFFFFC000  }
0x1ae: {  	_ =	swait.ge [sflag:s12], $0x80  }
0x1af: {  	[sflag:s12] =	ssyncset.done $0x0  }
0x1b0: {  	[sflag:s12] =	ssyncadd.s32 $0xFFFFFF80  }
0x1b1: {  	_ =	swait.ge [sflag:s12], $0x80  }
0x1b2: {  	[sflag:s12] =	ssyncset.done $0x0  }
0x1b3: {  	[sflag:s12] =	ssyncadd.s32 $0xFFFFFF80  }
0x1b4: {  	_ =	swait.ge [sflag:s12], $0x80  }
0x1b5: {  	[sflag:s12] =	ssyncset.done $0x0  }
0x1b6: {  	[sflag:s12] =	ssyncadd.s32 $0xFFFFFF80  }
0x1b7: {  	_ =	swait.ge [sflag:s12], $0x80  }
0x1b8: {  	[sflag:s12] =	ssyncset.done $0x0  }
0x1b9: {  	[sflag:s12] =	ssyncadd.s32 $0xFFFFFF80  }
0x1ba: {  	_ =	swait.ge [sflag:s12], $0x80  }
0x1bb: {  	[sflag:s12] =	ssyncset.done $0x0  }
0x1bc: {  	[sflag:s12] =	ssyncadd.s32 $0xFFFFFF80  }
0x1bd: {  	_ =	swait.ge [sflag:s12], $0x80  }
0x1be: {  	[sflag:s12] =	ssyncset.done $0x0  }
0x1bf: {  	p1 =	sne.s32 s26, $0x980;
	[sflag:s12] =	ssyncadd.s32 $0xFFFFFF80  }
.Ltmp5:
0x1c0: {  	_ =	swait.ge [sflag:s12], $0x80;
	(pc) =	sbr.rel @p1 .LBB2_10-.Ltmp5, $4  }
0x1c1: {  	[sflag:s12] =	ssyncset.done $0x0  }
0x1c2: {  	[sflag:s12] =	ssyncadd.s32 $0xFFFFFF80  }
0x1c3: {  	_ =	swait.ge [sflag:s12], $0x80  }
0x1c4: {  	s26 =	sadd.s32 $0x80, s26;
	s31 =	rddreg [dreg:$0x7];
	[sflag:s12] =	ssyncset.done $0x0  }
0x1c5: {  	[sflag:s12] =	ssyncadd.s32 $0xFFFFFF80;
	s18 =	sadd.s32 s16, s31  }
0x1c6: {  	[tilespmem:s4], [sflag:$0x6] =	stream.linear.gather [hbm4b:s18+s4], $0x400, $0x38;
	[tilespmem:$0x1D580] =	vst v63  }
0x1c7: {  	_ =	swait.ge [sflag:s17], $0x400  }
0x1c8: {  	s26 =	rddreg [dreg:$0x6];
	[sflag:s17] =	ssyncset.done $0x0  }
0x1c9: {  	[sflag:s17] =	ssyncadd.s32 $0xFFFFFC00;
	s31 =	sadd.s32 s16, s26  }
0x1ca: {  	[tilespmem:s19], [sflag:$0x6] =	stream.linear.gather [hbm4b:s31+s4], $0x400, $0x38;
	[tilespmem:$0x1D580] =	vst v63  }
0x1cb: {  	_ =	swait.ge [sflag:s17], $0x400  }
0x1cc: {  	[sflag:s17] =	ssyncset.done $0x0  }
0x1cd: {  	[sflag:s17] =	ssyncadd.s32 $0xFFFFFC00  }
0x1ce: {  	[tilespmem:s21], [sflag:$0x1] =	stream.indirect.gather [hbm4b:s6+s20], $0x80, s4, s20, $0xb8;
	[tilespmem:$0x1D580] =	vst v63  }
0x1cf: {  	_ = 	snop  }
0x1d0: {  	[tilespmem:s22], [sflag:$0x2] =	stream.indirect.gather [hbm4b:s6+s20], $0x80, s20, s20, $0xb8;
	[tilespmem:$0x1D580] =	vst v63  }
0x1d1: {  	_ =	swait.ge [sflag:s23], $0x4000  }
0x1d2: {  	[sflag:s23] =	ssyncset.done $0x0  }
0x1d3: {  	[sflag:s23] =	ssyncadd.s32 $0xFFFFC000  }
0x1d4: {  	[spmem:s2] =	stream.indirect.scatter.add.f32 [tilespmem:s21], [sflag:$0x3], $0x80, s19, s20, $0xb8;
	[tilespmem:$0x1D580] =	vst v63  }
0x1d5: {  	_ = 	snop  }
0x1d6: {  	[spmem:s3] =	stream.indirect.scatter.add.f32 [tilespmem:s24], [sflag:$0x5], $0x1, s19, s20, $0xb8;
	[tilespmem:$0x1D580] =	vst v63  }
0x1d7: {  	_ =	swait.ge [sflag:s25], $0x4000  }
0x1d8: {  	[sflag:s25] =	ssyncset.done $0x0  }
0x1d9: {  	[sflag:s25] =	ssyncadd.s32 $0xFFFFC000  }
0x1da: {  	[tilespmem:s21], [sflag:$0x1] =	stream.indirect.gather [hbm4b:s6+s20], $0x80, s8, s20, $0xb8;
	[tilespmem:$0x1D580] =	vst v63  }
0x1db: {  	_ =	swait.ge [sflag:s28], $0x4000  }
0x1dc: {  	[sflag:s28] =	ssyncset.done $0x0  }
0x1dd: {  	[sflag:s28] =	ssyncadd.s32 $0xFFFFC000  }
0x1de: {  	[spmem:s2] =	stream.indirect.scatter.add.f32 [tilespmem:s22], [sflag:$0x4], $0x80, s29, s20, $0xb8;
	[tilespmem:$0x1D580] =	vst v63  }
0x1df: {  	_ = 	snop  }
0x1e0: {  	[spmem:s3] =	stream.indirect.scatter.add.f32 [tilespmem:s24], [sflag:$0x5], $0x1, s29, s20, $0xb8;
	[tilespmem:$0x1D580] =	vst v63  }
0x1e1: {  	_ =	swait.ge [sflag:s30], $0x4000  }
0x1e2: {  	[sflag:s30] =	ssyncset.done $0x0  }
0x1e3: {  	[sflag:s30] =	ssyncadd.s32 $0xFFFFC000  }
0x1e4: {  	[tilespmem:s22], [sflag:$0x2] =	stream.indirect.gather [hbm4b:s6+s20], $0x80, s10, s20, $0xb8;
	[tilespmem:$0x1D580] =	vst v63  }
0x1e5: {  	_ =	swait.ge [sflag:s23], $0x4000  }
0x1e6: {  	[sflag:s23] =	ssyncset.done $0x0  }
0x1e7: {  	[sflag:s23] =	ssyncadd.s32 $0xFFFFC000  }
0x1e8: {  	[spmem:s2] =	stream.indirect.scatter.add.f32 [tilespmem:s21], [sflag:$0x3], $0x80, s0, s20, $0xb8;
	[tilespmem:$0x1D580] =	vst v63  }
0x1e9: {  	_ = 	snop  }
0x1ea: {  	[spmem:s3] =	stream.indirect.scatter.add.f32 [tilespmem:s24], [sflag:$0x5], $0x1, s0, s20, $0xb8;
	[tilespmem:$0x1D580] =	vst v63  }
0x1eb: {  	_ =	swait.ge [sflag:s25], $0x4000  }
0x1ec: {  	[sflag:s25] =	ssyncset.done $0x0  }
0x1ed: {  	[sflag:s25] =	ssyncadd.s32 $0xFFFFC000  }
0x1ee: {  	[tilespmem:s21], [sflag:$0x1] =	stream.indirect.gather [hbm4b:s6+s20], $0x80, s13, s20, $0xb8;
	[tilespmem:$0x1D580] =	vst v63  }
0x1ef: {  	_ =	swait.ge [sflag:s28], $0x4000  }
0x1f0: {  	[sflag:s28] =	ssyncset.done $0x0  }
0x1f1: {  	[sflag:s28] =	ssyncadd.s32 $0xFFFFC000  }
0x1f2: {  	[spmem:s2] =	stream.indirect.scatter.add.f32 [tilespmem:s22], [sflag:$0x4], $0x80, s7, s20, $0xb8;
	[tilespmem:$0x1D580] =	vst v63  }
0x1f3: {  	_ = 	snop  }
0x1f4: {  	[spmem:s3] =	stream.indirect.scatter.add.f32 [tilespmem:s24], [sflag:$0x5], $0x1, s7, s20, $0xb8;
	[tilespmem:$0x1D580] =	vst v63  }
0x1f5: {  	_ =	swait.ge [sflag:s30], $0x4000  }
0x1f6: {  	[sflag:s30] =	ssyncset.done $0x0  }
0x1f7: {  	s18 =	simm.s32 $0x280;
	[sflag:s30] =	ssyncadd.s32 $0xFFFFC000  }
0x1f8: {  	[tilespmem:s22], [sflag:$0x2] =	stream.indirect.gather [hbm4b:s6+s20], $0x80, s18, s20, $0xb8;
	[tilespmem:$0x1D580] =	vst v63  }
0x1f9: {  	_ =	swait.ge [sflag:s23], $0x4000  }
0x1fa: {  	[sflag:s23] =	ssyncset.done $0x0  }
0x1fb: {  	[sflag:s23] =	ssyncadd.s32 $0xFFFFC000  }
0x1fc: {  	[spmem:s2] =	stream.indirect.scatter.add.f32 [tilespmem:s21], [sflag:$0x3], $0x80, s9, s20, $0xb8;
	[tilespmem:$0x1D580] =	vst v63  }
0x1fd: {  	_ = 	snop  }
0x1fe: {  	[spmem:s3] =	stream.indirect.scatter.add.f32 [tilespmem:s24], [sflag:$0x5], $0x1, s9, s20, $0xb8;
	[tilespmem:$0x1D580] =	vst v63  }
0x1ff: {  	_ =	swait.ge [sflag:s25], $0x4000  }
0x200: {  	[sflag:s25] =	ssyncset.done $0x0  }
0x201: {  	s26 =	simm.s32 $0x300;
	[sflag:s25] =	ssyncadd.s32 $0xFFFFC000  }
0x202: {  	[tilespmem:s21], [sflag:$0x1] =	stream.indirect.gather [hbm4b:s6+s20], $0x80, s26, s20, $0xb8;
	[tilespmem:$0x1D580] =	vst v63  }
0x203: {  	_ =	swait.ge [sflag:s28], $0x4000  }
0x204: {  	[sflag:s28] =	ssyncset.done $0x0  }
0x205: {  	[sflag:s28] =	ssyncadd.s32 $0xFFFFC000  }
0x206: {  	[spmem:s2] =	stream.indirect.scatter.add.f32 [tilespmem:s22], [sflag:$0x4], $0x80, s1, s20, $0xb8;
	[tilespmem:$0x1D580] =	vst v63  }
0x207: {  	_ = 	snop  }
0x208: {  	[spmem:s3] =	stream.indirect.scatter.add.f32 [tilespmem:s24], [sflag:$0x5], $0x1, s1, s20, $0xb8;
	[tilespmem:$0x1D580] =	vst v63  }
0x209: {  	_ =	swait.ge [sflag:s30], $0x4000  }
0x20a: {  	[sflag:s30] =	ssyncset.done $0x0  }
0x20b: {  	s31 =	simm.s32 $0x380;
	[sflag:s30] =	ssyncadd.s32 $0xFFFFC000  }
0x20c: {  	[tilespmem:s22], [sflag:$0x2] =	stream.indirect.gather [hbm4b:s6+s20], $0x80, s31, s20, $0xb8;
	[tilespmem:$0x1D580] =	vst v63  }
0x20d: {  	_ =	swait.ge [sflag:s23], $0x4000  }
0x20e: {  	[sflag:s23] =	ssyncset.done $0x0  }
0x20f: {  	[sflag:s23] =	ssyncadd.s32 $0xFFFFC000  }
0x210: {  	[spmem:s2] =	stream.indirect.scatter.add.f32 [tilespmem:s21], [sflag:$0x3], $0x80, s14, s20, $0xb8;
	[tilespmem:$0x1D580] =	vst v63  }
0x211: {  	_ = 	snop  }
0x212: {  	[spmem:s3] =	stream.indirect.scatter.add.f32 [tilespmem:s24], [sflag:$0x5], $0x1, s14, s20, $0xb8;
	[tilespmem:$0x1D580] =	vst v63  }
0x213: {  	_ =	swait.ge [sflag:s28], $0x4000  }
0x214: {  	[sflag:s28] =	ssyncset.done $0x0  }
0x215: {  	[sflag:s28] =	ssyncadd.s32 $0xFFFFC000  }
0x216: {  	[spmem:s2] =	stream.indirect.scatter.add.f32 [tilespmem:s22], [sflag:$0x4], $0x80, s15, s20, $0xb8;
	[tilespmem:$0x1D580] =	vst v63  }
0x217: {  	_ = 	snop  }
0x218: {  	[spmem:s3] =	stream.indirect.scatter.add.f32 [tilespmem:s24], [sflag:$0x5], $0x1, s15, s20, $0xb8;
	[tilespmem:$0x1D580] =	vst v63  }
0x219: {  	_ =	swait.ge [sflag:s25], $0x4000  }
0x21a: {  	[sflag:s25] =	ssyncset.done $0x0  }
0x21b: {  	[sflag:s25] =	ssyncadd.s32 $0xFFFFC000  }
0x21c: {  	_ =	swait.ge [sflag:s30], $0x4000  }
0x21d: {  	[sflag:s30] =	ssyncset.done $0x0  }
0x21e: {  	[sflag:s30] =	ssyncadd.s32 $0xFFFFC000  }
0x21f: {  	_ =	swait.ge [sflag:s12], $0x80  }
0x220: {  	[sflag:s12] =	ssyncset.done $0x0  }
0x221: {  	[sflag:s12] =	ssyncadd.s32 $0xFFFFFF80  }
0x222: {  	_ =	swait.ge [sflag:s12], $0x80  }
0x223: {  	[sflag:s12] =	ssyncset.done $0x0  }
0x224: {  	[sflag:s12] =	ssyncadd.s32 $0xFFFFFF80  }
0x225: {  	_ =	swait.ge [sflag:s12], $0x80  }
0x226: {  	[sflag:s12] =	ssyncset.done $0x0  }
0x227: {  	[sflag:s12] =	ssyncadd.s32 $0xFFFFFF80  }
0x228: {  	_ =	swait.ge [sflag:s12], $0x80  }
0x229: {  	[sflag:s12] =	ssyncset.done $0x0  }
0x22a: {  	[sflag:s12] =	ssyncadd.s32 $0xFFFFFF80  }
0x22b: {  	_ =	swait.ge [sflag:s12], $0x80  }
0x22c: {  	[sflag:s12] =	ssyncset.done $0x0  }
0x22d: {  	[sflag:s12] =	ssyncadd.s32 $0xFFFFFF80  }
0x22e: {  	_ =	swait.ge [sflag:s12], $0x80  }
0x22f: {  	[sflag:s12] =	ssyncset.done $0x0  }
0x230: {  	[sflag:s12] =	ssyncadd.s32 $0xFFFFFF80  }
0x231: {  	_ =	swait.ge [sflag:s12], $0x80  }
0x232: {  	[sflag:s12] =	ssyncset.done $0x0  }
.Ltmp6:
0x233: {  	[sflag:s12] =	ssyncadd.s32 $0xFFFFFF80;
	(pc) =	sbr.rel .LBB2_12-.Ltmp6, $4  }
0x234: {  	_ =	swait.ge [sflag:s12], $0x80  }
0x235: {  	s26 =	rddreg [dreg:$0x9]  }
0x236: {  	[sflag:s12] =	ssyncset.done $0x0;
	s16 =	rddreg [dreg:$0xb]  }
0x237: {  	s8 =	rddreg [dreg:$0x10];
	[sflag:s12] =	ssyncadd.s32 $0xFFFFFF80  }
.LBB2_6:
0x238: {  	s16 =	rddreg [dreg:$0x5]  }
0x239: {  	s16 =	sadd.s32 $0x0, s16  }
0x23a: {  	[tilespmem:s4], [sflag:$0x6] =	stream.linear.gather [hbm4b:s16+s4], $0x400, $0x38;
	[tilespmem:$0x1D580] =	vst v63  }
0x23b: {  	_ =	swait.ge [sflag:s17], $0x400  }
0x23c: {  	s13 =	rddreg [dreg:$0x4];
	[sflag:s17] =	ssyncset.done $0x0  }
0x23d: {  	[sflag:s17] =	ssyncadd.s32 $0xFFFFFC00;
	s16 =	sadd.s32 $0x0, s13  }
0x23e: {  	[tilespmem:s19], [sflag:$0x6] =	stream.linear.gather [hbm4b:s16+s4], $0x400, $0x38;
	[tilespmem:$0x1D580] =	vst v63  }
0x23f: {  	_ =	swait.ge [sflag:s17], $0x400  }
0x240: {  	[sflag:s17] =	ssyncset.done $0x0  }
0x241: {  	[sflag:s17] =	ssyncadd.s32 $0xFFFFFC00  }
0x242: {  	[tilespmem:s21], [sflag:$0x1] =	stream.indirect.gather [hbm4b:s5+s20], $0x80, s4, s20, $0xb8;
	[tilespmem:$0x1D580] =	vst v63  }
0x243: {  	_ = 	snop  }
0x244: {  	[tilespmem:s22], [sflag:$0x2] =	stream.indirect.gather [hbm4b:s5+s20], $0x80, s20, s20, $0xb8;
	[tilespmem:$0x1D580] =	vst v63  }
0x245: {  	_ =	swait.ge [sflag:s23], $0x4000  }
0x246: {  	[sflag:s23] =	ssyncset.done $0x0  }
0x247: {  	[sflag:s23] =	ssyncadd.s32 $0xFFFFC000  }
0x248: {  	[spmem:s2] =	stream.indirect.scatter.add.f32 [tilespmem:s21], [sflag:$0x3], $0x80, s19, s20, $0xb8;
	[tilespmem:$0x1D580] =	vst v63  }
0x249: {  	_ = 	snop  }
0x24a: {  	[spmem:s3] =	stream.indirect.scatter.add.f32 [tilespmem:s24], [sflag:$0x5], $0x1, s19, s20, $0xb8;
	[tilespmem:$0x1D580] =	vst v63  }
0x24b: {  	_ =	swait.ge [sflag:s25], $0x4000  }
0x24c: {  	[sflag:s25] =	ssyncset.done $0x0  }
0x24d: {  	[sflag:s25] =	ssyncadd.s32 $0xFFFFC000  }
0x24e: {  	[tilespmem:s21], [sflag:$0x1] =	stream.indirect.gather [hbm4b:s5+s20], $0x80, s8, s20, $0xb8;
	[tilespmem:$0x1D580] =	vst v63  }
0x24f: {  	_ =	swait.ge [sflag:s28], $0x4000  }
0x250: {  	[sflag:s28] =	ssyncset.done $0x0  }
0x251: {  	[sflag:s28] =	ssyncadd.s32 $0xFFFFC000  }
0x252: {  	[spmem:s2] =	stream.indirect.scatter.add.f32 [tilespmem:s22], [sflag:$0x4], $0x80, s29, s20, $0xb8;
	[tilespmem:$0x1D580] =	vst v63  }
0x253: {  	_ = 	snop  }
0x254: {  	[spmem:s3] =	stream.indirect.scatter.add.f32 [tilespmem:s24], [sflag:$0x5], $0x1, s29, s20, $0xb8;
	[tilespmem:$0x1D580] =	vst v63  }
0x255: {  	_ =	swait.ge [sflag:s30], $0x4000  }
0x256: {  	[sflag:s30] =	ssyncset.done $0x0  }
0x257: {  	s10 =	simm.s32 $0x180;
	[sflag:s30] =	ssyncadd.s32 $0xFFFFC000  }
0x258: {  	[tilespmem:s22], [sflag:$0x2] =	stream.indirect.gather [hbm4b:s5+s20], $0x80, s10, s20, $0xb8;
	[tilespmem:$0x1D580] =	vst v63  }
0x259: {  	_ =	swait.ge [sflag:s23], $0x4000  }
0x25a: {  	[sflag:s23] =	ssyncset.done $0x0  }
0x25b: {  	[sflag:s23] =	ssyncadd.s32 $0xFFFFC000  }
0x25c: {  	[spmem:s2] =	stream.indirect.scatter.add.f32 [tilespmem:s21], [sflag:$0x3], $0x80, s0, s20, $0xb8;
	[tilespmem:$0x1D580] =	vst v63  }
0x25d: {  	_ = 	snop  }
0x25e: {  	[spmem:s3] =	stream.indirect.scatter.add.f32 [tilespmem:s24], [sflag:$0x5], $0x1, s0, s20, $0xb8;
	[tilespmem:$0x1D580] =	vst v63  }
0x25f: {  	_ =	swait.ge [sflag:s25], $0x4000  }
0x260: {  	[sflag:s25] =	ssyncset.done $0x0  }
0x261: {  	s13 =	simm.s32 $0x200;
	[sflag:s25] =	ssyncadd.s32 $0xFFFFC000  }
0x262: {  	[tilespmem:s21], [sflag:$0x1] =	stream.indirect.gather [hbm4b:s5+s20], $0x80, s13, s20, $0xb8;
	[tilespmem:$0x1D580] =	vst v63  }
0x263: {  	_ =	swait.ge [sflag:s28], $0x4000  }
0x264: {  	[sflag:s28] =	ssyncset.done $0x0  }
0x265: {  	[sflag:s28] =	ssyncadd.s32 $0xFFFFC000  }
0x266: {  	[spmem:s2] =	stream.indirect.scatter.add.f32 [tilespmem:s22], [sflag:$0x4], $0x80, s7, s20, $0xb8;
	[tilespmem:$0x1D580] =	vst v63  }
0x267: {  	_ = 	snop  }
0x268: {  	[spmem:s3] =	stream.indirect.scatter.add.f32 [tilespmem:s24], [sflag:$0x5], $0x1, s7, s20, $0xb8;
	[tilespmem:$0x1D580] =	vst v63  }
0x269: {  	_ =	swait.ge [sflag:s30], $0x4000  }
0x26a: {  	[sflag:s30] =	ssyncset.done $0x0  }
0x26b: {  	s16 =	simm.s32 $0x280;
	[sflag:s30] =	ssyncadd.s32 $0xFFFFC000  }
0x26c: {  	[tilespmem:s22], [sflag:$0x2] =	stream.indirect.gather [hbm4b:s5+s20], $0x80, s16, s20, $0xb8;
	[tilespmem:$0x1D580] =	vst v63  }
0x26d: {  	_ =	swait.ge [sflag:s23], $0x4000  }
0x26e: {  	[sflag:s23] =	ssyncset.done $0x0  }
0x26f: {  	[sflag:s23] =	ssyncadd.s32 $0xFFFFC000  }
0x270: {  	[spmem:s2] =	stream.indirect.scatter.add.f32 [tilespmem:s21], [sflag:$0x3], $0x80, s9, s20, $0xb8;
	[tilespmem:$0x1D580] =	vst v63  }
0x271: {  	_ = 	snop  }
0x272: {  	[spmem:s3] =	stream.indirect.scatter.add.f32 [tilespmem:s24], [sflag:$0x5], $0x1, s9, s20, $0xb8;
	[tilespmem:$0x1D580] =	vst v63  }
0x273: {  	_ =	swait.ge [sflag:s25], $0x4000  }
0x274: {  	[sflag:s25] =	ssyncset.done $0x0  }
0x275: {  	s18 =	simm.s32 $0x300;
	[sflag:s25] =	ssyncadd.s32 $0xFFFFC000  }
0x276: {  	[tilespmem:s21], [sflag:$0x1] =	stream.indirect.gather [hbm4b:s5+s20], $0x80, s18, s20, $0xb8;
	[tilespmem:$0x1D580] =	vst v63  }
0x277: {  	_ =	swait.ge [sflag:s28], $0x4000  }
0x278: {  	[sflag:s28] =	ssyncset.done $0x0  }
0x279: {  	[sflag:s28] =	ssyncadd.s32 $0xFFFFC000  }
0x27a: {  	[spmem:s2] =	stream.indirect.scatter.add.f32 [tilespmem:s22], [sflag:$0x4], $0x80, s1, s20, $0xb8;
	[tilespmem:$0x1D580] =	vst v63  }
0x27b: {  	_ = 	snop  }
0x27c: {  	[spmem:s3] =	stream.indirect.scatter.add.f32 [tilespmem:s24], [sflag:$0x5], $0x1, s1, s20, $0xb8;
	[tilespmem:$0x1D580] =	vst v63  }
0x27d: {  	_ =	swait.ge [sflag:s30], $0x4000  }
0x27e: {  	[sflag:s30] =	ssyncset.done $0x0  }
0x27f: {  	s26 =	simm.s32 $0x380;
	[sflag:s30] =	ssyncadd.s32 $0xFFFFC000  }
0x280: {  	[tilespmem:s22], [sflag:$0x2] =	stream.indirect.gather [hbm4b:s5+s20], $0x80, s26, s20, $0xb8;
	[tilespmem:$0x1D580] =	vst v63  }
0x281: {  	_ =	swait.ge [sflag:s23], $0x4000  }
0x282: {  	[sflag:s23] =	ssyncset.done $0x0  }
0x283: {  	[sflag:s23] =	ssyncadd.s32 $0xFFFFC000  }
0x284: {  	[spmem:s2] =	stream.indirect.scatter.add.f32 [tilespmem:s21], [sflag:$0x3], $0x80, s14, s20, $0xb8;
	[tilespmem:$0x1D580] =	vst v63  }
0x285: {  	_ = 	snop  }
0x286: {  	[spmem:s3] =	stream.indirect.scatter.add.f32 [tilespmem:s24], [sflag:$0x5], $0x1, s14, s20, $0xb8;
	[tilespmem:$0x1D580] =	vst v63  }
0x287: {  	_ =	swait.ge [sflag:s28], $0x4000  }
0x288: {  	[sflag:s28] =	ssyncset.done $0x0  }
0x289: {  	[sflag:s28] =	ssyncadd.s32 $0xFFFFC000  }
0x28a: {  	[spmem:s2] =	stream.indirect.scatter.add.f32 [tilespmem:s22], [sflag:$0x4], $0x80, s15, s20, $0xb8;
	[tilespmem:$0x1D580] =	vst v63  }
0x28b: {  	_ = 	snop  }
0x28c: {  	[spmem:s3] =	stream.indirect.scatter.add.f32 [tilespmem:s24], [sflag:$0x5], $0x1, s15, s20, $0xb8;
	[tilespmem:$0x1D580] =	vst v63  }
0x28d: {  	_ =	swait.ge [sflag:s25], $0x4000  }
0x28e: {  	[sflag:s25] =	ssyncset.done $0x0  }
0x28f: {  	[sflag:s25] =	ssyncadd.s32 $0xFFFFC000  }
0x290: {  	_ =	swait.ge [sflag:s30], $0x4000  }
0x291: {  	[sflag:s30] =	ssyncset.done $0x0  }
0x292: {  	[sflag:s30] =	ssyncadd.s32 $0xFFFFC000  }
0x293: {  	_ =	swait.ge [sflag:s12], $0x80  }
0x294: {  	[sflag:s12] =	ssyncset.done $0x0  }
0x295: {  	[sflag:s12] =	ssyncadd.s32 $0xFFFFFF80  }
0x296: {  	_ =	swait.ge [sflag:s12], $0x80  }
0x297: {  	[sflag:s12] =	ssyncset.done $0x0  }
0x298: {  	[sflag:s12] =	ssyncadd.s32 $0xFFFFFF80  }
0x299: {  	_ =	swait.ge [sflag:s12], $0x80  }
0x29a: {  	[sflag:s12] =	ssyncset.done $0x0  }
0x29b: {  	[sflag:s12] =	ssyncadd.s32 $0xFFFFFF80  }
0x29c: {  	_ =	swait.ge [sflag:s12], $0x80  }
0x29d: {  	[sflag:s12] =	ssyncset.done $0x0  }
0x29e: {  	[sflag:s12] =	ssyncadd.s32 $0xFFFFFF80  }
0x29f: {  	_ =	swait.ge [sflag:s12], $0x80  }
0x2a0: {  	[sflag:s12] =	ssyncset.done $0x0  }
0x2a1: {  	[sflag:s12] =	ssyncadd.s32 $0xFFFFFF80  }
0x2a2: {  	_ =	swait.ge [sflag:s12], $0x80  }
0x2a3: {  	[sflag:s12] =	ssyncset.done $0x0  }
0x2a4: {  	[sflag:s12] =	ssyncadd.s32 $0xFFFFFF80  }
0x2a5: {  	_ =	swait.ge [sflag:s12], $0x80  }
0x2a6: {  	[sflag:s12] =	ssyncset.done $0x0  }
0x2a7: {  	[sflag:s12] =	ssyncadd.s32 $0xFFFFFF80  }
0x2a8: {  	s8 =	simm.s32 $0x100;
	s16 =	simm.s32 $0x80;
	_ =	swait.ge [sflag:s12], $0x80  }
0x2a9: {  	s26 =	simm.s32 $0x100;
	s31 =	rddreg [dreg:$0x5];
	[sflag:s12] =	ssyncset.done $0x0  }
.LBB2_7:
0x2aa: {  	[sflag:s12] =	ssyncadd.s32 $0xFFFFFF80;
	s31 =	sadd.s32 s16, s31  }
0x2ab: {  	[tilespmem:s4], [sflag:$0x6] =	stream.linear.gather [hbm4b:s31+s4], $0x400, $0x38;
	[tilespmem:$0x1D580] =	vst v63  }
0x2ac: {  	_ =	swait.ge [sflag:s17], $0x400  }
0x2ad: {  	s31 =	rddreg [dreg:$0x4];
	[sflag:s17] =	ssyncset.done $0x0  }
0x2ae: {  	[sflag:s17] =	ssyncadd.s32 $0xFFFFFC00;
	s31 =	sadd.s32 s16, s31  }
0x2af: {  	[tilespmem:s19], [sflag:$0x6] =	stream.linear.gather [hbm4b:s31+s4], $0x400, $0x38;
	[tilespmem:$0x1D580] =	vst v63  }
0x2b0: {  	_ =	swait.ge [sflag:s17], $0x400  }
0x2b1: {  	[sflag:s17] =	ssyncset.done $0x0  }
0x2b2: {  	[sflag:s17] =	ssyncadd.s32 $0xFFFFFC00  }
0x2b3: {  	[tilespmem:s21], [sflag:$0x1] =	stream.indirect.gather [hbm4b:s5+s20], $0x80, s4, s20, $0xb8;
	[tilespmem:$0x1D580] =	vst v63  }
0x2b4: {  	_ = 	snop  }
0x2b5: {  	[tilespmem:s22], [sflag:$0x2] =	stream.indirect.gather [hbm4b:s5+s20], $0x80, s20, s20, $0xb8;
	[tilespmem:$0x1D580] =	vst v63  }
0x2b6: {  	_ =	swait.ge [sflag:s23], $0x4000  }
0x2b7: {  	[sflag:s23] =	ssyncset.done $0x0  }
0x2b8: {  	[sflag:s23] =	ssyncadd.s32 $0xFFFFC000  }
0x2b9: {  	[spmem:s2] =	stream.indirect.scatter.add.f32 [tilespmem:s21], [sflag:$0x3], $0x80, s19, s20, $0xb8;
	[tilespmem:$0x1D580] =	vst v63  }
0x2ba: {  	_ = 	snop  }
0x2bb: {  	[spmem:s3] =	stream.indirect.scatter.add.f32 [tilespmem:s24], [sflag:$0x5], $0x1, s19, s20, $0xb8;
	[tilespmem:$0x1D580] =	vst v63  }
0x2bc: {  	_ =	swait.ge [sflag:s25], $0x4000  }
0x2bd: {  	[sflag:s25] =	ssyncset.done $0x0  }
0x2be: {  	[sflag:s25] =	ssyncadd.s32 $0xFFFFC000  }
0x2bf: {  	[tilespmem:s21], [sflag:$0x1] =	stream.indirect.gather [hbm4b:s5+s20], $0x80, s8, s20, $0xb8;
	[tilespmem:$0x1D580] =	vst v63  }
0x2c0: {  	_ =	swait.ge [sflag:s28], $0x4000  }
0x2c1: {  	[sflag:s28] =	ssyncset.done $0x0  }
0x2c2: {  	[sflag:s28] =	ssyncadd.s32 $0xFFFFC000  }
0x2c3: {  	[spmem:s2] =	stream.indirect.scatter.add.f32 [tilespmem:s22], [sflag:$0x4], $0x80, s29, s20, $0xb8;
	[tilespmem:$0x1D580] =	vst v63  }
0x2c4: {  	_ = 	snop  }
0x2c5: {  	[spmem:s3] =	stream.indirect.scatter.add.f32 [tilespmem:s24], [sflag:$0x5], $0x1, s29, s20, $0xb8;
	[tilespmem:$0x1D580] =	vst v63  }
0x2c6: {  	_ =	swait.ge [sflag:s30], $0x4000  }
0x2c7: {  	[sflag:s30] =	ssyncset.done $0x0  }
0x2c8: {  	[sflag:s30] =	ssyncadd.s32 $0xFFFFC000  }
0x2c9: {  	[tilespmem:s22], [sflag:$0x2] =	stream.indirect.gather [hbm4b:s5+s20], $0x80, s10, s20, $0xb8;
	[tilespmem:$0x1D580] =	vst v63  }
0x2ca: {  	_ =	swait.ge [sflag:s23], $0x4000  }
0x2cb: {  	[sflag:s23] =	ssyncset.done $0x0  }
0x2cc: {  	[sflag:s23] =	ssyncadd.s32 $0xFFFFC000  }
0x2cd: {  	[spmem:s2] =	stream.indirect.scatter.add.f32 [tilespmem:s21], [sflag:$0x3], $0x80, s0, s20, $0xb8;
	[tilespmem:$0x1D580] =	vst v63  }
0x2ce: {  	_ = 	snop  }
0x2cf: {  	[spmem:s3] =	stream.indirect.scatter.add.f32 [tilespmem:s24], [sflag:$0x5], $0x1, s0, s20, $0xb8;
	[tilespmem:$0x1D580] =	vst v63  }
0x2d0: {  	_ =	swait.ge [sflag:s25], $0x4000  }
0x2d1: {  	[sflag:s25] =	ssyncset.done $0x0  }
0x2d2: {  	[sflag:s25] =	ssyncadd.s32 $0xFFFFC000  }
0x2d3: {  	[tilespmem:s21], [sflag:$0x1] =	stream.indirect.gather [hbm4b:s5+s20], $0x80, s13, s20, $0xb8;
	[tilespmem:$0x1D580] =	vst v63  }
0x2d4: {  	_ =	swait.ge [sflag:s28], $0x4000  }
0x2d5: {  	[sflag:s28] =	ssyncset.done $0x0  }
0x2d6: {  	[sflag:s28] =	ssyncadd.s32 $0xFFFFC000  }
0x2d7: {  	[spmem:s2] =	stream.indirect.scatter.add.f32 [tilespmem:s22], [sflag:$0x4], $0x80, s7, s20, $0xb8;
	[tilespmem:$0x1D580] =	vst v63  }
0x2d8: {  	_ = 	snop  }
0x2d9: {  	[spmem:s3] =	stream.indirect.scatter.add.f32 [tilespmem:s24], [sflag:$0x5], $0x1, s7, s20, $0xb8;
	[tilespmem:$0x1D580] =	vst v63  }
0x2da: {  	_ =	swait.ge [sflag:s30], $0x4000  }
0x2db: {  	s18 =	smov.u32 s26;
	[sflag:s30] =	ssyncset.done $0x0  }
0x2dc: {  	s16 =	smov.u32 s18;
	s18 =	simm.s32 $0x280;
	[sflag:s30] =	ssyncadd.s32 $0xFFFFC000  }
0x2dd: {  	[tilespmem:s22], [sflag:$0x2] =	stream.indirect.gather [hbm4b:s5+s20], $0x80, s18, s20, $0xb8;
	[tilespmem:$0x1D580] =	vst v63  }
0x2de: {  	_ =	swait.ge [sflag:s23], $0x4000  }
0x2df: {  	[sflag:s23] =	ssyncset.done $0x0  }
0x2e0: {  	[sflag:s23] =	ssyncadd.s32 $0xFFFFC000  }
0x2e1: {  	[spmem:s2] =	stream.indirect.scatter.add.f32 [tilespmem:s21], [sflag:$0x3], $0x80, s9, s20, $0xb8;
	[tilespmem:$0x1D580] =	vst v63  }
0x2e2: {  	_ = 	snop  }
0x2e3: {  	[spmem:s3] =	stream.indirect.scatter.add.f32 [tilespmem:s24], [sflag:$0x5], $0x1, s9, s20, $0xb8;
	[tilespmem:$0x1D580] =	vst v63  }
0x2e4: {  	_ =	swait.ge [sflag:s25], $0x4000  }
0x2e5: {  	[sflag:s25] =	ssyncset.done $0x0  }
0x2e6: {  	s18 =	simm.s32 $0x300;
	[sflag:s25] =	ssyncadd.s32 $0xFFFFC000  }
0x2e7: {  	[tilespmem:s21], [sflag:$0x1] =	stream.indirect.gather [hbm4b:s5+s20], $0x80, s18, s20, $0xb8;
	[tilespmem:$0x1D580] =	vst v63  }
0x2e8: {  	_ =	swait.ge [sflag:s28], $0x4000  }
0x2e9: {  	[sflag:s28] =	ssyncset.done $0x0  }
0x2ea: {  	[sflag:s28] =	ssyncadd.s32 $0xFFFFC000  }
0x2eb: {  	[spmem:s2] =	stream.indirect.scatter.add.f32 [tilespmem:s22], [sflag:$0x4], $0x80, s1, s20, $0xb8;
	[tilespmem:$0x1D580] =	vst v63  }
0x2ec: {  	_ = 	snop  }
0x2ed: {  	[spmem:s3] =	stream.indirect.scatter.add.f32 [tilespmem:s24], [sflag:$0x5], $0x1, s1, s20, $0xb8;
	[tilespmem:$0x1D580] =	vst v63  }
0x2ee: {  	_ =	swait.ge [sflag:s30], $0x4000  }
0x2ef: {  	[sflag:s30] =	ssyncset.done $0x0  }
0x2f0: {  	s18 =	simm.s32 $0x380;
	[sflag:s30] =	ssyncadd.s32 $0xFFFFC000  }
0x2f1: {  	[tilespmem:s22], [sflag:$0x2] =	stream.indirect.gather [hbm4b:s5+s20], $0x80, s18, s20, $0xb8;
	[tilespmem:$0x1D580] =	vst v63  }
0x2f2: {  	_ =	swait.ge [sflag:s23], $0x4000  }
0x2f3: {  	[sflag:s23] =	ssyncset.done $0x0  }
0x2f4: {  	[sflag:s23] =	ssyncadd.s32 $0xFFFFC000  }
0x2f5: {  	[spmem:s2] =	stream.indirect.scatter.add.f32 [tilespmem:s21], [sflag:$0x3], $0x80, s14, s20, $0xb8;
	[tilespmem:$0x1D580] =	vst v63  }
0x2f6: {  	_ = 	snop  }
0x2f7: {  	[spmem:s3] =	stream.indirect.scatter.add.f32 [tilespmem:s24], [sflag:$0x5], $0x1, s14, s20, $0xb8;
	[tilespmem:$0x1D580] =	vst v63  }
0x2f8: {  	_ =	swait.ge [sflag:s28], $0x4000  }
0x2f9: {  	[sflag:s28] =	ssyncset.done $0x0  }
0x2fa: {  	[sflag:s28] =	ssyncadd.s32 $0xFFFFC000  }
0x2fb: {  	[spmem:s2] =	stream.indirect.scatter.add.f32 [tilespmem:s22], [sflag:$0x4], $0x80, s15, s20, $0xb8;
	[tilespmem:$0x1D580] =	vst v63  }
0x2fc: {  	_ = 	snop  }
0x2fd: {  	[spmem:s3] =	stream.indirect.scatter.add.f32 [tilespmem:s24], [sflag:$0x5], $0x1, s15, s20, $0xb8;
	[tilespmem:$0x1D580] =	vst v63  }
0x2fe: {  	_ =	swait.ge [sflag:s25], $0x4000  }
0x2ff: {  	[sflag:s25] =	ssyncset.done $0x0  }
0x300: {  	[sflag:s25] =	ssyncadd.s32 $0xFFFFC000  }
0x301: {  	_ =	swait.ge [sflag:s30], $0x4000  }
0x302: {  	[sflag:s30] =	ssyncset.done $0x0  }
0x303: {  	[sflag:s30] =	ssyncadd.s32 $0xFFFFC000  }
0x304: {  	_ =	swait.ge [sflag:s12], $0x80  }
0x305: {  	[sflag:s12] =	ssyncset.done $0x0  }
0x306: {  	[sflag:s12] =	ssyncadd.s32 $0xFFFFFF80  }
0x307: {  	_ =	swait.ge [sflag:s12], $0x80  }
0x308: {  	[sflag:s12] =	ssyncset.done $0x0  }
0x309: {  	[sflag:s12] =	ssyncadd.s32 $0xFFFFFF80  }
0x30a: {  	_ =	swait.ge [sflag:s12], $0x80  }
0x30b: {  	[sflag:s12] =	ssyncset.done $0x0  }
0x30c: {  	[sflag:s12] =	ssyncadd.s32 $0xFFFFFF80  }
0x30d: {  	_ =	swait.ge [sflag:s12], $0x80  }
0x30e: {  	[sflag:s12] =	ssyncset.done $0x0  }
0x30f: {  	[sflag:s12] =	ssyncadd.s32 $0xFFFFFF80  }
0x310: {  	_ =	swait.ge [sflag:s12], $0x80  }
0x311: {  	[sflag:s12] =	ssyncset.done $0x0  }
0x312: {  	[sflag:s12] =	ssyncadd.s32 $0xFFFFFF80  }
0x313: {  	_ =	swait.ge [sflag:s12], $0x80  }
0x314: {  	[sflag:s12] =	ssyncset.done $0x0  }
0x315: {  	p1 =	seq.s32 s26, $0x980;
	[sflag:s12] =	ssyncadd.s32 $0xFFFFFF80  }
.Ltmp7:
0x316: {  	_ =	swait.ge [sflag:s12], $0x80;
	(pc) =	sbr.rel @!p1 .LBB2_7-.Ltmp7, $4  }
0x317: {  	[sflag:s12] =	ssyncset.done $0x0  }
0x318: {  	[sflag:s12] =	ssyncadd.s32 $0xFFFFFF80  }
0x319: {  	_ =	swait.ge [sflag:s12], $0x80  }
0x31a: {  	s26 =	sadd.s32 $0x80, s26;
	s31 =	rddreg [dreg:$0x5];
	[sflag:s12] =	ssyncset.done $0x0  }
.Ltmp8:
0x31b: {  	_ = 	snop;
	(pc) =	sbr.rel .LBB2_8-.Ltmp8, $1  }
0x31c: {  	_ =	sdelay $0x3  }
.LBB2_13:
0x31d: {  	_ =	sfence.sel $0x180000  }
0x31e: {  	[bflag:$0x0] =	sbarrier.arrive $0xFFFF  }
0x31f: {  	_ =	strace $0x90000047  }
0x320: {  	s0 =	stileid.u32;
	[bflag:$0x2] =	sbarrier.arrive $0xFFFF  }
0x321: {  	p0 =	sne.s32 s0, $0x0;
	s0 =	rddreg [dreg:$0x3]  }
0x322: {  	s0 =	sadd.s32 @!p0 $0x100000, s0  }
0x323: {  	[sflag:s0] =	ssyncadd.tile.s32 @!p0 $0x1;
	_ =	shalt  }
.Lfunc_end2:
_tile_overlayer_lowered:
.L_overlay_start_2:
0x324: {  	(tag) =	ssettag $0x2  }
0x325: {  	s0 =	rddreg [dreg:$0x0];
	s2 =	stileid.u32  }
0x326: {  	s1 =	rddreg [dreg:$0x1];
	p0 =	sne.s32 s2, $0x0  }
0x327: {  	s3 =	rddreg [dreg:$0x2];
	[bflag:$0x3] =	sbarrier.arrive $0xFFFF;
	s2 =	simm.s32 @!p0 $0x1C06  }
0x328: {  	[timem:s3], [sflag:s2] =	dma.local @!p0 [hbm:s0], s1  }
0x329: {  	s0 =	simm.s32 @!p0 $0x6  }
0x32a: {  	_ =	swait.ge @!p0 [sflag:s0], s1  }
0x32b: {  	s1 =	ssub.s32 @!p0 $0x0, s1;
	[sflag:s0] =	ssyncset.done @!p0 $0x0  }
0x32c: {  	[sflag:s0] =	ssyncadd.s32 @!p0 s1  }
0x32d: {  	[bflag:$0x3] =	sbarrier.arrive $0xFFFF  }
0x32e: {  	_ =	shalt  }

</sc_bundles>
